<compile_context>
chip_gen: v7x
topology: tpu7x:2x2x1
jax: 0.10.2.dev20260603
libtpu: 0.0.44.dev20260713+nightly
codegen_flags: <defaults>
</compile_context>

<pallas_src>
import functools

import jax
import jax.numpy as jnp
from jax import lax
from jax.experimental import pallas as pl
from jax.experimental.pallas import tpu as pltpu
from jax.experimental.pallas import tpu_sc as plsc

N = 8192
D = 1024
E = 8
H = 16

BS = 1024
BT = 256
NW = 32
CH = N // NW
RB = 32


def _sel_body(x_ref, wl_ref, bl_ref, ws1_ref, bs1_ref, ws2_ref, bs2_ref,
              ids_ref, hist_ref):
    x = x_ref[...]
    lo = jnp.dot(x, wl_ref[...], preferred_element_type=jnp.float32)
    lo = lo + bl_ref[...]
    h = jnp.maximum(jnp.dot(lo, ws1_ref[...],
                            preferred_element_type=jnp.float32)
                    + bs1_ref[...], 0.0)
    logits = jnp.dot(h, ws2_ref[...],
                     preferred_element_type=jnp.float32) + bs2_ref[...]
    m = jnp.max(logits, axis=-1, keepdims=True)
    eidx = jax.lax.broadcasted_iota(jnp.int32, logits.shape, 1)
    first = jnp.min(jnp.where(logits == m, eidx, E), axis=-1)
    ids_ref[...] = first
    eidx16 = jax.lax.broadcasted_iota(jnp.int32, (BS, 16), 1)
    onh = jnp.where(eidx16 == first[:, None], 1, 0)
    for c in range(BS // CH):
        hist_ref[0, c] = jnp.sum(onh[c * CH:(c + 1) * CH], axis=0)


def _selector(x, W_learner, b_learner, W_sel1, b_sel1, W_sel2, b_sel2):
    resident = lambda *shape: pl.BlockSpec(shape, lambda i: (0,) * len(shape))
    ids3 = pl.pallas_call(
        _sel_body,
        grid=(N // BS,),
        in_specs=[
            pl.BlockSpec((BS, D), lambda i: (i, 0)),
            resident(D, D),
            resident(D),
            resident(D, H),
            resident(H),
            resident(H, E),
            resident(E),
        ],
        out_specs=[
            pl.BlockSpec((BS,), lambda i: (i,)),
            pl.BlockSpec((1, BS // CH, 16), lambda i: (i, 0, 0)),
        ],
        out_shape=[
            jax.ShapeDtypeStruct((N,), jnp.int32),
            jax.ShapeDtypeStruct((N // BS, BS // CH, 16), jnp.int32),
        ],
    )(x, W_learner, b_learner, W_sel1, b_sel1, W_sel2, b_sel2)
    ids, hist = ids3
    return ids, hist.reshape(NW, 16)


def _route_body(ids_hbm, x_hbm, hist_hbm, pos_hbm, offs_hbm, xs_hbm,
                ids_v, hist_all, offs_v, pidx_v, rows_a, rows_b,
                rsem_a, rsem_b, wsem_a, wsem_b, base_v):
    nc = 2
    wid = lax.axis_index("s") * nc + lax.axis_index("c")
    base = wid * CH
    lane = lax.iota(jnp.int32, 16)
    zero16 = jnp.zeros((16,), jnp.int32)
    one16 = jnp.ones((16,), jnp.int32)
    splat = lambda s: jnp.full((16,), s, jnp.int32)

    pltpu.sync_copy(ids_hbm.at[pl.ds(base, CH)], ids_v)

    pltpu.sync_copy(hist_hbm, hist_all)
    widv = splat(wid)
    running = zero16
    total = zero16
    for w in range(NW):
        h_w = hist_all[w]
        sel = jnp.where(splat(w) < widv, one16, zero16)
        running = running + h_w * sel
        total = total + h_w
    total = jnp.where(lane < E, total, zero16)
    excl = plsc.cumsum(total) - total
    base_v[...] = excl + running

    @pl.when(wid == 0)
    def _():
        offs_v[...] = excl
        pltpu.sync_copy(offs_v, offs_hbm)

    for j in range(CH // 16):
        v = ids_v[pl.ds(j * 16, 16)]
        blane = plsc.load_gather(base_v, [v])
        pos = zero16
        newc = zero16
        for e in range(E):
            m = v == e
            mi = jnp.where(m, one16, zero16)
            c = plsc.cumsum(mi)
            pos = jnp.where(m, blane + c - one16, pos)
            cnt = plsc.all_reduce_population_count(m)
            newc = newc + jnp.where(lane == e, cnt, zero16)
        base_v[...] = base_v[...] + newc
        pidx_v[j // (RB // 16), pl.ds((j % (RB // 16)) * 16, 16)] = pos
    pltpu.sync_copy(pidx_v, pos_hbm.at[wid])

    bufs = (rows_a, rows_b)
    rsems = (rsem_a, rsem_b)
    wsems = (wsem_a, wsem_b)
    nch = CH // RB
    reads = [None] * nch
    writes = [None] * nch
    reads[0] = pltpu.async_copy(x_hbm.at[pl.ds(base, RB)], bufs[0], rsems[0])
    for c in range(nch):
        reads[c].wait()
        writes[c] = pltpu.async_copy(bufs[c % 2], xs_hbm.at[pidx_v.at[c]],
                                     wsems[c % 2])
        if c + 1 < nch:
            if c >= 1:
                writes[c - 1].wait()
            reads[c + 1] = pltpu.async_copy(
                x_hbm.at[pl.ds(base + (c + 1) * RB, RB)],
                bufs[(c + 1) % 2], rsems[(c + 1) % 2])
    writes[nch - 2].wait()
    writes[nch - 1].wait()


def _route(ids, hist, xbf):
    mesh = plsc.VectorSubcoreMesh(core_axis_name="c", subcore_axis_name="s")
    k = pl.kernel(
        _route_body,
        out_type=(
            jax.ShapeDtypeStruct((NW, CH // RB, RB), jnp.int32),
            jax.ShapeDtypeStruct((16,), jnp.int32),
            jax.ShapeDtypeStruct((N, D), jnp.float32),
        ),
        mesh=mesh,
        scratch_types=[
            pltpu.VMEM((CH,), jnp.int32),
            pltpu.VMEM((NW, 16), jnp.int32),
            pltpu.VMEM((16,), jnp.int32),
            pltpu.VMEM((CH // RB, RB), jnp.int32),
            pltpu.VMEM((RB, D), jnp.float32),
            pltpu.VMEM((RB, D), jnp.float32),
            pltpu.SemaphoreType.DMA,
            pltpu.SemaphoreType.DMA,
            pltpu.SemaphoreType.DMA,
            pltpu.SemaphoreType.DMA,
            pltpu.VMEM((16,), jnp.int32),
        ],
        compiler_params=pltpu.CompilerParams(needs_layout_passes=False),
    )
    return k(ids, xbf, hist)


def _grouped_body(offs_ref, xs_ref, wl_ref, bl_ref, ws1_ref, bs1_ref,
                  ws2_ref, bs2_ref, wens_ref, bens_ref, out_ref):
    i = pl.program_id(0)
    r0 = i * BT
    x = xs_ref[...]
    xb = x.astype(jnp.bfloat16)
    lo = jnp.dot(xb, wl_ref[...], preferred_element_type=jnp.float32)
    lo = lo + bl_ref[...]
    h = jnp.maximum(jnp.dot(lo, ws1_ref[...],
                            preferred_element_type=jnp.float32)
                    + bs1_ref[...], 0.0)
    logits = jnp.dot(h, ws2_ref[...],
                     preferred_element_type=jnp.float32) + bs2_ref[...]
    gate = jnp.max(logits, axis=-1, keepdims=True)

    rows = r0 + jax.lax.broadcasted_iota(jnp.int32, (BT, 1), 0)
    erow = jnp.zeros((BT, 1), jnp.int32)
    e_lo = jnp.int32(0)
    e_hi = jnp.int32(0)
    for k in range(1, E + 1):
        e_lo = e_lo + jnp.where(offs_ref[k] <= r0, 1, 0)
        e_hi = e_hi + jnp.where(offs_ref[k] <= r0 + BT - 1, 1, 0)
        erow = erow + jnp.where(rows >= offs_ref[k], 1, 0)

    eidx = jax.lax.broadcasted_iota(jnp.int32, (BT, E), 1)
    gmask = jnp.where(eidx == erow, gate, 0.0)
    lo = lo + jnp.dot(gmask, bens_ref[...],
                      preferred_element_type=jnp.float32)

    def body(e, acc):
        in_e = (rows >= offs_ref[e]) & (rows < offs_ref[e + 1])
        g = jnp.where(in_e, gate, 0.0)
        xg = (x * g).astype(jnp.bfloat16)
        w = wens_ref[pl.ds(e * D, D), :]
        return acc + jnp.dot(xg, w, preferred_element_type=jnp.float32)

    out_ref[...] = lax.fori_loop(e_lo, e_hi + 1, body, lo)


def _grouped(offs, xs, W_learner, b_learner, W_sel1, b_sel1, W_sel2, b_sel2,
             W_ens_bf, b_ens):
    resident = lambda *shape: pl.BlockSpec(
        shape, lambda i, *_: (0,) * len(shape))
    grid_spec = pltpu.PrefetchScalarGridSpec(
        num_scalar_prefetch=1,
        grid=(N // BT,),
        in_specs=[
            pl.BlockSpec((BT, D), lambda i, *_: (i, 0)),
            resident(D, D),
            resident(D),
            resident(D, H),
            resident(H),
            resident(H, E),
            resident(E),
            resident(E * D, D),
            resident(E, D),
        ],
        out_specs=pl.BlockSpec((BT, D), lambda i, *_: (i, 0)),
    )
    return pl.pallas_call(
        _grouped_body,
        grid_spec=grid_spec,
        out_shape=jax.ShapeDtypeStruct((N, D), jnp.float32),
    )(offs, xs, W_learner.astype(jnp.bfloat16), b_learner, W_sel1, b_sel1,
      W_sel2, b_sel2, W_ens_bf, b_ens)


def _unsort_body(pos_hbm, outs_hbm, out_hbm, pidx_v, rows_a, rows_b,
                 rsem_a, rsem_b, wsem_a, wsem_b):
    nc = 2
    wid = lax.axis_index("s") * nc + lax.axis_index("c")
    base = wid * CH
    pltpu.sync_copy(pos_hbm.at[wid], pidx_v)
    bufs = (rows_a, rows_b)
    rsems = (rsem_a, rsem_b)
    wsems = (wsem_a, wsem_b)
    nch = CH // RB
    reads = [None] * nch
    writes = [None] * nch
    reads[0] = pltpu.async_copy(outs_hbm.at[pidx_v.at[0]], bufs[0], rsems[0])
    for c in range(nch):
        reads[c].wait()
        writes[c] = pltpu.async_copy(
            bufs[c % 2], out_hbm.at[pl.ds(base + c * RB, RB)], wsems[c % 2])
        if c + 1 < nch:
            if c >= 1:
                writes[c - 1].wait()
            reads[c + 1] = pltpu.async_copy(outs_hbm.at[pidx_v.at[c + 1]],
                                            bufs[(c + 1) % 2],
                                            rsems[(c + 1) % 2])
    writes[nch - 2].wait()
    writes[nch - 1].wait()


def _unsort(pos, outs):
    mesh = plsc.VectorSubcoreMesh(core_axis_name="c", subcore_axis_name="s")
    k = pl.kernel(
        _unsort_body,
        out_type=jax.ShapeDtypeStruct((N, D), jnp.float32),
        mesh=mesh,
        scratch_types=[
            pltpu.VMEM((CH // RB, RB), jnp.int32),
            pltpu.VMEM((RB, D), jnp.float32),
            pltpu.VMEM((RB, D), jnp.float32),
            pltpu.SemaphoreType.DMA,
            pltpu.SemaphoreType.DMA,
            pltpu.SemaphoreType.DMA,
            pltpu.SemaphoreType.DMA,
        ],
        compiler_params=pltpu.CompilerParams(needs_layout_passes=False),
    )
    return k(pos, outs)


def kernel(x, W_learner, b_learner, W_sel1, b_sel1, W_sel2, b_sel2, W_ens, b_ens):
    ids, hist = _selector(x, W_learner, b_learner, W_sel1, b_sel1, W_sel2,
                          b_sel2)
    pos, offs, xs = _route(ids, hist, x)
    outs = _grouped(offs, xs, W_learner, b_learner, W_sel1, b_sel1, W_sel2,
                    b_sel2, W_ens.astype(jnp.bfloat16).reshape(E * D, D),
                    b_ens)
    return _unsort(pos, outs)

# --- scband reference (transcript-rebuilt; emitter-appended) ---
"""Pipeline reference for scband-local-selector-37125697306643 (READ-ONLY COPY).

The authoritative reference and input builder live on the scoring server;
editing this copy changes nothing except your own understanding.
"""

import jax, jax.numpy as jnp
import numpy as np

N = 8192   # tokens = batch(4) * seq_len(2048)
D = 1024   # d_model (in_dim)
E = 8      # out_dim = number of ensemble learners (experts)
H = 16     # selector hidden width (hardcoded in module)


def setup_inputs(seed: int = 0) -> dict:
    key = jax.random.key(seed)
    ks = jax.random.split(key, 9)
    s = 1.0 / np.sqrt(D)
    sh = 1.0 / np.sqrt(H)
    return {
        "x": jax.random.normal(ks[0], (N, D), dtype=jnp.float32),
        # frozen learner: Linear(D, D)
        "W_learner": jax.random.uniform(ks[1], (D, D), minval=-s, maxval=s, dtype=jnp.float32),
        "b_learner": jax.random.uniform(ks[2], (D,), minval=-s, maxval=s, dtype=jnp.float32),
        # selector: Linear(D,16) -> ReLU -> Dropout(eval) -> Linear(16,E) -> TopK(1,E)
        "W_sel1": jax.random.uniform(ks[3], (D, H), minval=-s, maxval=s, dtype=jnp.float32),
        "b_sel1": jax.random.uniform(ks[4], (H,), minval=-s, maxval=s, dtype=jnp.float32),
        "W_sel2": jax.random.uniform(ks[5], (H, E), minval=-sh, maxval=sh, dtype=jnp.float32),
        "b_sel2": jax.random.uniform(ks[6], (E,), minval=-sh, maxval=sh, dtype=jnp.float32),
        # frozen ensemble: E learners, each Linear(D, D)
        "W_ens": jax.random.uniform(ks[7], (E, D, D), minval=-s, maxval=s, dtype=jnp.float32),
        "b_ens": jax.random.uniform(ks[8], (E, D), minval=-s, maxval=s, dtype=jnp.float32),
    }


def _topk_keep(logits):
    # TopK(k=1, dim=E): torch finds the E-1 smallest entries via topk(-x, E-1)
    # and scatters 0 into them, i.e. only the single max per row survives.
    idx = jnp.argmax(logits, axis=-1)
    keep = jax.nn.one_hot(idx, logits.shape[-1], dtype=logits.dtype)
    return logits * keep


def reference(x, W_learner, b_learner, W_sel1, b_sel1, W_sel2, b_sel2, W_ens, b_ens):
    # learner_output = self.learner(x)
    learner_output = x @ W_learner + b_learner                      # [N, D]
    # selector(learner_output); Dropout is identity at inference
    h = jax.nn.relu(learner_output @ W_sel1 + b_sel1)               # [N, 16]
    logits = h @ W_sel2 + b_sel2                                    # [N, E]
    masked = _topk_keep(logits)                                     # [N, E]
    mask = masked.T                                                 # [E, N]  (transpose(0,1))
    # per-expert outputs, scaled by mask[i].unsqueeze(-1)
    ens = jnp.einsum('nd,edf->enf', x, W_ens) + b_ens[:, None, :]   # [E, N, D]
    combined = jnp.sum(ens * mask[:, :, None], axis=0)              # [N, D]
    return learner_output + combined

if __name__ == "__main__":
    import jax
    _d = setup_inputs()
    print(jax.jit(kernel)(*tuple(_d.values())))

</pallas_src>

<mosaic_0001>
#map = affine_map<(d0, d1) -> (0)>
#map1 = affine_map<(d0, d1) -> (0, 0)>
#map2 = affine_map<(d0, d1) -> (0, 0, 0)>
module attributes {stable_mosaic.version = 14 : i64} {
  func.func @_route_body(%arg0: i32, %arg1: i32, %arg2: memref<8192xi32, #tpu.memory_space<hbm>>, %arg3: memref<8192x1024xf32, #tpu.memory_space<hbm>>, %arg4: memref<32x16xi32, #tpu.memory_space<hbm>>, %arg5: memref<32x8x32xi32, #tpu.memory_space<hbm>>, %arg6: memref<16xi32, #tpu.memory_space<hbm>>, %arg7: memref<8192x1024xf32, #tpu.memory_space<hbm>>, %arg8: memref<256xi32, #tpu.memory_space<vmem>>, %arg9: memref<32x16xi32, #tpu.memory_space<vmem>>, %arg10: memref<16xi32, #tpu.memory_space<vmem>>, %arg11: memref<8x32xi32, #tpu.memory_space<vmem>>, %arg12: memref<32x1024xf32, #tpu.memory_space<vmem>>, %arg13: memref<32x1024xf32, #tpu.memory_space<vmem>>, %arg14: memref<!tpu.dma_semaphore, #tpu.memory_space<semaphore_mem>>, %arg15: memref<!tpu.dma_semaphore, #tpu.memory_space<semaphore_mem>>, %arg16: memref<!tpu.dma_semaphore, #tpu.memory_space<semaphore_mem>>, %arg17: memref<!tpu.dma_semaphore, #tpu.memory_space<semaphore_mem>>, %arg18: memref<16xi32, #tpu.memory_space<vmem>>) attributes {dimension_semantics = [#tpu.dimension_semantics<core_parallel>, #tpu.dimension_semantics<subcore_parallel>], iteration_bounds = array<i64: 2, 16>, scalar_prefetch = 0 : i64, scratch_operands = 11 : i64, tpu.core_type = #tpu.core_type<sc_vector_subcore>, window_params = [{transform_indices = #map}, {transform_indices = #map1}, {transform_indices = #map1}, {transform_indices = #map2}, {transform_indices = #map}, {transform_indices = #map1}]} {
    %mul3A = arith.constant 2 : i32
    %mul3A_0 = arith.muli %arg1, %mul3A : i32
    %add3A = arith.addi %mul3A_0, %arg0 : i32
    %mul3A_1 = arith.constant 256 : i32
    %mul3A_2 = arith.muli %add3A, %mul3A_1 : i32
    %iota3A = tpu.iota {dimensions = array<i32: 0>} : vector<16xi32>
    %broadcast_in_dim3A = arith.constant 0 : i32
    %broadcast_in_dim3A_3 = vector.broadcast %broadcast_in_dim3A : i32 to vector<16xi32>
    %broadcast_in_dim3A_4 = arith.constant 1 : i32
    %broadcast_in_dim3A_5 = vector.broadcast %broadcast_in_dim3A_4 : i32 to vector<16xi32>
    "tpu.region"() ({
      %run_scoped3A = tpu.sem_alloc : memref<!tpu.dma_semaphore, #tpu.memory_space<semaphore_mem>>
      %dma_start3A_2792 = tpu.memref_slice %arg2[%mul3A_2] : memref<8192xi32, #tpu.memory_space<hbm>> -> memref<256xi32, #tpu.memory_space<hbm>>
      %dma_start3A_2793 = tpu.memref_slice %arg2[%mul3A_2] : memref<8192xi32, #tpu.memory_space<hbm>> -> memref<256xi32, #tpu.memory_space<hbm>>
      tpu.enqueue_dma source(%dma_start3A_2793 : memref<256xi32, #tpu.memory_space<hbm>>) target(%arg8 : memref<256xi32, #tpu.memory_space<vmem>>) target_semaphore(%run_scoped3A : memref<!tpu.dma_semaphore, #tpu.memory_space<semaphore_mem>>)
      %dma_wait3A_2794 = tpu.memref_slice %arg2[%mul3A_2] : memref<8192xi32, #tpu.memory_space<hbm>> -> memref<256xi32, #tpu.memory_space<hbm>>
      %dma_wait3A_2795 = tpu.memref_slice %arg2[%mul3A_2] : memref<8192xi32, #tpu.memory_space<hbm>> -> memref<256xi32, #tpu.memory_space<hbm>>
      tpu.wait_dma2 semaphore(%run_scoped3A : memref<!tpu.dma_semaphore, #tpu.memory_space<semaphore_mem>>) src(%dma_wait3A_2795 : memref<256xi32, #tpu.memory_space<hbm>>) dst(%arg8 : memref<256xi32, #tpu.memory_space<vmem>>)
      tpu.yield
    }) : () -> ()
    "tpu.region"() ({
      %run_scoped3A = tpu.sem_alloc : memref<!tpu.dma_semaphore, #tpu.memory_space<semaphore_mem>>
      tpu.enqueue_dma source(%arg4 : memref<32x16xi32, #tpu.memory_space<hbm>>) target(%arg9 : memref<32x16xi32, #tpu.memory_space<vmem>>) target_semaphore(%run_scoped3A : memref<!tpu.dma_semaphore, #tpu.memory_space<semaphore_mem>>)
      tpu.wait_dma2 semaphore(%run_scoped3A : memref<!tpu.dma_semaphore, #tpu.memory_space<semaphore_mem>>) src(%arg4 : memref<32x16xi32, #tpu.memory_space<hbm>>) dst(%arg9 : memref<32x16xi32, #tpu.memory_space<vmem>>)
      tpu.yield
    }) : () -> ()
    %broadcast_in_dim3A_6 = vector.broadcast %add3A : i32 to vector<16xi32>
    %get3A = arith.constant 0 : i32
    %get3A_7 = arith.index_cast %get3A : i32 to index
    %get3A_8 = arith.constant 0 : index
    %get3A_9 = tpu.vector_load %arg9[%get3A_7, %get3A_8] {strides = array<i32>} : memref<32x16xi32, #tpu.memory_space<vmem>>, vector<16xi32>,
    %broadcast_in_dim3A_10 = arith.constant 0 : i32
    %broadcast_in_dim3A_11 = vector.broadcast %broadcast_in_dim3A_10 : i32 to vector<16xi32>
    %lt3A = arith.cmpi slt, %broadcast_in_dim3A_11, %broadcast_in_dim3A_6 : vector<16xi32>
    %select_n3A = arith.select %lt3A, %broadcast_in_dim3A_5, %broadcast_in_dim3A_3 : vector<16xi1>, vector<16xi32>
    %mul3A_12 = arith.muli %get3A_9, %select_n3A : vector<16xi32>
    %add3A_13 = arith.addi %broadcast_in_dim3A_3, %mul3A_12 : vector<16xi32>
    %add3A_14 = arith.addi %broadcast_in_dim3A_3, %get3A_9 : vector<16xi32>
    %get3A_15 = arith.constant 1 : i32
    %get3A_16 = arith.index_cast %get3A_15 : i32 to index
    %get3A_17 = arith.constant 0 : index
    %get3A_18 = tpu.vector_load %arg9[%get3A_16, %get3A_17] {strides = array<i32>} : memref<32x16xi32, #tpu.memory_space<vmem>>, vector<16xi32>,
    %broadcast_in_dim3A_19 = arith.constant 1 : i32
    %broadcast_in_dim3A_20 = vector.broadcast %broadcast_in_dim3A_19 : i32 to vector<16xi32>
    %lt3A_21 = arith.cmpi slt, %broadcast_in_dim3A_20, %broadcast_in_dim3A_6 : vector<16xi32>
    %select_n3A_22 = arith.select %lt3A_21, %broadcast_in_dim3A_5, %broadcast_in_dim3A_3 : vector<16xi1>, vector<16xi32>
    %mul3A_23 = arith.muli %get3A_18, %select_n3A_22 : vector<16xi32>
    %add3A_24 = arith.addi %add3A_13, %mul3A_23 : vector<16xi32>
    %add3A_25 = arith.addi %add3A_14, %get3A_18 : vector<16xi32>
    %get3A_26 = arith.constant 2 : i32
    %get3A_27 = arith.index_cast %get3A_26 : i32 to index
    %get3A_28 = arith.constant 0 : index
    %get3A_29 = tpu.vector_load %arg9[%get3A_27, %get3A_28] {strides = array<i32>} : memref<32x16xi32, #tpu.memory_space<vmem>>, vector<16xi32>,
    %broadcast_in_dim3A_30 = arith.constant 2 : i32
    %broadcast_in_dim3A_31 = vector.broadcast %broadcast_in_dim3A_30 : i32 to vector<16xi32>
    %lt3A_32 = arith.cmpi slt, %broadcast_in_dim3A_31, %broadcast_in_dim3A_6 : vector<16xi32>
    %select_n3A_33 = arith.select %lt3A_32, %broadcast_in_dim3A_5, %broadcast_in_dim3A_3 : vector<16xi1>, vector<16xi32>
    %mul3A_34 = arith.muli %get3A_29, %select_n3A_33 : vector<16xi32>
    %add3A_35 = arith.addi %add3A_24, %mul3A_34 : vector<16xi32>
    %add3A_36 = arith.addi %add3A_25, %get3A_29 : vector<16xi32>
    %get3A_37 = arith.constant 3 : i32
    %get3A_38 = arith.index_cast %get3A_37 : i32 to index
    %get3A_39 = arith.constant 0 : index
    %get3A_40 = tpu.vector_load %arg9[%get3A_38, %get3A_39] {strides = array<i32>} : memref<32x16xi32, #tpu.memory_space<vmem>>, vector<16xi32>,
    %broadcast_in_dim3A_41 = arith.constant 3 : i32
    %broadcast_in_dim3A_42 = vector.broadcast %broadcast_in_dim3A_41 : i32 to vector<16xi32>
    %lt3A_43 = arith.cmpi slt, %broadcast_in_dim3A_42, %broadcast_in_dim3A_6 : vector<16xi32>
    %select_n3A_44 = arith.select %lt3A_43, %broadcast_in_dim3A_5, %broadcast_in_dim3A_3 : vector<16xi1>, vector<16xi32>
    %mul3A_45 = arith.muli %get3A_40, %select_n3A_44 : vector<16xi32>
    %add3A_46 = arith.addi %add3A_35, %mul3A_45 : vector<16xi32>
    %add3A_47 = arith.addi %add3A_36, %get3A_40 : vector<16xi32>
    %get3A_48 = arith.constant 4 : i32
    %get3A_49 = arith.index_cast %get3A_48 : i32 to index
    %get3A_50 = arith.constant 0 : index
    %get3A_51 = tpu.vector_load %arg9[%get3A_49, %get3A_50] {strides = array<i32>} : memref<32x16xi32, #tpu.memory_space<vmem>>, vector<16xi32>,
    %broadcast_in_dim3A_52 = arith.constant 4 : i32
    %broadcast_in_dim3A_53 = vector.broadcast %broadcast_in_dim3A_52 : i32 to vector<16xi32>
    %lt3A_54 = arith.cmpi slt, %broadcast_in_dim3A_53, %broadcast_in_dim3A_6 : vector<16xi32>
    %select_n3A_55 = arith.select %lt3A_54, %broadcast_in_dim3A_5, %broadcast_in_dim3A_3 : vector<16xi1>, vector<16xi32>
    %mul3A_56 = arith.muli %get3A_51, %select_n3A_55 : vector<16xi32>
    %add3A_57 = arith.addi %add3A_46, %mul3A_56 : vector<16xi32>
    %add3A_58 = arith.addi %add3A_47, %get3A_51 : vector<16xi32>
    %get3A_59 = arith.constant 5 : i32
    %get3A_60 = arith.index_cast %get3A_59 : i32 to index
    %get3A_61 = arith.constant 0 : index
    %get3A_62 = tpu.vector_load %arg9[%get3A_60, %get3A_61] {strides = array<i32>} : memref<32x16xi32, #tpu.memory_space<vmem>>, vector<16xi32>,
    %broadcast_in_dim3A_63 = arith.constant 5 : i32
    %broadcast_in_dim3A_64 = vector.broadcast %broadcast_in_dim3A_63 : i32 to vector<16xi32>
    %lt3A_65 = arith.cmpi slt, %broadcast_in_dim3A_64, %broadcast_in_dim3A_6 : vector<16xi32>
    %select_n3A_66 = arith.select %lt3A_65, %broadcast_in_dim3A_5, %broadcast_in_dim3A_3 : vector<16xi1>, vector<16xi32>
    %mul3A_67 = arith.muli %get3A_62, %select_n3A_66 : vector<16xi32>
    %add3A_68 = arith.addi %add3A_57, %mul3A_67 : vector<16xi32>
    %add3A_69 = arith.addi %add3A_58, %get3A_62 : vector<16xi32>
    %get3A_70 = arith.constant 6 : i32
    %get3A_71 = arith.index_cast %get3A_70 : i32 to index
    %get3A_72 = arith.constant 0 : index
    %get3A_73 = tpu.vector_load %arg9[%get3A_71, %get3A_72] {strides = array<i32>} : memref<32x16xi32, #tpu.memory_space<vmem>>, vector<16xi32>,
    %broadcast_in_dim3A_74 = arith.constant 6 : i32
    %broadcast_in_dim3A_75 = vector.broadcast %broadcast_in_dim3A_74 : i32 to vector<16xi32>
    %lt3A_76 = arith.cmpi slt, %broadcast_in_dim3A_75, %broadcast_in_dim3A_6 : vector<16xi32>
    %select_n3A_77 = arith.select %lt3A_76, %broadcast_in_dim3A_5, %broadcast_in_dim3A_3 : vector<16xi1>, vector<16xi32>
    %mul3A_78 = arith.muli %get3A_73, %select_n3A_77 : vector<16xi32>
    %add3A_79 = arith.addi %add3A_68, %mul3A_78 : vector<16xi32>
    %add3A_80 = arith.addi %add3A_69, %get3A_73 : vector<16xi32>
    %get3A_81 = arith.constant 7 : i32
    %get3A_82 = arith.index_cast %get3A_81 : i32 to index
    %get3A_83 = arith.constant 0 : index
    %get3A_84 = tpu.vector_load %arg9[%get3A_82, %get3A_83] {strides = array<i32>} : memref<32x16xi32, #tpu.memory_space<vmem>>, vector<16xi32>,
    %broadcast_in_dim3A_85 = arith.constant 7 : i32
    %broadcast_in_dim3A_86 = vector.broadcast %broadcast_in_dim3A_85 : i32 to vector<16xi32>
    %lt3A_87 = arith.cmpi slt, %broadcast_in_dim3A_86, %broadcast_in_dim3A_6 : vector<16xi32>
    %select_n3A_88 = arith.select %lt3A_87, %broadcast_in_dim3A_5, %broadcast_in_dim3A_3 : vector<16xi1>, vector<16xi32>
    %mul3A_89 = arith.muli %get3A_84, %select_n3A_88 : vector<16xi32>
    %add3A_90 = arith.addi %add3A_79, %mul3A_89 : vector<16xi32>
    %add3A_91 = arith.addi %add3A_80, %get3A_84 : vector<16xi32>
    %get3A_92 = arith.constant 8 : i32
    %get3A_93 = arith.index_cast %get3A_92 : i32 to index
    %get3A_94 = arith.constant 0 : index
    %get3A_95 = tpu.vector_load %arg9[%get3A_93, %get3A_94] {strides = array<i32>} : memref<32x16xi32, #tpu.memory_space<vmem>>, vector<16xi32>,
    %broadcast_in_dim3A_96 = arith.constant 8 : i32
    %broadcast_in_dim3A_97 = vector.broadcast %broadcast_in_dim3A_96 : i32 to vector<16xi32>
    %lt3A_98 = arith.cmpi slt, %broadcast_in_dim3A_97, %broadcast_in_dim3A_6 : vector<16xi32>
    %select_n3A_99 = arith.select %lt3A_98, %broadcast_in_dim3A_5, %broadcast_in_dim3A_3 : vector<16xi1>, vector<16xi32>
    %mul3A_100 = arith.muli %get3A_95, %select_n3A_99 : vector<16xi32>
    %add3A_101 = arith.addi %add3A_90, %mul3A_100 : vector<16xi32>
    %add3A_102 = arith.addi %add3A_91, %get3A_95 : vector<16xi32>
    %get3A_103 = arith.constant 9 : i32
    %get3A_104 = arith.index_cast %get3A_103 : i32 to index
    %get3A_105 = arith.constant 0 : index
    %get3A_106 = tpu.vector_load %arg9[%get3A_104, %get3A_105] {strides = array<i32>} : memref<32x16xi32, #tpu.memory_space<vmem>>, vector<16xi32>,
    %broadcast_in_dim3A_107 = arith.constant 9 : i32
    %broadcast_in_dim3A_108 = vector.broadcast %broadcast_in_dim3A_107 : i32 to vector<16xi32>
    %lt3A_109 = arith.cmpi slt, %broadcast_in_dim3A_108, %broadcast_in_dim3A_6 : vector<16xi32>
    %select_n3A_110 = arith.select %lt3A_109, %broadcast_in_dim3A_5, %broadcast_in_dim3A_3 : vector<16xi1>, vector<16xi32>
    %mul3A_111 = arith.muli %get3A_106, %select_n3A_110 : vector<16xi32>
    %add3A_112 = arith.addi %add3A_101, %mul3A_111 : vector<16xi32>
    %add3A_113 = arith.addi %add3A_102, %get3A_106 : vector<16xi32>
    %get3A_114 = arith.constant 10 : i32
    %get3A_115 = arith.index_cast %get3A_114 : i32 to index
    %get3A_116 = arith.constant 0 : index
    %get3A_117 = tpu.vector_load %arg9[%get3A_115, %get3A_116] {strides = array<i32>} : memref<32x16xi32, #tpu.memory_space<vmem>>, vector<16xi32>,
    %broadcast_in_dim3A_118 = arith.constant 10 : i32
    %broadcast_in_dim3A_119 = vector.broadcast %broadcast_in_dim3A_118 : i32 to vector<16xi32>
    %lt3A_120 = arith.cmpi slt, %broadcast_in_dim3A_119, %broadcast_in_dim3A_6 : vector<16xi32>
    %select_n3A_121 = arith.select %lt3A_120, %broadcast_in_dim3A_5, %broadcast_in_dim3A_3 : vector<16xi1>, vector<16xi32>
    %mul3A_122 = arith.muli %get3A_117, %select_n3A_121 : vector<16xi32>
    %add3A_123 = arith.addi %add3A_112, %mul3A_122 : vector<16xi32>
    %add3A_124 = arith.addi %add3A_113, %get3A_117 : vector<16xi32>
    %get3A_125 = arith.constant 11 : i32
    %get3A_126 = arith.index_cast %get3A_125 : i32 to index
    %get3A_127 = arith.constant 0 : index
    %get3A_128 = tpu.vector_load %arg9[%get3A_126, %get3A_127] {strides = array<i32>} : memref<32x16xi32, #tpu.memory_space<vmem>>, vector<16xi32>,
    %broadcast_in_dim3A_129 = arith.constant 11 : i32
    %broadcast_in_dim3A_130 = vector.broadcast %broadcast_in_dim3A_129 : i32 to vector<16xi32>
    %lt3A_131 = arith.cmpi slt, %broadcast_in_dim3A_130, %broadcast_in_dim3A_6 : vector<16xi32>
    %select_n3A_132 = arith.select %lt3A_131, %broadcast_in_dim3A_5, %broadcast_in_dim3A_3 : vector<16xi1>, vector<16xi32>
    %mul3A_133 = arith.muli %get3A_128, %select_n3A_132 : vector<16xi32>
    %add3A_134 = arith.addi %add3A_123, %mul3A_133 : vector<16xi32>
    %add3A_135 = arith.addi %add3A_124, %get3A_128 : vector<16xi32>
    %get3A_136 = arith.constant 12 : i32
    %get3A_137 = arith.index_cast %get3A_136 : i32 to index
    %get3A_138 = arith.constant 0 : index
    %get3A_139 = tpu.vector_load %arg9[%get3A_137, %get3A_138] {strides = array<i32>} : memref<32x16xi32, #tpu.memory_space<vmem>>, vector<16xi32>,
    %broadcast_in_dim3A_140 = arith.constant 12 : i32
    %broadcast_in_dim3A_141 = vector.broadcast %broadcast_in_dim3A_140 : i32 to vector<16xi32>
    %lt3A_142 = arith.cmpi slt, %broadcast_in_dim3A_141, %broadcast_in_dim3A_6 : vector<16xi32>
    %select_n3A_143 = arith.select %lt3A_142, %broadcast_in_dim3A_5, %broadcast_in_dim3A_3 : vector<16xi1>, vector<16xi32>
    %mul3A_144 = arith.muli %get3A_139, %select_n3A_143 : vector<16xi32>
    %add3A_145 = arith.addi %add3A_134, %mul3A_144 : vector<16xi32>
    %add3A_146 = arith.addi %add3A_135, %get3A_139 : vector<16xi32>
    %get3A_147 = arith.constant 13 : i32
    %get3A_148 = arith.index_cast %get3A_147 : i32 to index
    %get3A_149 = arith.constant 0 : index
    %get3A_150 = tpu.vector_load %arg9[%get3A_148, %get3A_149] {strides = array<i32>} : memref<32x16xi32, #tpu.memory_space<vmem>>, vector<16xi32>,
    %broadcast_in_dim3A_151 = arith.constant 13 : i32
    %broadcast_in_dim3A_152 = vector.broadcast %broadcast_in_dim3A_151 : i32 to vector<16xi32>
    %lt3A_153 = arith.cmpi slt, %broadcast_in_dim3A_152, %broadcast_in_dim3A_6 : vector<16xi32>
    %select_n3A_154 = arith.select %lt3A_153, %broadcast_in_dim3A_5, %broadcast_in_dim3A_3 : vector<16xi1>, vector<16xi32>
    %mul3A_155 = arith.muli %get3A_150, %select_n3A_154 : vector<16xi32>
    %add3A_156 = arith.addi %add3A_145, %mul3A_155 : vector<16xi32>
    %add3A_157 = arith.addi %add3A_146, %get3A_150 : vector<16xi32>
    %get3A_158 = arith.constant 14 : i32
    %get3A_159 = arith.index_cast %get3A_158 : i32 to index
    %get3A_160 = arith.constant 0 : index
    %get3A_161 = tpu.vector_load %arg9[%get3A_159, %get3A_160] {strides = array<i32>} : memref<32x16xi32, #tpu.memory_space<vmem>>, vector<16xi32>,
    %broadcast_in_dim3A_162 = arith.constant 14 : i32
    %broadcast_in_dim3A_163 = vector.broadcast %broadcast_in_dim3A_162 : i32 to vector<16xi32>
    %lt3A_164 = arith.cmpi slt, %broadcast_in_dim3A_163, %broadcast_in_dim3A_6 : vector<16xi32>
    %select_n3A_165 = arith.select %lt3A_164, %broadcast_in_dim3A_5, %broadcast_in_dim3A_3 : vector<16xi1>, vector<16xi32>
    %mul3A_166 = arith.muli %get3A_161, %select_n3A_165 : vector<16xi32>
    %add3A_167 = arith.addi %add3A_156, %mul3A_166 : vector<16xi32>
    %add3A_168 = arith.addi %add3A_157, %get3A_161 : vector<16xi32>
    %get3A_169 = arith.constant 15 : i32
    %get3A_170 = arith.index_cast %get3A_169 : i32 to index
    %get3A_171 = arith.constant 0 : index
    %get3A_172 = tpu.vector_load %arg9[%get3A_170, %get3A_171] {strides = array<i32>} : memref<32x16xi32, #tpu.memory_space<vmem>>, vector<16xi32>,
    %broadcast_in_dim3A_173 = arith.constant 15 : i32
    %broadcast_in_dim3A_174 = vector.broadcast %broadcast_in_dim3A_173 : i32 to vector<16xi32>
    %lt3A_175 = arith.cmpi slt, %broadcast_in_dim3A_174, %broadcast_in_dim3A_6 : vector<16xi32>
    %select_n3A_176 = arith.select %lt3A_175, %broadcast_in_dim3A_5, %broadcast_in_dim3A_3 : vector<16xi1>, vector<16xi32>
    %mul3A_177 = arith.muli %get3A_172, %select_n3A_176 : vector<16xi32>
    %add3A_178 = arith.addi %add3A_167, %mul3A_177 : vector<16xi32>
    %add3A_179 = arith.addi %add3A_168, %get3A_172 : vector<16xi32>
    %get3A_180 = arith.constant 16 : i32
    %get3A_181 = arith.index_cast %get3A_180 : i32 to index
    %get3A_182 = arith.constant 0 : index
    %get3A_183 = tpu.vector_load %arg9[%get3A_181, %get3A_182] {strides = array<i32>} : memref<32x16xi32, #tpu.memory_space<vmem>>, vector<16xi32>,
    %broadcast_in_dim3A_184 = arith.constant 16 : i32
    %broadcast_in_dim3A_185 = vector.broadcast %broadcast_in_dim3A_184 : i32 to vector<16xi32>
    %lt3A_186 = arith.cmpi slt, %broadcast_in_dim3A_185, %broadcast_in_dim3A_6 : vector<16xi32>
    %select_n3A_187 = arith.select %lt3A_186, %broadcast_in_dim3A_5, %broadcast_in_dim3A_3 : vector<16xi1>, vector<16xi32>
    %mul3A_188 = arith.muli %get3A_183, %select_n3A_187 : vector<16xi32>
    %add3A_189 = arith.addi %add3A_178, %mul3A_188 : vector<16xi32>
    %add3A_190 = arith.addi %add3A_179, %get3A_183 : vector<16xi32>
    %get3A_191 = arith.constant 17 : i32
    %get3A_192 = arith.index_cast %get3A_191 : i32 to index
    %get3A_193 = arith.constant 0 : index
    %get3A_194 = tpu.vector_load %arg9[%get3A_192, %get3A_193] {strides = array<i32>} : memref<32x16xi32, #tpu.memory_space<vmem>>, vector<16xi32>,
    %broadcast_in_dim3A_195 = arith.constant 17 : i32
    %broadcast_in_dim3A_196 = vector.broadcast %broadcast_in_dim3A_195 : i32 to vector<16xi32>
    %lt3A_197 = arith.cmpi slt, %broadcast_in_dim3A_196, %broadcast_in_dim3A_6 : vector<16xi32>
    %select_n3A_198 = arith.select %lt3A_197, %broadcast_in_dim3A_5, %broadcast_in_dim3A_3 : vector<16xi1>, vector<16xi32>
    %mul3A_199 = arith.muli %get3A_194, %select_n3A_198 : vector<16xi32>
    %add3A_200 = arith.addi %add3A_189, %mul3A_199 : vector<16xi32>
    %add3A_201 = arith.addi %add3A_190, %get3A_194 : vector<16xi32>
    %get3A_202 = arith.constant 18 : i32
    %get3A_203 = arith.index_cast %get3A_202 : i32 to index
    %get3A_204 = arith.constant 0 : index
    %get3A_205 = tpu.vector_load %arg9[%get3A_203, %get3A_204] {strides = array<i32>} : memref<32x16xi32, #tpu.memory_space<vmem>>, vector<16xi32>,
    %broadcast_in_dim3A_206 = arith.constant 18 : i32
    %broadcast_in_dim3A_207 = vector.broadcast %broadcast_in_dim3A_206 : i32 to vector<16xi32>
    %lt3A_208 = arith.cmpi slt, %broadcast_in_dim3A_207, %broadcast_in_dim3A_6 : vector<16xi32>
    %select_n3A_209 = arith.select %lt3A_208, %broadcast_in_dim3A_5, %broadcast_in_dim3A_3 : vector<16xi1>, vector<16xi32>
    %mul3A_210 = arith.muli %get3A_205, %select_n3A_209 : vector<16xi32>
    %add3A_211 = arith.addi %add3A_200, %mul3A_210 : vector<16xi32>
    %add3A_212 = arith.addi %add3A_201, %get3A_205 : vector<16xi32>
    %get3A_213 = arith.constant 19 : i32
    %get3A_214 = arith.index_cast %get3A_213 : i32 to index
    %get3A_215 = arith.constant 0 : index
    %get3A_216 = tpu.vector_load %arg9[%get3A_214, %get3A_215] {strides = array<i32>} : memref<32x16xi32, #tpu.memory_space<vmem>>, vector<16xi32>,
    %broadcast_in_dim3A_217 = arith.constant 19 : i32
    %broadcast_in_dim3A_218 = vector.broadcast %broadcast_in_dim3A_217 : i32 to vector<16xi32>
    %lt3A_219 = arith.cmpi slt, %broadcast_in_dim3A_218, %broadcast_in_dim3A_6 : vector<16xi32>
    %select_n3A_220 = arith.select %lt3A_219, %broadcast_in_dim3A_5, %broadcast_in_dim3A_3 : vector<16xi1>, vector<16xi32>
    %mul3A_221 = arith.muli %get3A_216, %select_n3A_220 : vector<16xi32>
    %add3A_222 = arith.addi %add3A_211, %mul3A_221 : vector<16xi32>
    %add3A_223 = arith.addi %add3A_212, %get3A_216 : vector<16xi32>
    %get3A_224 = arith.constant 20 : i32
    %get3A_225 = arith.index_cast %get3A_224 : i32 to index
    %get3A_226 = arith.constant 0 : index
    %get3A_227 = tpu.vector_load %arg9[%get3A_225, %get3A_226] {strides = array<i32>} : memref<32x16xi32, #tpu.memory_space<vmem>>, vector<16xi32>,
    %broadcast_in_dim3A_228 = arith.constant 20 : i32
    %broadcast_in_dim3A_229 = vector.broadcast %broadcast_in_dim3A_228 : i32 to vector<16xi32>
    %lt3A_230 = arith.cmpi slt, %broadcast_in_dim3A_229, %broadcast_in_dim3A_6 : vector<16xi32>
    %select_n3A_231 = arith.select %lt3A_230, %broadcast_in_dim3A_5, %broadcast_in_dim3A_3 : vector<16xi1>, vector<16xi32>
    %mul3A_232 = arith.muli %get3A_227, %select_n3A_231 : vector<16xi32>
    %add3A_233 = arith.addi %add3A_222, %mul3A_232 : vector<16xi32>
    %add3A_234 = arith.addi %add3A_223, %get3A_227 : vector<16xi32>
    %get3A_235 = arith.constant 21 : i32
    %get3A_236 = arith.index_cast %get3A_235 : i32 to index
    %get3A_237 = arith.constant 0 : index
    %get3A_238 = tpu.vector_load %arg9[%get3A_236, %get3A_237] {strides = array<i32>} : memref<32x16xi32, #tpu.memory_space<vmem>>, vector<16xi32>,
    %broadcast_in_dim3A_239 = arith.constant 21 : i32
    %broadcast_in_dim3A_240 = vector.broadcast %broadcast_in_dim3A_239 : i32 to vector<16xi32>
    %lt3A_241 = arith.cmpi slt, %broadcast_in_dim3A_240, %broadcast_in_dim3A_6 : vector<16xi32>
    %select_n3A_242 = arith.select %lt3A_241, %broadcast_in_dim3A_5, %broadcast_in_dim3A_3 : vector<16xi1>, vector<16xi32>
    %mul3A_243 = arith.muli %get3A_238, %select_n3A_242 : vector<16xi32>
    %add3A_244 = arith.addi %add3A_233, %mul3A_243 : vector<16xi32>
    %add3A_245 = arith.addi %add3A_234, %get3A_238 : vector<16xi32>
    %get3A_246 = arith.constant 22 : i32
    %get3A_247 = arith.index_cast %get3A_246 : i32 to index
    %get3A_248 = arith.constant 0 : index
    %get3A_249 = tpu.vector_load %arg9[%get3A_247, %get3A_248] {strides = array<i32>} : memref<32x16xi32, #tpu.memory_space<vmem>>, vector<16xi32>,
    %broadcast_in_dim3A_250 = arith.constant 22 : i32
    %broadcast_in_dim3A_251 = vector.broadcast %broadcast_in_dim3A_250 : i32 to vector<16xi32>
    %lt3A_252 = arith.cmpi slt, %broadcast_in_dim3A_251, %broadcast_in_dim3A_6 : vector<16xi32>
    %select_n3A_253 = arith.select %lt3A_252, %broadcast_in_dim3A_5, %broadcast_in_dim3A_3 : vector<16xi1>, vector<16xi32>
    %mul3A_254 = arith.muli %get3A_249, %select_n3A_253 : vector<16xi32>
    %add3A_255 = arith.addi %add3A_244, %mul3A_254 : vector<16xi32>
    %add3A_256 = arith.addi %add3A_245, %get3A_249 : vector<16xi32>
    %get3A_257 = arith.constant 23 : i32
    %get3A_258 = arith.index_cast %get3A_257 : i32 to index
    %get3A_259 = arith.constant 0 : index
    %get3A_260 = tpu.vector_load %arg9[%get3A_258, %get3A_259] {strides = array<i32>} : memref<32x16xi32, #tpu.memory_space<vmem>>, vector<16xi32>,
    %broadcast_in_dim3A_261 = arith.constant 23 : i32
    %broadcast_in_dim3A_262 = vector.broadcast %broadcast_in_dim3A_261 : i32 to vector<16xi32>
    %lt3A_263 = arith.cmpi slt, %broadcast_in_dim3A_262, %broadcast_in_dim3A_6 : vector<16xi32>
    %select_n3A_264 = arith.select %lt3A_263, %broadcast_in_dim3A_5, %broadcast_in_dim3A_3 : vector<16xi1>, vector<16xi32>
    %mul3A_265 = arith.muli %get3A_260, %select_n3A_264 : vector<16xi32>
    %add3A_266 = arith.addi %add3A_255, %mul3A_265 : vector<16xi32>
    %add3A_267 = arith.addi %add3A_256, %get3A_260 : vector<16xi32>
    %get3A_268 = arith.constant 24 : i32
    %get3A_269 = arith.index_cast %get3A_268 : i32 to index
    %get3A_270 = arith.constant 0 : index
    %get3A_271 = tpu.vector_load %arg9[%get3A_269, %get3A_270] {strides = array<i32>} : memref<32x16xi32, #tpu.memory_space<vmem>>, vector<16xi32>,
    %broadcast_in_dim3A_272 = arith.constant 24 : i32
    %broadcast_in_dim3A_273 = vector.broadcast %broadcast_in_dim3A_272 : i32 to vector<16xi32>
    %lt3A_274 = arith.cmpi slt, %broadcast_in_dim3A_273, %broadcast_in_dim3A_6 : vector<16xi32>
    %select_n3A_275 = arith.select %lt3A_274, %broadcast_in_dim3A_5, %broadcast_in_dim3A_3 : vector<16xi1>, vector<16xi32>
    %mul3A_276 = arith.muli %get3A_271, %select_n3A_275 : vector<16xi32>
    %add3A_277 = arith.addi %add3A_266, %mul3A_276 : vector<16xi32>
    %add3A_278 = arith.addi %add3A_267, %get3A_271 : vector<16xi32>
    %get3A_279 = arith.constant 25 : i32
    %get3A_280 = arith.index_cast %get3A_279 : i32 to index
    %get3A_281 = arith.constant 0 : index
    %get3A_282 = tpu.vector_load %arg9[%get3A_280, %get3A_281] {strides = array<i32>} : memref<32x16xi32, #tpu.memory_space<vmem>>, vector<16xi32>,
    %broadcast_in_dim3A_283 = arith.constant 25 : i32
    %broadcast_in_dim3A_284 = vector.broadcast %broadcast_in_dim3A_283 : i32 to vector<16xi32>
    %lt3A_285 = arith.cmpi slt, %broadcast_in_dim3A_284, %broadcast_in_dim3A_6 : vector<16xi32>
    %select_n3A_286 = arith.select %lt3A_285, %broadcast_in_dim3A_5, %broadcast_in_dim3A_3 : vector<16xi1>, vector<16xi32>
    %mul3A_287 = arith.muli %get3A_282, %select_n3A_286 : vector<16xi32>
    %add3A_288 = arith.addi %add3A_277, %mul3A_287 : vector<16xi32>
    %add3A_289 = arith.addi %add3A_278, %get3A_282 : vector<16xi32>
    %get3A_290 = arith.constant 26 : i32
    %get3A_291 = arith.index_cast %get3A_290 : i32 to index
    %get3A_292 = arith.constant 0 : index
    %get3A_293 = tpu.vector_load %arg9[%get3A_291, %get3A_292] {strides = array<i32>} : memref<32x16xi32, #tpu.memory_space<vmem>>, vector<16xi32>,
    %broadcast_in_dim3A_294 = arith.constant 26 : i32
    %broadcast_in_dim3A_295 = vector.broadcast %broadcast_in_dim3A_294 : i32 to vector<16xi32>
    %lt3A_296 = arith.cmpi slt, %broadcast_in_dim3A_295, %broadcast_in_dim3A_6 : vector<16xi32>
    %select_n3A_297 = arith.select %lt3A_296, %broadcast_in_dim3A_5, %broadcast_in_dim3A_3 : vector<16xi1>, vector<16xi32>
    %mul3A_298 = arith.muli %get3A_293, %select_n3A_297 : vector<16xi32>
    %add3A_299 = arith.addi %add3A_288, %mul3A_298 : vector<16xi32>
    %add3A_300 = arith.addi %add3A_289, %get3A_293 : vector<16xi32>
    %get3A_301 = arith.constant 27 : i32
    %get3A_302 = arith.index_cast %get3A_301 : i32 to index
    %get3A_303 = arith.constant 0 : index
    %get3A_304 = tpu.vector_load %arg9[%get3A_302, %get3A_303] {strides = array<i32>} : memref<32x16xi32, #tpu.memory_space<vmem>>, vector<16xi32>,
    %broadcast_in_dim3A_305 = arith.constant 27 : i32
    %broadcast_in_dim3A_306 = vector.broadcast %broadcast_in_dim3A_305 : i32 to vector<16xi32>
    %lt3A_307 = arith.cmpi slt, %broadcast_in_dim3A_306, %broadcast_in_dim3A_6 : vector<16xi32>
    %select_n3A_308 = arith.select %lt3A_307, %broadcast_in_dim3A_5, %broadcast_in_dim3A_3 : vector<16xi1>, vector<16xi32>
    %mul3A_309 = arith.muli %get3A_304, %select_n3A_308 : vector<16xi32>
    %add3A_310 = arith.addi %add3A_299, %mul3A_309 : vector<16xi32>
    %add3A_311 = arith.addi %add3A_300, %get3A_304 : vector<16xi32>
    %get3A_312 = arith.constant 28 : i32
    %get3A_313 = arith.index_cast %get3A_312 : i32 to index
    %get3A_314 = arith.constant 0 : index
    %get3A_315 = tpu.vector_load %arg9[%get3A_313, %get3A_314] {strides = array<i32>} : memref<32x16xi32, #tpu.memory_space<vmem>>, vector<16xi32>,
    %broadcast_in_dim3A_316 = arith.constant 28 : i32
    %broadcast_in_dim3A_317 = vector.broadcast %broadcast_in_dim3A_316 : i32 to vector<16xi32>
    %lt3A_318 = arith.cmpi slt, %broadcast_in_dim3A_317, %broadcast_in_dim3A_6 : vector<16xi32>
    %select_n3A_319 = arith.select %lt3A_318, %broadcast_in_dim3A_5, %broadcast_in_dim3A_3 : vector<16xi1>, vector<16xi32>
    %mul3A_320 = arith.muli %get3A_315, %select_n3A_319 : vector<16xi32>
    %add3A_321 = arith.addi %add3A_310, %mul3A_320 : vector<16xi32>
    %add3A_322 = arith.addi %add3A_311, %get3A_315 : vector<16xi32>
    %get3A_323 = arith.constant 29 : i32
    %get3A_324 = arith.index_cast %get3A_323 : i32 to index
    %get3A_325 = arith.constant 0 : index
    %get3A_326 = tpu.vector_load %arg9[%get3A_324, %get3A_325] {strides = array<i32>} : memref<32x16xi32, #tpu.memory_space<vmem>>, vector<16xi32>,
    %broadcast_in_dim3A_327 = arith.constant 29 : i32
    %broadcast_in_dim3A_328 = vector.broadcast %broadcast_in_dim3A_327 : i32 to vector<16xi32>
    %lt3A_329 = arith.cmpi slt, %broadcast_in_dim3A_328, %broadcast_in_dim3A_6 : vector<16xi32>
    %select_n3A_330 = arith.select %lt3A_329, %broadcast_in_dim3A_5, %broadcast_in_dim3A_3 : vector<16xi1>, vector<16xi32>
    %mul3A_331 = arith.muli %get3A_326, %select_n3A_330 : vector<16xi32>
    %add3A_332 = arith.addi %add3A_321, %mul3A_331 : vector<16xi32>
    %add3A_333 = arith.addi %add3A_322, %get3A_326 : vector<16xi32>
    %get3A_334 = arith.constant 30 : i32
    %get3A_335 = arith.index_cast %get3A_334 : i32 to index
    %get3A_336 = arith.constant 0 : index
    %get3A_337 = tpu.vector_load %arg9[%get3A_335, %get3A_336] {strides = array<i32>} : memref<32x16xi32, #tpu.memory_space<vmem>>, vector<16xi32>,
    %broadcast_in_dim3A_338 = arith.constant 30 : i32
    %broadcast_in_dim3A_339 = vector.broadcast %broadcast_in_dim3A_338 : i32 to vector<16xi32>
    %lt3A_340 = arith.cmpi slt, %broadcast_in_dim3A_339, %broadcast_in_dim3A_6 : vector<16xi32>
    %select_n3A_341 = arith.select %lt3A_340, %broadcast_in_dim3A_5, %broadcast_in_dim3A_3 : vector<16xi1>, vector<16xi32>
    %mul3A_342 = arith.muli %get3A_337, %select_n3A_341 : vector<16xi32>
    %add3A_343 = arith.addi %add3A_332, %mul3A_342 : vector<16xi32>
    %add3A_344 = arith.addi %add3A_333, %get3A_337 : vector<16xi32>
    %get3A_345 = arith.constant 31 : i32
    %get3A_346 = arith.index_cast %get3A_345 : i32 to index
    %get3A_347 = arith.constant 0 : index
    %get3A_348 = tpu.vector_load %arg9[%get3A_346, %get3A_347] {strides = array<i32>} : memref<32x16xi32, #tpu.memory_space<vmem>>, vector<16xi32>,
    %broadcast_in_dim3A_349 = arith.constant 31 : i32
    %broadcast_in_dim3A_350 = vector.broadcast %broadcast_in_dim3A_349 : i32 to vector<16xi32>
    %lt3A_351 = arith.cmpi slt, %broadcast_in_dim3A_350, %broadcast_in_dim3A_6 : vector<16xi32>
    %select_n3A_352 = arith.select %lt3A_351, %broadcast_in_dim3A_5, %broadcast_in_dim3A_3 : vector<16xi1>, vector<16xi32>
    %mul3A_353 = arith.muli %get3A_348, %select_n3A_352 : vector<16xi32>
    %add3A_354 = arith.addi %add3A_343, %mul3A_353 : vector<16xi32>
    %add3A_355 = arith.addi %add3A_344, %get3A_348 : vector<16xi32>
    %lt3A_356 = arith.constant 8 : i32
    %lt3A_357 = vector.broadcast %lt3A_356 : i32 to vector<16xi32>
    %lt3A_358 = arith.cmpi slt, %iota3A, %lt3A_357 : vector<16xi32>
    %select_n3A_359 = arith.select %lt3A_358, %add3A_355, %broadcast_in_dim3A_3 : vector<16xi1>, vector<16xi32>
    %broadcast_in_dim3A_360 = arith.constant true
    %broadcast_in_dim3A_361 = vector.broadcast %broadcast_in_dim3A_360 : i1 to vector<16xi1>
    %masked_cumsum3A = tpu.scan <sum>, %select_n3A_359 masked %broadcast_in_dim3A_361 : vector<16xi32>, vector<16xi1> -> vector<16xi32>
    %sub3A = arith.subi %masked_cumsum3A, %select_n3A_359 : vector<16xi32>
    %add3A_362 = arith.addi %sub3A, %add3A_354 : vector<16xi32>
    %swap3A = arith.constant 0 : index
    %swap3A_363 = tpu.vector_load %arg18[%swap3A] {strides = array<i32>} : memref<16xi32, #tpu.memory_space<vmem>>, vector<16xi32>,
    tpu.vector_store %arg18[%swap3A], %add3A_362 {strides = array<i32>} : memref<16xi32, #tpu.memory_space<vmem>>, vector<16xi32>,
    %eq3A = arith.constant 0 : i32
    %eq3A_364 = arith.cmpi eq, %add3A, %eq3A : i32
    %convert_element_type3A = arith.extui %eq3A_364 : i1 to i32
    %cond3A = arith.constant 0 : i32
    %cond3A_365 = arith.cmpi ne, %convert_element_type3A, %cond3A : i32
    scf.if %cond3A_365 {
      %swap3A_2792 = arith.constant 0 : index
      %swap3A_2793 = tpu.vector_load %arg10[%swap3A_2792] {strides = array<i32>} : memref<16xi32, #tpu.memory_space<vmem>>, vector<16xi32>,
      tpu.vector_store %arg10[%swap3A_2792], %sub3A {strides = array<i32>} : memref<16xi32, #tpu.memory_space<vmem>>, vector<16xi32>,
      "tpu.region"() ({
        %run_scoped3A = tpu.sem_alloc : memref<!tpu.dma_semaphore, #tpu.memory_space<semaphore_mem>>
        tpu.enqueue_dma source(%arg10 : memref<16xi32, #tpu.memory_space<vmem>>) target(%arg6 : memref<16xi32, #tpu.memory_space<hbm>>) target_semaphore(%run_scoped3A : memref<!tpu.dma_semaphore, #tpu.memory_space<semaphore_mem>>)
        tpu.wait_dma2 semaphore(%run_scoped3A : memref<!tpu.dma_semaphore, #tpu.memory_space<semaphore_mem>>) src(%arg10 : memref<16xi32, #tpu.memory_space<vmem>>) dst(%arg6 : memref<16xi32, #tpu.memory_space<hbm>>)
        tpu.yield
      }) : () -> ()
    } else {
    }
    %get3A_366 = arith.constant 0 : index
    %get3A_367 = tpu.vector_load %arg8[%get3A_366] {strides = array<i32>} : memref<256xi32, #tpu.memory_space<vmem>>, vector<16xi32>,
    %gather3A = tpu.vector_load_idx %arg18[%get3A_367] : memref<16xi32, #tpu.memory_space<vmem>>[vector<16xi32>], vector<16xi32>,
    %eq3A_368 = arith.constant 0 : i32
    %eq3A_369 = vector.broadcast %eq3A_368 : i32 to vector<16xi32>
    %eq3A_370 = arith.cmpi eq, %get3A_367, %eq3A_369 : vector<16xi32>
    %select_n3A_371 = arith.select %eq3A_370, %broadcast_in_dim3A_5, %broadcast_in_dim3A_3 : vector<16xi1>, vector<16xi32>
    %broadcast_in_dim3A_372 = arith.constant true
    %broadcast_in_dim3A_373 = vector.broadcast %broadcast_in_dim3A_372 : i1 to vector<16xi1>
    %masked_cumsum3A_374 = tpu.scan <sum>, %select_n3A_371 masked %broadcast_in_dim3A_373 : vector<16xi32>, vector<16xi1> -> vector<16xi32>
    %add3A_375 = arith.addi %gather3A, %masked_cumsum3A_374 : vector<16xi32>
    %sub3A_376 = arith.subi %add3A_375, %broadcast_in_dim3A_5 : vector<16xi32>
    %select_n3A_377 = arith.select %eq3A_370, %sub3A_376, %broadcast_in_dim3A_3 : vector<16xi1>, vector<16xi32>
    %all_reduce_population_count3A = tpu.all_reduce %eq3A_370 {dim = 0 : i64, kind = #tpu.reduction_kind<sum>} : vector<16xi1> -> vector<16xi32>
    %eq3A_378 = arith.constant 0 : i32
    %eq3A_379 = vector.broadcast %eq3A_378 : i32 to vector<16xi32>
    %eq3A_380 = arith.cmpi eq, %iota3A, %eq3A_379 : vector<16xi32>
    %select_n3A_381 = arith.select %eq3A_380, %all_reduce_population_count3A, %broadcast_in_dim3A_3 : vector<16xi1>, vector<16xi32>
    %add3A_382 = arith.addi %broadcast_in_dim3A_3, %select_n3A_381 : vector<16xi32>
    %eq3A_383 = arith.constant 1 : i32
    %eq3A_384 = vector.broadcast %eq3A_383 : i32 to vector<16xi32>
    %eq3A_385 = arith.cmpi eq, %get3A_367, %eq3A_384 : vector<16xi32>
    %select_n3A_386 = arith.select %eq3A_385, %broadcast_in_dim3A_5, %broadcast_in_dim3A_3 : vector<16xi1>, vector<16xi32>
    %broadcast_in_dim3A_387 = arith.constant true
    %broadcast_in_dim3A_388 = vector.broadcast %broadcast_in_dim3A_387 : i1 to vector<16xi1>
    %masked_cumsum3A_389 = tpu.scan <sum>, %select_n3A_386 masked %broadcast_in_dim3A_388 : vector<16xi32>, vector<16xi1> -> vector<16xi32>
    %add3A_390 = arith.addi %gather3A, %masked_cumsum3A_389 : vector<16xi32>
    %sub3A_391 = arith.subi %add3A_390, %broadcast_in_dim3A_5 : vector<16xi32>
    %select_n3A_392 = arith.select %eq3A_385, %sub3A_391, %select_n3A_377 : vector<16xi1>, vector<16xi32>
    %all_reduce_population_count3A_393 = tpu.all_reduce %eq3A_385 {dim = 0 : i64, kind = #tpu.reduction_kind<sum>} : vector<16xi1> -> vector<16xi32>
    %eq3A_394 = arith.constant 1 : i32
    %eq3A_395 = vector.broadcast %eq3A_394 : i32 to vector<16xi32>
    %eq3A_396 = arith.cmpi eq, %iota3A, %eq3A_395 : vector<16xi32>
    %select_n3A_397 = arith.select %eq3A_396, %all_reduce_population_count3A_393, %broadcast_in_dim3A_3 : vector<16xi1>, vector<16xi32>
    %add3A_398 = arith.addi %add3A_382, %select_n3A_397 : vector<16xi32>
    %eq3A_399 = arith.constant 2 : i32
    %eq3A_400 = vector.broadcast %eq3A_399 : i32 to vector<16xi32>
    %eq3A_401 = arith.cmpi eq, %get3A_367, %eq3A_400 : vector<16xi32>
    %select_n3A_402 = arith.select %eq3A_401, %broadcast_in_dim3A_5, %broadcast_in_dim3A_3 : vector<16xi1>, vector<16xi32>
    %broadcast_in_dim3A_403 = arith.constant true
    %broadcast_in_dim3A_404 = vector.broadcast %broadcast_in_dim3A_403 : i1 to vector<16xi1>
    %masked_cumsum3A_405 = tpu.scan <sum>, %select_n3A_402 masked %broadcast_in_dim3A_404 : vector<16xi32>, vector<16xi1> -> vector<16xi32>
    %add3A_406 = arith.addi %gather3A, %masked_cumsum3A_405 : vector<16xi32>
    %sub3A_407 = arith.subi %add3A_406, %broadcast_in_dim3A_5 : vector<16xi32>
    %select_n3A_408 = arith.select %eq3A_401, %sub3A_407, %select_n3A_392 : vector<16xi1>, vector<16xi32>
    %all_reduce_population_count3A_409 = tpu.all_reduce %eq3A_401 {dim = 0 : i64, kind = #tpu.reduction_kind<sum>} : vector<16xi1> -> vector<16xi32>
    %eq3A_410 = arith.constant 2 : i32
    %eq3A_411 = vector.broadcast %eq3A_410 : i32 to vector<16xi32>
    %eq3A_412 = arith.cmpi eq, %iota3A, %eq3A_411 : vector<16xi32>
    %select_n3A_413 = arith.select %eq3A_412, %all_reduce_population_count3A_409, %broadcast_in_dim3A_3 : vector<16xi1>, vector<16xi32>
    %add3A_414 = arith.addi %add3A_398, %select_n3A_413 : vector<16xi32>
    %eq3A_415 = arith.constant 3 : i32
    %eq3A_416 = vector.broadcast %eq3A_415 : i32 to vector<16xi32>
    %eq3A_417 = arith.cmpi eq, %get3A_367, %eq3A_416 : vector<16xi32>
    %select_n3A_418 = arith.select %eq3A_417, %broadcast_in_dim3A_5, %broadcast_in_dim3A_3 : vector<16xi1>, vector<16xi32>
    %broadcast_in_dim3A_419 = arith.constant true
    %broadcast_in_dim3A_420 = vector.broadcast %broadcast_in_dim3A_419 : i1 to vector<16xi1>
    %masked_cumsum3A_421 = tpu.scan <sum>, %select_n3A_418 masked %broadcast_in_dim3A_420 : vector<16xi32>, vector<16xi1> -> vector<16xi32>
    %add3A_422 = arith.addi %gather3A, %masked_cumsum3A_421 : vector<16xi32>
    %sub3A_423 = arith.subi %add3A_422, %broadcast_in_dim3A_5 : vector<16xi32>
    %select_n3A_424 = arith.select %eq3A_417, %sub3A_423, %select_n3A_408 : vector<16xi1>, vector<16xi32>
    %all_reduce_population_count3A_425 = tpu.all_reduce %eq3A_417 {dim = 0 : i64, kind = #tpu.reduction_kind<sum>} : vector<16xi1> -> vector<16xi32>
    %eq3A_426 = arith.constant 3 : i32
    %eq3A_427 = vector.broadcast %eq3A_426 : i32 to vector<16xi32>
    %eq3A_428 = arith.cmpi eq, %iota3A, %eq3A_427 : vector<16xi32>
    %select_n3A_429 = arith.select %eq3A_428, %all_reduce_population_count3A_425, %broadcast_in_dim3A_3 : vector<16xi1>, vector<16xi32>
    %add3A_430 = arith.addi %add3A_414, %select_n3A_429 : vector<16xi32>
    %eq3A_431 = arith.constant 4 : i32
    %eq3A_432 = vector.broadcast %eq3A_431 : i32 to vector<16xi32>
    %eq3A_433 = arith.cmpi eq, %get3A_367, %eq3A_432 : vector<16xi32>
    %select_n3A_434 = arith.select %eq3A_433, %broadcast_in_dim3A_5, %broadcast_in_dim3A_3 : vector<16xi1>, vector<16xi32>
    %broadcast_in_dim3A_435 = arith.constant true
    %broadcast_in_dim3A_436 = vector.broadcast %broadcast_in_dim3A_435 : i1 to vector<16xi1>
    %masked_cumsum3A_437 = tpu.scan <sum>, %select_n3A_434 masked %broadcast_in_dim3A_436 : vector<16xi32>, vector<16xi1> -> vector<16xi32>
    %add3A_438 = arith.addi %gather3A, %masked_cumsum3A_437 : vector<16xi32>
    %sub3A_439 = arith.subi %add3A_438, %broadcast_in_dim3A_5 : vector<16xi32>
    %select_n3A_440 = arith.select %eq3A_433, %sub3A_439, %select_n3A_424 : vector<16xi1>, vector<16xi32>
    %all_reduce_population_count3A_441 = tpu.all_reduce %eq3A_433 {dim = 0 : i64, kind = #tpu.reduction_kind<sum>} : vector<16xi1> -> vector<16xi32>
    %eq3A_442 = arith.constant 4 : i32
    %eq3A_443 = vector.broadcast %eq3A_442 : i32 to vector<16xi32>
    %eq3A_444 = arith.cmpi eq, %iota3A, %eq3A_443 : vector<16xi32>
    %select_n3A_445 = arith.select %eq3A_444, %all_reduce_population_count3A_441, %broadcast_in_dim3A_3 : vector<16xi1>, vector<16xi32>
    %add3A_446 = arith.addi %add3A_430, %select_n3A_445 : vector<16xi32>
    %eq3A_447 = arith.constant 5 : i32
    %eq3A_448 = vector.broadcast %eq3A_447 : i32 to vector<16xi32>
    %eq3A_449 = arith.cmpi eq, %get3A_367, %eq3A_448 : vector<16xi32>
    %select_n3A_450 = arith.select %eq3A_449, %broadcast_in_dim3A_5, %broadcast_in_dim3A_3 : vector<16xi1>, vector<16xi32>
    %broadcast_in_dim3A_451 = arith.constant true
    %broadcast_in_dim3A_452 = vector.broadcast %broadcast_in_dim3A_451 : i1 to vector<16xi1>
    %masked_cumsum3A_453 = tpu.scan <sum>, %select_n3A_450 masked %broadcast_in_dim3A_452 : vector<16xi32>, vector<16xi1> -> vector<16xi32>
    %add3A_454 = arith.addi %gather3A, %masked_cumsum3A_453 : vector<16xi32>
    %sub3A_455 = arith.subi %add3A_454, %broadcast_in_dim3A_5 : vector<16xi32>
    %select_n3A_456 = arith.select %eq3A_449, %sub3A_455, %select_n3A_440 : vector<16xi1>, vector<16xi32>
    %all_reduce_population_count3A_457 = tpu.all_reduce %eq3A_449 {dim = 0 : i64, kind = #tpu.reduction_kind<sum>} : vector<16xi1> -> vector<16xi32>
    %eq3A_458 = arith.constant 5 : i32
    %eq3A_459 = vector.broadcast %eq3A_458 : i32 to vector<16xi32>
    %eq3A_460 = arith.cmpi eq, %iota3A, %eq3A_459 : vector<16xi32>
    %select_n3A_461 = arith.select %eq3A_460, %all_reduce_population_count3A_457, %broadcast_in_dim3A_3 : vector<16xi1>, vector<16xi32>
    %add3A_462 = arith.addi %add3A_446, %select_n3A_461 : vector<16xi32>
    %eq3A_463 = arith.constant 6 : i32
    %eq3A_464 = vector.broadcast %eq3A_463 : i32 to vector<16xi32>
    %eq3A_465 = arith.cmpi eq, %get3A_367, %eq3A_464 : vector<16xi32>
    %select_n3A_466 = arith.select %eq3A_465, %broadcast_in_dim3A_5, %broadcast_in_dim3A_3 : vector<16xi1>, vector<16xi32>
    %broadcast_in_dim3A_467 = arith.constant true
    %broadcast_in_dim3A_468 = vector.broadcast %broadcast_in_dim3A_467 : i1 to vector<16xi1>
    %masked_cumsum3A_469 = tpu.scan <sum>, %select_n3A_466 masked %broadcast_in_dim3A_468 : vector<16xi32>, vector<16xi1> -> vector<16xi32>
    %add3A_470 = arith.addi %gather3A, %masked_cumsum3A_469 : vector<16xi32>
    %sub3A_471 = arith.subi %add3A_470, %broadcast_in_dim3A_5 : vector<16xi32>
    %select_n3A_472 = arith.select %eq3A_465, %sub3A_471, %select_n3A_456 : vector<16xi1>, vector<16xi32>
    %all_reduce_population_count3A_473 = tpu.all_reduce %eq3A_465 {dim = 0 : i64, kind = #tpu.reduction_kind<sum>} : vector<16xi1> -> vector<16xi32>
    %eq3A_474 = arith.constant 6 : i32
    %eq3A_475 = vector.broadcast %eq3A_474 : i32 to vector<16xi32>
    %eq3A_476 = arith.cmpi eq, %iota3A, %eq3A_475 : vector<16xi32>
    %select_n3A_477 = arith.select %eq3A_476, %all_reduce_population_count3A_473, %broadcast_in_dim3A_3 : vector<16xi1>, vector<16xi32>
    %add3A_478 = arith.addi %add3A_462, %select_n3A_477 : vector<16xi32>
    %eq3A_479 = arith.constant 7 : i32
    %eq3A_480 = vector.broadcast %eq3A_479 : i32 to vector<16xi32>
    %eq3A_481 = arith.cmpi eq, %get3A_367, %eq3A_480 : vector<16xi32>
    %select_n3A_482 = arith.select %eq3A_481, %broadcast_in_dim3A_5, %broadcast_in_dim3A_3 : vector<16xi1>, vector<16xi32>
    %broadcast_in_dim3A_483 = arith.constant true
    %broadcast_in_dim3A_484 = vector.broadcast %broadcast_in_dim3A_483 : i1 to vector<16xi1>
    %masked_cumsum3A_485 = tpu.scan <sum>, %select_n3A_482 masked %broadcast_in_dim3A_484 : vector<16xi32>, vector<16xi1> -> vector<16xi32>
    %add3A_486 = arith.addi %gather3A, %masked_cumsum3A_485 : vector<16xi32>
    %sub3A_487 = arith.subi %add3A_486, %broadcast_in_dim3A_5 : vector<16xi32>
    %select_n3A_488 = arith.select %eq3A_481, %sub3A_487, %select_n3A_472 : vector<16xi1>, vector<16xi32>
    %all_reduce_population_count3A_489 = tpu.all_reduce %eq3A_481 {dim = 0 : i64, kind = #tpu.reduction_kind<sum>} : vector<16xi1> -> vector<16xi32>
    %eq3A_490 = arith.constant 7 : i32
    %eq3A_491 = vector.broadcast %eq3A_490 : i32 to vector<16xi32>
    %eq3A_492 = arith.cmpi eq, %iota3A, %eq3A_491 : vector<16xi32>
    %select_n3A_493 = arith.select %eq3A_492, %all_reduce_population_count3A_489, %broadcast_in_dim3A_3 : vector<16xi1>, vector<16xi32>
    %add3A_494 = arith.addi %add3A_478, %select_n3A_493 : vector<16xi32>
    %get3A_495 = arith.constant 0 : index
    %get3A_496 = tpu.vector_load %arg18[%get3A_495] {strides = array<i32>} : memref<16xi32, #tpu.memory_space<vmem>>, vector<16xi32>,
    %add3A_497 = arith.addi %get3A_496, %add3A_494 : vector<16xi32>
    %swap3A_498 = arith.constant 0 : index
    %swap3A_499 = tpu.vector_load %arg18[%swap3A_498] {strides = array<i32>} : memref<16xi32, #tpu.memory_space<vmem>>, vector<16xi32>,
    tpu.vector_store %arg18[%swap3A_498], %add3A_497 {strides = array<i32>} : memref<16xi32, #tpu.memory_space<vmem>>, vector<16xi32>,
    %swap3A_500 = arith.constant 0 : i32
    %swap3A_501 = arith.index_cast %swap3A_500 : i32 to index
    %swap3A_502 = arith.constant 0 : index
    %swap3A_503 = tpu.vector_load %arg11[%swap3A_501, %swap3A_502] {strides = array<i32>} : memref<8x32xi32, #tpu.memory_space<vmem>>, vector<16xi32>,
    tpu.vector_store %arg11[%swap3A_501, %swap3A_502], %select_n3A_488 {strides = array<i32>} : memref<8x32xi32, #tpu.memory_space<vmem>>, vector<16xi32>,
    %get3A_504 = arith.constant 16 : index
    %get3A_505 = tpu.vector_load %arg8[%get3A_504] {strides = array<i32>} : memref<256xi32, #tpu.memory_space<vmem>>, vector<16xi32>,
    %gather3A_506 = tpu.vector_load_idx %arg18[%get3A_505] : memref<16xi32, #tpu.memory_space<vmem>>[vector<16xi32>], vector<16xi32>,
    %eq3A_507 = arith.constant 0 : i32
    %eq3A_508 = vector.broadcast %eq3A_507 : i32 to vector<16xi32>
    %eq3A_509 = arith.cmpi eq, %get3A_505, %eq3A_508 : vector<16xi32>
    %select_n3A_510 = arith.select %eq3A_509, %broadcast_in_dim3A_5, %broadcast_in_dim3A_3 : vector<16xi1>, vector<16xi32>
    %broadcast_in_dim3A_511 = arith.constant true
    %broadcast_in_dim3A_512 = vector.broadcast %broadcast_in_dim3A_511 : i1 to vector<16xi1>
    %masked_cumsum3A_513 = tpu.scan <sum>, %select_n3A_510 masked %broadcast_in_dim3A_512 : vector<16xi32>, vector<16xi1> -> vector<16xi32>
    %add3A_514 = arith.addi %gather3A_506, %masked_cumsum3A_513 : vector<16xi32>
    %sub3A_515 = arith.subi %add3A_514, %broadcast_in_dim3A_5 : vector<16xi32>
    %select_n3A_516 = arith.select %eq3A_509, %sub3A_515, %broadcast_in_dim3A_3 : vector<16xi1>, vector<16xi32>
    %all_reduce_population_count3A_517 = tpu.all_reduce %eq3A_509 {dim = 0 : i64, kind = #tpu.reduction_kind<sum>} : vector<16xi1> -> vector<16xi32>
    %eq3A_518 = arith.constant 0 : i32
    %eq3A_519 = vector.broadcast %eq3A_518 : i32 to vector<16xi32>
    %eq3A_520 = arith.cmpi eq, %iota3A, %eq3A_519 : vector<16xi32>
    %select_n3A_521 = arith.select %eq3A_520, %all_reduce_population_count3A_517, %broadcast_in_dim3A_3 : vector<16xi1>, vector<16xi32>
    %add3A_522 = arith.addi %broadcast_in_dim3A_3, %select_n3A_521 : vector<16xi32>
    %eq3A_523 = arith.constant 1 : i32
    %eq3A_524 = vector.broadcast %eq3A_523 : i32 to vector<16xi32>
    %eq3A_525 = arith.cmpi eq, %get3A_505, %eq3A_524 : vector<16xi32>
    %select_n3A_526 = arith.select %eq3A_525, %broadcast_in_dim3A_5, %broadcast_in_dim3A_3 : vector<16xi1>, vector<16xi32>
    %broadcast_in_dim3A_527 = arith.constant true
    %broadcast_in_dim3A_528 = vector.broadcast %broadcast_in_dim3A_527 : i1 to vector<16xi1>
    %masked_cumsum3A_529 = tpu.scan <sum>, %select_n3A_526 masked %broadcast_in_dim3A_528 : vector<16xi32>, vector<16xi1> -> vector<16xi32>
    %add3A_530 = arith.addi %gather3A_506, %masked_cumsum3A_529 : vector<16xi32>
    %sub3A_531 = arith.subi %add3A_530, %broadcast_in_dim3A_5 : vector<16xi32>
    %select_n3A_532 = arith.select %eq3A_525, %sub3A_531, %select_n3A_516 : vector<16xi1>, vector<16xi32>
    %all_reduce_population_count3A_533 = tpu.all_reduce %eq3A_525 {dim = 0 : i64, kind = #tpu.reduction_kind<sum>} : vector<16xi1> -> vector<16xi32>
    %eq3A_534 = arith.constant 1 : i32
    %eq3A_535 = vector.broadcast %eq3A_534 : i32 to vector<16xi32>
    %eq3A_536 = arith.cmpi eq, %iota3A, %eq3A_535 : vector<16xi32>
    %select_n3A_537 = arith.select %eq3A_536, %all_reduce_population_count3A_533, %broadcast_in_dim3A_3 : vector<16xi1>, vector<16xi32>
    %add3A_538 = arith.addi %add3A_522, %select_n3A_537 : vector<16xi32>
    %eq3A_539 = arith.constant 2 : i32
    %eq3A_540 = vector.broadcast %eq3A_539 : i32 to vector<16xi32>
    %eq3A_541 = arith.cmpi eq, %get3A_505, %eq3A_540 : vector<16xi32>
    %select_n3A_542 = arith.select %eq3A_541, %broadcast_in_dim3A_5, %broadcast_in_dim3A_3 : vector<16xi1>, vector<16xi32>
    %broadcast_in_dim3A_543 = arith.constant true
    %broadcast_in_dim3A_544 = vector.broadcast %broadcast_in_dim3A_543 : i1 to vector<16xi1>
    %masked_cumsum3A_545 = tpu.scan <sum>, %select_n3A_542 masked %broadcast_in_dim3A_544 : vector<16xi32>, vector<16xi1> -> vector<16xi32>
    %add3A_546 = arith.addi %gather3A_506, %masked_cumsum3A_545 : vector<16xi32>
    %sub3A_547 = arith.subi %add3A_546, %broadcast_in_dim3A_5 : vector<16xi32>
    %select_n3A_548 = arith.select %eq3A_541, %sub3A_547, %select_n3A_532 : vector<16xi1>, vector<16xi32>
    %all_reduce_population_count3A_549 = tpu.all_reduce %eq3A_541 {dim = 0 : i64, kind = #tpu.reduction_kind<sum>} : vector<16xi1> -> vector<16xi32>
    %eq3A_550 = arith.constant 2 : i32
    %eq3A_551 = vector.broadcast %eq3A_550 : i32 to vector<16xi32>
    %eq3A_552 = arith.cmpi eq, %iota3A, %eq3A_551 : vector<16xi32>
    %select_n3A_553 = arith.select %eq3A_552, %all_reduce_population_count3A_549, %broadcast_in_dim3A_3 : vector<16xi1>, vector<16xi32>
    %add3A_554 = arith.addi %add3A_538, %select_n3A_553 : vector<16xi32>
    %eq3A_555 = arith.constant 3 : i32
    %eq3A_556 = vector.broadcast %eq3A_555 : i32 to vector<16xi32>
    %eq3A_557 = arith.cmpi eq, %get3A_505, %eq3A_556 : vector<16xi32>
    %select_n3A_558 = arith.select %eq3A_557, %broadcast_in_dim3A_5, %broadcast_in_dim3A_3 : vector<16xi1>, vector<16xi32>
    %broadcast_in_dim3A_559 = arith.constant true
    %broadcast_in_dim3A_560 = vector.broadcast %broadcast_in_dim3A_559 : i1 to vector<16xi1>
    %masked_cumsum3A_561 = tpu.scan <sum>, %select_n3A_558 masked %broadcast_in_dim3A_560 : vector<16xi32>, vector<16xi1> -> vector<16xi32>
    %add3A_562 = arith.addi %gather3A_506, %masked_cumsum3A_561 : vector<16xi32>
    %sub3A_563 = arith.subi %add3A_562, %broadcast_in_dim3A_5 : vector<16xi32>
    %select_n3A_564 = arith.select %eq3A_557, %sub3A_563, %select_n3A_548 : vector<16xi1>, vector<16xi32>
    %all_reduce_population_count3A_565 = tpu.all_reduce %eq3A_557 {dim = 0 : i64, kind = #tpu.reduction_kind<sum>} : vector<16xi1> -> vector<16xi32>
    %eq3A_566 = arith.constant 3 : i32
    %eq3A_567 = vector.broadcast %eq3A_566 : i32 to vector<16xi32>
    %eq3A_568 = arith.cmpi eq, %iota3A, %eq3A_567 : vector<16xi32>
    %select_n3A_569 = arith.select %eq3A_568, %all_reduce_population_count3A_565, %broadcast_in_dim3A_3 : vector<16xi1>, vector<16xi32>
    %add3A_570 = arith.addi %add3A_554, %select_n3A_569 : vector<16xi32>
    %eq3A_571 = arith.constant 4 : i32
    %eq3A_572 = vector.broadcast %eq3A_571 : i32 to vector<16xi32>
    %eq3A_573 = arith.cmpi eq, %get3A_505, %eq3A_572 : vector<16xi32>
    %select_n3A_574 = arith.select %eq3A_573, %broadcast_in_dim3A_5, %broadcast_in_dim3A_3 : vector<16xi1>, vector<16xi32>
    %broadcast_in_dim3A_575 = arith.constant true
    %broadcast_in_dim3A_576 = vector.broadcast %broadcast_in_dim3A_575 : i1 to vector<16xi1>
    %masked_cumsum3A_577 = tpu.scan <sum>, %select_n3A_574 masked %broadcast_in_dim3A_576 : vector<16xi32>, vector<16xi1> -> vector<16xi32>
    %add3A_578 = arith.addi %gather3A_506, %masked_cumsum3A_577 : vector<16xi32>
    %sub3A_579 = arith.subi %add3A_578, %broadcast_in_dim3A_5 : vector<16xi32>
    %select_n3A_580 = arith.select %eq3A_573, %sub3A_579, %select_n3A_564 : vector<16xi1>, vector<16xi32>
    %all_reduce_population_count3A_581 = tpu.all_reduce %eq3A_573 {dim = 0 : i64, kind = #tpu.reduction_kind<sum>} : vector<16xi1> -> vector<16xi32>
    %eq3A_582 = arith.constant 4 : i32
    %eq3A_583 = vector.broadcast %eq3A_582 : i32 to vector<16xi32>
    %eq3A_584 = arith.cmpi eq, %iota3A, %eq3A_583 : vector<16xi32>
    %select_n3A_585 = arith.select %eq3A_584, %all_reduce_population_count3A_581, %broadcast_in_dim3A_3 : vector<16xi1>, vector<16xi32>
    %add3A_586 = arith.addi %add3A_570, %select_n3A_585 : vector<16xi32>
    %eq3A_587 = arith.constant 5 : i32
    %eq3A_588 = vector.broadcast %eq3A_587 : i32 to vector<16xi32>
    %eq3A_589 = arith.cmpi eq, %get3A_505, %eq3A_588 : vector<16xi32>
    %select_n3A_590 = arith.select %eq3A_589, %broadcast_in_dim3A_5, %broadcast_in_dim3A_3 : vector<16xi1>, vector<16xi32>
    %broadcast_in_dim3A_591 = arith.constant true
    %broadcast_in_dim3A_592 = vector.broadcast %broadcast_in_dim3A_591 : i1 to vector<16xi1>
    %masked_cumsum3A_593 = tpu.scan <sum>, %select_n3A_590 masked %broadcast_in_dim3A_592 : vector<16xi32>, vector<16xi1> -> vector<16xi32>
    %add3A_594 = arith.addi %gather3A_506, %masked_cumsum3A_593 : vector<16xi32>
    %sub3A_595 = arith.subi %add3A_594, %broadcast_in_dim3A_5 : vector<16xi32>
    %select_n3A_596 = arith.select %eq3A_589, %sub3A_595, %select_n3A_580 : vector<16xi1>, vector<16xi32>
    %all_reduce_population_count3A_597 = tpu.all_reduce %eq3A_589 {dim = 0 : i64, kind = #tpu.reduction_kind<sum>} : vector<16xi1> -> vector<16xi32>
    %eq3A_598 = arith.constant 5 : i32
    %eq3A_599 = vector.broadcast %eq3A_598 : i32 to vector<16xi32>
    %eq3A_600 = arith.cmpi eq, %iota3A, %eq3A_599 : vector<16xi32>
    %select_n3A_601 = arith.select %eq3A_600, %all_reduce_population_count3A_597, %broadcast_in_dim3A_3 : vector<16xi1>, vector<16xi32>
    %add3A_602 = arith.addi %add3A_586, %select_n3A_601 : vector<16xi32>
    %eq3A_603 = arith.constant 6 : i32
    %eq3A_604 = vector.broadcast %eq3A_603 : i32 to vector<16xi32>
    %eq3A_605 = arith.cmpi eq, %get3A_505, %eq3A_604 : vector<16xi32>
    %select_n3A_606 = arith.select %eq3A_605, %broadcast_in_dim3A_5, %broadcast_in_dim3A_3 : vector<16xi1>, vector<16xi32>
    %broadcast_in_dim3A_607 = arith.constant true
    %broadcast_in_dim3A_608 = vector.broadcast %broadcast_in_dim3A_607 : i1 to vector<16xi1>
    %masked_cumsum3A_609 = tpu.scan <sum>, %select_n3A_606 masked %broadcast_in_dim3A_608 : vector<16xi32>, vector<16xi1> -> vector<16xi32>
    %add3A_610 = arith.addi %gather3A_506, %masked_cumsum3A_609 : vector<16xi32>
    %sub3A_611 = arith.subi %add3A_610, %broadcast_in_dim3A_5 : vector<16xi32>
    %select_n3A_612 = arith.select %eq3A_605, %sub3A_611, %select_n3A_596 : vector<16xi1>, vector<16xi32>
    %all_reduce_population_count3A_613 = tpu.all_reduce %eq3A_605 {dim = 0 : i64, kind = #tpu.reduction_kind<sum>} : vector<16xi1> -> vector<16xi32>
    %eq3A_614 = arith.constant 6 : i32
    %eq3A_615 = vector.broadcast %eq3A_614 : i32 to vector<16xi32>
    %eq3A_616 = arith.cmpi eq, %iota3A, %eq3A_615 : vector<16xi32>
    %select_n3A_617 = arith.select %eq3A_616, %all_reduce_population_count3A_613, %broadcast_in_dim3A_3 : vector<16xi1>, vector<16xi32>
    %add3A_618 = arith.addi %add3A_602, %select_n3A_617 : vector<16xi32>
    %eq3A_619 = arith.constant 7 : i32
    %eq3A_620 = vector.broadcast %eq3A_619 : i32 to vector<16xi32>
    %eq3A_621 = arith.cmpi eq, %get3A_505, %eq3A_620 : vector<16xi32>
    %select_n3A_622 = arith.select %eq3A_621, %broadcast_in_dim3A_5, %broadcast_in_dim3A_3 : vector<16xi1>, vector<16xi32>
    %broadcast_in_dim3A_623 = arith.constant true
    %broadcast_in_dim3A_624 = vector.broadcast %broadcast_in_dim3A_623 : i1 to vector<16xi1>
    %masked_cumsum3A_625 = tpu.scan <sum>, %select_n3A_622 masked %broadcast_in_dim3A_624 : vector<16xi32>, vector<16xi1> -> vector<16xi32>
    %add3A_626 = arith.addi %gather3A_506, %masked_cumsum3A_625 : vector<16xi32>
    %sub3A_627 = arith.subi %add3A_626, %broadcast_in_dim3A_5 : vector<16xi32>
    %select_n3A_628 = arith.select %eq3A_621, %sub3A_627, %select_n3A_612 : vector<16xi1>, vector<16xi32>
    %all_reduce_population_count3A_629 = tpu.all_reduce %eq3A_621 {dim = 0 : i64, kind = #tpu.reduction_kind<sum>} : vector<16xi1> -> vector<16xi32>
    %eq3A_630 = arith.constant 7 : i32
    %eq3A_631 = vector.broadcast %eq3A_630 : i32 to vector<16xi32>
    %eq3A_632 = arith.cmpi eq, %iota3A, %eq3A_631 : vector<16xi32>
    %select_n3A_633 = arith.select %eq3A_632, %all_reduce_population_count3A_629, %broadcast_in_dim3A_3 : vector<16xi1>, vector<16xi32>
    %add3A_634 = arith.addi %add3A_618, %select_n3A_633 : vector<16xi32>
    %get3A_635 = arith.constant 0 : index
    %get3A_636 = tpu.vector_load %arg18[%get3A_635] {strides = array<i32>} : memref<16xi32, #tpu.memory_space<vmem>>, vector<16xi32>,
    %add3A_637 = arith.addi %get3A_636, %add3A_634 : vector<16xi32>
    %swap3A_638 = arith.constant 0 : index
    %swap3A_639 = tpu.vector_load %arg18[%swap3A_638] {strides = array<i32>} : memref<16xi32, #tpu.memory_space<vmem>>, vector<16xi32>,
    tpu.vector_store %arg18[%swap3A_638], %add3A_637 {strides = array<i32>} : memref<16xi32, #tpu.memory_space<vmem>>, vector<16xi32>,
    %swap3A_640 = arith.constant 0 : i32
    %swap3A_641 = arith.index_cast %swap3A_640 : i32 to index
    %swap3A_642 = arith.constant 16 : index
    %swap3A_643 = tpu.vector_load %arg11[%swap3A_641, %swap3A_642] {strides = array<i32>} : memref<8x32xi32, #tpu.memory_space<vmem>>, vector<16xi32>,
    tpu.vector_store %arg11[%swap3A_641, %swap3A_642], %select_n3A_628 {strides = array<i32>} : memref<8x32xi32, #tpu.memory_space<vmem>>, vector<16xi32>,
    %get3A_644 = arith.constant 32 : index
    %get3A_645 = tpu.vector_load %arg8[%get3A_644] {strides = array<i32>} : memref<256xi32, #tpu.memory_space<vmem>>, vector<16xi32>,
    %gather3A_646 = tpu.vector_load_idx %arg18[%get3A_645] : memref<16xi32, #tpu.memory_space<vmem>>[vector<16xi32>], vector<16xi32>,
    %eq3A_647 = arith.constant 0 : i32
    %eq3A_648 = vector.broadcast %eq3A_647 : i32 to vector<16xi32>
    %eq3A_649 = arith.cmpi eq, %get3A_645, %eq3A_648 : vector<16xi32>
    %select_n3A_650 = arith.select %eq3A_649, %broadcast_in_dim3A_5, %broadcast_in_dim3A_3 : vector<16xi1>, vector<16xi32>
    %broadcast_in_dim3A_651 = arith.constant true
    %broadcast_in_dim3A_652 = vector.broadcast %broadcast_in_dim3A_651 : i1 to vector<16xi1>
    %masked_cumsum3A_653 = tpu.scan <sum>, %select_n3A_650 masked %broadcast_in_dim3A_652 : vector<16xi32>, vector<16xi1> -> vector<16xi32>
    %add3A_654 = arith.addi %gather3A_646, %masked_cumsum3A_653 : vector<16xi32>
    %sub3A_655 = arith.subi %add3A_654, %broadcast_in_dim3A_5 : vector<16xi32>
    %select_n3A_656 = arith.select %eq3A_649, %sub3A_655, %broadcast_in_dim3A_3 : vector<16xi1>, vector<16xi32>
    %all_reduce_population_count3A_657 = tpu.all_reduce %eq3A_649 {dim = 0 : i64, kind = #tpu.reduction_kind<sum>} : vector<16xi1> -> vector<16xi32>
    %eq3A_658 = arith.constant 0 : i32
    %eq3A_659 = vector.broadcast %eq3A_658 : i32 to vector<16xi32>
    %eq3A_660 = arith.cmpi eq, %iota3A, %eq3A_659 : vector<16xi32>
    %select_n3A_661 = arith.select %eq3A_660, %all_reduce_population_count3A_657, %broadcast_in_dim3A_3 : vector<16xi1>, vector<16xi32>
    %add3A_662 = arith.addi %broadcast_in_dim3A_3, %select_n3A_661 : vector<16xi32>
    %eq3A_663 = arith.constant 1 : i32
    %eq3A_664 = vector.broadcast %eq3A_663 : i32 to vector<16xi32>
    %eq3A_665 = arith.cmpi eq, %get3A_645, %eq3A_664 : vector<16xi32>
    %select_n3A_666 = arith.select %eq3A_665, %broadcast_in_dim3A_5, %broadcast_in_dim3A_3 : vector<16xi1>, vector<16xi32>
    %broadcast_in_dim3A_667 = arith.constant true
    %broadcast_in_dim3A_668 = vector.broadcast %broadcast_in_dim3A_667 : i1 to vector<16xi1>
    %masked_cumsum3A_669 = tpu.scan <sum>, %select_n3A_666 masked %broadcast_in_dim3A_668 : vector<16xi32>, vector<16xi1> -> vector<16xi32>
    %add3A_670 = arith.addi %gather3A_646, %masked_cumsum3A_669 : vector<16xi32>
    %sub3A_671 = arith.subi %add3A_670, %broadcast_in_dim3A_5 : vector<16xi32>
    %select_n3A_672 = arith.select %eq3A_665, %sub3A_671, %select_n3A_656 : vector<16xi1>, vector<16xi32>
    %all_reduce_population_count3A_673 = tpu.all_reduce %eq3A_665 {dim = 0 : i64, kind = #tpu.reduction_kind<sum>} : vector<16xi1> -> vector<16xi32>
    %eq3A_674 = arith.constant 1 : i32
    %eq3A_675 = vector.broadcast %eq3A_674 : i32 to vector<16xi32>
    %eq3A_676 = arith.cmpi eq, %iota3A, %eq3A_675 : vector<16xi32>
    %select_n3A_677 = arith.select %eq3A_676, %all_reduce_population_count3A_673, %broadcast_in_dim3A_3 : vector<16xi1>, vector<16xi32>
    %add3A_678 = arith.addi %add3A_662, %select_n3A_677 : vector<16xi32>
    %eq3A_679 = arith.constant 2 : i32
    %eq3A_680 = vector.broadcast %eq3A_679 : i32 to vector<16xi32>
    %eq3A_681 = arith.cmpi eq, %get3A_645, %eq3A_680 : vector<16xi32>
    %select_n3A_682 = arith.select %eq3A_681, %broadcast_in_dim3A_5, %broadcast_in_dim3A_3 : vector<16xi1>, vector<16xi32>
    %broadcast_in_dim3A_683 = arith.constant true
    %broadcast_in_dim3A_684 = vector.broadcast %broadcast_in_dim3A_683 : i1 to vector<16xi1>
    %masked_cumsum3A_685 = tpu.scan <sum>, %select_n3A_682 masked %broadcast_in_dim3A_684 : vector<16xi32>, vector<16xi1> -> vector<16xi32>
    %add3A_686 = arith.addi %gather3A_646, %masked_cumsum3A_685 : vector<16xi32>
    %sub3A_687 = arith.subi %add3A_686, %broadcast_in_dim3A_5 : vector<16xi32>
    %select_n3A_688 = arith.select %eq3A_681, %sub3A_687, %select_n3A_672 : vector<16xi1>, vector<16xi32>
    %all_reduce_population_count3A_689 = tpu.all_reduce %eq3A_681 {dim = 0 : i64, kind = #tpu.reduction_kind<sum>} : vector<16xi1> -> vector<16xi32>
    %eq3A_690 = arith.constant 2 : i32
    %eq3A_691 = vector.broadcast %eq3A_690 : i32 to vector<16xi32>
    %eq3A_692 = arith.cmpi eq, %iota3A, %eq3A_691 : vector<16xi32>
    %select_n3A_693 = arith.select %eq3A_692, %all_reduce_population_count3A_689, %broadcast_in_dim3A_3 : vector<16xi1>, vector<16xi32>
    %add3A_694 = arith.addi %add3A_678, %select_n3A_693 : vector<16xi32>
    %eq3A_695 = arith.constant 3 : i32
    %eq3A_696 = vector.broadcast %eq3A_695 : i32 to vector<16xi32>
    %eq3A_697 = arith.cmpi eq, %get3A_645, %eq3A_696 : vector<16xi32>
    %select_n3A_698 = arith.select %eq3A_697, %broadcast_in_dim3A_5, %broadcast_in_dim3A_3 : vector<16xi1>, vector<16xi32>
    %broadcast_in_dim3A_699 = arith.constant true
    %broadcast_in_dim3A_700 = vector.broadcast %broadcast_in_dim3A_699 : i1 to vector<16xi1>
    %masked_cumsum3A_701 = tpu.scan <sum>, %select_n3A_698 masked %broadcast_in_dim3A_700 : vector<16xi32>, vector<16xi1> -> vector<16xi32>
    %add3A_702 = arith.addi %gather3A_646, %masked_cumsum3A_701 : vector<16xi32>
    %sub3A_703 = arith.subi %add3A_702, %broadcast_in_dim3A_5 : vector<16xi32>
    %select_n3A_704 = arith.select %eq3A_697, %sub3A_703, %select_n3A_688 : vector<16xi1>, vector<16xi32>
    %all_reduce_population_count3A_705 = tpu.all_reduce %eq3A_697 {dim = 0 : i64, kind = #tpu.reduction_kind<sum>} : vector<16xi1> -> vector<16xi32>
    %eq3A_706 = arith.constant 3 : i32
    %eq3A_707 = vector.broadcast %eq3A_706 : i32 to vector<16xi32>
    %eq3A_708 = arith.cmpi eq, %iota3A, %eq3A_707 : vector<16xi32>
    %select_n3A_709 = arith.select %eq3A_708, %all_reduce_population_count3A_705, %broadcast_in_dim3A_3 : vector<16xi1>, vector<16xi32>
    %add3A_710 = arith.addi %add3A_694, %select_n3A_709 : vector<16xi32>
    %eq3A_711 = arith.constant 4 : i32
    %eq3A_712 = vector.broadcast %eq3A_711 : i32 to vector<16xi32>
    %eq3A_713 = arith.cmpi eq, %get3A_645, %eq3A_712 : vector<16xi32>
    %select_n3A_714 = arith.select %eq3A_713, %broadcast_in_dim3A_5, %broadcast_in_dim3A_3 : vector<16xi1>, vector<16xi32>
    %broadcast_in_dim3A_715 = arith.constant true
    %broadcast_in_dim3A_716 = vector.broadcast %broadcast_in_dim3A_715 : i1 to vector<16xi1>
    %masked_cumsum3A_717 = tpu.scan <sum>, %select_n3A_714 masked %broadcast_in_dim3A_716 : vector<16xi32>, vector<16xi1> -> vector<16xi32>
    %add3A_718 = arith.addi %gather3A_646, %masked_cumsum3A_717 : vector<16xi32>
    %sub3A_719 = arith.subi %add3A_718, %broadcast_in_dim3A_5 : vector<16xi32>
    %select_n3A_720 = arith.select %eq3A_713, %sub3A_719, %select_n3A_704 : vector<16xi1>, vector<16xi32>
    %all_reduce_population_count3A_721 = tpu.all_reduce %eq3A_713 {dim = 0 : i64, kind = #tpu.reduction_kind<sum>} : vector<16xi1> -> vector<16xi32>
    %eq3A_722 = arith.constant 4 : i32
    %eq3A_723 = vector.broadcast %eq3A_722 : i32 to vector<16xi32>
    %eq3A_724 = arith.cmpi eq, %iota3A, %eq3A_723 : vector<16xi32>
    %select_n3A_725 = arith.select %eq3A_724, %all_reduce_population_count3A_721, %broadcast_in_dim3A_3 : vector<16xi1>, vector<16xi32>
    %add3A_726 = arith.addi %add3A_710, %select_n3A_725 : vector<16xi32>
    %eq3A_727 = arith.constant 5 : i32
    %eq3A_728 = vector.broadcast %eq3A_727 : i32 to vector<16xi32>
    %eq3A_729 = arith.cmpi eq, %get3A_645, %eq3A_728 : vector<16xi32>
    %select_n3A_730 = arith.select %eq3A_729, %broadcast_in_dim3A_5, %broadcast_in_dim3A_3 : vector<16xi1>, vector<16xi32>
    %broadcast_in_dim3A_731 = arith.constant true
    %broadcast_in_dim3A_732 = vector.broadcast %broadcast_in_dim3A_731 : i1 to vector<16xi1>
    %masked_cumsum3A_733 = tpu.scan <sum>, %select_n3A_730 masked %broadcast_in_dim3A_732 : vector<16xi32>, vector<16xi1> -> vector<16xi32>
    %add3A_734 = arith.addi %gather3A_646, %masked_cumsum3A_733 : vector<16xi32>
    %sub3A_735 = arith.subi %add3A_734, %broadcast_in_dim3A_5 : vector<16xi32>
    %select_n3A_736 = arith.select %eq3A_729, %sub3A_735, %select_n3A_720 : vector<16xi1>, vector<16xi32>
    %all_reduce_population_count3A_737 = tpu.all_reduce %eq3A_729 {dim = 0 : i64, kind = #tpu.reduction_kind<sum>} : vector<16xi1> -> vector<16xi32>
    %eq3A_738 = arith.constant 5 : i32
    %eq3A_739 = vector.broadcast %eq3A_738 : i32 to vector<16xi32>
    %eq3A_740 = arith.cmpi eq, %iota3A, %eq3A_739 : vector<16xi32>
    %select_n3A_741 = arith.select %eq3A_740, %all_reduce_population_count3A_737, %broadcast_in_dim3A_3 : vector<16xi1>, vector<16xi32>
    %add3A_742 = arith.addi %add3A_726, %select_n3A_741 : vector<16xi32>
    %eq3A_743 = arith.constant 6 : i32
    %eq3A_744 = vector.broadcast %eq3A_743 : i32 to vector<16xi32>
    %eq3A_745 = arith.cmpi eq, %get3A_645, %eq3A_744 : vector<16xi32>
    %select_n3A_746 = arith.select %eq3A_745, %broadcast_in_dim3A_5, %broadcast_in_dim3A_3 : vector<16xi1>, vector<16xi32>
    %broadcast_in_dim3A_747 = arith.constant true
    %broadcast_in_dim3A_748 = vector.broadcast %broadcast_in_dim3A_747 : i1 to vector<16xi1>
    %masked_cumsum3A_749 = tpu.scan <sum>, %select_n3A_746 masked %broadcast_in_dim3A_748 : vector<16xi32>, vector<16xi1> -> vector<16xi32>
    %add3A_750 = arith.addi %gather3A_646, %masked_cumsum3A_749 : vector<16xi32>
    %sub3A_751 = arith.subi %add3A_750, %broadcast_in_dim3A_5 : vector<16xi32>
    %select_n3A_752 = arith.select %eq3A_745, %sub3A_751, %select_n3A_736 : vector<16xi1>, vector<16xi32>
    %all_reduce_population_count3A_753 = tpu.all_reduce %eq3A_745 {dim = 0 : i64, kind = #tpu.reduction_kind<sum>} : vector<16xi1> -> vector<16xi32>
    %eq3A_754 = arith.constant 6 : i32
    %eq3A_755 = vector.broadcast %eq3A_754 : i32 to vector<16xi32>
    %eq3A_756 = arith.cmpi eq, %iota3A, %eq3A_755 : vector<16xi32>
    %select_n3A_757 = arith.select %eq3A_756, %all_reduce_population_count3A_753, %broadcast_in_dim3A_3 : vector<16xi1>, vector<16xi32>
    %add3A_758 = arith.addi %add3A_742, %select_n3A_757 : vector<16xi32>
    %eq3A_759 = arith.constant 7 : i32
    %eq3A_760 = vector.broadcast %eq3A_759 : i32 to vector<16xi32>
    %eq3A_761 = arith.cmpi eq, %get3A_645, %eq3A_760 : vector<16xi32>
    %select_n3A_762 = arith.select %eq3A_761, %broadcast_in_dim3A_5, %broadcast_in_dim3A_3 : vector<16xi1>, vector<16xi32>
    %broadcast_in_dim3A_763 = arith.constant true
    %broadcast_in_dim3A_764 = vector.broadcast %broadcast_in_dim3A_763 : i1 to vector<16xi1>
    %masked_cumsum3A_765 = tpu.scan <sum>, %select_n3A_762 masked %broadcast_in_dim3A_764 : vector<16xi32>, vector<16xi1> -> vector<16xi32>
    %add3A_766 = arith.addi %gather3A_646, %masked_cumsum3A_765 : vector<16xi32>
    %sub3A_767 = arith.subi %add3A_766, %broadcast_in_dim3A_5 : vector<16xi32>
    %select_n3A_768 = arith.select %eq3A_761, %sub3A_767, %select_n3A_752 : vector<16xi1>, vector<16xi32>
    %all_reduce_population_count3A_769 = tpu.all_reduce %eq3A_761 {dim = 0 : i64, kind = #tpu.reduction_kind<sum>} : vector<16xi1> -> vector<16xi32>
    %eq3A_770 = arith.constant 7 : i32
    %eq3A_771 = vector.broadcast %eq3A_770 : i32 to vector<16xi32>
    %eq3A_772 = arith.cmpi eq, %iota3A, %eq3A_771 : vector<16xi32>
    %select_n3A_773 = arith.select %eq3A_772, %all_reduce_population_count3A_769, %broadcast_in_dim3A_3 : vector<16xi1>, vector<16xi32>
    %add3A_774 = arith.addi %add3A_758, %select_n3A_773 : vector<16xi32>
    %get3A_775 = arith.constant 0 : index
    %get3A_776 = tpu.vector_load %arg18[%get3A_775] {strides = array<i32>} : memref<16xi32, #tpu.memory_space<vmem>>, vector<16xi32>,
    %add3A_777 = arith.addi %get3A_776, %add3A_774 : vector<16xi32>
    %swap3A_778 = arith.constant 0 : index
    %swap3A_779 = tpu.vector_load %arg18[%swap3A_778] {strides = array<i32>} : memref<16xi32, #tpu.memory_space<vmem>>, vector<16xi32>,
    tpu.vector_store %arg18[%swap3A_778], %add3A_777 {strides = array<i32>} : memref<16xi32, #tpu.memory_space<vmem>>, vector<16xi32>,
    %swap3A_780 = arith.constant 1 : i32
    %swap3A_781 = arith.index_cast %swap3A_780 : i32 to index
    %swap3A_782 = arith.constant 0 : index
    %swap3A_783 = tpu.vector_load %arg11[%swap3A_781, %swap3A_782] {strides = array<i32>} : memref<8x32xi32, #tpu.memory_space<vmem>>, vector<16xi32>,
    tpu.vector_store %arg11[%swap3A_781, %swap3A_782], %select_n3A_768 {strides = array<i32>} : memref<8x32xi32, #tpu.memory_space<vmem>>, vector<16xi32>,
    %get3A_784 = arith.constant 48 : index
    %get3A_785 = tpu.vector_load %arg8[%get3A_784] {strides = array<i32>} : memref<256xi32, #tpu.memory_space<vmem>>, vector<16xi32>,
    %gather3A_786 = tpu.vector_load_idx %arg18[%get3A_785] : memref<16xi32, #tpu.memory_space<vmem>>[vector<16xi32>], vector<16xi32>,
    %eq3A_787 = arith.constant 0 : i32
    %eq3A_788 = vector.broadcast %eq3A_787 : i32 to vector<16xi32>
    %eq3A_789 = arith.cmpi eq, %get3A_785, %eq3A_788 : vector<16xi32>
    %select_n3A_790 = arith.select %eq3A_789, %broadcast_in_dim3A_5, %broadcast_in_dim3A_3 : vector<16xi1>, vector<16xi32>
    %broadcast_in_dim3A_791 = arith.constant true
    %broadcast_in_dim3A_792 = vector.broadcast %broadcast_in_dim3A_791 : i1 to vector<16xi1>
    %masked_cumsum3A_793 = tpu.scan <sum>, %select_n3A_790 masked %broadcast_in_dim3A_792 : vector<16xi32>, vector<16xi1> -> vector<16xi32>
    %add3A_794 = arith.addi %gather3A_786, %masked_cumsum3A_793 : vector<16xi32>
    %sub3A_795 = arith.subi %add3A_794, %broadcast_in_dim3A_5 : vector<16xi32>
    %select_n3A_796 = arith.select %eq3A_789, %sub3A_795, %broadcast_in_dim3A_3 : vector<16xi1>, vector<16xi32>
    %all_reduce_population_count3A_797 = tpu.all_reduce %eq3A_789 {dim = 0 : i64, kind = #tpu.reduction_kind<sum>} : vector<16xi1> -> vector<16xi32>
    %eq3A_798 = arith.constant 0 : i32
    %eq3A_799 = vector.broadcast %eq3A_798 : i32 to vector<16xi32>
    %eq3A_800 = arith.cmpi eq, %iota3A, %eq3A_799 : vector<16xi32>
    %select_n3A_801 = arith.select %eq3A_800, %all_reduce_population_count3A_797, %broadcast_in_dim3A_3 : vector<16xi1>, vector<16xi32>
    %add3A_802 = arith.addi %broadcast_in_dim3A_3, %select_n3A_801 : vector<16xi32>
    %eq3A_803 = arith.constant 1 : i32
    %eq3A_804 = vector.broadcast %eq3A_803 : i32 to vector<16xi32>
    %eq3A_805 = arith.cmpi eq, %get3A_785, %eq3A_804 : vector<16xi32>
    %select_n3A_806 = arith.select %eq3A_805, %broadcast_in_dim3A_5, %broadcast_in_dim3A_3 : vector<16xi1>, vector<16xi32>
    %broadcast_in_dim3A_807 = arith.constant true
    %broadcast_in_dim3A_808 = vector.broadcast %broadcast_in_dim3A_807 : i1 to vector<16xi1>
    %masked_cumsum3A_809 = tpu.scan <sum>, %select_n3A_806 masked %broadcast_in_dim3A_808 : vector<16xi32>, vector<16xi1> -> vector<16xi32>
    %add3A_810 = arith.addi %gather3A_786, %masked_cumsum3A_809 : vector<16xi32>
    %sub3A_811 = arith.subi %add3A_810, %broadcast_in_dim3A_5 : vector<16xi32>
    %select_n3A_812 = arith.select %eq3A_805, %sub3A_811, %select_n3A_796 : vector<16xi1>, vector<16xi32>
    %all_reduce_population_count3A_813 = tpu.all_reduce %eq3A_805 {dim = 0 : i64, kind = #tpu.reduction_kind<sum>} : vector<16xi1> -> vector<16xi32>
    %eq3A_814 = arith.constant 1 : i32
    %eq3A_815 = vector.broadcast %eq3A_814 : i32 to vector<16xi32>
    %eq3A_816 = arith.cmpi eq, %iota3A, %eq3A_815 : vector<16xi32>
    %select_n3A_817 = arith.select %eq3A_816, %all_reduce_population_count3A_813, %broadcast_in_dim3A_3 : vector<16xi1>, vector<16xi32>
    %add3A_818 = arith.addi %add3A_802, %select_n3A_817 : vector<16xi32>
    %eq3A_819 = arith.constant 2 : i32
    %eq3A_820 = vector.broadcast %eq3A_819 : i32 to vector<16xi32>
    %eq3A_821 = arith.cmpi eq, %get3A_785, %eq3A_820 : vector<16xi32>
    %select_n3A_822 = arith.select %eq3A_821, %broadcast_in_dim3A_5, %broadcast_in_dim3A_3 : vector<16xi1>, vector<16xi32>
    %broadcast_in_dim3A_823 = arith.constant true
    %broadcast_in_dim3A_824 = vector.broadcast %broadcast_in_dim3A_823 : i1 to vector<16xi1>
    %masked_cumsum3A_825 = tpu.scan <sum>, %select_n3A_822 masked %broadcast_in_dim3A_824 : vector<16xi32>, vector<16xi1> -> vector<16xi32>
    %add3A_826 = arith.addi %gather3A_786, %masked_cumsum3A_825 : vector<16xi32>
    %sub3A_827 = arith.subi %add3A_826, %broadcast_in_dim3A_5 : vector<16xi32>
    %select_n3A_828 = arith.select %eq3A_821, %sub3A_827, %select_n3A_812 : vector<16xi1>, vector<16xi32>
    %all_reduce_population_count3A_829 = tpu.all_reduce %eq3A_821 {dim = 0 : i64, kind = #tpu.reduction_kind<sum>} : vector<16xi1> -> vector<16xi32>
    %eq3A_830 = arith.constant 2 : i32
    %eq3A_831 = vector.broadcast %eq3A_830 : i32 to vector<16xi32>
    %eq3A_832 = arith.cmpi eq, %iota3A, %eq3A_831 : vector<16xi32>
    %select_n3A_833 = arith.select %eq3A_832, %all_reduce_population_count3A_829, %broadcast_in_dim3A_3 : vector<16xi1>, vector<16xi32>
    %add3A_834 = arith.addi %add3A_818, %select_n3A_833 : vector<16xi32>
    %eq3A_835 = arith.constant 3 : i32
    %eq3A_836 = vector.broadcast %eq3A_835 : i32 to vector<16xi32>
    %eq3A_837 = arith.cmpi eq, %get3A_785, %eq3A_836 : vector<16xi32>
    %select_n3A_838 = arith.select %eq3A_837, %broadcast_in_dim3A_5, %broadcast_in_dim3A_3 : vector<16xi1>, vector<16xi32>
    %broadcast_in_dim3A_839 = arith.constant true
    %broadcast_in_dim3A_840 = vector.broadcast %broadcast_in_dim3A_839 : i1 to vector<16xi1>
    %masked_cumsum3A_841 = tpu.scan <sum>, %select_n3A_838 masked %broadcast_in_dim3A_840 : vector<16xi32>, vector<16xi1> -> vector<16xi32>
    %add3A_842 = arith.addi %gather3A_786, %masked_cumsum3A_841 : vector<16xi32>
    %sub3A_843 = arith.subi %add3A_842, %broadcast_in_dim3A_5 : vector<16xi32>
    %select_n3A_844 = arith.select %eq3A_837, %sub3A_843, %select_n3A_828 : vector<16xi1>, vector<16xi32>
    %all_reduce_population_count3A_845 = tpu.all_reduce %eq3A_837 {dim = 0 : i64, kind = #tpu.reduction_kind<sum>} : vector<16xi1> -> vector<16xi32>
    %eq3A_846 = arith.constant 3 : i32
    %eq3A_847 = vector.broadcast %eq3A_846 : i32 to vector<16xi32>
    %eq3A_848 = arith.cmpi eq, %iota3A, %eq3A_847 : vector<16xi32>
    %select_n3A_849 = arith.select %eq3A_848, %all_reduce_population_count3A_845, %broadcast_in_dim3A_3 : vector<16xi1>, vector<16xi32>
    %add3A_850 = arith.addi %add3A_834, %select_n3A_849 : vector<16xi32>
    %eq3A_851 = arith.constant 4 : i32
    %eq3A_852 = vector.broadcast %eq3A_851 : i32 to vector<16xi32>
    %eq3A_853 = arith.cmpi eq, %get3A_785, %eq3A_852 : vector<16xi32>
    %select_n3A_854 = arith.select %eq3A_853, %broadcast_in_dim3A_5, %broadcast_in_dim3A_3 : vector<16xi1>, vector<16xi32>
    %broadcast_in_dim3A_855 = arith.constant true
    %broadcast_in_dim3A_856 = vector.broadcast %broadcast_in_dim3A_855 : i1 to vector<16xi1>
    %masked_cumsum3A_857 = tpu.scan <sum>, %select_n3A_854 masked %broadcast_in_dim3A_856 : vector<16xi32>, vector<16xi1> -> vector<16xi32>
    %add3A_858 = arith.addi %gather3A_786, %masked_cumsum3A_857 : vector<16xi32>
    %sub3A_859 = arith.subi %add3A_858, %broadcast_in_dim3A_5 : vector<16xi32>
    %select_n3A_860 = arith.select %eq3A_853, %sub3A_859, %select_n3A_844 : vector<16xi1>, vector<16xi32>
    %all_reduce_population_count3A_861 = tpu.all_reduce %eq3A_853 {dim = 0 : i64, kind = #tpu.reduction_kind<sum>} : vector<16xi1> -> vector<16xi32>
    %eq3A_862 = arith.constant 4 : i32
    %eq3A_863 = vector.broadcast %eq3A_862 : i32 to vector<16xi32>
    %eq3A_864 = arith.cmpi eq, %iota3A, %eq3A_863 : vector<16xi32>
    %select_n3A_865 = arith.select %eq3A_864, %all_reduce_population_count3A_861, %broadcast_in_dim3A_3 : vector<16xi1>, vector<16xi32>
    %add3A_866 = arith.addi %add3A_850, %select_n3A_865 : vector<16xi32>
    %eq3A_867 = arith.constant 5 : i32
    %eq3A_868 = vector.broadcast %eq3A_867 : i32 to vector<16xi32>
    %eq3A_869 = arith.cmpi eq, %get3A_785, %eq3A_868 : vector<16xi32>
    %select_n3A_870 = arith.select %eq3A_869, %broadcast_in_dim3A_5, %broadcast_in_dim3A_3 : vector<16xi1>, vector<16xi32>
    %broadcast_in_dim3A_871 = arith.constant true
    %broadcast_in_dim3A_872 = vector.broadcast %broadcast_in_dim3A_871 : i1 to vector<16xi1>
    %masked_cumsum3A_873 = tpu.scan <sum>, %select_n3A_870 masked %broadcast_in_dim3A_872 : vector<16xi32>, vector<16xi1> -> vector<16xi32>
    %add3A_874 = arith.addi %gather3A_786, %masked_cumsum3A_873 : vector<16xi32>
    %sub3A_875 = arith.subi %add3A_874, %broadcast_in_dim3A_5 : vector<16xi32>
    %select_n3A_876 = arith.select %eq3A_869, %sub3A_875, %select_n3A_860 : vector<16xi1>, vector<16xi32>
    %all_reduce_population_count3A_877 = tpu.all_reduce %eq3A_869 {dim = 0 : i64, kind = #tpu.reduction_kind<sum>} : vector<16xi1> -> vector<16xi32>
    %eq3A_878 = arith.constant 5 : i32
    %eq3A_879 = vector.broadcast %eq3A_878 : i32 to vector<16xi32>
    %eq3A_880 = arith.cmpi eq, %iota3A, %eq3A_879 : vector<16xi32>
    %select_n3A_881 = arith.select %eq3A_880, %all_reduce_population_count3A_877, %broadcast_in_dim3A_3 : vector<16xi1>, vector<16xi32>
    %add3A_882 = arith.addi %add3A_866, %select_n3A_881 : vector<16xi32>
    %eq3A_883 = arith.constant 6 : i32
    %eq3A_884 = vector.broadcast %eq3A_883 : i32 to vector<16xi32>
    %eq3A_885 = arith.cmpi eq, %get3A_785, %eq3A_884 : vector<16xi32>
    %select_n3A_886 = arith.select %eq3A_885, %broadcast_in_dim3A_5, %broadcast_in_dim3A_3 : vector<16xi1>, vector<16xi32>
    %broadcast_in_dim3A_887 = arith.constant true
    %broadcast_in_dim3A_888 = vector.broadcast %broadcast_in_dim3A_887 : i1 to vector<16xi1>
    %masked_cumsum3A_889 = tpu.scan <sum>, %select_n3A_886 masked %broadcast_in_dim3A_888 : vector<16xi32>, vector<16xi1> -> vector<16xi32>
    %add3A_890 = arith.addi %gather3A_786, %masked_cumsum3A_889 : vector<16xi32>
    %sub3A_891 = arith.subi %add3A_890, %broadcast_in_dim3A_5 : vector<16xi32>
    %select_n3A_892 = arith.select %eq3A_885, %sub3A_891, %select_n3A_876 : vector<16xi1>, vector<16xi32>
    %all_reduce_population_count3A_893 = tpu.all_reduce %eq3A_885 {dim = 0 : i64, kind = #tpu.reduction_kind<sum>} : vector<16xi1> -> vector<16xi32>
    %eq3A_894 = arith.constant 6 : i32
    %eq3A_895 = vector.broadcast %eq3A_894 : i32 to vector<16xi32>
    %eq3A_896 = arith.cmpi eq, %iota3A, %eq3A_895 : vector<16xi32>
    %select_n3A_897 = arith.select %eq3A_896, %all_reduce_population_count3A_893, %broadcast_in_dim3A_3 : vector<16xi1>, vector<16xi32>
    %add3A_898 = arith.addi %add3A_882, %select_n3A_897 : vector<16xi32>
    %eq3A_899 = arith.constant 7 : i32
    %eq3A_900 = vector.broadcast %eq3A_899 : i32 to vector<16xi32>
    %eq3A_901 = arith.cmpi eq, %get3A_785, %eq3A_900 : vector<16xi32>
    %select_n3A_902 = arith.select %eq3A_901, %broadcast_in_dim3A_5, %broadcast_in_dim3A_3 : vector<16xi1>, vector<16xi32>
    %broadcast_in_dim3A_903 = arith.constant true
    %broadcast_in_dim3A_904 = vector.broadcast %broadcast_in_dim3A_903 : i1 to vector<16xi1>
    %masked_cumsum3A_905 = tpu.scan <sum>, %select_n3A_902 masked %broadcast_in_dim3A_904 : vector<16xi32>, vector<16xi1> -> vector<16xi32>
    %add3A_906 = arith.addi %gather3A_786, %masked_cumsum3A_905 : vector<16xi32>
    %sub3A_907 = arith.subi %add3A_906, %broadcast_in_dim3A_5 : vector<16xi32>
    %select_n3A_908 = arith.select %eq3A_901, %sub3A_907, %select_n3A_892 : vector<16xi1>, vector<16xi32>
    %all_reduce_population_count3A_909 = tpu.all_reduce %eq3A_901 {dim = 0 : i64, kind = #tpu.reduction_kind<sum>} : vector<16xi1> -> vector<16xi32>
    %eq3A_910 = arith.constant 7 : i32
    %eq3A_911 = vector.broadcast %eq3A_910 : i32 to vector<16xi32>
    %eq3A_912 = arith.cmpi eq, %iota3A, %eq3A_911 : vector<16xi32>
    %select_n3A_913 = arith.select %eq3A_912, %all_reduce_population_count3A_909, %broadcast_in_dim3A_3 : vector<16xi1>, vector<16xi32>
    %add3A_914 = arith.addi %add3A_898, %select_n3A_913 : vector<16xi32>
    %get3A_915 = arith.constant 0 : index
    %get3A_916 = tpu.vector_load %arg18[%get3A_915] {strides = array<i32>} : memref<16xi32, #tpu.memory_space<vmem>>, vector<16xi32>,
    %add3A_917 = arith.addi %get3A_916, %add3A_914 : vector<16xi32>
    %swap3A_918 = arith.constant 0 : index
    %swap3A_919 = tpu.vector_load %arg18[%swap3A_918] {strides = array<i32>} : memref<16xi32, #tpu.memory_space<vmem>>, vector<16xi32>,
    tpu.vector_store %arg18[%swap3A_918], %add3A_917 {strides = array<i32>} : memref<16xi32, #tpu.memory_space<vmem>>, vector<16xi32>,
    %swap3A_920 = arith.constant 1 : i32
    %swap3A_921 = arith.index_cast %swap3A_920 : i32 to index
    %swap3A_922 = arith.constant 16 : index
    %swap3A_923 = tpu.vector_load %arg11[%swap3A_921, %swap3A_922] {strides = array<i32>} : memref<8x32xi32, #tpu.memory_space<vmem>>, vector<16xi32>,
    tpu.vector_store %arg11[%swap3A_921, %swap3A_922], %select_n3A_908 {strides = array<i32>} : memref<8x32xi32, #tpu.memory_space<vmem>>, vector<16xi32>,
    %get3A_924 = arith.constant 64 : index
    %get3A_925 = tpu.vector_load %arg8[%get3A_924] {strides = array<i32>} : memref<256xi32, #tpu.memory_space<vmem>>, vector<16xi32>,
    %gather3A_926 = tpu.vector_load_idx %arg18[%get3A_925] : memref<16xi32, #tpu.memory_space<vmem>>[vector<16xi32>], vector<16xi32>,
    %eq3A_927 = arith.constant 0 : i32
    %eq3A_928 = vector.broadcast %eq3A_927 : i32 to vector<16xi32>
    %eq3A_929 = arith.cmpi eq, %get3A_925, %eq3A_928 : vector<16xi32>
    %select_n3A_930 = arith.select %eq3A_929, %broadcast_in_dim3A_5, %broadcast_in_dim3A_3 : vector<16xi1>, vector<16xi32>
    %broadcast_in_dim3A_931 = arith.constant true
    %broadcast_in_dim3A_932 = vector.broadcast %broadcast_in_dim3A_931 : i1 to vector<16xi1>
    %masked_cumsum3A_933 = tpu.scan <sum>, %select_n3A_930 masked %broadcast_in_dim3A_932 : vector<16xi32>, vector<16xi1> -> vector<16xi32>
    %add3A_934 = arith.addi %gather3A_926, %masked_cumsum3A_933 : vector<16xi32>
    %sub3A_935 = arith.subi %add3A_934, %broadcast_in_dim3A_5 : vector<16xi32>
    %select_n3A_936 = arith.select %eq3A_929, %sub3A_935, %broadcast_in_dim3A_3 : vector<16xi1>, vector<16xi32>
    %all_reduce_population_count3A_937 = tpu.all_reduce %eq3A_929 {dim = 0 : i64, kind = #tpu.reduction_kind<sum>} : vector<16xi1> -> vector<16xi32>
    %eq3A_938 = arith.constant 0 : i32
    %eq3A_939 = vector.broadcast %eq3A_938 : i32 to vector<16xi32>
    %eq3A_940 = arith.cmpi eq, %iota3A, %eq3A_939 : vector<16xi32>
    %select_n3A_941 = arith.select %eq3A_940, %all_reduce_population_count3A_937, %broadcast_in_dim3A_3 : vector<16xi1>, vector<16xi32>
    %add3A_942 = arith.addi %broadcast_in_dim3A_3, %select_n3A_941 : vector<16xi32>
    %eq3A_943 = arith.constant 1 : i32
    %eq3A_944 = vector.broadcast %eq3A_943 : i32 to vector<16xi32>
    %eq3A_945 = arith.cmpi eq, %get3A_925, %eq3A_944 : vector<16xi32>
    %select_n3A_946 = arith.select %eq3A_945, %broadcast_in_dim3A_5, %broadcast_in_dim3A_3 : vector<16xi1>, vector<16xi32>
    %broadcast_in_dim3A_947 = arith.constant true
    %broadcast_in_dim3A_948 = vector.broadcast %broadcast_in_dim3A_947 : i1 to vector<16xi1>
    %masked_cumsum3A_949 = tpu.scan <sum>, %select_n3A_946 masked %broadcast_in_dim3A_948 : vector<16xi32>, vector<16xi1> -> vector<16xi32>
    %add3A_950 = arith.addi %gather3A_926, %masked_cumsum3A_949 : vector<16xi32>
    %sub3A_951 = arith.subi %add3A_950, %broadcast_in_dim3A_5 : vector<16xi32>
    %select_n3A_952 = arith.select %eq3A_945, %sub3A_951, %select_n3A_936 : vector<16xi1>, vector<16xi32>
    %all_reduce_population_count3A_953 = tpu.all_reduce %eq3A_945 {dim = 0 : i64, kind = #tpu.reduction_kind<sum>} : vector<16xi1> -> vector<16xi32>
    %eq3A_954 = arith.constant 1 : i32
    %eq3A_955 = vector.broadcast %eq3A_954 : i32 to vector<16xi32>
    %eq3A_956 = arith.cmpi eq, %iota3A, %eq3A_955 : vector<16xi32>
    %select_n3A_957 = arith.select %eq3A_956, %all_reduce_population_count3A_953, %broadcast_in_dim3A_3 : vector<16xi1>, vector<16xi32>
    %add3A_958 = arith.addi %add3A_942, %select_n3A_957 : vector<16xi32>
    %eq3A_959 = arith.constant 2 : i32
    %eq3A_960 = vector.broadcast %eq3A_959 : i32 to vector<16xi32>
    %eq3A_961 = arith.cmpi eq, %get3A_925, %eq3A_960 : vector<16xi32>
    %select_n3A_962 = arith.select %eq3A_961, %broadcast_in_dim3A_5, %broadcast_in_dim3A_3 : vector<16xi1>, vector<16xi32>
    %broadcast_in_dim3A_963 = arith.constant true
    %broadcast_in_dim3A_964 = vector.broadcast %broadcast_in_dim3A_963 : i1 to vector<16xi1>
    %masked_cumsum3A_965 = tpu.scan <sum>, %select_n3A_962 masked %broadcast_in_dim3A_964 : vector<16xi32>, vector<16xi1> -> vector<16xi32>
    %add3A_966 = arith.addi %gather3A_926, %masked_cumsum3A_965 : vector<16xi32>
    %sub3A_967 = arith.subi %add3A_966, %broadcast_in_dim3A_5 : vector<16xi32>
    %select_n3A_968 = arith.select %eq3A_961, %sub3A_967, %select_n3A_952 : vector<16xi1>, vector<16xi32>
    %all_reduce_population_count3A_969 = tpu.all_reduce %eq3A_961 {dim = 0 : i64, kind = #tpu.reduction_kind<sum>} : vector<16xi1> -> vector<16xi32>
    %eq3A_970 = arith.constant 2 : i32
    %eq3A_971 = vector.broadcast %eq3A_970 : i32 to vector<16xi32>
    %eq3A_972 = arith.cmpi eq, %iota3A, %eq3A_971 : vector<16xi32>
    %select_n3A_973 = arith.select %eq3A_972, %all_reduce_population_count3A_969, %broadcast_in_dim3A_3 : vector<16xi1>, vector<16xi32>
    %add3A_974 = arith.addi %add3A_958, %select_n3A_973 : vector<16xi32>
    %eq3A_975 = arith.constant 3 : i32
    %eq3A_976 = vector.broadcast %eq3A_975 : i32 to vector<16xi32>
    %eq3A_977 = arith.cmpi eq, %get3A_925, %eq3A_976 : vector<16xi32>
    %select_n3A_978 = arith.select %eq3A_977, %broadcast_in_dim3A_5, %broadcast_in_dim3A_3 : vector<16xi1>, vector<16xi32>
    %broadcast_in_dim3A_979 = arith.constant true
    %broadcast_in_dim3A_980 = vector.broadcast %broadcast_in_dim3A_979 : i1 to vector<16xi1>
    %masked_cumsum3A_981 = tpu.scan <sum>, %select_n3A_978 masked %broadcast_in_dim3A_980 : vector<16xi32>, vector<16xi1> -> vector<16xi32>
    %add3A_982 = arith.addi %gather3A_926, %masked_cumsum3A_981 : vector<16xi32>
    %sub3A_983 = arith.subi %add3A_982, %broadcast_in_dim3A_5 : vector<16xi32>
    %select_n3A_984 = arith.select %eq3A_977, %sub3A_983, %select_n3A_968 : vector<16xi1>, vector<16xi32>
    %all_reduce_population_count3A_985 = tpu.all_reduce %eq3A_977 {dim = 0 : i64, kind = #tpu.reduction_kind<sum>} : vector<16xi1> -> vector<16xi32>
    %eq3A_986 = arith.constant 3 : i32
    %eq3A_987 = vector.broadcast %eq3A_986 : i32 to vector<16xi32>
    %eq3A_988 = arith.cmpi eq, %iota3A, %eq3A_987 : vector<16xi32>
    %select_n3A_989 = arith.select %eq3A_988, %all_reduce_population_count3A_985, %broadcast_in_dim3A_3 : vector<16xi1>, vector<16xi32>
    %add3A_990 = arith.addi %add3A_974, %select_n3A_989 : vector<16xi32>
    %eq3A_991 = arith.constant 4 : i32
    %eq3A_992 = vector.broadcast %eq3A_991 : i32 to vector<16xi32>
    %eq3A_993 = arith.cmpi eq, %get3A_925, %eq3A_992 : vector<16xi32>
    %select_n3A_994 = arith.select %eq3A_993, %broadcast_in_dim3A_5, %broadcast_in_dim3A_3 : vector<16xi1>, vector<16xi32>
    %broadcast_in_dim3A_995 = arith.constant true
    %broadcast_in_dim3A_996 = vector.broadcast %broadcast_in_dim3A_995 : i1 to vector<16xi1>
    %masked_cumsum3A_997 = tpu.scan <sum>, %select_n3A_994 masked %broadcast_in_dim3A_996 : vector<16xi32>, vector<16xi1> -> vector<16xi32>
    %add3A_998 = arith.addi %gather3A_926, %masked_cumsum3A_997 : vector<16xi32>
    %sub3A_999 = arith.subi %add3A_998, %broadcast_in_dim3A_5 : vector<16xi32>
    %select_n3A_1000 = arith.select %eq3A_993, %sub3A_999, %select_n3A_984 : vector<16xi1>, vector<16xi32>
    %all_reduce_population_count3A_1001 = tpu.all_reduce %eq3A_993 {dim = 0 : i64, kind = #tpu.reduction_kind<sum>} : vector<16xi1> -> vector<16xi32>
    %eq3A_1002 = arith.constant 4 : i32
    %eq3A_1003 = vector.broadcast %eq3A_1002 : i32 to vector<16xi32>
    %eq3A_1004 = arith.cmpi eq, %iota3A, %eq3A_1003 : vector<16xi32>
    %select_n3A_1005 = arith.select %eq3A_1004, %all_reduce_population_count3A_1001, %broadcast_in_dim3A_3 : vector<16xi1>, vector<16xi32>
    %add3A_1006 = arith.addi %add3A_990, %select_n3A_1005 : vector<16xi32>
    %eq3A_1007 = arith.constant 5 : i32
    %eq3A_1008 = vector.broadcast %eq3A_1007 : i32 to vector<16xi32>
    %eq3A_1009 = arith.cmpi eq, %get3A_925, %eq3A_1008 : vector<16xi32>
    %select_n3A_1010 = arith.select %eq3A_1009, %broadcast_in_dim3A_5, %broadcast_in_dim3A_3 : vector<16xi1>, vector<16xi32>
    %broadcast_in_dim3A_1011 = arith.constant true
    %broadcast_in_dim3A_1012 = vector.broadcast %broadcast_in_dim3A_1011 : i1 to vector<16xi1>
    %masked_cumsum3A_1013 = tpu.scan <sum>, %select_n3A_1010 masked %broadcast_in_dim3A_1012 : vector<16xi32>, vector<16xi1> -> vector<16xi32>
    %add3A_1014 = arith.addi %gather3A_926, %masked_cumsum3A_1013 : vector<16xi32>
    %sub3A_1015 = arith.subi %add3A_1014, %broadcast_in_dim3A_5 : vector<16xi32>
    %select_n3A_1016 = arith.select %eq3A_1009, %sub3A_1015, %select_n3A_1000 : vector<16xi1>, vector<16xi32>
    %all_reduce_population_count3A_1017 = tpu.all_reduce %eq3A_1009 {dim = 0 : i64, kind = #tpu.reduction_kind<sum>} : vector<16xi1> -> vector<16xi32>
    %eq3A_1018 = arith.constant 5 : i32
    %eq3A_1019 = vector.broadcast %eq3A_1018 : i32 to vector<16xi32>
    %eq3A_1020 = arith.cmpi eq, %iota3A, %eq3A_1019 : vector<16xi32>
    %select_n3A_1021 = arith.select %eq3A_1020, %all_reduce_population_count3A_1017, %broadcast_in_dim3A_3 : vector<16xi1>, vector<16xi32>
    %add3A_1022 = arith.addi %add3A_1006, %select_n3A_1021 : vector<16xi32>
    %eq3A_1023 = arith.constant 6 : i32
    %eq3A_1024 = vector.broadcast %eq3A_1023 : i32 to vector<16xi32>
    %eq3A_1025 = arith.cmpi eq, %get3A_925, %eq3A_1024 : vector<16xi32>
    %select_n3A_1026 = arith.select %eq3A_1025, %broadcast_in_dim3A_5, %broadcast_in_dim3A_3 : vector<16xi1>, vector<16xi32>
    %broadcast_in_dim3A_1027 = arith.constant true
    %broadcast_in_dim3A_1028 = vector.broadcast %broadcast_in_dim3A_1027 : i1 to vector<16xi1>
    %masked_cumsum3A_1029 = tpu.scan <sum>, %select_n3A_1026 masked %broadcast_in_dim3A_1028 : vector<16xi32>, vector<16xi1> -> vector<16xi32>
    %add3A_1030 = arith.addi %gather3A_926, %masked_cumsum3A_1029 : vector<16xi32>
    %sub3A_1031 = arith.subi %add3A_1030, %broadcast_in_dim3A_5 : vector<16xi32>
    %select_n3A_1032 = arith.select %eq3A_1025, %sub3A_1031, %select_n3A_1016 : vector<16xi1>, vector<16xi32>
    %all_reduce_population_count3A_1033 = tpu.all_reduce %eq3A_1025 {dim = 0 : i64, kind = #tpu.reduction_kind<sum>} : vector<16xi1> -> vector<16xi32>
    %eq3A_1034 = arith.constant 6 : i32
    %eq3A_1035 = vector.broadcast %eq3A_1034 : i32 to vector<16xi32>
    %eq3A_1036 = arith.cmpi eq, %iota3A, %eq3A_1035 : vector<16xi32>
    %select_n3A_1037 = arith.select %eq3A_1036, %all_reduce_population_count3A_1033, %broadcast_in_dim3A_3 : vector<16xi1>, vector<16xi32>
    %add3A_1038 = arith.addi %add3A_1022, %select_n3A_1037 : vector<16xi32>
    %eq3A_1039 = arith.constant 7 : i32
    %eq3A_1040 = vector.broadcast %eq3A_1039 : i32 to vector<16xi32>
    %eq3A_1041 = arith.cmpi eq, %get3A_925, %eq3A_1040 : vector<16xi32>
    %select_n3A_1042 = arith.select %eq3A_1041, %broadcast_in_dim3A_5, %broadcast_in_dim3A_3 : vector<16xi1>, vector<16xi32>
    %broadcast_in_dim3A_1043 = arith.constant true
    %broadcast_in_dim3A_1044 = vector.broadcast %broadcast_in_dim3A_1043 : i1 to vector<16xi1>
    %masked_cumsum3A_1045 = tpu.scan <sum>, %select_n3A_1042 masked %broadcast_in_dim3A_1044 : vector<16xi32>, vector<16xi1> -> vector<16xi32>
    %add3A_1046 = arith.addi %gather3A_926, %masked_cumsum3A_1045 : vector<16xi32>
    %sub3A_1047 = arith.subi %add3A_1046, %broadcast_in_dim3A_5 : vector<16xi32>
    %select_n3A_1048 = arith.select %eq3A_1041, %sub3A_1047, %select_n3A_1032 : vector<16xi1>, vector<16xi32>
    %all_reduce_population_count3A_1049 = tpu.all_reduce %eq3A_1041 {dim = 0 : i64, kind = #tpu.reduction_kind<sum>} : vector<16xi1> -> vector<16xi32>
    %eq3A_1050 = arith.constant 7 : i32
    %eq3A_1051 = vector.broadcast %eq3A_1050 : i32 to vector<16xi32>
    %eq3A_1052 = arith.cmpi eq, %iota3A, %eq3A_1051 : vector<16xi32>
    %select_n3A_1053 = arith.select %eq3A_1052, %all_reduce_population_count3A_1049, %broadcast_in_dim3A_3 : vector<16xi1>, vector<16xi32>
    %add3A_1054 = arith.addi %add3A_1038, %select_n3A_1053 : vector<16xi32>
    %get3A_1055 = arith.constant 0 : index
    %get3A_1056 = tpu.vector_load %arg18[%get3A_1055] {strides = array<i32>} : memref<16xi32, #tpu.memory_space<vmem>>, vector<16xi32>,
    %add3A_1057 = arith.addi %get3A_1056, %add3A_1054 : vector<16xi32>
    %swap3A_1058 = arith.constant 0 : index
    %swap3A_1059 = tpu.vector_load %arg18[%swap3A_1058] {strides = array<i32>} : memref<16xi32, #tpu.memory_space<vmem>>, vector<16xi32>,
    tpu.vector_store %arg18[%swap3A_1058], %add3A_1057 {strides = array<i32>} : memref<16xi32, #tpu.memory_space<vmem>>, vector<16xi32>,
    %swap3A_1060 = arith.constant 2 : i32
    %swap3A_1061 = arith.index_cast %swap3A_1060 : i32 to index
    %swap3A_1062 = arith.constant 0 : index
    %swap3A_1063 = tpu.vector_load %arg11[%swap3A_1061, %swap3A_1062] {strides = array<i32>} : memref<8x32xi32, #tpu.memory_space<vmem>>, vector<16xi32>,
    tpu.vector_store %arg11[%swap3A_1061, %swap3A_1062], %select_n3A_1048 {strides = array<i32>} : memref<8x32xi32, #tpu.memory_space<vmem>>, vector<16xi32>,
    %get3A_1064 = arith.constant 80 : index
    %get3A_1065 = tpu.vector_load %arg8[%get3A_1064] {strides = array<i32>} : memref<256xi32, #tpu.memory_space<vmem>>, vector<16xi32>,
    %gather3A_1066 = tpu.vector_load_idx %arg18[%get3A_1065] : memref<16xi32, #tpu.memory_space<vmem>>[vector<16xi32>], vector<16xi32>,
    %eq3A_1067 = arith.constant 0 : i32
    %eq3A_1068 = vector.broadcast %eq3A_1067 : i32 to vector<16xi32>
    %eq3A_1069 = arith.cmpi eq, %get3A_1065, %eq3A_1068 : vector<16xi32>
    %select_n3A_1070 = arith.select %eq3A_1069, %broadcast_in_dim3A_5, %broadcast_in_dim3A_3 : vector<16xi1>, vector<16xi32>
    %broadcast_in_dim3A_1071 = arith.constant true
    %broadcast_in_dim3A_1072 = vector.broadcast %broadcast_in_dim3A_1071 : i1 to vector<16xi1>
    %masked_cumsum3A_1073 = tpu.scan <sum>, %select_n3A_1070 masked %broadcast_in_dim3A_1072 : vector<16xi32>, vector<16xi1> -> vector<16xi32>
    %add3A_1074 = arith.addi %gather3A_1066, %masked_cumsum3A_1073 : vector<16xi32>
    %sub3A_1075 = arith.subi %add3A_1074, %broadcast_in_dim3A_5 : vector<16xi32>
    %select_n3A_1076 = arith.select %eq3A_1069, %sub3A_1075, %broadcast_in_dim3A_3 : vector<16xi1>, vector<16xi32>
    %all_reduce_population_count3A_1077 = tpu.all_reduce %eq3A_1069 {dim = 0 : i64, kind = #tpu.reduction_kind<sum>} : vector<16xi1> -> vector<16xi32>
    %eq3A_1078 = arith.constant 0 : i32
    %eq3A_1079 = vector.broadcast %eq3A_1078 : i32 to vector<16xi32>
    %eq3A_1080 = arith.cmpi eq, %iota3A, %eq3A_1079 : vector<16xi32>
    %select_n3A_1081 = arith.select %eq3A_1080, %all_reduce_population_count3A_1077, %broadcast_in_dim3A_3 : vector<16xi1>, vector<16xi32>
    %add3A_1082 = arith.addi %broadcast_in_dim3A_3, %select_n3A_1081 : vector<16xi32>
    %eq3A_1083 = arith.constant 1 : i32
    %eq3A_1084 = vector.broadcast %eq3A_1083 : i32 to vector<16xi32>
    %eq3A_1085 = arith.cmpi eq, %get3A_1065, %eq3A_1084 : vector<16xi32>
    %select_n3A_1086 = arith.select %eq3A_1085, %broadcast_in_dim3A_5, %broadcast_in_dim3A_3 : vector<16xi1>, vector<16xi32>
    %broadcast_in_dim3A_1087 = arith.constant true
    %broadcast_in_dim3A_1088 = vector.broadcast %broadcast_in_dim3A_1087 : i1 to vector<16xi1>
    %masked_cumsum3A_1089 = tpu.scan <sum>, %select_n3A_1086 masked %broadcast_in_dim3A_1088 : vector<16xi32>, vector<16xi1> -> vector<16xi32>
    %add3A_1090 = arith.addi %gather3A_1066, %masked_cumsum3A_1089 : vector<16xi32>
    %sub3A_1091 = arith.subi %add3A_1090, %broadcast_in_dim3A_5 : vector<16xi32>
    %select_n3A_1092 = arith.select %eq3A_1085, %sub3A_1091, %select_n3A_1076 : vector<16xi1>, vector<16xi32>
    %all_reduce_population_count3A_1093 = tpu.all_reduce %eq3A_1085 {dim = 0 : i64, kind = #tpu.reduction_kind<sum>} : vector<16xi1> -> vector<16xi32>
    %eq3A_1094 = arith.constant 1 : i32
    %eq3A_1095 = vector.broadcast %eq3A_1094 : i32 to vector<16xi32>
    %eq3A_1096 = arith.cmpi eq, %iota3A, %eq3A_1095 : vector<16xi32>
    %select_n3A_1097 = arith.select %eq3A_1096, %all_reduce_population_count3A_1093, %broadcast_in_dim3A_3 : vector<16xi1>, vector<16xi32>
    %add3A_1098 = arith.addi %add3A_1082, %select_n3A_1097 : vector<16xi32>
    %eq3A_1099 = arith.constant 2 : i32
    %eq3A_1100 = vector.broadcast %eq3A_1099 : i32 to vector<16xi32>
    %eq3A_1101 = arith.cmpi eq, %get3A_1065, %eq3A_1100 : vector<16xi32>
    %select_n3A_1102 = arith.select %eq3A_1101, %broadcast_in_dim3A_5, %broadcast_in_dim3A_3 : vector<16xi1>, vector<16xi32>
    %broadcast_in_dim3A_1103 = arith.constant true
    %broadcast_in_dim3A_1104 = vector.broadcast %broadcast_in_dim3A_1103 : i1 to vector<16xi1>
    %masked_cumsum3A_1105 = tpu.scan <sum>, %select_n3A_1102 masked %broadcast_in_dim3A_1104 : vector<16xi32>, vector<16xi1> -> vector<16xi32>
    %add3A_1106 = arith.addi %gather3A_1066, %masked_cumsum3A_1105 : vector<16xi32>
    %sub3A_1107 = arith.subi %add3A_1106, %broadcast_in_dim3A_5 : vector<16xi32>
    %select_n3A_1108 = arith.select %eq3A_1101, %sub3A_1107, %select_n3A_1092 : vector<16xi1>, vector<16xi32>
    %all_reduce_population_count3A_1109 = tpu.all_reduce %eq3A_1101 {dim = 0 : i64, kind = #tpu.reduction_kind<sum>} : vector<16xi1> -> vector<16xi32>
    %eq3A_1110 = arith.constant 2 : i32
    %eq3A_1111 = vector.broadcast %eq3A_1110 : i32 to vector<16xi32>
    %eq3A_1112 = arith.cmpi eq, %iota3A, %eq3A_1111 : vector<16xi32>
    %select_n3A_1113 = arith.select %eq3A_1112, %all_reduce_population_count3A_1109, %broadcast_in_dim3A_3 : vector<16xi1>, vector<16xi32>
    %add3A_1114 = arith.addi %add3A_1098, %select_n3A_1113 : vector<16xi32>
    %eq3A_1115 = arith.constant 3 : i32
    %eq3A_1116 = vector.broadcast %eq3A_1115 : i32 to vector<16xi32>
    %eq3A_1117 = arith.cmpi eq, %get3A_1065, %eq3A_1116 : vector<16xi32>
    %select_n3A_1118 = arith.select %eq3A_1117, %broadcast_in_dim3A_5, %broadcast_in_dim3A_3 : vector<16xi1>, vector<16xi32>
    %broadcast_in_dim3A_1119 = arith.constant true
    %broadcast_in_dim3A_1120 = vector.broadcast %broadcast_in_dim3A_1119 : i1 to vector<16xi1>
    %masked_cumsum3A_1121 = tpu.scan <sum>, %select_n3A_1118 masked %broadcast_in_dim3A_1120 : vector<16xi32>, vector<16xi1> -> vector<16xi32>
    %add3A_1122 = arith.addi %gather3A_1066, %masked_cumsum3A_1121 : vector<16xi32>
    %sub3A_1123 = arith.subi %add3A_1122, %broadcast_in_dim3A_5 : vector<16xi32>
    %select_n3A_1124 = arith.select %eq3A_1117, %sub3A_1123, %select_n3A_1108 : vector<16xi1>, vector<16xi32>
    %all_reduce_population_count3A_1125 = tpu.all_reduce %eq3A_1117 {dim = 0 : i64, kind = #tpu.reduction_kind<sum>} : vector<16xi1> -> vector<16xi32>
    %eq3A_1126 = arith.constant 3 : i32
    %eq3A_1127 = vector.broadcast %eq3A_1126 : i32 to vector<16xi32>
    %eq3A_1128 = arith.cmpi eq, %iota3A, %eq3A_1127 : vector<16xi32>
    %select_n3A_1129 = arith.select %eq3A_1128, %all_reduce_population_count3A_1125, %broadcast_in_dim3A_3 : vector<16xi1>, vector<16xi32>
    %add3A_1130 = arith.addi %add3A_1114, %select_n3A_1129 : vector<16xi32>
    %eq3A_1131 = arith.constant 4 : i32
    %eq3A_1132 = vector.broadcast %eq3A_1131 : i32 to vector<16xi32>
    %eq3A_1133 = arith.cmpi eq, %get3A_1065, %eq3A_1132 : vector<16xi32>
    %select_n3A_1134 = arith.select %eq3A_1133, %broadcast_in_dim3A_5, %broadcast_in_dim3A_3 : vector<16xi1>, vector<16xi32>
    %broadcast_in_dim3A_1135 = arith.constant true
    %broadcast_in_dim3A_1136 = vector.broadcast %broadcast_in_dim3A_1135 : i1 to vector<16xi1>
    %masked_cumsum3A_1137 = tpu.scan <sum>, %select_n3A_1134 masked %broadcast_in_dim3A_1136 : vector<16xi32>, vector<16xi1> -> vector<16xi32>
    %add3A_1138 = arith.addi %gather3A_1066, %masked_cumsum3A_1137 : vector<16xi32>
    %sub3A_1139 = arith.subi %add3A_1138, %broadcast_in_dim3A_5 : vector<16xi32>
    %select_n3A_1140 = arith.select %eq3A_1133, %sub3A_1139, %select_n3A_1124 : vector<16xi1>, vector<16xi32>
    %all_reduce_population_count3A_1141 = tpu.all_reduce %eq3A_1133 {dim = 0 : i64, kind = #tpu.reduction_kind<sum>} : vector<16xi1> -> vector<16xi32>
    %eq3A_1142 = arith.constant 4 : i32
    %eq3A_1143 = vector.broadcast %eq3A_1142 : i32 to vector<16xi32>
    %eq3A_1144 = arith.cmpi eq, %iota3A, %eq3A_1143 : vector<16xi32>
    %select_n3A_1145 = arith.select %eq3A_1144, %all_reduce_population_count3A_1141, %broadcast_in_dim3A_3 : vector<16xi1>, vector<16xi32>
    %add3A_1146 = arith.addi %add3A_1130, %select_n3A_1145 : vector<16xi32>
    %eq3A_1147 = arith.constant 5 : i32
    %eq3A_1148 = vector.broadcast %eq3A_1147 : i32 to vector<16xi32>
    %eq3A_1149 = arith.cmpi eq, %get3A_1065, %eq3A_1148 : vector<16xi32>
    %select_n3A_1150 = arith.select %eq3A_1149, %broadcast_in_dim3A_5, %broadcast_in_dim3A_3 : vector<16xi1>, vector<16xi32>
    %broadcast_in_dim3A_1151 = arith.constant true
    %broadcast_in_dim3A_1152 = vector.broadcast %broadcast_in_dim3A_1151 : i1 to vector<16xi1>
    %masked_cumsum3A_1153 = tpu.scan <sum>, %select_n3A_1150 masked %broadcast_in_dim3A_1152 : vector<16xi32>, vector<16xi1> -> vector<16xi32>
    %add3A_1154 = arith.addi %gather3A_1066, %masked_cumsum3A_1153 : vector<16xi32>
    %sub3A_1155 = arith.subi %add3A_1154, %broadcast_in_dim3A_5 : vector<16xi32>
    %select_n3A_1156 = arith.select %eq3A_1149, %sub3A_1155, %select_n3A_1140 : vector<16xi1>, vector<16xi32>
    %all_reduce_population_count3A_1157 = tpu.all_reduce %eq3A_1149 {dim = 0 : i64, kind = #tpu.reduction_kind<sum>} : vector<16xi1> -> vector<16xi32>
    %eq3A_1158 = arith.constant 5 : i32
    %eq3A_1159 = vector.broadcast %eq3A_1158 : i32 to vector<16xi32>
    %eq3A_1160 = arith.cmpi eq, %iota3A, %eq3A_1159 : vector<16xi32>
    %select_n3A_1161 = arith.select %eq3A_1160, %all_reduce_population_count3A_1157, %broadcast_in_dim3A_3 : vector<16xi1>, vector<16xi32>
    %add3A_1162 = arith.addi %add3A_1146, %select_n3A_1161 : vector<16xi32>
    %eq3A_1163 = arith.constant 6 : i32
    %eq3A_1164 = vector.broadcast %eq3A_1163 : i32 to vector<16xi32>
    %eq3A_1165 = arith.cmpi eq, %get3A_1065, %eq3A_1164 : vector<16xi32>
    %select_n3A_1166 = arith.select %eq3A_1165, %broadcast_in_dim3A_5, %broadcast_in_dim3A_3 : vector<16xi1>, vector<16xi32>
    %broadcast_in_dim3A_1167 = arith.constant true
    %broadcast_in_dim3A_1168 = vector.broadcast %broadcast_in_dim3A_1167 : i1 to vector<16xi1>
    %masked_cumsum3A_1169 = tpu.scan <sum>, %select_n3A_1166 masked %broadcast_in_dim3A_1168 : vector<16xi32>, vector<16xi1> -> vector<16xi32>
    %add3A_1170 = arith.addi %gather3A_1066, %masked_cumsum3A_1169 : vector<16xi32>
    %sub3A_1171 = arith.subi %add3A_1170, %broadcast_in_dim3A_5 : vector<16xi32>
    %select_n3A_1172 = arith.select %eq3A_1165, %sub3A_1171, %select_n3A_1156 : vector<16xi1>, vector<16xi32>
    %all_reduce_population_count3A_1173 = tpu.all_reduce %eq3A_1165 {dim = 0 : i64, kind = #tpu.reduction_kind<sum>} : vector<16xi1> -> vector<16xi32>
    %eq3A_1174 = arith.constant 6 : i32
    %eq3A_1175 = vector.broadcast %eq3A_1174 : i32 to vector<16xi32>
    %eq3A_1176 = arith.cmpi eq, %iota3A, %eq3A_1175 : vector<16xi32>
    %select_n3A_1177 = arith.select %eq3A_1176, %all_reduce_population_count3A_1173, %broadcast_in_dim3A_3 : vector<16xi1>, vector<16xi32>
    %add3A_1178 = arith.addi %add3A_1162, %select_n3A_1177 : vector<16xi32>
    %eq3A_1179 = arith.constant 7 : i32
    %eq3A_1180 = vector.broadcast %eq3A_1179 : i32 to vector<16xi32>
    %eq3A_1181 = arith.cmpi eq, %get3A_1065, %eq3A_1180 : vector<16xi32>
    %select_n3A_1182 = arith.select %eq3A_1181, %broadcast_in_dim3A_5, %broadcast_in_dim3A_3 : vector<16xi1>, vector<16xi32>
    %broadcast_in_dim3A_1183 = arith.constant true
    %broadcast_in_dim3A_1184 = vector.broadcast %broadcast_in_dim3A_1183 : i1 to vector<16xi1>
    %masked_cumsum3A_1185 = tpu.scan <sum>, %select_n3A_1182 masked %broadcast_in_dim3A_1184 : vector<16xi32>, vector<16xi1> -> vector<16xi32>
    %add3A_1186 = arith.addi %gather3A_1066, %masked_cumsum3A_1185 : vector<16xi32>
    %sub3A_1187 = arith.subi %add3A_1186, %broadcast_in_dim3A_5 : vector<16xi32>
    %select_n3A_1188 = arith.select %eq3A_1181, %sub3A_1187, %select_n3A_1172 : vector<16xi1>, vector<16xi32>
    %all_reduce_population_count3A_1189 = tpu.all_reduce %eq3A_1181 {dim = 0 : i64, kind = #tpu.reduction_kind<sum>} : vector<16xi1> -> vector<16xi32>
    %eq3A_1190 = arith.constant 7 : i32
    %eq3A_1191 = vector.broadcast %eq3A_1190 : i32 to vector<16xi32>
    %eq3A_1192 = arith.cmpi eq, %iota3A, %eq3A_1191 : vector<16xi32>
    %select_n3A_1193 = arith.select %eq3A_1192, %all_reduce_population_count3A_1189, %broadcast_in_dim3A_3 : vector<16xi1>, vector<16xi32>
    %add3A_1194 = arith.addi %add3A_1178, %select_n3A_1193 : vector<16xi32>
    %get3A_1195 = arith.constant 0 : index
    %get3A_1196 = tpu.vector_load %arg18[%get3A_1195] {strides = array<i32>} : memref<16xi32, #tpu.memory_space<vmem>>, vector<16xi32>,
    %add3A_1197 = arith.addi %get3A_1196, %add3A_1194 : vector<16xi32>
    %swap3A_1198 = arith.constant 0 : index
    %swap3A_1199 = tpu.vector_load %arg18[%swap3A_1198] {strides = array<i32>} : memref<16xi32, #tpu.memory_space<vmem>>, vector<16xi32>,
    tpu.vector_store %arg18[%swap3A_1198], %add3A_1197 {strides = array<i32>} : memref<16xi32, #tpu.memory_space<vmem>>, vector<16xi32>,
    %swap3A_1200 = arith.constant 2 : i32
    %swap3A_1201 = arith.index_cast %swap3A_1200 : i32 to index
    %swap3A_1202 = arith.constant 16 : index
    %swap3A_1203 = tpu.vector_load %arg11[%swap3A_1201, %swap3A_1202] {strides = array<i32>} : memref<8x32xi32, #tpu.memory_space<vmem>>, vector<16xi32>,
    tpu.vector_store %arg11[%swap3A_1201, %swap3A_1202], %select_n3A_1188 {strides = array<i32>} : memref<8x32xi32, #tpu.memory_space<vmem>>, vector<16xi32>,
    %get3A_1204 = arith.constant 96 : index
    %get3A_1205 = tpu.vector_load %arg8[%get3A_1204] {strides = array<i32>} : memref<256xi32, #tpu.memory_space<vmem>>, vector<16xi32>,
    %gather3A_1206 = tpu.vector_load_idx %arg18[%get3A_1205] : memref<16xi32, #tpu.memory_space<vmem>>[vector<16xi32>], vector<16xi32>,
    %eq3A_1207 = arith.constant 0 : i32
    %eq3A_1208 = vector.broadcast %eq3A_1207 : i32 to vector<16xi32>
    %eq3A_1209 = arith.cmpi eq, %get3A_1205, %eq3A_1208 : vector<16xi32>
    %select_n3A_1210 = arith.select %eq3A_1209, %broadcast_in_dim3A_5, %broadcast_in_dim3A_3 : vector<16xi1>, vector<16xi32>
    %broadcast_in_dim3A_1211 = arith.constant true
    %broadcast_in_dim3A_1212 = vector.broadcast %broadcast_in_dim3A_1211 : i1 to vector<16xi1>
    %masked_cumsum3A_1213 = tpu.scan <sum>, %select_n3A_1210 masked %broadcast_in_dim3A_1212 : vector<16xi32>, vector<16xi1> -> vector<16xi32>
    %add3A_1214 = arith.addi %gather3A_1206, %masked_cumsum3A_1213 : vector<16xi32>
    %sub3A_1215 = arith.subi %add3A_1214, %broadcast_in_dim3A_5 : vector<16xi32>
    %select_n3A_1216 = arith.select %eq3A_1209, %sub3A_1215, %broadcast_in_dim3A_3 : vector<16xi1>, vector<16xi32>
    %all_reduce_population_count3A_1217 = tpu.all_reduce %eq3A_1209 {dim = 0 : i64, kind = #tpu.reduction_kind<sum>} : vector<16xi1> -> vector<16xi32>
    %eq3A_1218 = arith.constant 0 : i32
    %eq3A_1219 = vector.broadcast %eq3A_1218 : i32 to vector<16xi32>
    %eq3A_1220 = arith.cmpi eq, %iota3A, %eq3A_1219 : vector<16xi32>
    %select_n3A_1221 = arith.select %eq3A_1220, %all_reduce_population_count3A_1217, %broadcast_in_dim3A_3 : vector<16xi1>, vector<16xi32>
    %add3A_1222 = arith.addi %broadcast_in_dim3A_3, %select_n3A_1221 : vector<16xi32>
    %eq3A_1223 = arith.constant 1 : i32
    %eq3A_1224 = vector.broadcast %eq3A_1223 : i32 to vector<16xi32>
    %eq3A_1225 = arith.cmpi eq, %get3A_1205, %eq3A_1224 : vector<16xi32>
    %select_n3A_1226 = arith.select %eq3A_1225, %broadcast_in_dim3A_5, %broadcast_in_dim3A_3 : vector<16xi1>, vector<16xi32>
    %broadcast_in_dim3A_1227 = arith.constant true
    %broadcast_in_dim3A_1228 = vector.broadcast %broadcast_in_dim3A_1227 : i1 to vector<16xi1>
    %masked_cumsum3A_1229 = tpu.scan <sum>, %select_n3A_1226 masked %broadcast_in_dim3A_1228 : vector<16xi32>, vector<16xi1> -> vector<16xi32>
    %add3A_1230 = arith.addi %gather3A_1206, %masked_cumsum3A_1229 : vector<16xi32>
    %sub3A_1231 = arith.subi %add3A_1230, %broadcast_in_dim3A_5 : vector<16xi32>
    %select_n3A_1232 = arith.select %eq3A_1225, %sub3A_1231, %select_n3A_1216 : vector<16xi1>, vector<16xi32>
    %all_reduce_population_count3A_1233 = tpu.all_reduce %eq3A_1225 {dim = 0 : i64, kind = #tpu.reduction_kind<sum>} : vector<16xi1> -> vector<16xi32>
    %eq3A_1234 = arith.constant 1 : i32
    %eq3A_1235 = vector.broadcast %eq3A_1234 : i32 to vector<16xi32>
    %eq3A_1236 = arith.cmpi eq, %iota3A, %eq3A_1235 : vector<16xi32>
    %select_n3A_1237 = arith.select %eq3A_1236, %all_reduce_population_count3A_1233, %broadcast_in_dim3A_3 : vector<16xi1>, vector<16xi32>
    %add3A_1238 = arith.addi %add3A_1222, %select_n3A_1237 : vector<16xi32>
    %eq3A_1239 = arith.constant 2 : i32
    %eq3A_1240 = vector.broadcast %eq3A_1239 : i32 to vector<16xi32>
    %eq3A_1241 = arith.cmpi eq, %get3A_1205, %eq3A_1240 : vector<16xi32>
    %select_n3A_1242 = arith.select %eq3A_1241, %broadcast_in_dim3A_5, %broadcast_in_dim3A_3 : vector<16xi1>, vector<16xi32>
    %broadcast_in_dim3A_1243 = arith.constant true
    %broadcast_in_dim3A_1244 = vector.broadcast %broadcast_in_dim3A_1243 : i1 to vector<16xi1>
    %masked_cumsum3A_1245 = tpu.scan <sum>, %select_n3A_1242 masked %broadcast_in_dim3A_1244 : vector<16xi32>, vector<16xi1> -> vector<16xi32>
    %add3A_1246 = arith.addi %gather3A_1206, %masked_cumsum3A_1245 : vector<16xi32>
    %sub3A_1247 = arith.subi %add3A_1246, %broadcast_in_dim3A_5 : vector<16xi32>
    %select_n3A_1248 = arith.select %eq3A_1241, %sub3A_1247, %select_n3A_1232 : vector<16xi1>, vector<16xi32>
    %all_reduce_population_count3A_1249 = tpu.all_reduce %eq3A_1241 {dim = 0 : i64, kind = #tpu.reduction_kind<sum>} : vector<16xi1> -> vector<16xi32>
    %eq3A_1250 = arith.constant 2 : i32
    %eq3A_1251 = vector.broadcast %eq3A_1250 : i32 to vector<16xi32>
    %eq3A_1252 = arith.cmpi eq, %iota3A, %eq3A_1251 : vector<16xi32>
    %select_n3A_1253 = arith.select %eq3A_1252, %all_reduce_population_count3A_1249, %broadcast_in_dim3A_3 : vector<16xi1>, vector<16xi32>
    %add3A_1254 = arith.addi %add3A_1238, %select_n3A_1253 : vector<16xi32>
    %eq3A_1255 = arith.constant 3 : i32
    %eq3A_1256 = vector.broadcast %eq3A_1255 : i32 to vector<16xi32>
    %eq3A_1257 = arith.cmpi eq, %get3A_1205, %eq3A_1256 : vector<16xi32>
    %select_n3A_1258 = arith.select %eq3A_1257, %broadcast_in_dim3A_5, %broadcast_in_dim3A_3 : vector<16xi1>, vector<16xi32>
    %broadcast_in_dim3A_1259 = arith.constant true
    %broadcast_in_dim3A_1260 = vector.broadcast %broadcast_in_dim3A_1259 : i1 to vector<16xi1>
    %masked_cumsum3A_1261 = tpu.scan <sum>, %select_n3A_1258 masked %broadcast_in_dim3A_1260 : vector<16xi32>, vector<16xi1> -> vector<16xi32>
    %add3A_1262 = arith.addi %gather3A_1206, %masked_cumsum3A_1261 : vector<16xi32>
    %sub3A_1263 = arith.subi %add3A_1262, %broadcast_in_dim3A_5 : vector<16xi32>
    %select_n3A_1264 = arith.select %eq3A_1257, %sub3A_1263, %select_n3A_1248 : vector<16xi1>, vector<16xi32>
    %all_reduce_population_count3A_1265 = tpu.all_reduce %eq3A_1257 {dim = 0 : i64, kind = #tpu.reduction_kind<sum>} : vector<16xi1> -> vector<16xi32>
    %eq3A_1266 = arith.constant 3 : i32
    %eq3A_1267 = vector.broadcast %eq3A_1266 : i32 to vector<16xi32>
    %eq3A_1268 = arith.cmpi eq, %iota3A, %eq3A_1267 : vector<16xi32>
    %select_n3A_1269 = arith.select %eq3A_1268, %all_reduce_population_count3A_1265, %broadcast_in_dim3A_3 : vector<16xi1>, vector<16xi32>
    %add3A_1270 = arith.addi %add3A_1254, %select_n3A_1269 : vector<16xi32>
    %eq3A_1271 = arith.constant 4 : i32
    %eq3A_1272 = vector.broadcast %eq3A_1271 : i32 to vector<16xi32>
    %eq3A_1273 = arith.cmpi eq, %get3A_1205, %eq3A_1272 : vector<16xi32>
    %select_n3A_1274 = arith.select %eq3A_1273, %broadcast_in_dim3A_5, %broadcast_in_dim3A_3 : vector<16xi1>, vector<16xi32>
    %broadcast_in_dim3A_1275 = arith.constant true
    %broadcast_in_dim3A_1276 = vector.broadcast %broadcast_in_dim3A_1275 : i1 to vector<16xi1>
    %masked_cumsum3A_1277 = tpu.scan <sum>, %select_n3A_1274 masked %broadcast_in_dim3A_1276 : vector<16xi32>, vector<16xi1> -> vector<16xi32>
    %add3A_1278 = arith.addi %gather3A_1206, %masked_cumsum3A_1277 : vector<16xi32>
    %sub3A_1279 = arith.subi %add3A_1278, %broadcast_in_dim3A_5 : vector<16xi32>
    %select_n3A_1280 = arith.select %eq3A_1273, %sub3A_1279, %select_n3A_1264 : vector<16xi1>, vector<16xi32>
    %all_reduce_population_count3A_1281 = tpu.all_reduce %eq3A_1273 {dim = 0 : i64, kind = #tpu.reduction_kind<sum>} : vector<16xi1> -> vector<16xi32>
    %eq3A_1282 = arith.constant 4 : i32
    %eq3A_1283 = vector.broadcast %eq3A_1282 : i32 to vector<16xi32>
    %eq3A_1284 = arith.cmpi eq, %iota3A, %eq3A_1283 : vector<16xi32>
    %select_n3A_1285 = arith.select %eq3A_1284, %all_reduce_population_count3A_1281, %broadcast_in_dim3A_3 : vector<16xi1>, vector<16xi32>
    %add3A_1286 = arith.addi %add3A_1270, %select_n3A_1285 : vector<16xi32>
    %eq3A_1287 = arith.constant 5 : i32
    %eq3A_1288 = vector.broadcast %eq3A_1287 : i32 to vector<16xi32>
    %eq3A_1289 = arith.cmpi eq, %get3A_1205, %eq3A_1288 : vector<16xi32>
    %select_n3A_1290 = arith.select %eq3A_1289, %broadcast_in_dim3A_5, %broadcast_in_dim3A_3 : vector<16xi1>, vector<16xi32>
    %broadcast_in_dim3A_1291 = arith.constant true
    %broadcast_in_dim3A_1292 = vector.broadcast %broadcast_in_dim3A_1291 : i1 to vector<16xi1>
    %masked_cumsum3A_1293 = tpu.scan <sum>, %select_n3A_1290 masked %broadcast_in_dim3A_1292 : vector<16xi32>, vector<16xi1> -> vector<16xi32>
    %add3A_1294 = arith.addi %gather3A_1206, %masked_cumsum3A_1293 : vector<16xi32>
    %sub3A_1295 = arith.subi %add3A_1294, %broadcast_in_dim3A_5 : vector<16xi32>
    %select_n3A_1296 = arith.select %eq3A_1289, %sub3A_1295, %select_n3A_1280 : vector<16xi1>, vector<16xi32>
    %all_reduce_population_count3A_1297 = tpu.all_reduce %eq3A_1289 {dim = 0 : i64, kind = #tpu.reduction_kind<sum>} : vector<16xi1> -> vector<16xi32>
    %eq3A_1298 = arith.constant 5 : i32
    %eq3A_1299 = vector.broadcast %eq3A_1298 : i32 to vector<16xi32>
    %eq3A_1300 = arith.cmpi eq, %iota3A, %eq3A_1299 : vector<16xi32>
    %select_n3A_1301 = arith.select %eq3A_1300, %all_reduce_population_count3A_1297, %broadcast_in_dim3A_3 : vector<16xi1>, vector<16xi32>
    %add3A_1302 = arith.addi %add3A_1286, %select_n3A_1301 : vector<16xi32>
    %eq3A_1303 = arith.constant 6 : i32
    %eq3A_1304 = vector.broadcast %eq3A_1303 : i32 to vector<16xi32>
    %eq3A_1305 = arith.cmpi eq, %get3A_1205, %eq3A_1304 : vector<16xi32>
    %select_n3A_1306 = arith.select %eq3A_1305, %broadcast_in_dim3A_5, %broadcast_in_dim3A_3 : vector<16xi1>, vector<16xi32>
    %broadcast_in_dim3A_1307 = arith.constant true
    %broadcast_in_dim3A_1308 = vector.broadcast %broadcast_in_dim3A_1307 : i1 to vector<16xi1>
    %masked_cumsum3A_1309 = tpu.scan <sum>, %select_n3A_1306 masked %broadcast_in_dim3A_1308 : vector<16xi32>, vector<16xi1> -> vector<16xi32>
    %add3A_1310 = arith.addi %gather3A_1206, %masked_cumsum3A_1309 : vector<16xi32>
    %sub3A_1311 = arith.subi %add3A_1310, %broadcast_in_dim3A_5 : vector<16xi32>
    %select_n3A_1312 = arith.select %eq3A_1305, %sub3A_1311, %select_n3A_1296 : vector<16xi1>, vector<16xi32>
    %all_reduce_population_count3A_1313 = tpu.all_reduce %eq3A_1305 {dim = 0 : i64, kind = #tpu.reduction_kind<sum>} : vector<16xi1> -> vector<16xi32>
    %eq3A_1314 = arith.constant 6 : i32
    %eq3A_1315 = vector.broadcast %eq3A_1314 : i32 to vector<16xi32>
    %eq3A_1316 = arith.cmpi eq, %iota3A, %eq3A_1315 : vector<16xi32>
    %select_n3A_1317 = arith.select %eq3A_1316, %all_reduce_population_count3A_1313, %broadcast_in_dim3A_3 : vector<16xi1>, vector<16xi32>
    %add3A_1318 = arith.addi %add3A_1302, %select_n3A_1317 : vector<16xi32>
    %eq3A_1319 = arith.constant 7 : i32
    %eq3A_1320 = vector.broadcast %eq3A_1319 : i32 to vector<16xi32>
    %eq3A_1321 = arith.cmpi eq, %get3A_1205, %eq3A_1320 : vector<16xi32>
    %select_n3A_1322 = arith.select %eq3A_1321, %broadcast_in_dim3A_5, %broadcast_in_dim3A_3 : vector<16xi1>, vector<16xi32>
    %broadcast_in_dim3A_1323 = arith.constant true
    %broadcast_in_dim3A_1324 = vector.broadcast %broadcast_in_dim3A_1323 : i1 to vector<16xi1>
    %masked_cumsum3A_1325 = tpu.scan <sum>, %select_n3A_1322 masked %broadcast_in_dim3A_1324 : vector<16xi32>, vector<16xi1> -> vector<16xi32>
    %add3A_1326 = arith.addi %gather3A_1206, %masked_cumsum3A_1325 : vector<16xi32>
    %sub3A_1327 = arith.subi %add3A_1326, %broadcast_in_dim3A_5 : vector<16xi32>
    %select_n3A_1328 = arith.select %eq3A_1321, %sub3A_1327, %select_n3A_1312 : vector<16xi1>, vector<16xi32>
    %all_reduce_population_count3A_1329 = tpu.all_reduce %eq3A_1321 {dim = 0 : i64, kind = #tpu.reduction_kind<sum>} : vector<16xi1> -> vector<16xi32>
    %eq3A_1330 = arith.constant 7 : i32
    %eq3A_1331 = vector.broadcast %eq3A_1330 : i32 to vector<16xi32>
    %eq3A_1332 = arith.cmpi eq, %iota3A, %eq3A_1331 : vector<16xi32>
    %select_n3A_1333 = arith.select %eq3A_1332, %all_reduce_population_count3A_1329, %broadcast_in_dim3A_3 : vector<16xi1>, vector<16xi32>
    %add3A_1334 = arith.addi %add3A_1318, %select_n3A_1333 : vector<16xi32>
    %get3A_1335 = arith.constant 0 : index
    %get3A_1336 = tpu.vector_load %arg18[%get3A_1335] {strides = array<i32>} : memref<16xi32, #tpu.memory_space<vmem>>, vector<16xi32>,
    %add3A_1337 = arith.addi %get3A_1336, %add3A_1334 : vector<16xi32>
    %swap3A_1338 = arith.constant 0 : index
    %swap3A_1339 = tpu.vector_load %arg18[%swap3A_1338] {strides = array<i32>} : memref<16xi32, #tpu.memory_space<vmem>>, vector<16xi32>,
    tpu.vector_store %arg18[%swap3A_1338], %add3A_1337 {strides = array<i32>} : memref<16xi32, #tpu.memory_space<vmem>>, vector<16xi32>,
    %swap3A_1340 = arith.constant 3 : i32
    %swap3A_1341 = arith.index_cast %swap3A_1340 : i32 to index
    %swap3A_1342 = arith.constant 0 : index
    %swap3A_1343 = tpu.vector_load %arg11[%swap3A_1341, %swap3A_1342] {strides = array<i32>} : memref<8x32xi32, #tpu.memory_space<vmem>>, vector<16xi32>,
    tpu.vector_store %arg11[%swap3A_1341, %swap3A_1342], %select_n3A_1328 {strides = array<i32>} : memref<8x32xi32, #tpu.memory_space<vmem>>, vector<16xi32>,
    %get3A_1344 = arith.constant 112 : index
    %get3A_1345 = tpu.vector_load %arg8[%get3A_1344] {strides = array<i32>} : memref<256xi32, #tpu.memory_space<vmem>>, vector<16xi32>,
    %gather3A_1346 = tpu.vector_load_idx %arg18[%get3A_1345] : memref<16xi32, #tpu.memory_space<vmem>>[vector<16xi32>], vector<16xi32>,
    %eq3A_1347 = arith.constant 0 : i32
    %eq3A_1348 = vector.broadcast %eq3A_1347 : i32 to vector<16xi32>
    %eq3A_1349 = arith.cmpi eq, %get3A_1345, %eq3A_1348 : vector<16xi32>
    %select_n3A_1350 = arith.select %eq3A_1349, %broadcast_in_dim3A_5, %broadcast_in_dim3A_3 : vector<16xi1>, vector<16xi32>
    %broadcast_in_dim3A_1351 = arith.constant true
    %broadcast_in_dim3A_1352 = vector.broadcast %broadcast_in_dim3A_1351 : i1 to vector<16xi1>
    %masked_cumsum3A_1353 = tpu.scan <sum>, %select_n3A_1350 masked %broadcast_in_dim3A_1352 : vector<16xi32>, vector<16xi1> -> vector<16xi32>
    %add3A_1354 = arith.addi %gather3A_1346, %masked_cumsum3A_1353 : vector<16xi32>
    %sub3A_1355 = arith.subi %add3A_1354, %broadcast_in_dim3A_5 : vector<16xi32>
    %select_n3A_1356 = arith.select %eq3A_1349, %sub3A_1355, %broadcast_in_dim3A_3 : vector<16xi1>, vector<16xi32>
    %all_reduce_population_count3A_1357 = tpu.all_reduce %eq3A_1349 {dim = 0 : i64, kind = #tpu.reduction_kind<sum>} : vector<16xi1> -> vector<16xi32>
    %eq3A_1358 = arith.constant 0 : i32
    %eq3A_1359 = vector.broadcast %eq3A_1358 : i32 to vector<16xi32>
    %eq3A_1360 = arith.cmpi eq, %iota3A, %eq3A_1359 : vector<16xi32>
    %select_n3A_1361 = arith.select %eq3A_1360, %all_reduce_population_count3A_1357, %broadcast_in_dim3A_3 : vector<16xi1>, vector<16xi32>
    %add3A_1362 = arith.addi %broadcast_in_dim3A_3, %select_n3A_1361 : vector<16xi32>
    %eq3A_1363 = arith.constant 1 : i32
    %eq3A_1364 = vector.broadcast %eq3A_1363 : i32 to vector<16xi32>
    %eq3A_1365 = arith.cmpi eq, %get3A_1345, %eq3A_1364 : vector<16xi32>
    %select_n3A_1366 = arith.select %eq3A_1365, %broadcast_in_dim3A_5, %broadcast_in_dim3A_3 : vector<16xi1>, vector<16xi32>
    %broadcast_in_dim3A_1367 = arith.constant true
    %broadcast_in_dim3A_1368 = vector.broadcast %broadcast_in_dim3A_1367 : i1 to vector<16xi1>
    %masked_cumsum3A_1369 = tpu.scan <sum>, %select_n3A_1366 masked %broadcast_in_dim3A_1368 : vector<16xi32>, vector<16xi1> -> vector<16xi32>
    %add3A_1370 = arith.addi %gather3A_1346, %masked_cumsum3A_1369 : vector<16xi32>
    %sub3A_1371 = arith.subi %add3A_1370, %broadcast_in_dim3A_5 : vector<16xi32>
    %select_n3A_1372 = arith.select %eq3A_1365, %sub3A_1371, %select_n3A_1356 : vector<16xi1>, vector<16xi32>
    %all_reduce_population_count3A_1373 = tpu.all_reduce %eq3A_1365 {dim = 0 : i64, kind = #tpu.reduction_kind<sum>} : vector<16xi1> -> vector<16xi32>
    %eq3A_1374 = arith.constant 1 : i32
    %eq3A_1375 = vector.broadcast %eq3A_1374 : i32 to vector<16xi32>
    %eq3A_1376 = arith.cmpi eq, %iota3A, %eq3A_1375 : vector<16xi32>
    %select_n3A_1377 = arith.select %eq3A_1376, %all_reduce_population_count3A_1373, %broadcast_in_dim3A_3 : vector<16xi1>, vector<16xi32>
    %add3A_1378 = arith.addi %add3A_1362, %select_n3A_1377 : vector<16xi32>
    %eq3A_1379 = arith.constant 2 : i32
    %eq3A_1380 = vector.broadcast %eq3A_1379 : i32 to vector<16xi32>
    %eq3A_1381 = arith.cmpi eq, %get3A_1345, %eq3A_1380 : vector<16xi32>
    %select_n3A_1382 = arith.select %eq3A_1381, %broadcast_in_dim3A_5, %broadcast_in_dim3A_3 : vector<16xi1>, vector<16xi32>
    %broadcast_in_dim3A_1383 = arith.constant true
    %broadcast_in_dim3A_1384 = vector.broadcast %broadcast_in_dim3A_1383 : i1 to vector<16xi1>
    %masked_cumsum3A_1385 = tpu.scan <sum>, %select_n3A_1382 masked %broadcast_in_dim3A_1384 : vector<16xi32>, vector<16xi1> -> vector<16xi32>
    %add3A_1386 = arith.addi %gather3A_1346, %masked_cumsum3A_1385 : vector<16xi32>
    %sub3A_1387 = arith.subi %add3A_1386, %broadcast_in_dim3A_5 : vector<16xi32>
    %select_n3A_1388 = arith.select %eq3A_1381, %sub3A_1387, %select_n3A_1372 : vector<16xi1>, vector<16xi32>
    %all_reduce_population_count3A_1389 = tpu.all_reduce %eq3A_1381 {dim = 0 : i64, kind = #tpu.reduction_kind<sum>} : vector<16xi1> -> vector<16xi32>
    %eq3A_1390 = arith.constant 2 : i32
    %eq3A_1391 = vector.broadcast %eq3A_1390 : i32 to vector<16xi32>
    %eq3A_1392 = arith.cmpi eq, %iota3A, %eq3A_1391 : vector<16xi32>
    %select_n3A_1393 = arith.select %eq3A_1392, %all_reduce_population_count3A_1389, %broadcast_in_dim3A_3 : vector<16xi1>, vector<16xi32>
    %add3A_1394 = arith.addi %add3A_1378, %select_n3A_1393 : vector<16xi32>
    %eq3A_1395 = arith.constant 3 : i32
    %eq3A_1396 = vector.broadcast %eq3A_1395 : i32 to vector<16xi32>
    %eq3A_1397 = arith.cmpi eq, %get3A_1345, %eq3A_1396 : vector<16xi32>
    %select_n3A_1398 = arith.select %eq3A_1397, %broadcast_in_dim3A_5, %broadcast_in_dim3A_3 : vector<16xi1>, vector<16xi32>
    %broadcast_in_dim3A_1399 = arith.constant true
    %broadcast_in_dim3A_1400 = vector.broadcast %broadcast_in_dim3A_1399 : i1 to vector<16xi1>
    %masked_cumsum3A_1401 = tpu.scan <sum>, %select_n3A_1398 masked %broadcast_in_dim3A_1400 : vector<16xi32>, vector<16xi1> -> vector<16xi32>
    %add3A_1402 = arith.addi %gather3A_1346, %masked_cumsum3A_1401 : vector<16xi32>
    %sub3A_1403 = arith.subi %add3A_1402, %broadcast_in_dim3A_5 : vector<16xi32>
    %select_n3A_1404 = arith.select %eq3A_1397, %sub3A_1403, %select_n3A_1388 : vector<16xi1>, vector<16xi32>
    %all_reduce_population_count3A_1405 = tpu.all_reduce %eq3A_1397 {dim = 0 : i64, kind = #tpu.reduction_kind<sum>} : vector<16xi1> -> vector<16xi32>
    %eq3A_1406 = arith.constant 3 : i32
    %eq3A_1407 = vector.broadcast %eq3A_1406 : i32 to vector<16xi32>
    %eq3A_1408 = arith.cmpi eq, %iota3A, %eq3A_1407 : vector<16xi32>
    %select_n3A_1409 = arith.select %eq3A_1408, %all_reduce_population_count3A_1405, %broadcast_in_dim3A_3 : vector<16xi1>, vector<16xi32>
    %add3A_1410 = arith.addi %add3A_1394, %select_n3A_1409 : vector<16xi32>
    %eq3A_1411 = arith.constant 4 : i32
    %eq3A_1412 = vector.broadcast %eq3A_1411 : i32 to vector<16xi32>
    %eq3A_1413 = arith.cmpi eq, %get3A_1345, %eq3A_1412 : vector<16xi32>
    %select_n3A_1414 = arith.select %eq3A_1413, %broadcast_in_dim3A_5, %broadcast_in_dim3A_3 : vector<16xi1>, vector<16xi32>
    %broadcast_in_dim3A_1415 = arith.constant true
    %broadcast_in_dim3A_1416 = vector.broadcast %broadcast_in_dim3A_1415 : i1 to vector<16xi1>
    %masked_cumsum3A_1417 = tpu.scan <sum>, %select_n3A_1414 masked %broadcast_in_dim3A_1416 : vector<16xi32>, vector<16xi1> -> vector<16xi32>
    %add3A_1418 = arith.addi %gather3A_1346, %masked_cumsum3A_1417 : vector<16xi32>
    %sub3A_1419 = arith.subi %add3A_1418, %broadcast_in_dim3A_5 : vector<16xi32>
    %select_n3A_1420 = arith.select %eq3A_1413, %sub3A_1419, %select_n3A_1404 : vector<16xi1>, vector<16xi32>
    %all_reduce_population_count3A_1421 = tpu.all_reduce %eq3A_1413 {dim = 0 : i64, kind = #tpu.reduction_kind<sum>} : vector<16xi1> -> vector<16xi32>
    %eq3A_1422 = arith.constant 4 : i32
    %eq3A_1423 = vector.broadcast %eq3A_1422 : i32 to vector<16xi32>
    %eq3A_1424 = arith.cmpi eq, %iota3A, %eq3A_1423 : vector<16xi32>
    %select_n3A_1425 = arith.select %eq3A_1424, %all_reduce_population_count3A_1421, %broadcast_in_dim3A_3 : vector<16xi1>, vector<16xi32>
    %add3A_1426 = arith.addi %add3A_1410, %select_n3A_1425 : vector<16xi32>
    %eq3A_1427 = arith.constant 5 : i32
    %eq3A_1428 = vector.broadcast %eq3A_1427 : i32 to vector<16xi32>
    %eq3A_1429 = arith.cmpi eq, %get3A_1345, %eq3A_1428 : vector<16xi32>
    %select_n3A_1430 = arith.select %eq3A_1429, %broadcast_in_dim3A_5, %broadcast_in_dim3A_3 : vector<16xi1>, vector<16xi32>
    %broadcast_in_dim3A_1431 = arith.constant true
    %broadcast_in_dim3A_1432 = vector.broadcast %broadcast_in_dim3A_1431 : i1 to vector<16xi1>
    %masked_cumsum3A_1433 = tpu.scan <sum>, %select_n3A_1430 masked %broadcast_in_dim3A_1432 : vector<16xi32>, vector<16xi1> -> vector<16xi32>
    %add3A_1434 = arith.addi %gather3A_1346, %masked_cumsum3A_1433 : vector<16xi32>
    %sub3A_1435 = arith.subi %add3A_1434, %broadcast_in_dim3A_5 : vector<16xi32>
    %select_n3A_1436 = arith.select %eq3A_1429, %sub3A_1435, %select_n3A_1420 : vector<16xi1>, vector<16xi32>
    %all_reduce_population_count3A_1437 = tpu.all_reduce %eq3A_1429 {dim = 0 : i64, kind = #tpu.reduction_kind<sum>} : vector<16xi1> -> vector<16xi32>
    %eq3A_1438 = arith.constant 5 : i32
    %eq3A_1439 = vector.broadcast %eq3A_1438 : i32 to vector<16xi32>
    %eq3A_1440 = arith.cmpi eq, %iota3A, %eq3A_1439 : vector<16xi32>
    %select_n3A_1441 = arith.select %eq3A_1440, %all_reduce_population_count3A_1437, %broadcast_in_dim3A_3 : vector<16xi1>, vector<16xi32>
    %add3A_1442 = arith.addi %add3A_1426, %select_n3A_1441 : vector<16xi32>
    %eq3A_1443 = arith.constant 6 : i32
    %eq3A_1444 = vector.broadcast %eq3A_1443 : i32 to vector<16xi32>
    %eq3A_1445 = arith.cmpi eq, %get3A_1345, %eq3A_1444 : vector<16xi32>
    %select_n3A_1446 = arith.select %eq3A_1445, %broadcast_in_dim3A_5, %broadcast_in_dim3A_3 : vector<16xi1>, vector<16xi32>
    %broadcast_in_dim3A_1447 = arith.constant true
    %broadcast_in_dim3A_1448 = vector.broadcast %broadcast_in_dim3A_1447 : i1 to vector<16xi1>
    %masked_cumsum3A_1449 = tpu.scan <sum>, %select_n3A_1446 masked %broadcast_in_dim3A_1448 : vector<16xi32>, vector<16xi1> -> vector<16xi32>
    %add3A_1450 = arith.addi %gather3A_1346, %masked_cumsum3A_1449 : vector<16xi32>
    %sub3A_1451 = arith.subi %add3A_1450, %broadcast_in_dim3A_5 : vector<16xi32>
    %select_n3A_1452 = arith.select %eq3A_1445, %sub3A_1451, %select_n3A_1436 : vector<16xi1>, vector<16xi32>
    %all_reduce_population_count3A_1453 = tpu.all_reduce %eq3A_1445 {dim = 0 : i64, kind = #tpu.reduction_kind<sum>} : vector<16xi1> -> vector<16xi32>
    %eq3A_1454 = arith.constant 6 : i32
    %eq3A_1455 = vector.broadcast %eq3A_1454 : i32 to vector<16xi32>
    %eq3A_1456 = arith.cmpi eq, %iota3A, %eq3A_1455 : vector<16xi32>
    %select_n3A_1457 = arith.select %eq3A_1456, %all_reduce_population_count3A_1453, %broadcast_in_dim3A_3 : vector<16xi1>, vector<16xi32>
    %add3A_1458 = arith.addi %add3A_1442, %select_n3A_1457 : vector<16xi32>
    %eq3A_1459 = arith.constant 7 : i32
    %eq3A_1460 = vector.broadcast %eq3A_1459 : i32 to vector<16xi32>
    %eq3A_1461 = arith.cmpi eq, %get3A_1345, %eq3A_1460 : vector<16xi32>
    %select_n3A_1462 = arith.select %eq3A_1461, %broadcast_in_dim3A_5, %broadcast_in_dim3A_3 : vector<16xi1>, vector<16xi32>
    %broadcast_in_dim3A_1463 = arith.constant true
    %broadcast_in_dim3A_1464 = vector.broadcast %broadcast_in_dim3A_1463 : i1 to vector<16xi1>
    %masked_cumsum3A_1465 = tpu.scan <sum>, %select_n3A_1462 masked %broadcast_in_dim3A_1464 : vector<16xi32>, vector<16xi1> -> vector<16xi32>
    %add3A_1466 = arith.addi %gather3A_1346, %masked_cumsum3A_1465 : vector<16xi32>
    %sub3A_1467 = arith.subi %add3A_1466, %broadcast_in_dim3A_5 : vector<16xi32>
    %select_n3A_1468 = arith.select %eq3A_1461, %sub3A_1467, %select_n3A_1452 : vector<16xi1>, vector<16xi32>
    %all_reduce_population_count3A_1469 = tpu.all_reduce %eq3A_1461 {dim = 0 : i64, kind = #tpu.reduction_kind<sum>} : vector<16xi1> -> vector<16xi32>
    %eq3A_1470 = arith.constant 7 : i32
    %eq3A_1471 = vector.broadcast %eq3A_1470 : i32 to vector<16xi32>
    %eq3A_1472 = arith.cmpi eq, %iota3A, %eq3A_1471 : vector<16xi32>
    %select_n3A_1473 = arith.select %eq3A_1472, %all_reduce_population_count3A_1469, %broadcast_in_dim3A_3 : vector<16xi1>, vector<16xi32>
    %add3A_1474 = arith.addi %add3A_1458, %select_n3A_1473 : vector<16xi32>
    %get3A_1475 = arith.constant 0 : index
    %get3A_1476 = tpu.vector_load %arg18[%get3A_1475] {strides = array<i32>} : memref<16xi32, #tpu.memory_space<vmem>>, vector<16xi32>,
    %add3A_1477 = arith.addi %get3A_1476, %add3A_1474 : vector<16xi32>
    %swap3A_1478 = arith.constant 0 : index
    %swap3A_1479 = tpu.vector_load %arg18[%swap3A_1478] {strides = array<i32>} : memref<16xi32, #tpu.memory_space<vmem>>, vector<16xi32>,
    tpu.vector_store %arg18[%swap3A_1478], %add3A_1477 {strides = array<i32>} : memref<16xi32, #tpu.memory_space<vmem>>, vector<16xi32>,
    %swap3A_1480 = arith.constant 3 : i32
    %swap3A_1481 = arith.index_cast %swap3A_1480 : i32 to index
    %swap3A_1482 = arith.constant 16 : index
    %swap3A_1483 = tpu.vector_load %arg11[%swap3A_1481, %swap3A_1482] {strides = array<i32>} : memref<8x32xi32, #tpu.memory_space<vmem>>, vector<16xi32>,
    tpu.vector_store %arg11[%swap3A_1481, %swap3A_1482], %select_n3A_1468 {strides = array<i32>} : memref<8x32xi32, #tpu.memory_space<vmem>>, vector<16xi32>,
    %get3A_1484 = arith.constant 128 : index
    %get3A_1485 = tpu.vector_load %arg8[%get3A_1484] {strides = array<i32>} : memref<256xi32, #tpu.memory_space<vmem>>, vector<16xi32>,
    %gather3A_1486 = tpu.vector_load_idx %arg18[%get3A_1485] : memref<16xi32, #tpu.memory_space<vmem>>[vector<16xi32>], vector<16xi32>,
    %eq3A_1487 = arith.constant 0 : i32
    %eq3A_1488 = vector.broadcast %eq3A_1487 : i32 to vector<16xi32>
    %eq3A_1489 = arith.cmpi eq, %get3A_1485, %eq3A_1488 : vector<16xi32>
    %select_n3A_1490 = arith.select %eq3A_1489, %broadcast_in_dim3A_5, %broadcast_in_dim3A_3 : vector<16xi1>, vector<16xi32>
    %broadcast_in_dim3A_1491 = arith.constant true
    %broadcast_in_dim3A_1492 = vector.broadcast %broadcast_in_dim3A_1491 : i1 to vector<16xi1>
    %masked_cumsum3A_1493 = tpu.scan <sum>, %select_n3A_1490 masked %broadcast_in_dim3A_1492 : vector<16xi32>, vector<16xi1> -> vector<16xi32>
    %add3A_1494 = arith.addi %gather3A_1486, %masked_cumsum3A_1493 : vector<16xi32>
    %sub3A_1495 = arith.subi %add3A_1494, %broadcast_in_dim3A_5 : vector<16xi32>
    %select_n3A_1496 = arith.select %eq3A_1489, %sub3A_1495, %broadcast_in_dim3A_3 : vector<16xi1>, vector<16xi32>
    %all_reduce_population_count3A_1497 = tpu.all_reduce %eq3A_1489 {dim = 0 : i64, kind = #tpu.reduction_kind<sum>} : vector<16xi1> -> vector<16xi32>
    %eq3A_1498 = arith.constant 0 : i32
    %eq3A_1499 = vector.broadcast %eq3A_1498 : i32 to vector<16xi32>
    %eq3A_1500 = arith.cmpi eq, %iota3A, %eq3A_1499 : vector<16xi32>
    %select_n3A_1501 = arith.select %eq3A_1500, %all_reduce_population_count3A_1497, %broadcast_in_dim3A_3 : vector<16xi1>, vector<16xi32>
    %add3A_1502 = arith.addi %broadcast_in_dim3A_3, %select_n3A_1501 : vector<16xi32>
    %eq3A_1503 = arith.constant 1 : i32
    %eq3A_1504 = vector.broadcast %eq3A_1503 : i32 to vector<16xi32>
    %eq3A_1505 = arith.cmpi eq, %get3A_1485, %eq3A_1504 : vector<16xi32>
    %select_n3A_1506 = arith.select %eq3A_1505, %broadcast_in_dim3A_5, %broadcast_in_dim3A_3 : vector<16xi1>, vector<16xi32>
    %broadcast_in_dim3A_1507 = arith.constant true
    %broadcast_in_dim3A_1508 = vector.broadcast %broadcast_in_dim3A_1507 : i1 to vector<16xi1>
    %masked_cumsum3A_1509 = tpu.scan <sum>, %select_n3A_1506 masked %broadcast_in_dim3A_1508 : vector<16xi32>, vector<16xi1> -> vector<16xi32>
    %add3A_1510 = arith.addi %gather3A_1486, %masked_cumsum3A_1509 : vector<16xi32>
    %sub3A_1511 = arith.subi %add3A_1510, %broadcast_in_dim3A_5 : vector<16xi32>
    %select_n3A_1512 = arith.select %eq3A_1505, %sub3A_1511, %select_n3A_1496 : vector<16xi1>, vector<16xi32>
    %all_reduce_population_count3A_1513 = tpu.all_reduce %eq3A_1505 {dim = 0 : i64, kind = #tpu.reduction_kind<sum>} : vector<16xi1> -> vector<16xi32>
    %eq3A_1514 = arith.constant 1 : i32
    %eq3A_1515 = vector.broadcast %eq3A_1514 : i32 to vector<16xi32>
    %eq3A_1516 = arith.cmpi eq, %iota3A, %eq3A_1515 : vector<16xi32>
    %select_n3A_1517 = arith.select %eq3A_1516, %all_reduce_population_count3A_1513, %broadcast_in_dim3A_3 : vector<16xi1>, vector<16xi32>
    %add3A_1518 = arith.addi %add3A_1502, %select_n3A_1517 : vector<16xi32>
    %eq3A_1519 = arith.constant 2 : i32
    %eq3A_1520 = vector.broadcast %eq3A_1519 : i32 to vector<16xi32>
    %eq3A_1521 = arith.cmpi eq, %get3A_1485, %eq3A_1520 : vector<16xi32>
    %select_n3A_1522 = arith.select %eq3A_1521, %broadcast_in_dim3A_5, %broadcast_in_dim3A_3 : vector<16xi1>, vector<16xi32>
    %broadcast_in_dim3A_1523 = arith.constant true
    %broadcast_in_dim3A_1524 = vector.broadcast %broadcast_in_dim3A_1523 : i1 to vector<16xi1>
    %masked_cumsum3A_1525 = tpu.scan <sum>, %select_n3A_1522 masked %broadcast_in_dim3A_1524 : vector<16xi32>, vector<16xi1> -> vector<16xi32>
    %add3A_1526 = arith.addi %gather3A_1486, %masked_cumsum3A_1525 : vector<16xi32>
    %sub3A_1527 = arith.subi %add3A_1526, %broadcast_in_dim3A_5 : vector<16xi32>
    %select_n3A_1528 = arith.select %eq3A_1521, %sub3A_1527, %select_n3A_1512 : vector<16xi1>, vector<16xi32>
    %all_reduce_population_count3A_1529 = tpu.all_reduce %eq3A_1521 {dim = 0 : i64, kind = #tpu.reduction_kind<sum>} : vector<16xi1> -> vector<16xi32>
    %eq3A_1530 = arith.constant 2 : i32
    %eq3A_1531 = vector.broadcast %eq3A_1530 : i32 to vector<16xi32>
    %eq3A_1532 = arith.cmpi eq, %iota3A, %eq3A_1531 : vector<16xi32>
    %select_n3A_1533 = arith.select %eq3A_1532, %all_reduce_population_count3A_1529, %broadcast_in_dim3A_3 : vector<16xi1>, vector<16xi32>
    %add3A_1534 = arith.addi %add3A_1518, %select_n3A_1533 : vector<16xi32>
    %eq3A_1535 = arith.constant 3 : i32
    %eq3A_1536 = vector.broadcast %eq3A_1535 : i32 to vector<16xi32>
    %eq3A_1537 = arith.cmpi eq, %get3A_1485, %eq3A_1536 : vector<16xi32>
    %select_n3A_1538 = arith.select %eq3A_1537, %broadcast_in_dim3A_5, %broadcast_in_dim3A_3 : vector<16xi1>, vector<16xi32>
    %broadcast_in_dim3A_1539 = arith.constant true
    %broadcast_in_dim3A_1540 = vector.broadcast %broadcast_in_dim3A_1539 : i1 to vector<16xi1>
    %masked_cumsum3A_1541 = tpu.scan <sum>, %select_n3A_1538 masked %broadcast_in_dim3A_1540 : vector<16xi32>, vector<16xi1> -> vector<16xi32>
    %add3A_1542 = arith.addi %gather3A_1486, %masked_cumsum3A_1541 : vector<16xi32>
    %sub3A_1543 = arith.subi %add3A_1542, %broadcast_in_dim3A_5 : vector<16xi32>
    %select_n3A_1544 = arith.select %eq3A_1537, %sub3A_1543, %select_n3A_1528 : vector<16xi1>, vector<16xi32>
    %all_reduce_population_count3A_1545 = tpu.all_reduce %eq3A_1537 {dim = 0 : i64, kind = #tpu.reduction_kind<sum>} : vector<16xi1> -> vector<16xi32>
    %eq3A_1546 = arith.constant 3 : i32
    %eq3A_1547 = vector.broadcast %eq3A_1546 : i32 to vector<16xi32>
    %eq3A_1548 = arith.cmpi eq, %iota3A, %eq3A_1547 : vector<16xi32>
    %select_n3A_1549 = arith.select %eq3A_1548, %all_reduce_population_count3A_1545, %broadcast_in_dim3A_3 : vector<16xi1>, vector<16xi32>
    %add3A_1550 = arith.addi %add3A_1534, %select_n3A_1549 : vector<16xi32>
    %eq3A_1551 = arith.constant 4 : i32
    %eq3A_1552 = vector.broadcast %eq3A_1551 : i32 to vector<16xi32>
    %eq3A_1553 = arith.cmpi eq, %get3A_1485, %eq3A_1552 : vector<16xi32>
    %select_n3A_1554 = arith.select %eq3A_1553, %broadcast_in_dim3A_5, %broadcast_in_dim3A_3 : vector<16xi1>, vector<16xi32>
    %broadcast_in_dim3A_1555 = arith.constant true
    %broadcast_in_dim3A_1556 = vector.broadcast %broadcast_in_dim3A_1555 : i1 to vector<16xi1>
    %masked_cumsum3A_1557 = tpu.scan <sum>, %select_n3A_1554 masked %broadcast_in_dim3A_1556 : vector<16xi32>, vector<16xi1> -> vector<16xi32>
    %add3A_1558 = arith.addi %gather3A_1486, %masked_cumsum3A_1557 : vector<16xi32>
    %sub3A_1559 = arith.subi %add3A_1558, %broadcast_in_dim3A_5 : vector<16xi32>
    %select_n3A_1560 = arith.select %eq3A_1553, %sub3A_1559, %select_n3A_1544 : vector<16xi1>, vector<16xi32>
    %all_reduce_population_count3A_1561 = tpu.all_reduce %eq3A_1553 {dim = 0 : i64, kind = #tpu.reduction_kind<sum>} : vector<16xi1> -> vector<16xi32>
    %eq3A_1562 = arith.constant 4 : i32
    %eq3A_1563 = vector.broadcast %eq3A_1562 : i32 to vector<16xi32>
    %eq3A_1564 = arith.cmpi eq, %iota3A, %eq3A_1563 : vector<16xi32>
    %select_n3A_1565 = arith.select %eq3A_1564, %all_reduce_population_count3A_1561, %broadcast_in_dim3A_3 : vector<16xi1>, vector<16xi32>
    %add3A_1566 = arith.addi %add3A_1550, %select_n3A_1565 : vector<16xi32>
    %eq3A_1567 = arith.constant 5 : i32
    %eq3A_1568 = vector.broadcast %eq3A_1567 : i32 to vector<16xi32>
    %eq3A_1569 = arith.cmpi eq, %get3A_1485, %eq3A_1568 : vector<16xi32>
    %select_n3A_1570 = arith.select %eq3A_1569, %broadcast_in_dim3A_5, %broadcast_in_dim3A_3 : vector<16xi1>, vector<16xi32>
    %broadcast_in_dim3A_1571 = arith.constant true
    %broadcast_in_dim3A_1572 = vector.broadcast %broadcast_in_dim3A_1571 : i1 to vector<16xi1>
    %masked_cumsum3A_1573 = tpu.scan <sum>, %select_n3A_1570 masked %broadcast_in_dim3A_1572 : vector<16xi32>, vector<16xi1> -> vector<16xi32>
    %add3A_1574 = arith.addi %gather3A_1486, %masked_cumsum3A_1573 : vector<16xi32>
    %sub3A_1575 = arith.subi %add3A_1574, %broadcast_in_dim3A_5 : vector<16xi32>
    %select_n3A_1576 = arith.select %eq3A_1569, %sub3A_1575, %select_n3A_1560 : vector<16xi1>, vector<16xi32>
    %all_reduce_population_count3A_1577 = tpu.all_reduce %eq3A_1569 {dim = 0 : i64, kind = #tpu.reduction_kind<sum>} : vector<16xi1> -> vector<16xi32>
    %eq3A_1578 = arith.constant 5 : i32
    %eq3A_1579 = vector.broadcast %eq3A_1578 : i32 to vector<16xi32>
    %eq3A_1580 = arith.cmpi eq, %iota3A, %eq3A_1579 : vector<16xi32>
    %select_n3A_1581 = arith.select %eq3A_1580, %all_reduce_population_count3A_1577, %broadcast_in_dim3A_3 : vector<16xi1>, vector<16xi32>
    %add3A_1582 = arith.addi %add3A_1566, %select_n3A_1581 : vector<16xi32>
    %eq3A_1583 = arith.constant 6 : i32
    %eq3A_1584 = vector.broadcast %eq3A_1583 : i32 to vector<16xi32>
    %eq3A_1585 = arith.cmpi eq, %get3A_1485, %eq3A_1584 : vector<16xi32>
    %select_n3A_1586 = arith.select %eq3A_1585, %broadcast_in_dim3A_5, %broadcast_in_dim3A_3 : vector<16xi1>, vector<16xi32>
    %broadcast_in_dim3A_1587 = arith.constant true
    %broadcast_in_dim3A_1588 = vector.broadcast %broadcast_in_dim3A_1587 : i1 to vector<16xi1>
    %masked_cumsum3A_1589 = tpu.scan <sum>, %select_n3A_1586 masked %broadcast_in_dim3A_1588 : vector<16xi32>, vector<16xi1> -> vector<16xi32>
    %add3A_1590 = arith.addi %gather3A_1486, %masked_cumsum3A_1589 : vector<16xi32>
    %sub3A_1591 = arith.subi %add3A_1590, %broadcast_in_dim3A_5 : vector<16xi32>
    %select_n3A_1592 = arith.select %eq3A_1585, %sub3A_1591, %select_n3A_1576 : vector<16xi1>, vector<16xi32>
    %all_reduce_population_count3A_1593 = tpu.all_reduce %eq3A_1585 {dim = 0 : i64, kind = #tpu.reduction_kind<sum>} : vector<16xi1> -> vector<16xi32>
    %eq3A_1594 = arith.constant 6 : i32
    %eq3A_1595 = vector.broadcast %eq3A_1594 : i32 to vector<16xi32>
    %eq3A_1596 = arith.cmpi eq, %iota3A, %eq3A_1595 : vector<16xi32>
    %select_n3A_1597 = arith.select %eq3A_1596, %all_reduce_population_count3A_1593, %broadcast_in_dim3A_3 : vector<16xi1>, vector<16xi32>
    %add3A_1598 = arith.addi %add3A_1582, %select_n3A_1597 : vector<16xi32>
    %eq3A_1599 = arith.constant 7 : i32
    %eq3A_1600 = vector.broadcast %eq3A_1599 : i32 to vector<16xi32>
    %eq3A_1601 = arith.cmpi eq, %get3A_1485, %eq3A_1600 : vector<16xi32>
    %select_n3A_1602 = arith.select %eq3A_1601, %broadcast_in_dim3A_5, %broadcast_in_dim3A_3 : vector<16xi1>, vector<16xi32>
    %broadcast_in_dim3A_1603 = arith.constant true
    %broadcast_in_dim3A_1604 = vector.broadcast %broadcast_in_dim3A_1603 : i1 to vector<16xi1>
    %masked_cumsum3A_1605 = tpu.scan <sum>, %select_n3A_1602 masked %broadcast_in_dim3A_1604 : vector<16xi32>, vector<16xi1> -> vector<16xi32>
    %add3A_1606 = arith.addi %gather3A_1486, %masked_cumsum3A_1605 : vector<16xi32>
    %sub3A_1607 = arith.subi %add3A_1606, %broadcast_in_dim3A_5 : vector<16xi32>
    %select_n3A_1608 = arith.select %eq3A_1601, %sub3A_1607, %select_n3A_1592 : vector<16xi1>, vector<16xi32>
    %all_reduce_population_count3A_1609 = tpu.all_reduce %eq3A_1601 {dim = 0 : i64, kind = #tpu.reduction_kind<sum>} : vector<16xi1> -> vector<16xi32>
    %eq3A_1610 = arith.constant 7 : i32
    %eq3A_1611 = vector.broadcast %eq3A_1610 : i32 to vector<16xi32>
    %eq3A_1612 = arith.cmpi eq, %iota3A, %eq3A_1611 : vector<16xi32>
    %select_n3A_1613 = arith.select %eq3A_1612, %all_reduce_population_count3A_1609, %broadcast_in_dim3A_3 : vector<16xi1>, vector<16xi32>
    %add3A_1614 = arith.addi %add3A_1598, %select_n3A_1613 : vector<16xi32>
    %get3A_1615 = arith.constant 0 : index
    %get3A_1616 = tpu.vector_load %arg18[%get3A_1615] {strides = array<i32>} : memref<16xi32, #tpu.memory_space<vmem>>, vector<16xi32>,
    %add3A_1617 = arith.addi %get3A_1616, %add3A_1614 : vector<16xi32>
    %swap3A_1618 = arith.constant 0 : index
    %swap3A_1619 = tpu.vector_load %arg18[%swap3A_1618] {strides = array<i32>} : memref<16xi32, #tpu.memory_space<vmem>>, vector<16xi32>,
    tpu.vector_store %arg18[%swap3A_1618], %add3A_1617 {strides = array<i32>} : memref<16xi32, #tpu.memory_space<vmem>>, vector<16xi32>,
    %swap3A_1620 = arith.constant 4 : i32
    %swap3A_1621 = arith.index_cast %swap3A_1620 : i32 to index
    %swap3A_1622 = arith.constant 0 : index
    %swap3A_1623 = tpu.vector_load %arg11[%swap3A_1621, %swap3A_1622] {strides = array<i32>} : memref<8x32xi32, #tpu.memory_space<vmem>>, vector<16xi32>,
    tpu.vector_store %arg11[%swap3A_1621, %swap3A_1622], %select_n3A_1608 {strides = array<i32>} : memref<8x32xi32, #tpu.memory_space<vmem>>, vector<16xi32>,
    %get3A_1624 = arith.constant 144 : index
    %get3A_1625 = tpu.vector_load %arg8[%get3A_1624] {strides = array<i32>} : memref<256xi32, #tpu.memory_space<vmem>>, vector<16xi32>,
    %gather3A_1626 = tpu.vector_load_idx %arg18[%get3A_1625] : memref<16xi32, #tpu.memory_space<vmem>>[vector<16xi32>], vector<16xi32>,
    %eq3A_1627 = arith.constant 0 : i32
    %eq3A_1628 = vector.broadcast %eq3A_1627 : i32 to vector<16xi32>
    %eq3A_1629 = arith.cmpi eq, %get3A_1625, %eq3A_1628 : vector<16xi32>
    %select_n3A_1630 = arith.select %eq3A_1629, %broadcast_in_dim3A_5, %broadcast_in_dim3A_3 : vector<16xi1>, vector<16xi32>
    %broadcast_in_dim3A_1631 = arith.constant true
    %broadcast_in_dim3A_1632 = vector.broadcast %broadcast_in_dim3A_1631 : i1 to vector<16xi1>
    %masked_cumsum3A_1633 = tpu.scan <sum>, %select_n3A_1630 masked %broadcast_in_dim3A_1632 : vector<16xi32>, vector<16xi1> -> vector<16xi32>
    %add3A_1634 = arith.addi %gather3A_1626, %masked_cumsum3A_1633 : vector<16xi32>
    %sub3A_1635 = arith.subi %add3A_1634, %broadcast_in_dim3A_5 : vector<16xi32>
    %select_n3A_1636 = arith.select %eq3A_1629, %sub3A_1635, %broadcast_in_dim3A_3 : vector<16xi1>, vector<16xi32>
    %all_reduce_population_count3A_1637 = tpu.all_reduce %eq3A_1629 {dim = 0 : i64, kind = #tpu.reduction_kind<sum>} : vector<16xi1> -> vector<16xi32>
    %eq3A_1638 = arith.constant 0 : i32
    %eq3A_1639 = vector.broadcast %eq3A_1638 : i32 to vector<16xi32>
    %eq3A_1640 = arith.cmpi eq, %iota3A, %eq3A_1639 : vector<16xi32>
    %select_n3A_1641 = arith.select %eq3A_1640, %all_reduce_population_count3A_1637, %broadcast_in_dim3A_3 : vector<16xi1>, vector<16xi32>
    %add3A_1642 = arith.addi %broadcast_in_dim3A_3, %select_n3A_1641 : vector<16xi32>
    %eq3A_1643 = arith.constant 1 : i32
    %eq3A_1644 = vector.broadcast %eq3A_1643 : i32 to vector<16xi32>
    %eq3A_1645 = arith.cmpi eq, %get3A_1625, %eq3A_1644 : vector<16xi32>
    %select_n3A_1646 = arith.select %eq3A_1645, %broadcast_in_dim3A_5, %broadcast_in_dim3A_3 : vector<16xi1>, vector<16xi32>
    %broadcast_in_dim3A_1647 = arith.constant true
    %broadcast_in_dim3A_1648 = vector.broadcast %broadcast_in_dim3A_1647 : i1 to vector<16xi1>
    %masked_cumsum3A_1649 = tpu.scan <sum>, %select_n3A_1646 masked %broadcast_in_dim3A_1648 : vector<16xi32>, vector<16xi1> -> vector<16xi32>
    %add3A_1650 = arith.addi %gather3A_1626, %masked_cumsum3A_1649 : vector<16xi32>
    %sub3A_1651 = arith.subi %add3A_1650, %broadcast_in_dim3A_5 : vector<16xi32>
    %select_n3A_1652 = arith.select %eq3A_1645, %sub3A_1651, %select_n3A_1636 : vector<16xi1>, vector<16xi32>
    %all_reduce_population_count3A_1653 = tpu.all_reduce %eq3A_1645 {dim = 0 : i64, kind = #tpu.reduction_kind<sum>} : vector<16xi1> -> vector<16xi32>
    %eq3A_1654 = arith.constant 1 : i32
    %eq3A_1655 = vector.broadcast %eq3A_1654 : i32 to vector<16xi32>
    %eq3A_1656 = arith.cmpi eq, %iota3A, %eq3A_1655 : vector<16xi32>
    %select_n3A_1657 = arith.select %eq3A_1656, %all_reduce_population_count3A_1653, %broadcast_in_dim3A_3 : vector<16xi1>, vector<16xi32>
    %add3A_1658 = arith.addi %add3A_1642, %select_n3A_1657 : vector<16xi32>
    %eq3A_1659 = arith.constant 2 : i32
    %eq3A_1660 = vector.broadcast %eq3A_1659 : i32 to vector<16xi32>
    %eq3A_1661 = arith.cmpi eq, %get3A_1625, %eq3A_1660 : vector<16xi32>
    %select_n3A_1662 = arith.select %eq3A_1661, %broadcast_in_dim3A_5, %broadcast_in_dim3A_3 : vector<16xi1>, vector<16xi32>
    %broadcast_in_dim3A_1663 = arith.constant true
    %broadcast_in_dim3A_1664 = vector.broadcast %broadcast_in_dim3A_1663 : i1 to vector<16xi1>
    %masked_cumsum3A_1665 = tpu.scan <sum>, %select_n3A_1662 masked %broadcast_in_dim3A_1664 : vector<16xi32>, vector<16xi1> -> vector<16xi32>
    %add3A_1666 = arith.addi %gather3A_1626, %masked_cumsum3A_1665 : vector<16xi32>
    %sub3A_1667 = arith.subi %add3A_1666, %broadcast_in_dim3A_5 : vector<16xi32>
    %select_n3A_1668 = arith.select %eq3A_1661, %sub3A_1667, %select_n3A_1652 : vector<16xi1>, vector<16xi32>
    %all_reduce_population_count3A_1669 = tpu.all_reduce %eq3A_1661 {dim = 0 : i64, kind = #tpu.reduction_kind<sum>} : vector<16xi1> -> vector<16xi32>
    %eq3A_1670 = arith.constant 2 : i32
    %eq3A_1671 = vector.broadcast %eq3A_1670 : i32 to vector<16xi32>
    %eq3A_1672 = arith.cmpi eq, %iota3A, %eq3A_1671 : vector<16xi32>
    %select_n3A_1673 = arith.select %eq3A_1672, %all_reduce_population_count3A_1669, %broadcast_in_dim3A_3 : vector<16xi1>, vector<16xi32>
    %add3A_1674 = arith.addi %add3A_1658, %select_n3A_1673 : vector<16xi32>
    %eq3A_1675 = arith.constant 3 : i32
    %eq3A_1676 = vector.broadcast %eq3A_1675 : i32 to vector<16xi32>
    %eq3A_1677 = arith.cmpi eq, %get3A_1625, %eq3A_1676 : vector<16xi32>
    %select_n3A_1678 = arith.select %eq3A_1677, %broadcast_in_dim3A_5, %broadcast_in_dim3A_3 : vector<16xi1>, vector<16xi32>
    %broadcast_in_dim3A_1679 = arith.constant true
    %broadcast_in_dim3A_1680 = vector.broadcast %broadcast_in_dim3A_1679 : i1 to vector<16xi1>
    %masked_cumsum3A_1681 = tpu.scan <sum>, %select_n3A_1678 masked %broadcast_in_dim3A_1680 : vector<16xi32>, vector<16xi1> -> vector<16xi32>
    %add3A_1682 = arith.addi %gather3A_1626, %masked_cumsum3A_1681 : vector<16xi32>
    %sub3A_1683 = arith.subi %add3A_1682, %broadcast_in_dim3A_5 : vector<16xi32>
    %select_n3A_1684 = arith.select %eq3A_1677, %sub3A_1683, %select_n3A_1668 : vector<16xi1>, vector<16xi32>
    %all_reduce_population_count3A_1685 = tpu.all_reduce %eq3A_1677 {dim = 0 : i64, kind = #tpu.reduction_kind<sum>} : vector<16xi1> -> vector<16xi32>
    %eq3A_1686 = arith.constant 3 : i32
    %eq3A_1687 = vector.broadcast %eq3A_1686 : i32 to vector<16xi32>
    %eq3A_1688 = arith.cmpi eq, %iota3A, %eq3A_1687 : vector<16xi32>
    %select_n3A_1689 = arith.select %eq3A_1688, %all_reduce_population_count3A_1685, %broadcast_in_dim3A_3 : vector<16xi1>, vector<16xi32>
    %add3A_1690 = arith.addi %add3A_1674, %select_n3A_1689 : vector<16xi32>
    %eq3A_1691 = arith.constant 4 : i32
    %eq3A_1692 = vector.broadcast %eq3A_1691 : i32 to vector<16xi32>
    %eq3A_1693 = arith.cmpi eq, %get3A_1625, %eq3A_1692 : vector<16xi32>
    %select_n3A_1694 = arith.select %eq3A_1693, %broadcast_in_dim3A_5, %broadcast_in_dim3A_3 : vector<16xi1>, vector<16xi32>
    %broadcast_in_dim3A_1695 = arith.constant true
    %broadcast_in_dim3A_1696 = vector.broadcast %broadcast_in_dim3A_1695 : i1 to vector<16xi1>
    %masked_cumsum3A_1697 = tpu.scan <sum>, %select_n3A_1694 masked %broadcast_in_dim3A_1696 : vector<16xi32>, vector<16xi1> -> vector<16xi32>
    %add3A_1698 = arith.addi %gather3A_1626, %masked_cumsum3A_1697 : vector<16xi32>
    %sub3A_1699 = arith.subi %add3A_1698, %broadcast_in_dim3A_5 : vector<16xi32>
    %select_n3A_1700 = arith.select %eq3A_1693, %sub3A_1699, %select_n3A_1684 : vector<16xi1>, vector<16xi32>
    %all_reduce_population_count3A_1701 = tpu.all_reduce %eq3A_1693 {dim = 0 : i64, kind = #tpu.reduction_kind<sum>} : vector<16xi1> -> vector<16xi32>
    %eq3A_1702 = arith.constant 4 : i32
    %eq3A_1703 = vector.broadcast %eq3A_1702 : i32 to vector<16xi32>
    %eq3A_1704 = arith.cmpi eq, %iota3A, %eq3A_1703 : vector<16xi32>
    %select_n3A_1705 = arith.select %eq3A_1704, %all_reduce_population_count3A_1701, %broadcast_in_dim3A_3 : vector<16xi1>, vector<16xi32>
    %add3A_1706 = arith.addi %add3A_1690, %select_n3A_1705 : vector<16xi32>
    %eq3A_1707 = arith.constant 5 : i32
    %eq3A_1708 = vector.broadcast %eq3A_1707 : i32 to vector<16xi32>
    %eq3A_1709 = arith.cmpi eq, %get3A_1625, %eq3A_1708 : vector<16xi32>
    %select_n3A_1710 = arith.select %eq3A_1709, %broadcast_in_dim3A_5, %broadcast_in_dim3A_3 : vector<16xi1>, vector<16xi32>
    %broadcast_in_dim3A_1711 = arith.constant true
    %broadcast_in_dim3A_1712 = vector.broadcast %broadcast_in_dim3A_1711 : i1 to vector<16xi1>
    %masked_cumsum3A_1713 = tpu.scan <sum>, %select_n3A_1710 masked %broadcast_in_dim3A_1712 : vector<16xi32>, vector<16xi1> -> vector<16xi32>
    %add3A_1714 = arith.addi %gather3A_1626, %masked_cumsum3A_1713 : vector<16xi32>
    %sub3A_1715 = arith.subi %add3A_1714, %broadcast_in_dim3A_5 : vector<16xi32>
    %select_n3A_1716 = arith.select %eq3A_1709, %sub3A_1715, %select_n3A_1700 : vector<16xi1>, vector<16xi32>
    %all_reduce_population_count3A_1717 = tpu.all_reduce %eq3A_1709 {dim = 0 : i64, kind = #tpu.reduction_kind<sum>} : vector<16xi1> -> vector<16xi32>
    %eq3A_1718 = arith.constant 5 : i32
    %eq3A_1719 = vector.broadcast %eq3A_1718 : i32 to vector<16xi32>
    %eq3A_1720 = arith.cmpi eq, %iota3A, %eq3A_1719 : vector<16xi32>
    %select_n3A_1721 = arith.select %eq3A_1720, %all_reduce_population_count3A_1717, %broadcast_in_dim3A_3 : vector<16xi1>, vector<16xi32>
    %add3A_1722 = arith.addi %add3A_1706, %select_n3A_1721 : vector<16xi32>
    %eq3A_1723 = arith.constant 6 : i32
    %eq3A_1724 = vector.broadcast %eq3A_1723 : i32 to vector<16xi32>
    %eq3A_1725 = arith.cmpi eq, %get3A_1625, %eq3A_1724 : vector<16xi32>
    %select_n3A_1726 = arith.select %eq3A_1725, %broadcast_in_dim3A_5, %broadcast_in_dim3A_3 : vector<16xi1>, vector<16xi32>
    %broadcast_in_dim3A_1727 = arith.constant true
    %broadcast_in_dim3A_1728 = vector.broadcast %broadcast_in_dim3A_1727 : i1 to vector<16xi1>
    %masked_cumsum3A_1729 = tpu.scan <sum>, %select_n3A_1726 masked %broadcast_in_dim3A_1728 : vector<16xi32>, vector<16xi1> -> vector<16xi32>
    %add3A_1730 = arith.addi %gather3A_1626, %masked_cumsum3A_1729 : vector<16xi32>
    %sub3A_1731 = arith.subi %add3A_1730, %broadcast_in_dim3A_5 : vector<16xi32>
    %select_n3A_1732 = arith.select %eq3A_1725, %sub3A_1731, %select_n3A_1716 : vector<16xi1>, vector<16xi32>
    %all_reduce_population_count3A_1733 = tpu.all_reduce %eq3A_1725 {dim = 0 : i64, kind = #tpu.reduction_kind<sum>} : vector<16xi1> -> vector<16xi32>
    %eq3A_1734 = arith.constant 6 : i32
    %eq3A_1735 = vector.broadcast %eq3A_1734 : i32 to vector<16xi32>
    %eq3A_1736 = arith.cmpi eq, %iota3A, %eq3A_1735 : vector<16xi32>
    %select_n3A_1737 = arith.select %eq3A_1736, %all_reduce_population_count3A_1733, %broadcast_in_dim3A_3 : vector<16xi1>, vector<16xi32>
    %add3A_1738 = arith.addi %add3A_1722, %select_n3A_1737 : vector<16xi32>
    %eq3A_1739 = arith.constant 7 : i32
    %eq3A_1740 = vector.broadcast %eq3A_1739 : i32 to vector<16xi32>
    %eq3A_1741 = arith.cmpi eq, %get3A_1625, %eq3A_1740 : vector<16xi32>
    %select_n3A_1742 = arith.select %eq3A_1741, %broadcast_in_dim3A_5, %broadcast_in_dim3A_3 : vector<16xi1>, vector<16xi32>
    %broadcast_in_dim3A_1743 = arith.constant true
    %broadcast_in_dim3A_1744 = vector.broadcast %broadcast_in_dim3A_1743 : i1 to vector<16xi1>
    %masked_cumsum3A_1745 = tpu.scan <sum>, %select_n3A_1742 masked %broadcast_in_dim3A_1744 : vector<16xi32>, vector<16xi1> -> vector<16xi32>
    %add3A_1746 = arith.addi %gather3A_1626, %masked_cumsum3A_1745 : vector<16xi32>
    %sub3A_1747 = arith.subi %add3A_1746, %broadcast_in_dim3A_5 : vector<16xi32>
    %select_n3A_1748 = arith.select %eq3A_1741, %sub3A_1747, %select_n3A_1732 : vector<16xi1>, vector<16xi32>
    %all_reduce_population_count3A_1749 = tpu.all_reduce %eq3A_1741 {dim = 0 : i64, kind = #tpu.reduction_kind<sum>} : vector<16xi1> -> vector<16xi32>
    %eq3A_1750 = arith.constant 7 : i32
    %eq3A_1751 = vector.broadcast %eq3A_1750 : i32 to vector<16xi32>
    %eq3A_1752 = arith.cmpi eq, %iota3A, %eq3A_1751 : vector<16xi32>
    %select_n3A_1753 = arith.select %eq3A_1752, %all_reduce_population_count3A_1749, %broadcast_in_dim3A_3 : vector<16xi1>, vector<16xi32>
    %add3A_1754 = arith.addi %add3A_1738, %select_n3A_1753 : vector<16xi32>
    %get3A_1755 = arith.constant 0 : index
    %get3A_1756 = tpu.vector_load %arg18[%get3A_1755] {strides = array<i32>} : memref<16xi32, #tpu.memory_space<vmem>>, vector<16xi32>,
    %add3A_1757 = arith.addi %get3A_1756, %add3A_1754 : vector<16xi32>
    %swap3A_1758 = arith.constant 0 : index
    %swap3A_1759 = tpu.vector_load %arg18[%swap3A_1758] {strides = array<i32>} : memref<16xi32, #tpu.memory_space<vmem>>, vector<16xi32>,
    tpu.vector_store %arg18[%swap3A_1758], %add3A_1757 {strides = array<i32>} : memref<16xi32, #tpu.memory_space<vmem>>, vector<16xi32>,
    %swap3A_1760 = arith.constant 4 : i32
    %swap3A_1761 = arith.index_cast %swap3A_1760 : i32 to index
    %swap3A_1762 = arith.constant 16 : index
    %swap3A_1763 = tpu.vector_load %arg11[%swap3A_1761, %swap3A_1762] {strides = array<i32>} : memref<8x32xi32, #tpu.memory_space<vmem>>, vector<16xi32>,
    tpu.vector_store %arg11[%swap3A_1761, %swap3A_1762], %select_n3A_1748 {strides = array<i32>} : memref<8x32xi32, #tpu.memory_space<vmem>>, vector<16xi32>,
    %get3A_1764 = arith.constant 160 : index
    %get3A_1765 = tpu.vector_load %arg8[%get3A_1764] {strides = array<i32>} : memref<256xi32, #tpu.memory_space<vmem>>, vector<16xi32>,
    %gather3A_1766 = tpu.vector_load_idx %arg18[%get3A_1765] : memref<16xi32, #tpu.memory_space<vmem>>[vector<16xi32>], vector<16xi32>,
    %eq3A_1767 = arith.constant 0 : i32
    %eq3A_1768 = vector.broadcast %eq3A_1767 : i32 to vector<16xi32>
    %eq3A_1769 = arith.cmpi eq, %get3A_1765, %eq3A_1768 : vector<16xi32>
    %select_n3A_1770 = arith.select %eq3A_1769, %broadcast_in_dim3A_5, %broadcast_in_dim3A_3 : vector<16xi1>, vector<16xi32>
    %broadcast_in_dim3A_1771 = arith.constant true
    %broadcast_in_dim3A_1772 = vector.broadcast %broadcast_in_dim3A_1771 : i1 to vector<16xi1>
    %masked_cumsum3A_1773 = tpu.scan <sum>, %select_n3A_1770 masked %broadcast_in_dim3A_1772 : vector<16xi32>, vector<16xi1> -> vector<16xi32>
    %add3A_1774 = arith.addi %gather3A_1766, %masked_cumsum3A_1773 : vector<16xi32>
    %sub3A_1775 = arith.subi %add3A_1774, %broadcast_in_dim3A_5 : vector<16xi32>
    %select_n3A_1776 = arith.select %eq3A_1769, %sub3A_1775, %broadcast_in_dim3A_3 : vector<16xi1>, vector<16xi32>
    %all_reduce_population_count3A_1777 = tpu.all_reduce %eq3A_1769 {dim = 0 : i64, kind = #tpu.reduction_kind<sum>} : vector<16xi1> -> vector<16xi32>
    %eq3A_1778 = arith.constant 0 : i32
    %eq3A_1779 = vector.broadcast %eq3A_1778 : i32 to vector<16xi32>
    %eq3A_1780 = arith.cmpi eq, %iota3A, %eq3A_1779 : vector<16xi32>
    %select_n3A_1781 = arith.select %eq3A_1780, %all_reduce_population_count3A_1777, %broadcast_in_dim3A_3 : vector<16xi1>, vector<16xi32>
    %add3A_1782 = arith.addi %broadcast_in_dim3A_3, %select_n3A_1781 : vector<16xi32>
    %eq3A_1783 = arith.constant 1 : i32
    %eq3A_1784 = vector.broadcast %eq3A_1783 : i32 to vector<16xi32>
    %eq3A_1785 = arith.cmpi eq, %get3A_1765, %eq3A_1784 : vector<16xi32>
    %select_n3A_1786 = arith.select %eq3A_1785, %broadcast_in_dim3A_5, %broadcast_in_dim3A_3 : vector<16xi1>, vector<16xi32>
    %broadcast_in_dim3A_1787 = arith.constant true
    %broadcast_in_dim3A_1788 = vector.broadcast %broadcast_in_dim3A_1787 : i1 to vector<16xi1>
    %masked_cumsum3A_1789 = tpu.scan <sum>, %select_n3A_1786 masked %broadcast_in_dim3A_1788 : vector<16xi32>, vector<16xi1> -> vector<16xi32>
    %add3A_1790 = arith.addi %gather3A_1766, %masked_cumsum3A_1789 : vector<16xi32>
    %sub3A_1791 = arith.subi %add3A_1790, %broadcast_in_dim3A_5 : vector<16xi32>
    %select_n3A_1792 = arith.select %eq3A_1785, %sub3A_1791, %select_n3A_1776 : vector<16xi1>, vector<16xi32>
    %all_reduce_population_count3A_1793 = tpu.all_reduce %eq3A_1785 {dim = 0 : i64, kind = #tpu.reduction_kind<sum>} : vector<16xi1> -> vector<16xi32>
    %eq3A_1794 = arith.constant 1 : i32
    %eq3A_1795 = vector.broadcast %eq3A_1794 : i32 to vector<16xi32>
    %eq3A_1796 = arith.cmpi eq, %iota3A, %eq3A_1795 : vector<16xi32>
    %select_n3A_1797 = arith.select %eq3A_1796, %all_reduce_population_count3A_1793, %broadcast_in_dim3A_3 : vector<16xi1>, vector<16xi32>
    %add3A_1798 = arith.addi %add3A_1782, %select_n3A_1797 : vector<16xi32>
    %eq3A_1799 = arith.constant 2 : i32
    %eq3A_1800 = vector.broadcast %eq3A_1799 : i32 to vector<16xi32>
    %eq3A_1801 = arith.cmpi eq, %get3A_1765, %eq3A_1800 : vector<16xi32>
    %select_n3A_1802 = arith.select %eq3A_1801, %broadcast_in_dim3A_5, %broadcast_in_dim3A_3 : vector<16xi1>, vector<16xi32>
    %broadcast_in_dim3A_1803 = arith.constant true
    %broadcast_in_dim3A_1804 = vector.broadcast %broadcast_in_dim3A_1803 : i1 to vector<16xi1>
    %masked_cumsum3A_1805 = tpu.scan <sum>, %select_n3A_1802 masked %broadcast_in_dim3A_1804 : vector<16xi32>, vector<16xi1> -> vector<16xi32>
    %add3A_1806 = arith.addi %gather3A_1766, %masked_cumsum3A_1805 : vector<16xi32>
    %sub3A_1807 = arith.subi %add3A_1806, %broadcast_in_dim3A_5 : vector<16xi32>
    %select_n3A_1808 = arith.select %eq3A_1801, %sub3A_1807, %select_n3A_1792 : vector<16xi1>, vector<16xi32>
    %all_reduce_population_count3A_1809 = tpu.all_reduce %eq3A_1801 {dim = 0 : i64, kind = #tpu.reduction_kind<sum>} : vector<16xi1> -> vector<16xi32>
    %eq3A_1810 = arith.constant 2 : i32
    %eq3A_1811 = vector.broadcast %eq3A_1810 : i32 to vector<16xi32>
    %eq3A_1812 = arith.cmpi eq, %iota3A, %eq3A_1811 : vector<16xi32>
    %select_n3A_1813 = arith.select %eq3A_1812, %all_reduce_population_count3A_1809, %broadcast_in_dim3A_3 : vector<16xi1>, vector<16xi32>
    %add3A_1814 = arith.addi %add3A_1798, %select_n3A_1813 : vector<16xi32>
    %eq3A_1815 = arith.constant 3 : i32
    %eq3A_1816 = vector.broadcast %eq3A_1815 : i32 to vector<16xi32>
    %eq3A_1817 = arith.cmpi eq, %get3A_1765, %eq3A_1816 : vector<16xi32>
    %select_n3A_1818 = arith.select %eq3A_1817, %broadcast_in_dim3A_5, %broadcast_in_dim3A_3 : vector<16xi1>, vector<16xi32>
    %broadcast_in_dim3A_1819 = arith.constant true
    %broadcast_in_dim3A_1820 = vector.broadcast %broadcast_in_dim3A_1819 : i1 to vector<16xi1>
    %masked_cumsum3A_1821 = tpu.scan <sum>, %select_n3A_1818 masked %broadcast_in_dim3A_1820 : vector<16xi32>, vector<16xi1> -> vector<16xi32>
    %add3A_1822 = arith.addi %gather3A_1766, %masked_cumsum3A_1821 : vector<16xi32>
    %sub3A_1823 = arith.subi %add3A_1822, %broadcast_in_dim3A_5 : vector<16xi32>
    %select_n3A_1824 = arith.select %eq3A_1817, %sub3A_1823, %select_n3A_1808 : vector<16xi1>, vector<16xi32>
    %all_reduce_population_count3A_1825 = tpu.all_reduce %eq3A_1817 {dim = 0 : i64, kind = #tpu.reduction_kind<sum>} : vector<16xi1> -> vector<16xi32>
    %eq3A_1826 = arith.constant 3 : i32
    %eq3A_1827 = vector.broadcast %eq3A_1826 : i32 to vector<16xi32>
    %eq3A_1828 = arith.cmpi eq, %iota3A, %eq3A_1827 : vector<16xi32>
    %select_n3A_1829 = arith.select %eq3A_1828, %all_reduce_population_count3A_1825, %broadcast_in_dim3A_3 : vector<16xi1>, vector<16xi32>
    %add3A_1830 = arith.addi %add3A_1814, %select_n3A_1829 : vector<16xi32>
    %eq3A_1831 = arith.constant 4 : i32
    %eq3A_1832 = vector.broadcast %eq3A_1831 : i32 to vector<16xi32>
    %eq3A_1833 = arith.cmpi eq, %get3A_1765, %eq3A_1832 : vector<16xi32>
    %select_n3A_1834 = arith.select %eq3A_1833, %broadcast_in_dim3A_5, %broadcast_in_dim3A_3 : vector<16xi1>, vector<16xi32>
    %broadcast_in_dim3A_1835 = arith.constant true
    %broadcast_in_dim3A_1836 = vector.broadcast %broadcast_in_dim3A_1835 : i1 to vector<16xi1>
    %masked_cumsum3A_1837 = tpu.scan <sum>, %select_n3A_1834 masked %broadcast_in_dim3A_1836 : vector<16xi32>, vector<16xi1> -> vector<16xi32>
    %add3A_1838 = arith.addi %gather3A_1766, %masked_cumsum3A_1837 : vector<16xi32>
    %sub3A_1839 = arith.subi %add3A_1838, %broadcast_in_dim3A_5 : vector<16xi32>
    %select_n3A_1840 = arith.select %eq3A_1833, %sub3A_1839, %select_n3A_1824 : vector<16xi1>, vector<16xi32>
    %all_reduce_population_count3A_1841 = tpu.all_reduce %eq3A_1833 {dim = 0 : i64, kind = #tpu.reduction_kind<sum>} : vector<16xi1> -> vector<16xi32>
    %eq3A_1842 = arith.constant 4 : i32
    %eq3A_1843 = vector.broadcast %eq3A_1842 : i32 to vector<16xi32>
    %eq3A_1844 = arith.cmpi eq, %iota3A, %eq3A_1843 : vector<16xi32>
    %select_n3A_1845 = arith.select %eq3A_1844, %all_reduce_population_count3A_1841, %broadcast_in_dim3A_3 : vector<16xi1>, vector<16xi32>
    %add3A_1846 = arith.addi %add3A_1830, %select_n3A_1845 : vector<16xi32>
    %eq3A_1847 = arith.constant 5 : i32
    %eq3A_1848 = vector.broadcast %eq3A_1847 : i32 to vector<16xi32>
    %eq3A_1849 = arith.cmpi eq, %get3A_1765, %eq3A_1848 : vector<16xi32>
    %select_n3A_1850 = arith.select %eq3A_1849, %broadcast_in_dim3A_5, %broadcast_in_dim3A_3 : vector<16xi1>, vector<16xi32>
    %broadcast_in_dim3A_1851 = arith.constant true
    %broadcast_in_dim3A_1852 = vector.broadcast %broadcast_in_dim3A_1851 : i1 to vector<16xi1>
    %masked_cumsum3A_1853 = tpu.scan <sum>, %select_n3A_1850 masked %broadcast_in_dim3A_1852 : vector<16xi32>, vector<16xi1> -> vector<16xi32>
    %add3A_1854 = arith.addi %gather3A_1766, %masked_cumsum3A_1853 : vector<16xi32>
    %sub3A_1855 = arith.subi %add3A_1854, %broadcast_in_dim3A_5 : vector<16xi32>
    %select_n3A_1856 = arith.select %eq3A_1849, %sub3A_1855, %select_n3A_1840 : vector<16xi1>, vector<16xi32>
    %all_reduce_population_count3A_1857 = tpu.all_reduce %eq3A_1849 {dim = 0 : i64, kind = #tpu.reduction_kind<sum>} : vector<16xi1> -> vector<16xi32>
    %eq3A_1858 = arith.constant 5 : i32
    %eq3A_1859 = vector.broadcast %eq3A_1858 : i32 to vector<16xi32>
    %eq3A_1860 = arith.cmpi eq, %iota3A, %eq3A_1859 : vector<16xi32>
    %select_n3A_1861 = arith.select %eq3A_1860, %all_reduce_population_count3A_1857, %broadcast_in_dim3A_3 : vector<16xi1>, vector<16xi32>
    %add3A_1862 = arith.addi %add3A_1846, %select_n3A_1861 : vector<16xi32>
    %eq3A_1863 = arith.constant 6 : i32
    %eq3A_1864 = vector.broadcast %eq3A_1863 : i32 to vector<16xi32>
    %eq3A_1865 = arith.cmpi eq, %get3A_1765, %eq3A_1864 : vector<16xi32>
    %select_n3A_1866 = arith.select %eq3A_1865, %broadcast_in_dim3A_5, %broadcast_in_dim3A_3 : vector<16xi1>, vector<16xi32>
    %broadcast_in_dim3A_1867 = arith.constant true
    %broadcast_in_dim3A_1868 = vector.broadcast %broadcast_in_dim3A_1867 : i1 to vector<16xi1>
    %masked_cumsum3A_1869 = tpu.scan <sum>, %select_n3A_1866 masked %broadcast_in_dim3A_1868 : vector<16xi32>, vector<16xi1> -> vector<16xi32>
    %add3A_1870 = arith.addi %gather3A_1766, %masked_cumsum3A_1869 : vector<16xi32>
    %sub3A_1871 = arith.subi %add3A_1870, %broadcast_in_dim3A_5 : vector<16xi32>
    %select_n3A_1872 = arith.select %eq3A_1865, %sub3A_1871, %select_n3A_1856 : vector<16xi1>, vector<16xi32>
    %all_reduce_population_count3A_1873 = tpu.all_reduce %eq3A_1865 {dim = 0 : i64, kind = #tpu.reduction_kind<sum>} : vector<16xi1> -> vector<16xi32>
    %eq3A_1874 = arith.constant 6 : i32
    %eq3A_1875 = vector.broadcast %eq3A_1874 : i32 to vector<16xi32>
    %eq3A_1876 = arith.cmpi eq, %iota3A, %eq3A_1875 : vector<16xi32>
    %select_n3A_1877 = arith.select %eq3A_1876, %all_reduce_population_count3A_1873, %broadcast_in_dim3A_3 : vector<16xi1>, vector<16xi32>
    %add3A_1878 = arith.addi %add3A_1862, %select_n3A_1877 : vector<16xi32>
    %eq3A_1879 = arith.constant 7 : i32
    %eq3A_1880 = vector.broadcast %eq3A_1879 : i32 to vector<16xi32>
    %eq3A_1881 = arith.cmpi eq, %get3A_1765, %eq3A_1880 : vector<16xi32>
    %select_n3A_1882 = arith.select %eq3A_1881, %broadcast_in_dim3A_5, %broadcast_in_dim3A_3 : vector<16xi1>, vector<16xi32>
    %broadcast_in_dim3A_1883 = arith.constant true
    %broadcast_in_dim3A_1884 = vector.broadcast %broadcast_in_dim3A_1883 : i1 to vector<16xi1>
    %masked_cumsum3A_1885 = tpu.scan <sum>, %select_n3A_1882 masked %broadcast_in_dim3A_1884 : vector<16xi32>, vector<16xi1> -> vector<16xi32>
    %add3A_1886 = arith.addi %gather3A_1766, %masked_cumsum3A_1885 : vector<16xi32>
    %sub3A_1887 = arith.subi %add3A_1886, %broadcast_in_dim3A_5 : vector<16xi32>
    %select_n3A_1888 = arith.select %eq3A_1881, %sub3A_1887, %select_n3A_1872 : vector<16xi1>, vector<16xi32>
    %all_reduce_population_count3A_1889 = tpu.all_reduce %eq3A_1881 {dim = 0 : i64, kind = #tpu.reduction_kind<sum>} : vector<16xi1> -> vector<16xi32>
    %eq3A_1890 = arith.constant 7 : i32
    %eq3A_1891 = vector.broadcast %eq3A_1890 : i32 to vector<16xi32>
    %eq3A_1892 = arith.cmpi eq, %iota3A, %eq3A_1891 : vector<16xi32>
    %select_n3A_1893 = arith.select %eq3A_1892, %all_reduce_population_count3A_1889, %broadcast_in_dim3A_3 : vector<16xi1>, vector<16xi32>
    %add3A_1894 = arith.addi %add3A_1878, %select_n3A_1893 : vector<16xi32>
    %get3A_1895 = arith.constant 0 : index
    %get3A_1896 = tpu.vector_load %arg18[%get3A_1895] {strides = array<i32>} : memref<16xi32, #tpu.memory_space<vmem>>, vector<16xi32>,
    %add3A_1897 = arith.addi %get3A_1896, %add3A_1894 : vector<16xi32>
    %swap3A_1898 = arith.constant 0 : index
    %swap3A_1899 = tpu.vector_load %arg18[%swap3A_1898] {strides = array<i32>} : memref<16xi32, #tpu.memory_space<vmem>>, vector<16xi32>,
    tpu.vector_store %arg18[%swap3A_1898], %add3A_1897 {strides = array<i32>} : memref<16xi32, #tpu.memory_space<vmem>>, vector<16xi32>,
    %swap3A_1900 = arith.constant 5 : i32
    %swap3A_1901 = arith.index_cast %swap3A_1900 : i32 to index
    %swap3A_1902 = arith.constant 0 : index
    %swap3A_1903 = tpu.vector_load %arg11[%swap3A_1901, %swap3A_1902] {strides = array<i32>} : memref<8x32xi32, #tpu.memory_space<vmem>>, vector<16xi32>,
    tpu.vector_store %arg11[%swap3A_1901, %swap3A_1902], %select_n3A_1888 {strides = array<i32>} : memref<8x32xi32, #tpu.memory_space<vmem>>, vector<16xi32>,
    %get3A_1904 = arith.constant 176 : index
    %get3A_1905 = tpu.vector_load %arg8[%get3A_1904] {strides = array<i32>} : memref<256xi32, #tpu.memory_space<vmem>>, vector<16xi32>,
    %gather3A_1906 = tpu.vector_load_idx %arg18[%get3A_1905] : memref<16xi32, #tpu.memory_space<vmem>>[vector<16xi32>], vector<16xi32>,
    %eq3A_1907 = arith.constant 0 : i32
    %eq3A_1908 = vector.broadcast %eq3A_1907 : i32 to vector<16xi32>
    %eq3A_1909 = arith.cmpi eq, %get3A_1905, %eq3A_1908 : vector<16xi32>
    %select_n3A_1910 = arith.select %eq3A_1909, %broadcast_in_dim3A_5, %broadcast_in_dim3A_3 : vector<16xi1>, vector<16xi32>
    %broadcast_in_dim3A_1911 = arith.constant true
    %broadcast_in_dim3A_1912 = vector.broadcast %broadcast_in_dim3A_1911 : i1 to vector<16xi1>
    %masked_cumsum3A_1913 = tpu.scan <sum>, %select_n3A_1910 masked %broadcast_in_dim3A_1912 : vector<16xi32>, vector<16xi1> -> vector<16xi32>
    %add3A_1914 = arith.addi %gather3A_1906, %masked_cumsum3A_1913 : vector<16xi32>
    %sub3A_1915 = arith.subi %add3A_1914, %broadcast_in_dim3A_5 : vector<16xi32>
    %select_n3A_1916 = arith.select %eq3A_1909, %sub3A_1915, %broadcast_in_dim3A_3 : vector<16xi1>, vector<16xi32>
    %all_reduce_population_count3A_1917 = tpu.all_reduce %eq3A_1909 {dim = 0 : i64, kind = #tpu.reduction_kind<sum>} : vector<16xi1> -> vector<16xi32>
    %eq3A_1918 = arith.constant 0 : i32
    %eq3A_1919 = vector.broadcast %eq3A_1918 : i32 to vector<16xi32>
    %eq3A_1920 = arith.cmpi eq, %iota3A, %eq3A_1919 : vector<16xi32>
    %select_n3A_1921 = arith.select %eq3A_1920, %all_reduce_population_count3A_1917, %broadcast_in_dim3A_3 : vector<16xi1>, vector<16xi32>
    %add3A_1922 = arith.addi %broadcast_in_dim3A_3, %select_n3A_1921 : vector<16xi32>
    %eq3A_1923 = arith.constant 1 : i32
    %eq3A_1924 = vector.broadcast %eq3A_1923 : i32 to vector<16xi32>
    %eq3A_1925 = arith.cmpi eq, %get3A_1905, %eq3A_1924 : vector<16xi32>
    %select_n3A_1926 = arith.select %eq3A_1925, %broadcast_in_dim3A_5, %broadcast_in_dim3A_3 : vector<16xi1>, vector<16xi32>
    %broadcast_in_dim3A_1927 = arith.constant true
    %broadcast_in_dim3A_1928 = vector.broadcast %broadcast_in_dim3A_1927 : i1 to vector<16xi1>
    %masked_cumsum3A_1929 = tpu.scan <sum>, %select_n3A_1926 masked %broadcast_in_dim3A_1928 : vector<16xi32>, vector<16xi1> -> vector<16xi32>
    %add3A_1930 = arith.addi %gather3A_1906, %masked_cumsum3A_1929 : vector<16xi32>
    %sub3A_1931 = arith.subi %add3A_1930, %broadcast_in_dim3A_5 : vector<16xi32>
    %select_n3A_1932 = arith.select %eq3A_1925, %sub3A_1931, %select_n3A_1916 : vector<16xi1>, vector<16xi32>
    %all_reduce_population_count3A_1933 = tpu.all_reduce %eq3A_1925 {dim = 0 : i64, kind = #tpu.reduction_kind<sum>} : vector<16xi1> -> vector<16xi32>
    %eq3A_1934 = arith.constant 1 : i32
    %eq3A_1935 = vector.broadcast %eq3A_1934 : i32 to vector<16xi32>
    %eq3A_1936 = arith.cmpi eq, %iota3A, %eq3A_1935 : vector<16xi32>
    %select_n3A_1937 = arith.select %eq3A_1936, %all_reduce_population_count3A_1933, %broadcast_in_dim3A_3 : vector<16xi1>, vector<16xi32>
    %add3A_1938 = arith.addi %add3A_1922, %select_n3A_1937 : vector<16xi32>
    %eq3A_1939 = arith.constant 2 : i32
    %eq3A_1940 = vector.broadcast %eq3A_1939 : i32 to vector<16xi32>
    %eq3A_1941 = arith.cmpi eq, %get3A_1905, %eq3A_1940 : vector<16xi32>
    %select_n3A_1942 = arith.select %eq3A_1941, %broadcast_in_dim3A_5, %broadcast_in_dim3A_3 : vector<16xi1>, vector<16xi32>
    %broadcast_in_dim3A_1943 = arith.constant true
    %broadcast_in_dim3A_1944 = vector.broadcast %broadcast_in_dim3A_1943 : i1 to vector<16xi1>
    %masked_cumsum3A_1945 = tpu.scan <sum>, %select_n3A_1942 masked %broadcast_in_dim3A_1944 : vector<16xi32>, vector<16xi1> -> vector<16xi32>
    %add3A_1946 = arith.addi %gather3A_1906, %masked_cumsum3A_1945 : vector<16xi32>
    %sub3A_1947 = arith.subi %add3A_1946, %broadcast_in_dim3A_5 : vector<16xi32>
    %select_n3A_1948 = arith.select %eq3A_1941, %sub3A_1947, %select_n3A_1932 : vector<16xi1>, vector<16xi32>
    %all_reduce_population_count3A_1949 = tpu.all_reduce %eq3A_1941 {dim = 0 : i64, kind = #tpu.reduction_kind<sum>} : vector<16xi1> -> vector<16xi32>
    %eq3A_1950 = arith.constant 2 : i32
    %eq3A_1951 = vector.broadcast %eq3A_1950 : i32 to vector<16xi32>
    %eq3A_1952 = arith.cmpi eq, %iota3A, %eq3A_1951 : vector<16xi32>
    %select_n3A_1953 = arith.select %eq3A_1952, %all_reduce_population_count3A_1949, %broadcast_in_dim3A_3 : vector<16xi1>, vector<16xi32>
    %add3A_1954 = arith.addi %add3A_1938, %select_n3A_1953 : vector<16xi32>
    %eq3A_1955 = arith.constant 3 : i32
    %eq3A_1956 = vector.broadcast %eq3A_1955 : i32 to vector<16xi32>
    %eq3A_1957 = arith.cmpi eq, %get3A_1905, %eq3A_1956 : vector<16xi32>
    %select_n3A_1958 = arith.select %eq3A_1957, %broadcast_in_dim3A_5, %broadcast_in_dim3A_3 : vector<16xi1>, vector<16xi32>
    %broadcast_in_dim3A_1959 = arith.constant true
    %broadcast_in_dim3A_1960 = vector.broadcast %broadcast_in_dim3A_1959 : i1 to vector<16xi1>
    %masked_cumsum3A_1961 = tpu.scan <sum>, %select_n3A_1958 masked %broadcast_in_dim3A_1960 : vector<16xi32>, vector<16xi1> -> vector<16xi32>
    %add3A_1962 = arith.addi %gather3A_1906, %masked_cumsum3A_1961 : vector<16xi32>
    %sub3A_1963 = arith.subi %add3A_1962, %broadcast_in_dim3A_5 : vector<16xi32>
    %select_n3A_1964 = arith.select %eq3A_1957, %sub3A_1963, %select_n3A_1948 : vector<16xi1>, vector<16xi32>
    %all_reduce_population_count3A_1965 = tpu.all_reduce %eq3A_1957 {dim = 0 : i64, kind = #tpu.reduction_kind<sum>} : vector<16xi1> -> vector<16xi32>
    %eq3A_1966 = arith.constant 3 : i32
    %eq3A_1967 = vector.broadcast %eq3A_1966 : i32 to vector<16xi32>
    %eq3A_1968 = arith.cmpi eq, %iota3A, %eq3A_1967 : vector<16xi32>
    %select_n3A_1969 = arith.select %eq3A_1968, %all_reduce_population_count3A_1965, %broadcast_in_dim3A_3 : vector<16xi1>, vector<16xi32>
    %add3A_1970 = arith.addi %add3A_1954, %select_n3A_1969 : vector<16xi32>
    %eq3A_1971 = arith.constant 4 : i32
    %eq3A_1972 = vector.broadcast %eq3A_1971 : i32 to vector<16xi32>
    %eq3A_1973 = arith.cmpi eq, %get3A_1905, %eq3A_1972 : vector<16xi32>
    %select_n3A_1974 = arith.select %eq3A_1973, %broadcast_in_dim3A_5, %broadcast_in_dim3A_3 : vector<16xi1>, vector<16xi32>
    %broadcast_in_dim3A_1975 = arith.constant true
    %broadcast_in_dim3A_1976 = vector.broadcast %broadcast_in_dim3A_1975 : i1 to vector<16xi1>
    %masked_cumsum3A_1977 = tpu.scan <sum>, %select_n3A_1974 masked %broadcast_in_dim3A_1976 : vector<16xi32>, vector<16xi1> -> vector<16xi32>
    %add3A_1978 = arith.addi %gather3A_1906, %masked_cumsum3A_1977 : vector<16xi32>
    %sub3A_1979 = arith.subi %add3A_1978, %broadcast_in_dim3A_5 : vector<16xi32>
    %select_n3A_1980 = arith.select %eq3A_1973, %sub3A_1979, %select_n3A_1964 : vector<16xi1>, vector<16xi32>
    %all_reduce_population_count3A_1981 = tpu.all_reduce %eq3A_1973 {dim = 0 : i64, kind = #tpu.reduction_kind<sum>} : vector<16xi1> -> vector<16xi32>
    %eq3A_1982 = arith.constant 4 : i32
    %eq3A_1983 = vector.broadcast %eq3A_1982 : i32 to vector<16xi32>
    %eq3A_1984 = arith.cmpi eq, %iota3A, %eq3A_1983 : vector<16xi32>
    %select_n3A_1985 = arith.select %eq3A_1984, %all_reduce_population_count3A_1981, %broadcast_in_dim3A_3 : vector<16xi1>, vector<16xi32>
    %add3A_1986 = arith.addi %add3A_1970, %select_n3A_1985 : vector<16xi32>
    %eq3A_1987 = arith.constant 5 : i32
    %eq3A_1988 = vector.broadcast %eq3A_1987 : i32 to vector<16xi32>
    %eq3A_1989 = arith.cmpi eq, %get3A_1905, %eq3A_1988 : vector<16xi32>
    %select_n3A_1990 = arith.select %eq3A_1989, %broadcast_in_dim3A_5, %broadcast_in_dim3A_3 : vector<16xi1>, vector<16xi32>
    %broadcast_in_dim3A_1991 = arith.constant true
    %broadcast_in_dim3A_1992 = vector.broadcast %broadcast_in_dim3A_1991 : i1 to vector<16xi1>
    %masked_cumsum3A_1993 = tpu.scan <sum>, %select_n3A_1990 masked %broadcast_in_dim3A_1992 : vector<16xi32>, vector<16xi1> -> vector<16xi32>
    %add3A_1994 = arith.addi %gather3A_1906, %masked_cumsum3A_1993 : vector<16xi32>
    %sub3A_1995 = arith.subi %add3A_1994, %broadcast_in_dim3A_5 : vector<16xi32>
    %select_n3A_1996 = arith.select %eq3A_1989, %sub3A_1995, %select_n3A_1980 : vector<16xi1>, vector<16xi32>
    %all_reduce_population_count3A_1997 = tpu.all_reduce %eq3A_1989 {dim = 0 : i64, kind = #tpu.reduction_kind<sum>} : vector<16xi1> -> vector<16xi32>
    %eq3A_1998 = arith.constant 5 : i32
    %eq3A_1999 = vector.broadcast %eq3A_1998 : i32 to vector<16xi32>
    %eq3A_2000 = arith.cmpi eq, %iota3A, %eq3A_1999 : vector<16xi32>
    %select_n3A_2001 = arith.select %eq3A_2000, %all_reduce_population_count3A_1997, %broadcast_in_dim3A_3 : vector<16xi1>, vector<16xi32>
    %add3A_2002 = arith.addi %add3A_1986, %select_n3A_2001 : vector<16xi32>
    %eq3A_2003 = arith.constant 6 : i32
    %eq3A_2004 = vector.broadcast %eq3A_2003 : i32 to vector<16xi32>
    %eq3A_2005 = arith.cmpi eq, %get3A_1905, %eq3A_2004 : vector<16xi32>
    %select_n3A_2006 = arith.select %eq3A_2005, %broadcast_in_dim3A_5, %broadcast_in_dim3A_3 : vector<16xi1>, vector<16xi32>
    %broadcast_in_dim3A_2007 = arith.constant true
    %broadcast_in_dim3A_2008 = vector.broadcast %broadcast_in_dim3A_2007 : i1 to vector<16xi1>
    %masked_cumsum3A_2009 = tpu.scan <sum>, %select_n3A_2006 masked %broadcast_in_dim3A_2008 : vector<16xi32>, vector<16xi1> -> vector<16xi32>
    %add3A_2010 = arith.addi %gather3A_1906, %masked_cumsum3A_2009 : vector<16xi32>
    %sub3A_2011 = arith.subi %add3A_2010, %broadcast_in_dim3A_5 : vector<16xi32>
    %select_n3A_2012 = arith.select %eq3A_2005, %sub3A_2011, %select_n3A_1996 : vector<16xi1>, vector<16xi32>
    %all_reduce_population_count3A_2013 = tpu.all_reduce %eq3A_2005 {dim = 0 : i64, kind = #tpu.reduction_kind<sum>} : vector<16xi1> -> vector<16xi32>
    %eq3A_2014 = arith.constant 6 : i32
    %eq3A_2015 = vector.broadcast %eq3A_2014 : i32 to vector<16xi32>
    %eq3A_2016 = arith.cmpi eq, %iota3A, %eq3A_2015 : vector<16xi32>
    %select_n3A_2017 = arith.select %eq3A_2016, %all_reduce_population_count3A_2013, %broadcast_in_dim3A_3 : vector<16xi1>, vector<16xi32>
    %add3A_2018 = arith.addi %add3A_2002, %select_n3A_2017 : vector<16xi32>
    %eq3A_2019 = arith.constant 7 : i32
    %eq3A_2020 = vector.broadcast %eq3A_2019 : i32 to vector<16xi32>
    %eq3A_2021 = arith.cmpi eq, %get3A_1905, %eq3A_2020 : vector<16xi32>
    %select_n3A_2022 = arith.select %eq3A_2021, %broadcast_in_dim3A_5, %broadcast_in_dim3A_3 : vector<16xi1>, vector<16xi32>
    %broadcast_in_dim3A_2023 = arith.constant true
    %broadcast_in_dim3A_2024 = vector.broadcast %broadcast_in_dim3A_2023 : i1 to vector<16xi1>
    %masked_cumsum3A_2025 = tpu.scan <sum>, %select_n3A_2022 masked %broadcast_in_dim3A_2024 : vector<16xi32>, vector<16xi1> -> vector<16xi32>
    %add3A_2026 = arith.addi %gather3A_1906, %masked_cumsum3A_2025 : vector<16xi32>
    %sub3A_2027 = arith.subi %add3A_2026, %broadcast_in_dim3A_5 : vector<16xi32>
    %select_n3A_2028 = arith.select %eq3A_2021, %sub3A_2027, %select_n3A_2012 : vector<16xi1>, vector<16xi32>
    %all_reduce_population_count3A_2029 = tpu.all_reduce %eq3A_2021 {dim = 0 : i64, kind = #tpu.reduction_kind<sum>} : vector<16xi1> -> vector<16xi32>
    %eq3A_2030 = arith.constant 7 : i32
    %eq3A_2031 = vector.broadcast %eq3A_2030 : i32 to vector<16xi32>
    %eq3A_2032 = arith.cmpi eq, %iota3A, %eq3A_2031 : vector<16xi32>
    %select_n3A_2033 = arith.select %eq3A_2032, %all_reduce_population_count3A_2029, %broadcast_in_dim3A_3 : vector<16xi1>, vector<16xi32>
    %add3A_2034 = arith.addi %add3A_2018, %select_n3A_2033 : vector<16xi32>
    %get3A_2035 = arith.constant 0 : index
    %get3A_2036 = tpu.vector_load %arg18[%get3A_2035] {strides = array<i32>} : memref<16xi32, #tpu.memory_space<vmem>>, vector<16xi32>,
    %add3A_2037 = arith.addi %get3A_2036, %add3A_2034 : vector<16xi32>
    %swap3A_2038 = arith.constant 0 : index
    %swap3A_2039 = tpu.vector_load %arg18[%swap3A_2038] {strides = array<i32>} : memref<16xi32, #tpu.memory_space<vmem>>, vector<16xi32>,
    tpu.vector_store %arg18[%swap3A_2038], %add3A_2037 {strides = array<i32>} : memref<16xi32, #tpu.memory_space<vmem>>, vector<16xi32>,
    %swap3A_2040 = arith.constant 5 : i32
    %swap3A_2041 = arith.index_cast %swap3A_2040 : i32 to index
    %swap3A_2042 = arith.constant 16 : index
    %swap3A_2043 = tpu.vector_load %arg11[%swap3A_2041, %swap3A_2042] {strides = array<i32>} : memref<8x32xi32, #tpu.memory_space<vmem>>, vector<16xi32>,
    tpu.vector_store %arg11[%swap3A_2041, %swap3A_2042], %select_n3A_2028 {strides = array<i32>} : memref<8x32xi32, #tpu.memory_space<vmem>>, vector<16xi32>,
    %get3A_2044 = arith.constant 192 : index
    %get3A_2045 = tpu.vector_load %arg8[%get3A_2044] {strides = array<i32>} : memref<256xi32, #tpu.memory_space<vmem>>, vector<16xi32>,
    %gather3A_2046 = tpu.vector_load_idx %arg18[%get3A_2045] : memref<16xi32, #tpu.memory_space<vmem>>[vector<16xi32>], vector<16xi32>,
    %eq3A_2047 = arith.constant 0 : i32
    %eq3A_2048 = vector.broadcast %eq3A_2047 : i32 to vector<16xi32>
    %eq3A_2049 = arith.cmpi eq, %get3A_2045, %eq3A_2048 : vector<16xi32>
    %select_n3A_2050 = arith.select %eq3A_2049, %broadcast_in_dim3A_5, %broadcast_in_dim3A_3 : vector<16xi1>, vector<16xi32>
    %broadcast_in_dim3A_2051 = arith.constant true
    %broadcast_in_dim3A_2052 = vector.broadcast %broadcast_in_dim3A_2051 : i1 to vector<16xi1>
    %masked_cumsum3A_2053 = tpu.scan <sum>, %select_n3A_2050 masked %broadcast_in_dim3A_2052 : vector<16xi32>, vector<16xi1> -> vector<16xi32>
    %add3A_2054 = arith.addi %gather3A_2046, %masked_cumsum3A_2053 : vector<16xi32>
    %sub3A_2055 = arith.subi %add3A_2054, %broadcast_in_dim3A_5 : vector<16xi32>
    %select_n3A_2056 = arith.select %eq3A_2049, %sub3A_2055, %broadcast_in_dim3A_3 : vector<16xi1>, vector<16xi32>
    %all_reduce_population_count3A_2057 = tpu.all_reduce %eq3A_2049 {dim = 0 : i64, kind = #tpu.reduction_kind<sum>} : vector<16xi1> -> vector<16xi32>
    %eq3A_2058 = arith.constant 0 : i32
    %eq3A_2059 = vector.broadcast %eq3A_2058 : i32 to vector<16xi32>
    %eq3A_2060 = arith.cmpi eq, %iota3A, %eq3A_2059 : vector<16xi32>
    %select_n3A_2061 = arith.select %eq3A_2060, %all_reduce_population_count3A_2057, %broadcast_in_dim3A_3 : vector<16xi1>, vector<16xi32>
    %add3A_2062 = arith.addi %broadcast_in_dim3A_3, %select_n3A_2061 : vector<16xi32>
    %eq3A_2063 = arith.constant 1 : i32
    %eq3A_2064 = vector.broadcast %eq3A_2063 : i32 to vector<16xi32>
    %eq3A_2065 = arith.cmpi eq, %get3A_2045, %eq3A_2064 : vector<16xi32>
    %select_n3A_2066 = arith.select %eq3A_2065, %broadcast_in_dim3A_5, %broadcast_in_dim3A_3 : vector<16xi1>, vector<16xi32>
    %broadcast_in_dim3A_2067 = arith.constant true
    %broadcast_in_dim3A_2068 = vector.broadcast %broadcast_in_dim3A_2067 : i1 to vector<16xi1>
    %masked_cumsum3A_2069 = tpu.scan <sum>, %select_n3A_2066 masked %broadcast_in_dim3A_2068 : vector<16xi32>, vector<16xi1> -> vector<16xi32>
    %add3A_2070 = arith.addi %gather3A_2046, %masked_cumsum3A_2069 : vector<16xi32>
    %sub3A_2071 = arith.subi %add3A_2070, %broadcast_in_dim3A_5 : vector<16xi32>
    %select_n3A_2072 = arith.select %eq3A_2065, %sub3A_2071, %select_n3A_2056 : vector<16xi1>, vector<16xi32>
    %all_reduce_population_count3A_2073 = tpu.all_reduce %eq3A_2065 {dim = 0 : i64, kind = #tpu.reduction_kind<sum>} : vector<16xi1> -> vector<16xi32>
    %eq3A_2074 = arith.constant 1 : i32
    %eq3A_2075 = vector.broadcast %eq3A_2074 : i32 to vector<16xi32>
    %eq3A_2076 = arith.cmpi eq, %iota3A, %eq3A_2075 : vector<16xi32>
    %select_n3A_2077 = arith.select %eq3A_2076, %all_reduce_population_count3A_2073, %broadcast_in_dim3A_3 : vector<16xi1>, vector<16xi32>
    %add3A_2078 = arith.addi %add3A_2062, %select_n3A_2077 : vector<16xi32>
    %eq3A_2079 = arith.constant 2 : i32
    %eq3A_2080 = vector.broadcast %eq3A_2079 : i32 to vector<16xi32>
    %eq3A_2081 = arith.cmpi eq, %get3A_2045, %eq3A_2080 : vector<16xi32>
    %select_n3A_2082 = arith.select %eq3A_2081, %broadcast_in_dim3A_5, %broadcast_in_dim3A_3 : vector<16xi1>, vector<16xi32>
    %broadcast_in_dim3A_2083 = arith.constant true
    %broadcast_in_dim3A_2084 = vector.broadcast %broadcast_in_dim3A_2083 : i1 to vector<16xi1>
    %masked_cumsum3A_2085 = tpu.scan <sum>, %select_n3A_2082 masked %broadcast_in_dim3A_2084 : vector<16xi32>, vector<16xi1> -> vector<16xi32>
    %add3A_2086 = arith.addi %gather3A_2046, %masked_cumsum3A_2085 : vector<16xi32>
    %sub3A_2087 = arith.subi %add3A_2086, %broadcast_in_dim3A_5 : vector<16xi32>
    %select_n3A_2088 = arith.select %eq3A_2081, %sub3A_2087, %select_n3A_2072 : vector<16xi1>, vector<16xi32>
    %all_reduce_population_count3A_2089 = tpu.all_reduce %eq3A_2081 {dim = 0 : i64, kind = #tpu.reduction_kind<sum>} : vector<16xi1> -> vector<16xi32>
    %eq3A_2090 = arith.constant 2 : i32
    %eq3A_2091 = vector.broadcast %eq3A_2090 : i32 to vector<16xi32>
    %eq3A_2092 = arith.cmpi eq, %iota3A, %eq3A_2091 : vector<16xi32>
    %select_n3A_2093 = arith.select %eq3A_2092, %all_reduce_population_count3A_2089, %broadcast_in_dim3A_3 : vector<16xi1>, vector<16xi32>
    %add3A_2094 = arith.addi %add3A_2078, %select_n3A_2093 : vector<16xi32>
    %eq3A_2095 = arith.constant 3 : i32
    %eq3A_2096 = vector.broadcast %eq3A_2095 : i32 to vector<16xi32>
    %eq3A_2097 = arith.cmpi eq, %get3A_2045, %eq3A_2096 : vector<16xi32>
    %select_n3A_2098 = arith.select %eq3A_2097, %broadcast_in_dim3A_5, %broadcast_in_dim3A_3 : vector<16xi1>, vector<16xi32>
    %broadcast_in_dim3A_2099 = arith.constant true
    %broadcast_in_dim3A_2100 = vector.broadcast %broadcast_in_dim3A_2099 : i1 to vector<16xi1>
    %masked_cumsum3A_2101 = tpu.scan <sum>, %select_n3A_2098 masked %broadcast_in_dim3A_2100 : vector<16xi32>, vector<16xi1> -> vector<16xi32>
    %add3A_2102 = arith.addi %gather3A_2046, %masked_cumsum3A_2101 : vector<16xi32>
    %sub3A_2103 = arith.subi %add3A_2102, %broadcast_in_dim3A_5 : vector<16xi32>
    %select_n3A_2104 = arith.select %eq3A_2097, %sub3A_2103, %select_n3A_2088 : vector<16xi1>, vector<16xi32>
    %all_reduce_population_count3A_2105 = tpu.all_reduce %eq3A_2097 {dim = 0 : i64, kind = #tpu.reduction_kind<sum>} : vector<16xi1> -> vector<16xi32>
    %eq3A_2106 = arith.constant 3 : i32
    %eq3A_2107 = vector.broadcast %eq3A_2106 : i32 to vector<16xi32>
    %eq3A_2108 = arith.cmpi eq, %iota3A, %eq3A_2107 : vector<16xi32>
    %select_n3A_2109 = arith.select %eq3A_2108, %all_reduce_population_count3A_2105, %broadcast_in_dim3A_3 : vector<16xi1>, vector<16xi32>
    %add3A_2110 = arith.addi %add3A_2094, %select_n3A_2109 : vector<16xi32>
    %eq3A_2111 = arith.constant 4 : i32
    %eq3A_2112 = vector.broadcast %eq3A_2111 : i32 to vector<16xi32>
    %eq3A_2113 = arith.cmpi eq, %get3A_2045, %eq3A_2112 : vector<16xi32>
    %select_n3A_2114 = arith.select %eq3A_2113, %broadcast_in_dim3A_5, %broadcast_in_dim3A_3 : vector<16xi1>, vector<16xi32>
    %broadcast_in_dim3A_2115 = arith.constant true
    %broadcast_in_dim3A_2116 = vector.broadcast %broadcast_in_dim3A_2115 : i1 to vector<16xi1>
    %masked_cumsum3A_2117 = tpu.scan <sum>, %select_n3A_2114 masked %broadcast_in_dim3A_2116 : vector<16xi32>, vector<16xi1> -> vector<16xi32>
    %add3A_2118 = arith.addi %gather3A_2046, %masked_cumsum3A_2117 : vector<16xi32>
    %sub3A_2119 = arith.subi %add3A_2118, %broadcast_in_dim3A_5 : vector<16xi32>
    %select_n3A_2120 = arith.select %eq3A_2113, %sub3A_2119, %select_n3A_2104 : vector<16xi1>, vector<16xi32>
    %all_reduce_population_count3A_2121 = tpu.all_reduce %eq3A_2113 {dim = 0 : i64, kind = #tpu.reduction_kind<sum>} : vector<16xi1> -> vector<16xi32>
    %eq3A_2122 = arith.constant 4 : i32
    %eq3A_2123 = vector.broadcast %eq3A_2122 : i32 to vector<16xi32>
    %eq3A_2124 = arith.cmpi eq, %iota3A, %eq3A_2123 : vector<16xi32>
    %select_n3A_2125 = arith.select %eq3A_2124, %all_reduce_population_count3A_2121, %broadcast_in_dim3A_3 : vector<16xi1>, vector<16xi32>
    %add3A_2126 = arith.addi %add3A_2110, %select_n3A_2125 : vector<16xi32>
    %eq3A_2127 = arith.constant 5 : i32
    %eq3A_2128 = vector.broadcast %eq3A_2127 : i32 to vector<16xi32>
    %eq3A_2129 = arith.cmpi eq, %get3A_2045, %eq3A_2128 : vector<16xi32>
    %select_n3A_2130 = arith.select %eq3A_2129, %broadcast_in_dim3A_5, %broadcast_in_dim3A_3 : vector<16xi1>, vector<16xi32>
    %broadcast_in_dim3A_2131 = arith.constant true
    %broadcast_in_dim3A_2132 = vector.broadcast %broadcast_in_dim3A_2131 : i1 to vector<16xi1>
    %masked_cumsum3A_2133 = tpu.scan <sum>, %select_n3A_2130 masked %broadcast_in_dim3A_2132 : vector<16xi32>, vector<16xi1> -> vector<16xi32>
    %add3A_2134 = arith.addi %gather3A_2046, %masked_cumsum3A_2133 : vector<16xi32>
    %sub3A_2135 = arith.subi %add3A_2134, %broadcast_in_dim3A_5 : vector<16xi32>
    %select_n3A_2136 = arith.select %eq3A_2129, %sub3A_2135, %select_n3A_2120 : vector<16xi1>, vector<16xi32>
    %all_reduce_population_count3A_2137 = tpu.all_reduce %eq3A_2129 {dim = 0 : i64, kind = #tpu.reduction_kind<sum>} : vector<16xi1> -> vector<16xi32>
    %eq3A_2138 = arith.constant 5 : i32
    %eq3A_2139 = vector.broadcast %eq3A_2138 : i32 to vector<16xi32>
    %eq3A_2140 = arith.cmpi eq, %iota3A, %eq3A_2139 : vector<16xi32>
    %select_n3A_2141 = arith.select %eq3A_2140, %all_reduce_population_count3A_2137, %broadcast_in_dim3A_3 : vector<16xi1>, vector<16xi32>
    %add3A_2142 = arith.addi %add3A_2126, %select_n3A_2141 : vector<16xi32>
    %eq3A_2143 = arith.constant 6 : i32
    %eq3A_2144 = vector.broadcast %eq3A_2143 : i32 to vector<16xi32>
    %eq3A_2145 = arith.cmpi eq, %get3A_2045, %eq3A_2144 : vector<16xi32>
    %select_n3A_2146 = arith.select %eq3A_2145, %broadcast_in_dim3A_5, %broadcast_in_dim3A_3 : vector<16xi1>, vector<16xi32>
    %broadcast_in_dim3A_2147 = arith.constant true
    %broadcast_in_dim3A_2148 = vector.broadcast %broadcast_in_dim3A_2147 : i1 to vector<16xi1>
    %masked_cumsum3A_2149 = tpu.scan <sum>, %select_n3A_2146 masked %broadcast_in_dim3A_2148 : vector<16xi32>, vector<16xi1> -> vector<16xi32>
    %add3A_2150 = arith.addi %gather3A_2046, %masked_cumsum3A_2149 : vector<16xi32>
    %sub3A_2151 = arith.subi %add3A_2150, %broadcast_in_dim3A_5 : vector<16xi32>
    %select_n3A_2152 = arith.select %eq3A_2145, %sub3A_2151, %select_n3A_2136 : vector<16xi1>, vector<16xi32>
    %all_reduce_population_count3A_2153 = tpu.all_reduce %eq3A_2145 {dim = 0 : i64, kind = #tpu.reduction_kind<sum>} : vector<16xi1> -> vector<16xi32>
    %eq3A_2154 = arith.constant 6 : i32
    %eq3A_2155 = vector.broadcast %eq3A_2154 : i32 to vector<16xi32>
    %eq3A_2156 = arith.cmpi eq, %iota3A, %eq3A_2155 : vector<16xi32>
    %select_n3A_2157 = arith.select %eq3A_2156, %all_reduce_population_count3A_2153, %broadcast_in_dim3A_3 : vector<16xi1>, vector<16xi32>
    %add3A_2158 = arith.addi %add3A_2142, %select_n3A_2157 : vector<16xi32>
    %eq3A_2159 = arith.constant 7 : i32
    %eq3A_2160 = vector.broadcast %eq3A_2159 : i32 to vector<16xi32>
    %eq3A_2161 = arith.cmpi eq, %get3A_2045, %eq3A_2160 : vector<16xi32>
    %select_n3A_2162 = arith.select %eq3A_2161, %broadcast_in_dim3A_5, %broadcast_in_dim3A_3 : vector<16xi1>, vector<16xi32>
    %broadcast_in_dim3A_2163 = arith.constant true
    %broadcast_in_dim3A_2164 = vector.broadcast %broadcast_in_dim3A_2163 : i1 to vector<16xi1>
    %masked_cumsum3A_2165 = tpu.scan <sum>, %select_n3A_2162 masked %broadcast_in_dim3A_2164 : vector<16xi32>, vector<16xi1> -> vector<16xi32>
    %add3A_2166 = arith.addi %gather3A_2046, %masked_cumsum3A_2165 : vector<16xi32>
    %sub3A_2167 = arith.subi %add3A_2166, %broadcast_in_dim3A_5 : vector<16xi32>
    %select_n3A_2168 = arith.select %eq3A_2161, %sub3A_2167, %select_n3A_2152 : vector<16xi1>, vector<16xi32>
    %all_reduce_population_count3A_2169 = tpu.all_reduce %eq3A_2161 {dim = 0 : i64, kind = #tpu.reduction_kind<sum>} : vector<16xi1> -> vector<16xi32>
    %eq3A_2170 = arith.constant 7 : i32
    %eq3A_2171 = vector.broadcast %eq3A_2170 : i32 to vector<16xi32>
    %eq3A_2172 = arith.cmpi eq, %iota3A, %eq3A_2171 : vector<16xi32>
    %select_n3A_2173 = arith.select %eq3A_2172, %all_reduce_population_count3A_2169, %broadcast_in_dim3A_3 : vector<16xi1>, vector<16xi32>
    %add3A_2174 = arith.addi %add3A_2158, %select_n3A_2173 : vector<16xi32>
    %get3A_2175 = arith.constant 0 : index
    %get3A_2176 = tpu.vector_load %arg18[%get3A_2175] {strides = array<i32>} : memref<16xi32, #tpu.memory_space<vmem>>, vector<16xi32>,
    %add3A_2177 = arith.addi %get3A_2176, %add3A_2174 : vector<16xi32>
    %swap3A_2178 = arith.constant 0 : index
    %swap3A_2179 = tpu.vector_load %arg18[%swap3A_2178] {strides = array<i32>} : memref<16xi32, #tpu.memory_space<vmem>>, vector<16xi32>,
    tpu.vector_store %arg18[%swap3A_2178], %add3A_2177 {strides = array<i32>} : memref<16xi32, #tpu.memory_space<vmem>>, vector<16xi32>,
    %swap3A_2180 = arith.constant 6 : i32
    %swap3A_2181 = arith.index_cast %swap3A_2180 : i32 to index
    %swap3A_2182 = arith.constant 0 : index
    %swap3A_2183 = tpu.vector_load %arg11[%swap3A_2181, %swap3A_2182] {strides = array<i32>} : memref<8x32xi32, #tpu.memory_space<vmem>>, vector<16xi32>,
    tpu.vector_store %arg11[%swap3A_2181, %swap3A_2182], %select_n3A_2168 {strides = array<i32>} : memref<8x32xi32, #tpu.memory_space<vmem>>, vector<16xi32>,
    %get3A_2184 = arith.constant 208 : index
    %get3A_2185 = tpu.vector_load %arg8[%get3A_2184] {strides = array<i32>} : memref<256xi32, #tpu.memory_space<vmem>>, vector<16xi32>,
    %gather3A_2186 = tpu.vector_load_idx %arg18[%get3A_2185] : memref<16xi32, #tpu.memory_space<vmem>>[vector<16xi32>], vector<16xi32>,
    %eq3A_2187 = arith.constant 0 : i32
    %eq3A_2188 = vector.broadcast %eq3A_2187 : i32 to vector<16xi32>
    %eq3A_2189 = arith.cmpi eq, %get3A_2185, %eq3A_2188 : vector<16xi32>
    %select_n3A_2190 = arith.select %eq3A_2189, %broadcast_in_dim3A_5, %broadcast_in_dim3A_3 : vector<16xi1>, vector<16xi32>
    %broadcast_in_dim3A_2191 = arith.constant true
    %broadcast_in_dim3A_2192 = vector.broadcast %broadcast_in_dim3A_2191 : i1 to vector<16xi1>
    %masked_cumsum3A_2193 = tpu.scan <sum>, %select_n3A_2190 masked %broadcast_in_dim3A_2192 : vector<16xi32>, vector<16xi1> -> vector<16xi32>
    %add3A_2194 = arith.addi %gather3A_2186, %masked_cumsum3A_2193 : vector<16xi32>
    %sub3A_2195 = arith.subi %add3A_2194, %broadcast_in_dim3A_5 : vector<16xi32>
    %select_n3A_2196 = arith.select %eq3A_2189, %sub3A_2195, %broadcast_in_dim3A_3 : vector<16xi1>, vector<16xi32>
    %all_reduce_population_count3A_2197 = tpu.all_reduce %eq3A_2189 {dim = 0 : i64, kind = #tpu.reduction_kind<sum>} : vector<16xi1> -> vector<16xi32>
    %eq3A_2198 = arith.constant 0 : i32
    %eq3A_2199 = vector.broadcast %eq3A_2198 : i32 to vector<16xi32>
    %eq3A_2200 = arith.cmpi eq, %iota3A, %eq3A_2199 : vector<16xi32>
    %select_n3A_2201 = arith.select %eq3A_2200, %all_reduce_population_count3A_2197, %broadcast_in_dim3A_3 : vector<16xi1>, vector<16xi32>
    %add3A_2202 = arith.addi %broadcast_in_dim3A_3, %select_n3A_2201 : vector<16xi32>
    %eq3A_2203 = arith.constant 1 : i32
    %eq3A_2204 = vector.broadcast %eq3A_2203 : i32 to vector<16xi32>
    %eq3A_2205 = arith.cmpi eq, %get3A_2185, %eq3A_2204 : vector<16xi32>
    %select_n3A_2206 = arith.select %eq3A_2205, %broadcast_in_dim3A_5, %broadcast_in_dim3A_3 : vector<16xi1>, vector<16xi32>
    %broadcast_in_dim3A_2207 = arith.constant true
    %broadcast_in_dim3A_2208 = vector.broadcast %broadcast_in_dim3A_2207 : i1 to vector<16xi1>
    %masked_cumsum3A_2209 = tpu.scan <sum>, %select_n3A_2206 masked %broadcast_in_dim3A_2208 : vector<16xi32>, vector<16xi1> -> vector<16xi32>
    %add3A_2210 = arith.addi %gather3A_2186, %masked_cumsum3A_2209 : vector<16xi32>
    %sub3A_2211 = arith.subi %add3A_2210, %broadcast_in_dim3A_5 : vector<16xi32>
    %select_n3A_2212 = arith.select %eq3A_2205, %sub3A_2211, %select_n3A_2196 : vector<16xi1>, vector<16xi32>
    %all_reduce_population_count3A_2213 = tpu.all_reduce %eq3A_2205 {dim = 0 : i64, kind = #tpu.reduction_kind<sum>} : vector<16xi1> -> vector<16xi32>
    %eq3A_2214 = arith.constant 1 : i32
    %eq3A_2215 = vector.broadcast %eq3A_2214 : i32 to vector<16xi32>
    %eq3A_2216 = arith.cmpi eq, %iota3A, %eq3A_2215 : vector<16xi32>
    %select_n3A_2217 = arith.select %eq3A_2216, %all_reduce_population_count3A_2213, %broadcast_in_dim3A_3 : vector<16xi1>, vector<16xi32>
    %add3A_2218 = arith.addi %add3A_2202, %select_n3A_2217 : vector<16xi32>
    %eq3A_2219 = arith.constant 2 : i32
    %eq3A_2220 = vector.broadcast %eq3A_2219 : i32 to vector<16xi32>
    %eq3A_2221 = arith.cmpi eq, %get3A_2185, %eq3A_2220 : vector<16xi32>
    %select_n3A_2222 = arith.select %eq3A_2221, %broadcast_in_dim3A_5, %broadcast_in_dim3A_3 : vector<16xi1>, vector<16xi32>
    %broadcast_in_dim3A_2223 = arith.constant true
    %broadcast_in_dim3A_2224 = vector.broadcast %broadcast_in_dim3A_2223 : i1 to vector<16xi1>
    %masked_cumsum3A_2225 = tpu.scan <sum>, %select_n3A_2222 masked %broadcast_in_dim3A_2224 : vector<16xi32>, vector<16xi1> -> vector<16xi32>
    %add3A_2226 = arith.addi %gather3A_2186, %masked_cumsum3A_2225 : vector<16xi32>
    %sub3A_2227 = arith.subi %add3A_2226, %broadcast_in_dim3A_5 : vector<16xi32>
    %select_n3A_2228 = arith.select %eq3A_2221, %sub3A_2227, %select_n3A_2212 : vector<16xi1>, vector<16xi32>
    %all_reduce_population_count3A_2229 = tpu.all_reduce %eq3A_2221 {dim = 0 : i64, kind = #tpu.reduction_kind<sum>} : vector<16xi1> -> vector<16xi32>
    %eq3A_2230 = arith.constant 2 : i32
    %eq3A_2231 = vector.broadcast %eq3A_2230 : i32 to vector<16xi32>
    %eq3A_2232 = arith.cmpi eq, %iota3A, %eq3A_2231 : vector<16xi32>
    %select_n3A_2233 = arith.select %eq3A_2232, %all_reduce_population_count3A_2229, %broadcast_in_dim3A_3 : vector<16xi1>, vector<16xi32>
    %add3A_2234 = arith.addi %add3A_2218, %select_n3A_2233 : vector<16xi32>
    %eq3A_2235 = arith.constant 3 : i32
    %eq3A_2236 = vector.broadcast %eq3A_2235 : i32 to vector<16xi32>
    %eq3A_2237 = arith.cmpi eq, %get3A_2185, %eq3A_2236 : vector<16xi32>
    %select_n3A_2238 = arith.select %eq3A_2237, %broadcast_in_dim3A_5, %broadcast_in_dim3A_3 : vector<16xi1>, vector<16xi32>
    %broadcast_in_dim3A_2239 = arith.constant true
    %broadcast_in_dim3A_2240 = vector.broadcast %broadcast_in_dim3A_2239 : i1 to vector<16xi1>
    %masked_cumsum3A_2241 = tpu.scan <sum>, %select_n3A_2238 masked %broadcast_in_dim3A_2240 : vector<16xi32>, vector<16xi1> -> vector<16xi32>
    %add3A_2242 = arith.addi %gather3A_2186, %masked_cumsum3A_2241 : vector<16xi32>
    %sub3A_2243 = arith.subi %add3A_2242, %broadcast_in_dim3A_5 : vector<16xi32>
    %select_n3A_2244 = arith.select %eq3A_2237, %sub3A_2243, %select_n3A_2228 : vector<16xi1>, vector<16xi32>
    %all_reduce_population_count3A_2245 = tpu.all_reduce %eq3A_2237 {dim = 0 : i64, kind = #tpu.reduction_kind<sum>} : vector<16xi1> -> vector<16xi32>
    %eq3A_2246 = arith.constant 3 : i32
    %eq3A_2247 = vector.broadcast %eq3A_2246 : i32 to vector<16xi32>
    %eq3A_2248 = arith.cmpi eq, %iota3A, %eq3A_2247 : vector<16xi32>
    %select_n3A_2249 = arith.select %eq3A_2248, %all_reduce_population_count3A_2245, %broadcast_in_dim3A_3 : vector<16xi1>, vector<16xi32>
    %add3A_2250 = arith.addi %add3A_2234, %select_n3A_2249 : vector<16xi32>
    %eq3A_2251 = arith.constant 4 : i32
    %eq3A_2252 = vector.broadcast %eq3A_2251 : i32 to vector<16xi32>
    %eq3A_2253 = arith.cmpi eq, %get3A_2185, %eq3A_2252 : vector<16xi32>
    %select_n3A_2254 = arith.select %eq3A_2253, %broadcast_in_dim3A_5, %broadcast_in_dim3A_3 : vector<16xi1>, vector<16xi32>
    %broadcast_in_dim3A_2255 = arith.constant true
    %broadcast_in_dim3A_2256 = vector.broadcast %broadcast_in_dim3A_2255 : i1 to vector<16xi1>
    %masked_cumsum3A_2257 = tpu.scan <sum>, %select_n3A_2254 masked %broadcast_in_dim3A_2256 : vector<16xi32>, vector<16xi1> -> vector<16xi32>
    %add3A_2258 = arith.addi %gather3A_2186, %masked_cumsum3A_2257 : vector<16xi32>
    %sub3A_2259 = arith.subi %add3A_2258, %broadcast_in_dim3A_5 : vector<16xi32>
    %select_n3A_2260 = arith.select %eq3A_2253, %sub3A_2259, %select_n3A_2244 : vector<16xi1>, vector<16xi32>
    %all_reduce_population_count3A_2261 = tpu.all_reduce %eq3A_2253 {dim = 0 : i64, kind = #tpu.reduction_kind<sum>} : vector<16xi1> -> vector<16xi32>
    %eq3A_2262 = arith.constant 4 : i32
    %eq3A_2263 = vector.broadcast %eq3A_2262 : i32 to vector<16xi32>
    %eq3A_2264 = arith.cmpi eq, %iota3A, %eq3A_2263 : vector<16xi32>
    %select_n3A_2265 = arith.select %eq3A_2264, %all_reduce_population_count3A_2261, %broadcast_in_dim3A_3 : vector<16xi1>, vector<16xi32>
    %add3A_2266 = arith.addi %add3A_2250, %select_n3A_2265 : vector<16xi32>
    %eq3A_2267 = arith.constant 5 : i32
    %eq3A_2268 = vector.broadcast %eq3A_2267 : i32 to vector<16xi32>
    %eq3A_2269 = arith.cmpi eq, %get3A_2185, %eq3A_2268 : vector<16xi32>
    %select_n3A_2270 = arith.select %eq3A_2269, %broadcast_in_dim3A_5, %broadcast_in_dim3A_3 : vector<16xi1>, vector<16xi32>
    %broadcast_in_dim3A_2271 = arith.constant true
    %broadcast_in_dim3A_2272 = vector.broadcast %broadcast_in_dim3A_2271 : i1 to vector<16xi1>
    %masked_cumsum3A_2273 = tpu.scan <sum>, %select_n3A_2270 masked %broadcast_in_dim3A_2272 : vector<16xi32>, vector<16xi1> -> vector<16xi32>
    %add3A_2274 = arith.addi %gather3A_2186, %masked_cumsum3A_2273 : vector<16xi32>
    %sub3A_2275 = arith.subi %add3A_2274, %broadcast_in_dim3A_5 : vector<16xi32>
    %select_n3A_2276 = arith.select %eq3A_2269, %sub3A_2275, %select_n3A_2260 : vector<16xi1>, vector<16xi32>
    %all_reduce_population_count3A_2277 = tpu.all_reduce %eq3A_2269 {dim = 0 : i64, kind = #tpu.reduction_kind<sum>} : vector<16xi1> -> vector<16xi32>
    %eq3A_2278 = arith.constant 5 : i32
    %eq3A_2279 = vector.broadcast %eq3A_2278 : i32 to vector<16xi32>
    %eq3A_2280 = arith.cmpi eq, %iota3A, %eq3A_2279 : vector<16xi32>
    %select_n3A_2281 = arith.select %eq3A_2280, %all_reduce_population_count3A_2277, %broadcast_in_dim3A_3 : vector<16xi1>, vector<16xi32>
    %add3A_2282 = arith.addi %add3A_2266, %select_n3A_2281 : vector<16xi32>
    %eq3A_2283 = arith.constant 6 : i32
    %eq3A_2284 = vector.broadcast %eq3A_2283 : i32 to vector<16xi32>
    %eq3A_2285 = arith.cmpi eq, %get3A_2185, %eq3A_2284 : vector<16xi32>
    %select_n3A_2286 = arith.select %eq3A_2285, %broadcast_in_dim3A_5, %broadcast_in_dim3A_3 : vector<16xi1>, vector<16xi32>
    %broadcast_in_dim3A_2287 = arith.constant true
    %broadcast_in_dim3A_2288 = vector.broadcast %broadcast_in_dim3A_2287 : i1 to vector<16xi1>
    %masked_cumsum3A_2289 = tpu.scan <sum>, %select_n3A_2286 masked %broadcast_in_dim3A_2288 : vector<16xi32>, vector<16xi1> -> vector<16xi32>
    %add3A_2290 = arith.addi %gather3A_2186, %masked_cumsum3A_2289 : vector<16xi32>
    %sub3A_2291 = arith.subi %add3A_2290, %broadcast_in_dim3A_5 : vector<16xi32>
    %select_n3A_2292 = arith.select %eq3A_2285, %sub3A_2291, %select_n3A_2276 : vector<16xi1>, vector<16xi32>
    %all_reduce_population_count3A_2293 = tpu.all_reduce %eq3A_2285 {dim = 0 : i64, kind = #tpu.reduction_kind<sum>} : vector<16xi1> -> vector<16xi32>
    %eq3A_2294 = arith.constant 6 : i32
    %eq3A_2295 = vector.broadcast %eq3A_2294 : i32 to vector<16xi32>
    %eq3A_2296 = arith.cmpi eq, %iota3A, %eq3A_2295 : vector<16xi32>
    %select_n3A_2297 = arith.select %eq3A_2296, %all_reduce_population_count3A_2293, %broadcast_in_dim3A_3 : vector<16xi1>, vector<16xi32>
    %add3A_2298 = arith.addi %add3A_2282, %select_n3A_2297 : vector<16xi32>
    %eq3A_2299 = arith.constant 7 : i32
    %eq3A_2300 = vector.broadcast %eq3A_2299 : i32 to vector<16xi32>
    %eq3A_2301 = arith.cmpi eq, %get3A_2185, %eq3A_2300 : vector<16xi32>
    %select_n3A_2302 = arith.select %eq3A_2301, %broadcast_in_dim3A_5, %broadcast_in_dim3A_3 : vector<16xi1>, vector<16xi32>
    %broadcast_in_dim3A_2303 = arith.constant true
    %broadcast_in_dim3A_2304 = vector.broadcast %broadcast_in_dim3A_2303 : i1 to vector<16xi1>
    %masked_cumsum3A_2305 = tpu.scan <sum>, %select_n3A_2302 masked %broadcast_in_dim3A_2304 : vector<16xi32>, vector<16xi1> -> vector<16xi32>
    %add3A_2306 = arith.addi %gather3A_2186, %masked_cumsum3A_2305 : vector<16xi32>
    %sub3A_2307 = arith.subi %add3A_2306, %broadcast_in_dim3A_5 : vector<16xi32>
    %select_n3A_2308 = arith.select %eq3A_2301, %sub3A_2307, %select_n3A_2292 : vector<16xi1>, vector<16xi32>
    %all_reduce_population_count3A_2309 = tpu.all_reduce %eq3A_2301 {dim = 0 : i64, kind = #tpu.reduction_kind<sum>} : vector<16xi1> -> vector<16xi32>
    %eq3A_2310 = arith.constant 7 : i32
    %eq3A_2311 = vector.broadcast %eq3A_2310 : i32 to vector<16xi32>
    %eq3A_2312 = arith.cmpi eq, %iota3A, %eq3A_2311 : vector<16xi32>
    %select_n3A_2313 = arith.select %eq3A_2312, %all_reduce_population_count3A_2309, %broadcast_in_dim3A_3 : vector<16xi1>, vector<16xi32>
    %add3A_2314 = arith.addi %add3A_2298, %select_n3A_2313 : vector<16xi32>
    %get3A_2315 = arith.constant 0 : index
    %get3A_2316 = tpu.vector_load %arg18[%get3A_2315] {strides = array<i32>} : memref<16xi32, #tpu.memory_space<vmem>>, vector<16xi32>,
    %add3A_2317 = arith.addi %get3A_2316, %add3A_2314 : vector<16xi32>
    %swap3A_2318 = arith.constant 0 : index
    %swap3A_2319 = tpu.vector_load %arg18[%swap3A_2318] {strides = array<i32>} : memref<16xi32, #tpu.memory_space<vmem>>, vector<16xi32>,
    tpu.vector_store %arg18[%swap3A_2318], %add3A_2317 {strides = array<i32>} : memref<16xi32, #tpu.memory_space<vmem>>, vector<16xi32>,
    %swap3A_2320 = arith.constant 6 : i32
    %swap3A_2321 = arith.index_cast %swap3A_2320 : i32 to index
    %swap3A_2322 = arith.constant 16 : index
    %swap3A_2323 = tpu.vector_load %arg11[%swap3A_2321, %swap3A_2322] {strides = array<i32>} : memref<8x32xi32, #tpu.memory_space<vmem>>, vector<16xi32>,
    tpu.vector_store %arg11[%swap3A_2321, %swap3A_2322], %select_n3A_2308 {strides = array<i32>} : memref<8x32xi32, #tpu.memory_space<vmem>>, vector<16xi32>,
    %get3A_2324 = arith.constant 224 : index
    %get3A_2325 = tpu.vector_load %arg8[%get3A_2324] {strides = array<i32>} : memref<256xi32, #tpu.memory_space<vmem>>, vector<16xi32>,
    %gather3A_2326 = tpu.vector_load_idx %arg18[%get3A_2325] : memref<16xi32, #tpu.memory_space<vmem>>[vector<16xi32>], vector<16xi32>,
    %eq3A_2327 = arith.constant 0 : i32
    %eq3A_2328 = vector.broadcast %eq3A_2327 : i32 to vector<16xi32>
    %eq3A_2329 = arith.cmpi eq, %get3A_2325, %eq3A_2328 : vector<16xi32>
    %select_n3A_2330 = arith.select %eq3A_2329, %broadcast_in_dim3A_5, %broadcast_in_dim3A_3 : vector<16xi1>, vector<16xi32>
    %broadcast_in_dim3A_2331 = arith.constant true
    %broadcast_in_dim3A_2332 = vector.broadcast %broadcast_in_dim3A_2331 : i1 to vector<16xi1>
    %masked_cumsum3A_2333 = tpu.scan <sum>, %select_n3A_2330 masked %broadcast_in_dim3A_2332 : vector<16xi32>, vector<16xi1> -> vector<16xi32>
    %add3A_2334 = arith.addi %gather3A_2326, %masked_cumsum3A_2333 : vector<16xi32>
    %sub3A_2335 = arith.subi %add3A_2334, %broadcast_in_dim3A_5 : vector<16xi32>
    %select_n3A_2336 = arith.select %eq3A_2329, %sub3A_2335, %broadcast_in_dim3A_3 : vector<16xi1>, vector<16xi32>
    %all_reduce_population_count3A_2337 = tpu.all_reduce %eq3A_2329 {dim = 0 : i64, kind = #tpu.reduction_kind<sum>} : vector<16xi1> -> vector<16xi32>
    %eq3A_2338 = arith.constant 0 : i32
    %eq3A_2339 = vector.broadcast %eq3A_2338 : i32 to vector<16xi32>
    %eq3A_2340 = arith.cmpi eq, %iota3A, %eq3A_2339 : vector<16xi32>
    %select_n3A_2341 = arith.select %eq3A_2340, %all_reduce_population_count3A_2337, %broadcast_in_dim3A_3 : vector<16xi1>, vector<16xi32>
    %add3A_2342 = arith.addi %broadcast_in_dim3A_3, %select_n3A_2341 : vector<16xi32>
    %eq3A_2343 = arith.constant 1 : i32
    %eq3A_2344 = vector.broadcast %eq3A_2343 : i32 to vector<16xi32>
    %eq3A_2345 = arith.cmpi eq, %get3A_2325, %eq3A_2344 : vector<16xi32>
    %select_n3A_2346 = arith.select %eq3A_2345, %broadcast_in_dim3A_5, %broadcast_in_dim3A_3 : vector<16xi1>, vector<16xi32>
    %broadcast_in_dim3A_2347 = arith.constant true
    %broadcast_in_dim3A_2348 = vector.broadcast %broadcast_in_dim3A_2347 : i1 to vector<16xi1>
    %masked_cumsum3A_2349 = tpu.scan <sum>, %select_n3A_2346 masked %broadcast_in_dim3A_2348 : vector<16xi32>, vector<16xi1> -> vector<16xi32>
    %add3A_2350 = arith.addi %gather3A_2326, %masked_cumsum3A_2349 : vector<16xi32>
    %sub3A_2351 = arith.subi %add3A_2350, %broadcast_in_dim3A_5 : vector<16xi32>
    %select_n3A_2352 = arith.select %eq3A_2345, %sub3A_2351, %select_n3A_2336 : vector<16xi1>, vector<16xi32>
    %all_reduce_population_count3A_2353 = tpu.all_reduce %eq3A_2345 {dim = 0 : i64, kind = #tpu.reduction_kind<sum>} : vector<16xi1> -> vector<16xi32>
    %eq3A_2354 = arith.constant 1 : i32
    %eq3A_2355 = vector.broadcast %eq3A_2354 : i32 to vector<16xi32>
    %eq3A_2356 = arith.cmpi eq, %iota3A, %eq3A_2355 : vector<16xi32>
    %select_n3A_2357 = arith.select %eq3A_2356, %all_reduce_population_count3A_2353, %broadcast_in_dim3A_3 : vector<16xi1>, vector<16xi32>
    %add3A_2358 = arith.addi %add3A_2342, %select_n3A_2357 : vector<16xi32>
    %eq3A_2359 = arith.constant 2 : i32
    %eq3A_2360 = vector.broadcast %eq3A_2359 : i32 to vector<16xi32>
    %eq3A_2361 = arith.cmpi eq, %get3A_2325, %eq3A_2360 : vector<16xi32>
    %select_n3A_2362 = arith.select %eq3A_2361, %broadcast_in_dim3A_5, %broadcast_in_dim3A_3 : vector<16xi1>, vector<16xi32>
    %broadcast_in_dim3A_2363 = arith.constant true
    %broadcast_in_dim3A_2364 = vector.broadcast %broadcast_in_dim3A_2363 : i1 to vector<16xi1>
    %masked_cumsum3A_2365 = tpu.scan <sum>, %select_n3A_2362 masked %broadcast_in_dim3A_2364 : vector<16xi32>, vector<16xi1> -> vector<16xi32>
    %add3A_2366 = arith.addi %gather3A_2326, %masked_cumsum3A_2365 : vector<16xi32>
    %sub3A_2367 = arith.subi %add3A_2366, %broadcast_in_dim3A_5 : vector<16xi32>
    %select_n3A_2368 = arith.select %eq3A_2361, %sub3A_2367, %select_n3A_2352 : vector<16xi1>, vector<16xi32>
    %all_reduce_population_count3A_2369 = tpu.all_reduce %eq3A_2361 {dim = 0 : i64, kind = #tpu.reduction_kind<sum>} : vector<16xi1> -> vector<16xi32>
    %eq3A_2370 = arith.constant 2 : i32
    %eq3A_2371 = vector.broadcast %eq3A_2370 : i32 to vector<16xi32>
    %eq3A_2372 = arith.cmpi eq, %iota3A, %eq3A_2371 : vector<16xi32>
    %select_n3A_2373 = arith.select %eq3A_2372, %all_reduce_population_count3A_2369, %broadcast_in_dim3A_3 : vector<16xi1>, vector<16xi32>
    %add3A_2374 = arith.addi %add3A_2358, %select_n3A_2373 : vector<16xi32>
    %eq3A_2375 = arith.constant 3 : i32
    %eq3A_2376 = vector.broadcast %eq3A_2375 : i32 to vector<16xi32>
    %eq3A_2377 = arith.cmpi eq, %get3A_2325, %eq3A_2376 : vector<16xi32>
    %select_n3A_2378 = arith.select %eq3A_2377, %broadcast_in_dim3A_5, %broadcast_in_dim3A_3 : vector<16xi1>, vector<16xi32>
    %broadcast_in_dim3A_2379 = arith.constant true
    %broadcast_in_dim3A_2380 = vector.broadcast %broadcast_in_dim3A_2379 : i1 to vector<16xi1>
    %masked_cumsum3A_2381 = tpu.scan <sum>, %select_n3A_2378 masked %broadcast_in_dim3A_2380 : vector<16xi32>, vector<16xi1> -> vector<16xi32>
    %add3A_2382 = arith.addi %gather3A_2326, %masked_cumsum3A_2381 : vector<16xi32>
    %sub3A_2383 = arith.subi %add3A_2382, %broadcast_in_dim3A_5 : vector<16xi32>
    %select_n3A_2384 = arith.select %eq3A_2377, %sub3A_2383, %select_n3A_2368 : vector<16xi1>, vector<16xi32>
    %all_reduce_population_count3A_2385 = tpu.all_reduce %eq3A_2377 {dim = 0 : i64, kind = #tpu.reduction_kind<sum>} : vector<16xi1> -> vector<16xi32>
    %eq3A_2386 = arith.constant 3 : i32
    %eq3A_2387 = vector.broadcast %eq3A_2386 : i32 to vector<16xi32>
    %eq3A_2388 = arith.cmpi eq, %iota3A, %eq3A_2387 : vector<16xi32>
    %select_n3A_2389 = arith.select %eq3A_2388, %all_reduce_population_count3A_2385, %broadcast_in_dim3A_3 : vector<16xi1>, vector<16xi32>
    %add3A_2390 = arith.addi %add3A_2374, %select_n3A_2389 : vector<16xi32>
    %eq3A_2391 = arith.constant 4 : i32
    %eq3A_2392 = vector.broadcast %eq3A_2391 : i32 to vector<16xi32>
    %eq3A_2393 = arith.cmpi eq, %get3A_2325, %eq3A_2392 : vector<16xi32>
    %select_n3A_2394 = arith.select %eq3A_2393, %broadcast_in_dim3A_5, %broadcast_in_dim3A_3 : vector<16xi1>, vector<16xi32>
    %broadcast_in_dim3A_2395 = arith.constant true
    %broadcast_in_dim3A_2396 = vector.broadcast %broadcast_in_dim3A_2395 : i1 to vector<16xi1>
    %masked_cumsum3A_2397 = tpu.scan <sum>, %select_n3A_2394 masked %broadcast_in_dim3A_2396 : vector<16xi32>, vector<16xi1> -> vector<16xi32>
    %add3A_2398 = arith.addi %gather3A_2326, %masked_cumsum3A_2397 : vector<16xi32>
    %sub3A_2399 = arith.subi %add3A_2398, %broadcast_in_dim3A_5 : vector<16xi32>
    %select_n3A_2400 = arith.select %eq3A_2393, %sub3A_2399, %select_n3A_2384 : vector<16xi1>, vector<16xi32>
    %all_reduce_population_count3A_2401 = tpu.all_reduce %eq3A_2393 {dim = 0 : i64, kind = #tpu.reduction_kind<sum>} : vector<16xi1> -> vector<16xi32>
    %eq3A_2402 = arith.constant 4 : i32
    %eq3A_2403 = vector.broadcast %eq3A_2402 : i32 to vector<16xi32>
    %eq3A_2404 = arith.cmpi eq, %iota3A, %eq3A_2403 : vector<16xi32>
    %select_n3A_2405 = arith.select %eq3A_2404, %all_reduce_population_count3A_2401, %broadcast_in_dim3A_3 : vector<16xi1>, vector<16xi32>
    %add3A_2406 = arith.addi %add3A_2390, %select_n3A_2405 : vector<16xi32>
    %eq3A_2407 = arith.constant 5 : i32
    %eq3A_2408 = vector.broadcast %eq3A_2407 : i32 to vector<16xi32>
    %eq3A_2409 = arith.cmpi eq, %get3A_2325, %eq3A_2408 : vector<16xi32>
    %select_n3A_2410 = arith.select %eq3A_2409, %broadcast_in_dim3A_5, %broadcast_in_dim3A_3 : vector<16xi1>, vector<16xi32>
    %broadcast_in_dim3A_2411 = arith.constant true
    %broadcast_in_dim3A_2412 = vector.broadcast %broadcast_in_dim3A_2411 : i1 to vector<16xi1>
    %masked_cumsum3A_2413 = tpu.scan <sum>, %select_n3A_2410 masked %broadcast_in_dim3A_2412 : vector<16xi32>, vector<16xi1> -> vector<16xi32>
    %add3A_2414 = arith.addi %gather3A_2326, %masked_cumsum3A_2413 : vector<16xi32>
    %sub3A_2415 = arith.subi %add3A_2414, %broadcast_in_dim3A_5 : vector<16xi32>
    %select_n3A_2416 = arith.select %eq3A_2409, %sub3A_2415, %select_n3A_2400 : vector<16xi1>, vector<16xi32>
    %all_reduce_population_count3A_2417 = tpu.all_reduce %eq3A_2409 {dim = 0 : i64, kind = #tpu.reduction_kind<sum>} : vector<16xi1> -> vector<16xi32>
    %eq3A_2418 = arith.constant 5 : i32
    %eq3A_2419 = vector.broadcast %eq3A_2418 : i32 to vector<16xi32>
    %eq3A_2420 = arith.cmpi eq, %iota3A, %eq3A_2419 : vector<16xi32>
    %select_n3A_2421 = arith.select %eq3A_2420, %all_reduce_population_count3A_2417, %broadcast_in_dim3A_3 : vector<16xi1>, vector<16xi32>
    %add3A_2422 = arith.addi %add3A_2406, %select_n3A_2421 : vector<16xi32>
    %eq3A_2423 = arith.constant 6 : i32
    %eq3A_2424 = vector.broadcast %eq3A_2423 : i32 to vector<16xi32>
    %eq3A_2425 = arith.cmpi eq, %get3A_2325, %eq3A_2424 : vector<16xi32>
    %select_n3A_2426 = arith.select %eq3A_2425, %broadcast_in_dim3A_5, %broadcast_in_dim3A_3 : vector<16xi1>, vector<16xi32>
    %broadcast_in_dim3A_2427 = arith.constant true
    %broadcast_in_dim3A_2428 = vector.broadcast %broadcast_in_dim3A_2427 : i1 to vector<16xi1>
    %masked_cumsum3A_2429 = tpu.scan <sum>, %select_n3A_2426 masked %broadcast_in_dim3A_2428 : vector<16xi32>, vector<16xi1> -> vector<16xi32>
    %add3A_2430 = arith.addi %gather3A_2326, %masked_cumsum3A_2429 : vector<16xi32>
    %sub3A_2431 = arith.subi %add3A_2430, %broadcast_in_dim3A_5 : vector<16xi32>
    %select_n3A_2432 = arith.select %eq3A_2425, %sub3A_2431, %select_n3A_2416 : vector<16xi1>, vector<16xi32>
    %all_reduce_population_count3A_2433 = tpu.all_reduce %eq3A_2425 {dim = 0 : i64, kind = #tpu.reduction_kind<sum>} : vector<16xi1> -> vector<16xi32>
    %eq3A_2434 = arith.constant 6 : i32
    %eq3A_2435 = vector.broadcast %eq3A_2434 : i32 to vector<16xi32>
    %eq3A_2436 = arith.cmpi eq, %iota3A, %eq3A_2435 : vector<16xi32>
    %select_n3A_2437 = arith.select %eq3A_2436, %all_reduce_population_count3A_2433, %broadcast_in_dim3A_3 : vector<16xi1>, vector<16xi32>
    %add3A_2438 = arith.addi %add3A_2422, %select_n3A_2437 : vector<16xi32>
    %eq3A_2439 = arith.constant 7 : i32
    %eq3A_2440 = vector.broadcast %eq3A_2439 : i32 to vector<16xi32>
    %eq3A_2441 = arith.cmpi eq, %get3A_2325, %eq3A_2440 : vector<16xi32>
    %select_n3A_2442 = arith.select %eq3A_2441, %broadcast_in_dim3A_5, %broadcast_in_dim3A_3 : vector<16xi1>, vector<16xi32>
    %broadcast_in_dim3A_2443 = arith.constant true
    %broadcast_in_dim3A_2444 = vector.broadcast %broadcast_in_dim3A_2443 : i1 to vector<16xi1>
    %masked_cumsum3A_2445 = tpu.scan <sum>, %select_n3A_2442 masked %broadcast_in_dim3A_2444 : vector<16xi32>, vector<16xi1> -> vector<16xi32>
    %add3A_2446 = arith.addi %gather3A_2326, %masked_cumsum3A_2445 : vector<16xi32>
    %sub3A_2447 = arith.subi %add3A_2446, %broadcast_in_dim3A_5 : vector<16xi32>
    %select_n3A_2448 = arith.select %eq3A_2441, %sub3A_2447, %select_n3A_2432 : vector<16xi1>, vector<16xi32>
    %all_reduce_population_count3A_2449 = tpu.all_reduce %eq3A_2441 {dim = 0 : i64, kind = #tpu.reduction_kind<sum>} : vector<16xi1> -> vector<16xi32>
    %eq3A_2450 = arith.constant 7 : i32
    %eq3A_2451 = vector.broadcast %eq3A_2450 : i32 to vector<16xi32>
    %eq3A_2452 = arith.cmpi eq, %iota3A, %eq3A_2451 : vector<16xi32>
    %select_n3A_2453 = arith.select %eq3A_2452, %all_reduce_population_count3A_2449, %broadcast_in_dim3A_3 : vector<16xi1>, vector<16xi32>
    %add3A_2454 = arith.addi %add3A_2438, %select_n3A_2453 : vector<16xi32>
    %get3A_2455 = arith.constant 0 : index
    %get3A_2456 = tpu.vector_load %arg18[%get3A_2455] {strides = array<i32>} : memref<16xi32, #tpu.memory_space<vmem>>, vector<16xi32>,
    %add3A_2457 = arith.addi %get3A_2456, %add3A_2454 : vector<16xi32>
    %swap3A_2458 = arith.constant 0 : index
    %swap3A_2459 = tpu.vector_load %arg18[%swap3A_2458] {strides = array<i32>} : memref<16xi32, #tpu.memory_space<vmem>>, vector<16xi32>,
    tpu.vector_store %arg18[%swap3A_2458], %add3A_2457 {strides = array<i32>} : memref<16xi32, #tpu.memory_space<vmem>>, vector<16xi32>,
    %swap3A_2460 = arith.constant 7 : i32
    %swap3A_2461 = arith.index_cast %swap3A_2460 : i32 to index
    %swap3A_2462 = arith.constant 0 : index
    %swap3A_2463 = tpu.vector_load %arg11[%swap3A_2461, %swap3A_2462] {strides = array<i32>} : memref<8x32xi32, #tpu.memory_space<vmem>>, vector<16xi32>,
    tpu.vector_store %arg11[%swap3A_2461, %swap3A_2462], %select_n3A_2448 {strides = array<i32>} : memref<8x32xi32, #tpu.memory_space<vmem>>, vector<16xi32>,
    %get3A_2464 = arith.constant 240 : index
    %get3A_2465 = tpu.vector_load %arg8[%get3A_2464] {strides = array<i32>} : memref<256xi32, #tpu.memory_space<vmem>>, vector<16xi32>,
    %gather3A_2466 = tpu.vector_load_idx %arg18[%get3A_2465] : memref<16xi32, #tpu.memory_space<vmem>>[vector<16xi32>], vector<16xi32>,
    %eq3A_2467 = arith.constant 0 : i32
    %eq3A_2468 = vector.broadcast %eq3A_2467 : i32 to vector<16xi32>
    %eq3A_2469 = arith.cmpi eq, %get3A_2465, %eq3A_2468 : vector<16xi32>
    %select_n3A_2470 = arith.select %eq3A_2469, %broadcast_in_dim3A_5, %broadcast_in_dim3A_3 : vector<16xi1>, vector<16xi32>
    %broadcast_in_dim3A_2471 = arith.constant true
    %broadcast_in_dim3A_2472 = vector.broadcast %broadcast_in_dim3A_2471 : i1 to vector<16xi1>
    %masked_cumsum3A_2473 = tpu.scan <sum>, %select_n3A_2470 masked %broadcast_in_dim3A_2472 : vector<16xi32>, vector<16xi1> -> vector<16xi32>
    %add3A_2474 = arith.addi %gather3A_2466, %masked_cumsum3A_2473 : vector<16xi32>
    %sub3A_2475 = arith.subi %add3A_2474, %broadcast_in_dim3A_5 : vector<16xi32>
    %select_n3A_2476 = arith.select %eq3A_2469, %sub3A_2475, %broadcast_in_dim3A_3 : vector<16xi1>, vector<16xi32>
    %all_reduce_population_count3A_2477 = tpu.all_reduce %eq3A_2469 {dim = 0 : i64, kind = #tpu.reduction_kind<sum>} : vector<16xi1> -> vector<16xi32>
    %eq3A_2478 = arith.constant 0 : i32
    %eq3A_2479 = vector.broadcast %eq3A_2478 : i32 to vector<16xi32>
    %eq3A_2480 = arith.cmpi eq, %iota3A, %eq3A_2479 : vector<16xi32>
    %select_n3A_2481 = arith.select %eq3A_2480, %all_reduce_population_count3A_2477, %broadcast_in_dim3A_3 : vector<16xi1>, vector<16xi32>
    %add3A_2482 = arith.addi %broadcast_in_dim3A_3, %select_n3A_2481 : vector<16xi32>
    %eq3A_2483 = arith.constant 1 : i32
    %eq3A_2484 = vector.broadcast %eq3A_2483 : i32 to vector<16xi32>
    %eq3A_2485 = arith.cmpi eq, %get3A_2465, %eq3A_2484 : vector<16xi32>
    %select_n3A_2486 = arith.select %eq3A_2485, %broadcast_in_dim3A_5, %broadcast_in_dim3A_3 : vector<16xi1>, vector<16xi32>
    %broadcast_in_dim3A_2487 = arith.constant true
    %broadcast_in_dim3A_2488 = vector.broadcast %broadcast_in_dim3A_2487 : i1 to vector<16xi1>
    %masked_cumsum3A_2489 = tpu.scan <sum>, %select_n3A_2486 masked %broadcast_in_dim3A_2488 : vector<16xi32>, vector<16xi1> -> vector<16xi32>
    %add3A_2490 = arith.addi %gather3A_2466, %masked_cumsum3A_2489 : vector<16xi32>
    %sub3A_2491 = arith.subi %add3A_2490, %broadcast_in_dim3A_5 : vector<16xi32>
    %select_n3A_2492 = arith.select %eq3A_2485, %sub3A_2491, %select_n3A_2476 : vector<16xi1>, vector<16xi32>
    %all_reduce_population_count3A_2493 = tpu.all_reduce %eq3A_2485 {dim = 0 : i64, kind = #tpu.reduction_kind<sum>} : vector<16xi1> -> vector<16xi32>
    %eq3A_2494 = arith.constant 1 : i32
    %eq3A_2495 = vector.broadcast %eq3A_2494 : i32 to vector<16xi32>
    %eq3A_2496 = arith.cmpi eq, %iota3A, %eq3A_2495 : vector<16xi32>
    %select_n3A_2497 = arith.select %eq3A_2496, %all_reduce_population_count3A_2493, %broadcast_in_dim3A_3 : vector<16xi1>, vector<16xi32>
    %add3A_2498 = arith.addi %add3A_2482, %select_n3A_2497 : vector<16xi32>
    %eq3A_2499 = arith.constant 2 : i32
    %eq3A_2500 = vector.broadcast %eq3A_2499 : i32 to vector<16xi32>
    %eq3A_2501 = arith.cmpi eq, %get3A_2465, %eq3A_2500 : vector<16xi32>
    %select_n3A_2502 = arith.select %eq3A_2501, %broadcast_in_dim3A_5, %broadcast_in_dim3A_3 : vector<16xi1>, vector<16xi32>
    %broadcast_in_dim3A_2503 = arith.constant true
    %broadcast_in_dim3A_2504 = vector.broadcast %broadcast_in_dim3A_2503 : i1 to vector<16xi1>
    %masked_cumsum3A_2505 = tpu.scan <sum>, %select_n3A_2502 masked %broadcast_in_dim3A_2504 : vector<16xi32>, vector<16xi1> -> vector<16xi32>
    %add3A_2506 = arith.addi %gather3A_2466, %masked_cumsum3A_2505 : vector<16xi32>
    %sub3A_2507 = arith.subi %add3A_2506, %broadcast_in_dim3A_5 : vector<16xi32>
    %select_n3A_2508 = arith.select %eq3A_2501, %sub3A_2507, %select_n3A_2492 : vector<16xi1>, vector<16xi32>
    %all_reduce_population_count3A_2509 = tpu.all_reduce %eq3A_2501 {dim = 0 : i64, kind = #tpu.reduction_kind<sum>} : vector<16xi1> -> vector<16xi32>
    %eq3A_2510 = arith.constant 2 : i32
    %eq3A_2511 = vector.broadcast %eq3A_2510 : i32 to vector<16xi32>
    %eq3A_2512 = arith.cmpi eq, %iota3A, %eq3A_2511 : vector<16xi32>
    %select_n3A_2513 = arith.select %eq3A_2512, %all_reduce_population_count3A_2509, %broadcast_in_dim3A_3 : vector<16xi1>, vector<16xi32>
    %add3A_2514 = arith.addi %add3A_2498, %select_n3A_2513 : vector<16xi32>
    %eq3A_2515 = arith.constant 3 : i32
    %eq3A_2516 = vector.broadcast %eq3A_2515 : i32 to vector<16xi32>
    %eq3A_2517 = arith.cmpi eq, %get3A_2465, %eq3A_2516 : vector<16xi32>
    %select_n3A_2518 = arith.select %eq3A_2517, %broadcast_in_dim3A_5, %broadcast_in_dim3A_3 : vector<16xi1>, vector<16xi32>
    %broadcast_in_dim3A_2519 = arith.constant true
    %broadcast_in_dim3A_2520 = vector.broadcast %broadcast_in_dim3A_2519 : i1 to vector<16xi1>
    %masked_cumsum3A_2521 = tpu.scan <sum>, %select_n3A_2518 masked %broadcast_in_dim3A_2520 : vector<16xi32>, vector<16xi1> -> vector<16xi32>
    %add3A_2522 = arith.addi %gather3A_2466, %masked_cumsum3A_2521 : vector<16xi32>
    %sub3A_2523 = arith.subi %add3A_2522, %broadcast_in_dim3A_5 : vector<16xi32>
    %select_n3A_2524 = arith.select %eq3A_2517, %sub3A_2523, %select_n3A_2508 : vector<16xi1>, vector<16xi32>
    %all_reduce_population_count3A_2525 = tpu.all_reduce %eq3A_2517 {dim = 0 : i64, kind = #tpu.reduction_kind<sum>} : vector<16xi1> -> vector<16xi32>
    %eq3A_2526 = arith.constant 3 : i32
    %eq3A_2527 = vector.broadcast %eq3A_2526 : i32 to vector<16xi32>
    %eq3A_2528 = arith.cmpi eq, %iota3A, %eq3A_2527 : vector<16xi32>
    %select_n3A_2529 = arith.select %eq3A_2528, %all_reduce_population_count3A_2525, %broadcast_in_dim3A_3 : vector<16xi1>, vector<16xi32>
    %add3A_2530 = arith.addi %add3A_2514, %select_n3A_2529 : vector<16xi32>
    %eq3A_2531 = arith.constant 4 : i32
    %eq3A_2532 = vector.broadcast %eq3A_2531 : i32 to vector<16xi32>
    %eq3A_2533 = arith.cmpi eq, %get3A_2465, %eq3A_2532 : vector<16xi32>
    %select_n3A_2534 = arith.select %eq3A_2533, %broadcast_in_dim3A_5, %broadcast_in_dim3A_3 : vector<16xi1>, vector<16xi32>
    %broadcast_in_dim3A_2535 = arith.constant true
    %broadcast_in_dim3A_2536 = vector.broadcast %broadcast_in_dim3A_2535 : i1 to vector<16xi1>
    %masked_cumsum3A_2537 = tpu.scan <sum>, %select_n3A_2534 masked %broadcast_in_dim3A_2536 : vector<16xi32>, vector<16xi1> -> vector<16xi32>
    %add3A_2538 = arith.addi %gather3A_2466, %masked_cumsum3A_2537 : vector<16xi32>
    %sub3A_2539 = arith.subi %add3A_2538, %broadcast_in_dim3A_5 : vector<16xi32>
    %select_n3A_2540 = arith.select %eq3A_2533, %sub3A_2539, %select_n3A_2524 : vector<16xi1>, vector<16xi32>
    %all_reduce_population_count3A_2541 = tpu.all_reduce %eq3A_2533 {dim = 0 : i64, kind = #tpu.reduction_kind<sum>} : vector<16xi1> -> vector<16xi32>
    %eq3A_2542 = arith.constant 4 : i32
    %eq3A_2543 = vector.broadcast %eq3A_2542 : i32 to vector<16xi32>
    %eq3A_2544 = arith.cmpi eq, %iota3A, %eq3A_2543 : vector<16xi32>
    %select_n3A_2545 = arith.select %eq3A_2544, %all_reduce_population_count3A_2541, %broadcast_in_dim3A_3 : vector<16xi1>, vector<16xi32>
    %add3A_2546 = arith.addi %add3A_2530, %select_n3A_2545 : vector<16xi32>
    %eq3A_2547 = arith.constant 5 : i32
    %eq3A_2548 = vector.broadcast %eq3A_2547 : i32 to vector<16xi32>
    %eq3A_2549 = arith.cmpi eq, %get3A_2465, %eq3A_2548 : vector<16xi32>
    %select_n3A_2550 = arith.select %eq3A_2549, %broadcast_in_dim3A_5, %broadcast_in_dim3A_3 : vector<16xi1>, vector<16xi32>
    %broadcast_in_dim3A_2551 = arith.constant true
    %broadcast_in_dim3A_2552 = vector.broadcast %broadcast_in_dim3A_2551 : i1 to vector<16xi1>
    %masked_cumsum3A_2553 = tpu.scan <sum>, %select_n3A_2550 masked %broadcast_in_dim3A_2552 : vector<16xi32>, vector<16xi1> -> vector<16xi32>
    %add3A_2554 = arith.addi %gather3A_2466, %masked_cumsum3A_2553 : vector<16xi32>
    %sub3A_2555 = arith.subi %add3A_2554, %broadcast_in_dim3A_5 : vector<16xi32>
    %select_n3A_2556 = arith.select %eq3A_2549, %sub3A_2555, %select_n3A_2540 : vector<16xi1>, vector<16xi32>
    %all_reduce_population_count3A_2557 = tpu.all_reduce %eq3A_2549 {dim = 0 : i64, kind = #tpu.reduction_kind<sum>} : vector<16xi1> -> vector<16xi32>
    %eq3A_2558 = arith.constant 5 : i32
    %eq3A_2559 = vector.broadcast %eq3A_2558 : i32 to vector<16xi32>
    %eq3A_2560 = arith.cmpi eq, %iota3A, %eq3A_2559 : vector<16xi32>
    %select_n3A_2561 = arith.select %eq3A_2560, %all_reduce_population_count3A_2557, %broadcast_in_dim3A_3 : vector<16xi1>, vector<16xi32>
    %add3A_2562 = arith.addi %add3A_2546, %select_n3A_2561 : vector<16xi32>
    %eq3A_2563 = arith.constant 6 : i32
    %eq3A_2564 = vector.broadcast %eq3A_2563 : i32 to vector<16xi32>
    %eq3A_2565 = arith.cmpi eq, %get3A_2465, %eq3A_2564 : vector<16xi32>
    %select_n3A_2566 = arith.select %eq3A_2565, %broadcast_in_dim3A_5, %broadcast_in_dim3A_3 : vector<16xi1>, vector<16xi32>
    %broadcast_in_dim3A_2567 = arith.constant true
    %broadcast_in_dim3A_2568 = vector.broadcast %broadcast_in_dim3A_2567 : i1 to vector<16xi1>
    %masked_cumsum3A_2569 = tpu.scan <sum>, %select_n3A_2566 masked %broadcast_in_dim3A_2568 : vector<16xi32>, vector<16xi1> -> vector<16xi32>
    %add3A_2570 = arith.addi %gather3A_2466, %masked_cumsum3A_2569 : vector<16xi32>
    %sub3A_2571 = arith.subi %add3A_2570, %broadcast_in_dim3A_5 : vector<16xi32>
    %select_n3A_2572 = arith.select %eq3A_2565, %sub3A_2571, %select_n3A_2556 : vector<16xi1>, vector<16xi32>
    %all_reduce_population_count3A_2573 = tpu.all_reduce %eq3A_2565 {dim = 0 : i64, kind = #tpu.reduction_kind<sum>} : vector<16xi1> -> vector<16xi32>
    %eq3A_2574 = arith.constant 6 : i32
    %eq3A_2575 = vector.broadcast %eq3A_2574 : i32 to vector<16xi32>
    %eq3A_2576 = arith.cmpi eq, %iota3A, %eq3A_2575 : vector<16xi32>
    %select_n3A_2577 = arith.select %eq3A_2576, %all_reduce_population_count3A_2573, %broadcast_in_dim3A_3 : vector<16xi1>, vector<16xi32>
    %add3A_2578 = arith.addi %add3A_2562, %select_n3A_2577 : vector<16xi32>
    %eq3A_2579 = arith.constant 7 : i32
    %eq3A_2580 = vector.broadcast %eq3A_2579 : i32 to vector<16xi32>
    %eq3A_2581 = arith.cmpi eq, %get3A_2465, %eq3A_2580 : vector<16xi32>
    %select_n3A_2582 = arith.select %eq3A_2581, %broadcast_in_dim3A_5, %broadcast_in_dim3A_3 : vector<16xi1>, vector<16xi32>
    %broadcast_in_dim3A_2583 = arith.constant true
    %broadcast_in_dim3A_2584 = vector.broadcast %broadcast_in_dim3A_2583 : i1 to vector<16xi1>
    %masked_cumsum3A_2585 = tpu.scan <sum>, %select_n3A_2582 masked %broadcast_in_dim3A_2584 : vector<16xi32>, vector<16xi1> -> vector<16xi32>
    %add3A_2586 = arith.addi %gather3A_2466, %masked_cumsum3A_2585 : vector<16xi32>
    %sub3A_2587 = arith.subi %add3A_2586, %broadcast_in_dim3A_5 : vector<16xi32>
    %select_n3A_2588 = arith.select %eq3A_2581, %sub3A_2587, %select_n3A_2572 : vector<16xi1>, vector<16xi32>
    %all_reduce_population_count3A_2589 = tpu.all_reduce %eq3A_2581 {dim = 0 : i64, kind = #tpu.reduction_kind<sum>} : vector<16xi1> -> vector<16xi32>
    %eq3A_2590 = arith.constant 7 : i32
    %eq3A_2591 = vector.broadcast %eq3A_2590 : i32 to vector<16xi32>
    %eq3A_2592 = arith.cmpi eq, %iota3A, %eq3A_2591 : vector<16xi32>
    %select_n3A_2593 = arith.select %eq3A_2592, %all_reduce_population_count3A_2589, %broadcast_in_dim3A_3 : vector<16xi1>, vector<16xi32>
    %add3A_2594 = arith.addi %add3A_2578, %select_n3A_2593 : vector<16xi32>
    %get3A_2595 = arith.constant 0 : index
    %get3A_2596 = tpu.vector_load %arg18[%get3A_2595] {strides = array<i32>} : memref<16xi32, #tpu.memory_space<vmem>>, vector<16xi32>,
    %add3A_2597 = arith.addi %get3A_2596, %add3A_2594 : vector<16xi32>
    %swap3A_2598 = arith.constant 0 : index
    %swap3A_2599 = tpu.vector_load %arg18[%swap3A_2598] {strides = array<i32>} : memref<16xi32, #tpu.memory_space<vmem>>, vector<16xi32>,
    tpu.vector_store %arg18[%swap3A_2598], %add3A_2597 {strides = array<i32>} : memref<16xi32, #tpu.memory_space<vmem>>, vector<16xi32>,
    %swap3A_2600 = arith.constant 7 : i32
    %swap3A_2601 = arith.index_cast %swap3A_2600 : i32 to index
    %swap3A_2602 = arith.constant 16 : index
    %swap3A_2603 = tpu.vector_load %arg11[%swap3A_2601, %swap3A_2602] {strides = array<i32>} : memref<8x32xi32, #tpu.memory_space<vmem>>, vector<16xi32>,
    tpu.vector_store %arg11[%swap3A_2601, %swap3A_2602], %select_n3A_2588 {strides = array<i32>} : memref<8x32xi32, #tpu.memory_space<vmem>>, vector<16xi32>,
    "tpu.region"() ({
      %run_scoped3A = tpu.sem_alloc : memref<!tpu.dma_semaphore, #tpu.memory_space<semaphore_mem>>
      %dma_start3A_2792 = arith.constant 0 : i32
      %dma_start3A_2793 = arith.constant 0 : i32
      %dma_start3A_2794 = tpu.memref_slice %arg5[%add3A, %dma_start3A_2792, %dma_start3A_2793] : memref<32x8x32xi32, #tpu.memory_space<hbm>> -> memref<1x8x32xi32, #tpu.memory_space<hbm>>
      %dma_start3A_2795 = tpu.memref_squeeze %dma_start3A_2794 : memref<1x8x32xi32, #tpu.memory_space<hbm>> -> memref<8x32xi32, #tpu.memory_space<hbm>>
      %dma_start3A_2796 = arith.constant 0 : i32
      %dma_start3A_2797 = arith.constant 0 : i32
      %dma_start3A_2798 = tpu.memref_slice %arg5[%add3A, %dma_start3A_2796, %dma_start3A_2797] : memref<32x8x32xi32, #tpu.memory_space<hbm>> -> memref<1x8x32xi32, #tpu.memory_space<hbm>>
      %dma_start3A_2799 = tpu.memref_squeeze %dma_start3A_2798 : memref<1x8x32xi32, #tpu.memory_space<hbm>> -> memref<8x32xi32, #tpu.memory_space<hbm>>
      tpu.enqueue_dma source(%arg11 : memref<8x32xi32, #tpu.memory_space<vmem>>) target(%dma_start3A_2799 : memref<8x32xi32, #tpu.memory_space<hbm>>) target_semaphore(%run_scoped3A : memref<!tpu.dma_semaphore, #tpu.memory_space<semaphore_mem>>)
      %dma_wait3A_2800 = arith.constant 0 : i32
      %dma_wait3A_2801 = arith.constant 0 : i32
      %dma_wait3A_2802 = tpu.memref_slice %arg5[%add3A, %dma_wait3A_2800, %dma_wait3A_2801] : memref<32x8x32xi32, #tpu.memory_space<hbm>> -> memref<1x8x32xi32, #tpu.memory_space<hbm>>
      %dma_wait3A_2803 = tpu.memref_squeeze %dma_wait3A_2802 : memref<1x8x32xi32, #tpu.memory_space<hbm>> -> memref<8x32xi32, #tpu.memory_space<hbm>>
      %dma_wait3A_2804 = arith.constant 0 : i32
      %dma_wait3A_2805 = arith.constant 0 : i32
      %dma_wait3A_2806 = tpu.memref_slice %arg5[%add3A, %dma_wait3A_2804, %dma_wait3A_2805] : memref<32x8x32xi32, #tpu.memory_space<hbm>> -> memref<1x8x32xi32, #tpu.memory_space<hbm>>
      %dma_wait3A_2807 = tpu.memref_squeeze %dma_wait3A_2806 : memref<1x8x32xi32, #tpu.memory_space<hbm>> -> memref<8x32xi32, #tpu.memory_space<hbm>>
      tpu.wait_dma2 semaphore(%run_scoped3A : memref<!tpu.dma_semaphore, #tpu.memory_space<semaphore_mem>>) src(%arg11 : memref<8x32xi32, #tpu.memory_space<vmem>>) dst(%dma_wait3A_2807 : memref<8x32xi32, #tpu.memory_space<hbm>>)
      tpu.yield
    }) : () -> ()
    %dma_start3A = arith.constant 0 : i32
    %dma_start3A_2604 = tpu.memref_slice %arg3[%mul3A_2, %dma_start3A] : memref<8192x1024xf32, #tpu.memory_space<hbm>> -> memref<32x1024xf32, #tpu.memory_space<hbm>>
    %dma_start3A_2605 = arith.constant 0 : i32
    %dma_start3A_2606 = tpu.memref_slice %arg3[%mul3A_2, %dma_start3A_2605] : memref<8192x1024xf32, #tpu.memory_space<hbm>> -> memref<32x1024xf32, #tpu.memory_space<hbm>>
    tpu.enqueue_dma source(%dma_start3A_2606 : memref<32x1024xf32, #tpu.memory_space<hbm>>) target(%arg12 : memref<32x1024xf32, #tpu.memory_space<vmem>>) target_semaphore(%arg14 : memref<!tpu.dma_semaphore, #tpu.memory_space<semaphore_mem>>)
    %dma_wait3A = arith.constant 0 : i32
    %dma_wait3A_2607 = tpu.memref_slice %arg3[%mul3A_2, %dma_wait3A] : memref<8192x1024xf32, #tpu.memory_space<hbm>> -> memref<32x1024xf32, #tpu.memory_space<hbm>>
    %dma_wait3A_2608 = arith.constant 0 : i32
    %dma_wait3A_2609 = tpu.memref_slice %arg3[%mul3A_2, %dma_wait3A_2608] : memref<8192x1024xf32, #tpu.memory_space<hbm>> -> memref<32x1024xf32, #tpu.memory_space<hbm>>
    tpu.wait_dma2 semaphore(%arg14 : memref<!tpu.dma_semaphore, #tpu.memory_space<semaphore_mem>>) src(%dma_wait3A_2609 : memref<32x1024xf32, #tpu.memory_space<hbm>>) dst(%arg12 : memref<32x1024xf32, #tpu.memory_space<vmem>>)
    %dma_start3A_2610 = arith.constant 0 : i32
    %dma_start3A_2611 = arith.constant 0 : i32
    %dma_start3A_2612 = tpu.memref_slice %arg11[%dma_start3A_2610, %dma_start3A_2611] : memref<8x32xi32, #tpu.memory_space<vmem>> -> memref<1x32xi32, #tpu.memory_space<vmem>>
    %dma_start3A_2613 = tpu.memref_squeeze %dma_start3A_2612 : memref<1x32xi32, #tpu.memory_space<vmem>> -> memref<32xi32, #tpu.memory_space<vmem>>
    %dma_start3A_2614 = arith.constant 0 : i32
    %dma_start3A_2615 = arith.constant 0 : i32
    %dma_start3A_2616 = tpu.memref_slice %arg7[%dma_start3A_2614, %dma_start3A_2615] : memref<8192x1024xf32, #tpu.memory_space<hbm>> -> memref<8192x1024xf32, #tpu.memory_space<hbm>>
    tpu.enqueue_indirect_dma source(%arg12 : memref<32x1024xf32, #tpu.memory_space<vmem>>) target(%dma_start3A_2616 : memref<8192x1024xf32, #tpu.memory_space<hbm>>) offsets(%dma_start3A_2613 : memref<32xi32, #tpu.memory_space<vmem>>) semaphore(%arg16 : memref<!tpu.dma_semaphore, #tpu.memory_space<semaphore_mem>>)
    %add3A_2617 = arith.constant 32 : i32
    %add3A_2618 = arith.addi %mul3A_2, %add3A_2617 : i32
    %dma_start3A_2619 = arith.constant 0 : i32
    %dma_start3A_2620 = tpu.memref_slice %arg3[%add3A_2618, %dma_start3A_2619] : memref<8192x1024xf32, #tpu.memory_space<hbm>> -> memref<32x1024xf32, #tpu.memory_space<hbm>>
    %dma_start3A_2621 = arith.constant 0 : i32
    %dma_start3A_2622 = tpu.memref_slice %arg3[%add3A_2618, %dma_start3A_2621] : memref<8192x1024xf32, #tpu.memory_space<hbm>> -> memref<32x1024xf32, #tpu.memory_space<hbm>>
    tpu.enqueue_dma source(%dma_start3A_2622 : memref<32x1024xf32, #tpu.memory_space<hbm>>) target(%arg13 : memref<32x1024xf32, #tpu.memory_space<vmem>>) target_semaphore(%arg15 : memref<!tpu.dma_semaphore, #tpu.memory_space<semaphore_mem>>)
    %dma_wait3A_2623 = arith.constant 0 : i32
    %dma_wait3A_2624 = tpu.memref_slice %arg3[%add3A_2618, %dma_wait3A_2623] : memref<8192x1024xf32, #tpu.memory_space<hbm>> -> memref<32x1024xf32, #tpu.memory_space<hbm>>
    %dma_wait3A_2625 = arith.constant 0 : i32
    %dma_wait3A_2626 = tpu.memref_slice %arg3[%add3A_2618, %dma_wait3A_2625] : memref<8192x1024xf32, #tpu.memory_space<hbm>> -> memref<32x1024xf32, #tpu.memory_space<hbm>>
    tpu.wait_dma2 semaphore(%arg15 : memref<!tpu.dma_semaphore, #tpu.memory_space<semaphore_mem>>) src(%dma_wait3A_2626 : memref<32x1024xf32, #tpu.memory_space<hbm>>) dst(%arg13 : memref<32x1024xf32, #tpu.memory_space<vmem>>)
    %dma_start3A_2627 = arith.constant 1 : i32
    %dma_start3A_2628 = arith.constant 0 : i32
    %dma_start3A_2629 = tpu.memref_slice %arg11[%dma_start3A_2627, %dma_start3A_2628] : memref<8x32xi32, #tpu.memory_space<vmem>> -> memref<1x32xi32, #tpu.memory_space<vmem>>
    %dma_start3A_2630 = tpu.memref_squeeze %dma_start3A_2629 : memref<1x32xi32, #tpu.memory_space<vmem>> -> memref<32xi32, #tpu.memory_space<vmem>>
    %dma_start3A_2631 = arith.constant 0 : i32
    %dma_start3A_2632 = arith.constant 0 : i32
    %dma_start3A_2633 = tpu.memref_slice %arg7[%dma_start3A_2631, %dma_start3A_2632] : memref<8192x1024xf32, #tpu.memory_space<hbm>> -> memref<8192x1024xf32, #tpu.memory_space<hbm>>
    tpu.enqueue_indirect_dma source(%arg13 : memref<32x1024xf32, #tpu.memory_space<vmem>>) target(%dma_start3A_2633 : memref<8192x1024xf32, #tpu.memory_space<hbm>>) offsets(%dma_start3A_2630 : memref<32xi32, #tpu.memory_space<vmem>>) semaphore(%arg17 : memref<!tpu.dma_semaphore, #tpu.memory_space<semaphore_mem>>)
    %dma_wait3A_2634 = arith.constant 0 : i32
    %dma_wait3A_2635 = arith.constant 0 : i32
    %dma_wait3A_2636 = tpu.memref_slice %arg11[%dma_wait3A_2634, %dma_wait3A_2635] : memref<8x32xi32, #tpu.memory_space<vmem>> -> memref<1x32xi32, #tpu.memory_space<vmem>>
    %dma_wait3A_2637 = tpu.memref_squeeze %dma_wait3A_2636 : memref<1x32xi32, #tpu.memory_space<vmem>> -> memref<32xi32, #tpu.memory_space<vmem>>
    %dma_wait3A_2638 = arith.constant 0 : i32
    %dma_wait3A_2639 = arith.constant 0 : i32
    %dma_wait3A_2640 = tpu.memref_slice %arg7[%dma_wait3A_2638, %dma_wait3A_2639] : memref<8192x1024xf32, #tpu.memory_space<hbm>> -> memref<8192x1024xf32, #tpu.memory_space<hbm>>
    tpu.wait_indirect_dma semaphore(%arg16 : memref<!tpu.dma_semaphore, #tpu.memory_space<semaphore_mem>>) src(%arg12 : memref<32x1024xf32, #tpu.memory_space<vmem>>) dst(%dma_wait3A_2640 : memref<8192x1024xf32, #tpu.memory_space<hbm>>)
    %add3A_2641 = arith.constant 64 : i32
    %add3A_2642 = arith.addi %mul3A_2, %add3A_2641 : i32
    %dma_start3A_2643 = arith.constant 0 : i32
    %dma_start3A_2644 = tpu.memref_slice %arg3[%add3A_2642, %dma_start3A_2643] : memref<8192x1024xf32, #tpu.memory_space<hbm>> -> memref<32x1024xf32, #tpu.memory_space<hbm>>
    %dma_start3A_2645 = arith.constant 0 : i32
    %dma_start3A_2646 = tpu.memref_slice %arg3[%add3A_2642, %dma_start3A_2645] : memref<8192x1024xf32, #tpu.memory_space<hbm>> -> memref<32x1024xf32, #tpu.memory_space<hbm>>
    tpu.enqueue_dma source(%dma_start3A_2646 : memref<32x1024xf32, #tpu.memory_space<hbm>>) target(%arg12 : memref<32x1024xf32, #tpu.memory_space<vmem>>) target_semaphore(%arg14 : memref<!tpu.dma_semaphore, #tpu.memory_space<semaphore_mem>>)
    %dma_wait3A_2647 = arith.constant 0 : i32
    %dma_wait3A_2648 = tpu.memref_slice %arg3[%add3A_2642, %dma_wait3A_2647] : memref<8192x1024xf32, #tpu.memory_space<hbm>> -> memref<32x1024xf32, #tpu.memory_space<hbm>>
    %dma_wait3A_2649 = arith.constant 0 : i32
    %dma_wait3A_2650 = tpu.memref_slice %arg3[%add3A_2642, %dma_wait3A_2649] : memref<8192x1024xf32, #tpu.memory_space<hbm>> -> memref<32x1024xf32, #tpu.memory_space<hbm>>
    tpu.wait_dma2 semaphore(%arg14 : memref<!tpu.dma_semaphore, #tpu.memory_space<semaphore_mem>>) src(%dma_wait3A_2650 : memref<32x1024xf32, #tpu.memory_space<hbm>>) dst(%arg12 : memref<32x1024xf32, #tpu.memory_space<vmem>>)
    %dma_start3A_2651 = arith.constant 2 : i32
    %dma_start3A_2652 = arith.constant 0 : i32
    %dma_start3A_2653 = tpu.memref_slice %arg11[%dma_start3A_2651, %dma_start3A_2652] : memref<8x32xi32, #tpu.memory_space<vmem>> -> memref<1x32xi32, #tpu.memory_space<vmem>>
    %dma_start3A_2654 = tpu.memref_squeeze %dma_start3A_2653 : memref<1x32xi32, #tpu.memory_space<vmem>> -> memref<32xi32, #tpu.memory_space<vmem>>
    %dma_start3A_2655 = arith.constant 0 : i32
    %dma_start3A_2656 = arith.constant 0 : i32
    %dma_start3A_2657 = tpu.memref_slice %arg7[%dma_start3A_2655, %dma_start3A_2656] : memref<8192x1024xf32, #tpu.memory_space<hbm>> -> memref<8192x1024xf32, #tpu.memory_space<hbm>>
    tpu.enqueue_indirect_dma source(%arg12 : memref<32x1024xf32, #tpu.memory_space<vmem>>) target(%dma_start3A_2657 : memref<8192x1024xf32, #tpu.memory_space<hbm>>) offsets(%dma_start3A_2654 : memref<32xi32, #tpu.memory_space<vmem>>) semaphore(%arg16 : memref<!tpu.dma_semaphore, #tpu.memory_space<semaphore_mem>>)
    %dma_wait3A_2658 = arith.constant 1 : i32
    %dma_wait3A_2659 = arith.constant 0 : i32
    %dma_wait3A_2660 = tpu.memref_slice %arg11[%dma_wait3A_2658, %dma_wait3A_2659] : memref<8x32xi32, #tpu.memory_space<vmem>> -> memref<1x32xi32, #tpu.memory_space<vmem>>
    %dma_wait3A_2661 = tpu.memref_squeeze %dma_wait3A_2660 : memref<1x32xi32, #tpu.memory_space<vmem>> -> memref<32xi32, #tpu.memory_space<vmem>>
    %dma_wait3A_2662 = arith.constant 0 : i32
    %dma_wait3A_2663 = arith.constant 0 : i32
    %dma_wait3A_2664 = tpu.memref_slice %arg7[%dma_wait3A_2662, %dma_wait3A_2663] : memref<8192x1024xf32, #tpu.memory_space<hbm>> -> memref<8192x1024xf32, #tpu.memory_space<hbm>>
    tpu.wait_indirect_dma semaphore(%arg17 : memref<!tpu.dma_semaphore, #tpu.memory_space<semaphore_mem>>) src(%arg13 : memref<32x1024xf32, #tpu.memory_space<vmem>>) dst(%dma_wait3A_2664 : memref<8192x1024xf32, #tpu.memory_space<hbm>>)
    %add3A_2665 = arith.constant 96 : i32
    %add3A_2666 = arith.addi %mul3A_2, %add3A_2665 : i32
    %dma_start3A_2667 = arith.constant 0 : i32
    %dma_start3A_2668 = tpu.memref_slice %arg3[%add3A_2666, %dma_start3A_2667] : memref<8192x1024xf32, #tpu.memory_space<hbm>> -> memref<32x1024xf32, #tpu.memory_space<hbm>>
    %dma_start3A_2669 = arith.constant 0 : i32
    %dma_start3A_2670 = tpu.memref_slice %arg3[%add3A_2666, %dma_start3A_2669] : memref<8192x1024xf32, #tpu.memory_space<hbm>> -> memref<32x1024xf32, #tpu.memory_space<hbm>>
    tpu.enqueue_dma source(%dma_start3A_2670 : memref<32x1024xf32, #tpu.memory_space<hbm>>) target(%arg13 : memref<32x1024xf32, #tpu.memory_space<vmem>>) target_semaphore(%arg15 : memref<!tpu.dma_semaphore, #tpu.memory_space<semaphore_mem>>)
    %dma_wait3A_2671 = arith.constant 0 : i32
    %dma_wait3A_2672 = tpu.memref_slice %arg3[%add3A_2666, %dma_wait3A_2671] : memref<8192x1024xf32, #tpu.memory_space<hbm>> -> memref<32x1024xf32, #tpu.memory_space<hbm>>
    %dma_wait3A_2673 = arith.constant 0 : i32
    %dma_wait3A_2674 = tpu.memref_slice %arg3[%add3A_2666, %dma_wait3A_2673] : memref<8192x1024xf32, #tpu.memory_space<hbm>> -> memref<32x1024xf32, #tpu.memory_space<hbm>>
    tpu.wait_dma2 semaphore(%arg15 : memref<!tpu.dma_semaphore, #tpu.memory_space<semaphore_mem>>) src(%dma_wait3A_2674 : memref<32x1024xf32, #tpu.memory_space<hbm>>) dst(%arg13 : memref<32x1024xf32, #tpu.memory_space<vmem>>)
    %dma_start3A_2675 = arith.constant 3 : i32
    %dma_start3A_2676 = arith.constant 0 : i32
    %dma_start3A_2677 = tpu.memref_slice %arg11[%dma_start3A_2675, %dma_start3A_2676] : memref<8x32xi32, #tpu.memory_space<vmem>> -> memref<1x32xi32, #tpu.memory_space<vmem>>
    %dma_start3A_2678 = tpu.memref_squeeze %dma_start3A_2677 : memref<1x32xi32, #tpu.memory_space<vmem>> -> memref<32xi32, #tpu.memory_space<vmem>>
    %dma_start3A_2679 = arith.constant 0 : i32
    %dma_start3A_2680 = arith.constant 0 : i32
    %dma_start3A_2681 = tpu.memref_slice %arg7[%dma_start3A_2679, %dma_start3A_2680] : memref<8192x1024xf32, #tpu.memory_space<hbm>> -> memref<8192x1024xf32, #tpu.memory_space<hbm>>
    tpu.enqueue_indirect_dma source(%arg13 : memref<32x1024xf32, #tpu.memory_space<vmem>>) target(%dma_start3A_2681 : memref<8192x1024xf32, #tpu.memory_space<hbm>>) offsets(%dma_start3A_2678 : memref<32xi32, #tpu.memory_space<vmem>>) semaphore(%arg17 : memref<!tpu.dma_semaphore, #tpu.memory_space<semaphore_mem>>)
    %dma_wait3A_2682 = arith.constant 2 : i32
    %dma_wait3A_2683 = arith.constant 0 : i32
    %dma_wait3A_2684 = tpu.memref_slice %arg11[%dma_wait3A_2682, %dma_wait3A_2683] : memref<8x32xi32, #tpu.memory_space<vmem>> -> memref<1x32xi32, #tpu.memory_space<vmem>>
    %dma_wait3A_2685 = tpu.memref_squeeze %dma_wait3A_2684 : memref<1x32xi32, #tpu.memory_space<vmem>> -> memref<32xi32, #tpu.memory_space<vmem>>
    %dma_wait3A_2686 = arith.constant 0 : i32
    %dma_wait3A_2687 = arith.constant 0 : i32
    %dma_wait3A_2688 = tpu.memref_slice %arg7[%dma_wait3A_2686, %dma_wait3A_2687] : memref<8192x1024xf32, #tpu.memory_space<hbm>> -> memref<8192x1024xf32, #tpu.memory_space<hbm>>
    tpu.wait_indirect_dma semaphore(%arg16 : memref<!tpu.dma_semaphore, #tpu.memory_space<semaphore_mem>>) src(%arg12 : memref<32x1024xf32, #tpu.memory_space<vmem>>) dst(%dma_wait3A_2688 : memref<8192x1024xf32, #tpu.memory_space<hbm>>)
    %add3A_2689 = arith.constant 128 : i32
    %add3A_2690 = arith.addi %mul3A_2, %add3A_2689 : i32
    %dma_start3A_2691 = arith.constant 0 : i32
    %dma_start3A_2692 = tpu.memref_slice %arg3[%add3A_2690, %dma_start3A_2691] : memref<8192x1024xf32, #tpu.memory_space<hbm>> -> memref<32x1024xf32, #tpu.memory_space<hbm>>
    %dma_start3A_2693 = arith.constant 0 : i32
    %dma_start3A_2694 = tpu.memref_slice %arg3[%add3A_2690, %dma_start3A_2693] : memref<8192x1024xf32, #tpu.memory_space<hbm>> -> memref<32x1024xf32, #tpu.memory_space<hbm>>
    tpu.enqueue_dma source(%dma_start3A_2694 : memref<32x1024xf32, #tpu.memory_space<hbm>>) target(%arg12 : memref<32x1024xf32, #tpu.memory_space<vmem>>) target_semaphore(%arg14 : memref<!tpu.dma_semaphore, #tpu.memory_space<semaphore_mem>>)
    %dma_wait3A_2695 = arith.constant 0 : i32
    %dma_wait3A_2696 = tpu.memref_slice %arg3[%add3A_2690, %dma_wait3A_2695] : memref<8192x1024xf32, #tpu.memory_space<hbm>> -> memref<32x1024xf32, #tpu.memory_space<hbm>>
    %dma_wait3A_2697 = arith.constant 0 : i32
    %dma_wait3A_2698 = tpu.memref_slice %arg3[%add3A_2690, %dma_wait3A_2697] : memref<8192x1024xf32, #tpu.memory_space<hbm>> -> memref<32x1024xf32, #tpu.memory_space<hbm>>
    tpu.wait_dma2 semaphore(%arg14 : memref<!tpu.dma_semaphore, #tpu.memory_space<semaphore_mem>>) src(%dma_wait3A_2698 : memref<32x1024xf32, #tpu.memory_space<hbm>>) dst(%arg12 : memref<32x1024xf32, #tpu.memory_space<vmem>>)
    %dma_start3A_2699 = arith.constant 4 : i32
    %dma_start3A_2700 = arith.constant 0 : i32
    %dma_start3A_2701 = tpu.memref_slice %arg11[%dma_start3A_2699, %dma_start3A_2700] : memref<8x32xi32, #tpu.memory_space<vmem>> -> memref<1x32xi32, #tpu.memory_space<vmem>>
    %dma_start3A_2702 = tpu.memref_squeeze %dma_start3A_2701 : memref<1x32xi32, #tpu.memory_space<vmem>> -> memref<32xi32, #tpu.memory_space<vmem>>
    %dma_start3A_2703 = arith.constant 0 : i32
    %dma_start3A_2704 = arith.constant 0 : i32
    %dma_start3A_2705 = tpu.memref_slice %arg7[%dma_start3A_2703, %dma_start3A_2704] : memref<8192x1024xf32, #tpu.memory_space<hbm>> -> memref<8192x1024xf32, #tpu.memory_space<hbm>>
    tpu.enqueue_indirect_dma source(%arg12 : memref<32x1024xf32, #tpu.memory_space<vmem>>) target(%dma_start3A_2705 : memref<8192x1024xf32, #tpu.memory_space<hbm>>) offsets(%dma_start3A_2702 : memref<32xi32, #tpu.memory_space<vmem>>) semaphore(%arg16 : memref<!tpu.dma_semaphore, #tpu.memory_space<semaphore_mem>>)
    %dma_wait3A_2706 = arith.constant 3 : i32
    %dma_wait3A_2707 = arith.constant 0 : i32
    %dma_wait3A_2708 = tpu.memref_slice %arg11[%dma_wait3A_2706, %dma_wait3A_2707] : memref<8x32xi32, #tpu.memory_space<vmem>> -> memref<1x32xi32, #tpu.memory_space<vmem>>
    %dma_wait3A_2709 = tpu.memref_squeeze %dma_wait3A_2708 : memref<1x32xi32, #tpu.memory_space<vmem>> -> memref<32xi32, #tpu.memory_space<vmem>>
    %dma_wait3A_2710 = arith.constant 0 : i32
    %dma_wait3A_2711 = arith.constant 0 : i32
    %dma_wait3A_2712 = tpu.memref_slice %arg7[%dma_wait3A_2710, %dma_wait3A_2711] : memref<8192x1024xf32, #tpu.memory_space<hbm>> -> memref<8192x1024xf32, #tpu.memory_space<hbm>>
    tpu.wait_indirect_dma semaphore(%arg17 : memref<!tpu.dma_semaphore, #tpu.memory_space<semaphore_mem>>) src(%arg13 : memref<32x1024xf32, #tpu.memory_space<vmem>>) dst(%dma_wait3A_2712 : memref<8192x1024xf32, #tpu.memory_space<hbm>>)
    %add3A_2713 = arith.constant 160 : i32
    %add3A_2714 = arith.addi %mul3A_2, %add3A_2713 : i32
    %dma_start3A_2715 = arith.constant 0 : i32
    %dma_start3A_2716 = tpu.memref_slice %arg3[%add3A_2714, %dma_start3A_2715] : memref<8192x1024xf32, #tpu.memory_space<hbm>> -> memref<32x1024xf32, #tpu.memory_space<hbm>>
    %dma_start3A_2717 = arith.constant 0 : i32
    %dma_start3A_2718 = tpu.memref_slice %arg3[%add3A_2714, %dma_start3A_2717] : memref<8192x1024xf32, #tpu.memory_space<hbm>> -> memref<32x1024xf32, #tpu.memory_space<hbm>>
    tpu.enqueue_dma source(%dma_start3A_2718 : memref<32x1024xf32, #tpu.memory_space<hbm>>) target(%arg13 : memref<32x1024xf32, #tpu.memory_space<vmem>>) target_semaphore(%arg15 : memref<!tpu.dma_semaphore, #tpu.memory_space<semaphore_mem>>)
    %dma_wait3A_2719 = arith.constant 0 : i32
    %dma_wait3A_2720 = tpu.memref_slice %arg3[%add3A_2714, %dma_wait3A_2719] : memref<8192x1024xf32, #tpu.memory_space<hbm>> -> memref<32x1024xf32, #tpu.memory_space<hbm>>
    %dma_wait3A_2721 = arith.constant 0 : i32
    %dma_wait3A_2722 = tpu.memref_slice %arg3[%add3A_2714, %dma_wait3A_2721] : memref<8192x1024xf32, #tpu.memory_space<hbm>> -> memref<32x1024xf32, #tpu.memory_space<hbm>>
    tpu.wait_dma2 semaphore(%arg15 : memref<!tpu.dma_semaphore, #tpu.memory_space<semaphore_mem>>) src(%dma_wait3A_2722 : memref<32x1024xf32, #tpu.memory_space<hbm>>) dst(%arg13 : memref<32x1024xf32, #tpu.memory_space<vmem>>)
    %dma_start3A_2723 = arith.constant 5 : i32
    %dma_start3A_2724 = arith.constant 0 : i32
    %dma_start3A_2725 = tpu.memref_slice %arg11[%dma_start3A_2723, %dma_start3A_2724] : memref<8x32xi32, #tpu.memory_space<vmem>> -> memref<1x32xi32, #tpu.memory_space<vmem>>
    %dma_start3A_2726 = tpu.memref_squeeze %dma_start3A_2725 : memref<1x32xi32, #tpu.memory_space<vmem>> -> memref<32xi32, #tpu.memory_space<vmem>>
    %dma_start3A_2727 = arith.constant 0 : i32
    %dma_start3A_2728 = arith.constant 0 : i32
    %dma_start3A_2729 = tpu.memref_slice %arg7[%dma_start3A_2727, %dma_start3A_2728] : memref<8192x1024xf32, #tpu.memory_space<hbm>> -> memref<8192x1024xf32, #tpu.memory_space<hbm>>
    tpu.enqueue_indirect_dma source(%arg13 : memref<32x1024xf32, #tpu.memory_space<vmem>>) target(%dma_start3A_2729 : memref<8192x1024xf32, #tpu.memory_space<hbm>>) offsets(%dma_start3A_2726 : memref<32xi32, #tpu.memory_space<vmem>>) semaphore(%arg17 : memref<!tpu.dma_semaphore, #tpu.memory_space<semaphore_mem>>)
    %dma_wait3A_2730 = arith.constant 4 : i32
    %dma_wait3A_2731 = arith.constant 0 : i32
    %dma_wait3A_2732 = tpu.memref_slice %arg11[%dma_wait3A_2730, %dma_wait3A_2731] : memref<8x32xi32, #tpu.memory_space<vmem>> -> memref<1x32xi32, #tpu.memory_space<vmem>>
    %dma_wait3A_2733 = tpu.memref_squeeze %dma_wait3A_2732 : memref<1x32xi32, #tpu.memory_space<vmem>> -> memref<32xi32, #tpu.memory_space<vmem>>
    %dma_wait3A_2734 = arith.constant 0 : i32
    %dma_wait3A_2735 = arith.constant 0 : i32
    %dma_wait3A_2736 = tpu.memref_slice %arg7[%dma_wait3A_2734, %dma_wait3A_2735] : memref<8192x1024xf32, #tpu.memory_space<hbm>> -> memref<8192x1024xf32, #tpu.memory_space<hbm>>
    tpu.wait_indirect_dma semaphore(%arg16 : memref<!tpu.dma_semaphore, #tpu.memory_space<semaphore_mem>>) src(%arg12 : memref<32x1024xf32, #tpu.memory_space<vmem>>) dst(%dma_wait3A_2736 : memref<8192x1024xf32, #tpu.memory_space<hbm>>)
    %add3A_2737 = arith.constant 192 : i32
    %add3A_2738 = arith.addi %mul3A_2, %add3A_2737 : i32
    %dma_start3A_2739 = arith.constant 0 : i32
    %dma_start3A_2740 = tpu.memref_slice %arg3[%add3A_2738, %dma_start3A_2739] : memref<8192x1024xf32, #tpu.memory_space<hbm>> -> memref<32x1024xf32, #tpu.memory_space<hbm>>
    %dma_start3A_2741 = arith.constant 0 : i32
    %dma_start3A_2742 = tpu.memref_slice %arg3[%add3A_2738, %dma_start3A_2741] : memref<8192x1024xf32, #tpu.memory_space<hbm>> -> memref<32x1024xf32, #tpu.memory_space<hbm>>
    tpu.enqueue_dma source(%dma_start3A_2742 : memref<32x1024xf32, #tpu.memory_space<hbm>>) target(%arg12 : memref<32x1024xf32, #tpu.memory_space<vmem>>) target_semaphore(%arg14 : memref<!tpu.dma_semaphore, #tpu.memory_space<semaphore_mem>>)
    %dma_wait3A_2743 = arith.constant 0 : i32
    %dma_wait3A_2744 = tpu.memref_slice %arg3[%add3A_2738, %dma_wait3A_2743] : memref<8192x1024xf32, #tpu.memory_space<hbm>> -> memref<32x1024xf32, #tpu.memory_space<hbm>>
    %dma_wait3A_2745 = arith.constant 0 : i32
    %dma_wait3A_2746 = tpu.memref_slice %arg3[%add3A_2738, %dma_wait3A_2745] : memref<8192x1024xf32, #tpu.memory_space<hbm>> -> memref<32x1024xf32, #tpu.memory_space<hbm>>
    tpu.wait_dma2 semaphore(%arg14 : memref<!tpu.dma_semaphore, #tpu.memory_space<semaphore_mem>>) src(%dma_wait3A_2746 : memref<32x1024xf32, #tpu.memory_space<hbm>>) dst(%arg12 : memref<32x1024xf32, #tpu.memory_space<vmem>>)
    %dma_start3A_2747 = arith.constant 6 : i32
    %dma_start3A_2748 = arith.constant 0 : i32
    %dma_start3A_2749 = tpu.memref_slice %arg11[%dma_start3A_2747, %dma_start3A_2748] : memref<8x32xi32, #tpu.memory_space<vmem>> -> memref<1x32xi32, #tpu.memory_space<vmem>>
    %dma_start3A_2750 = tpu.memref_squeeze %dma_start3A_2749 : memref<1x32xi32, #tpu.memory_space<vmem>> -> memref<32xi32, #tpu.memory_space<vmem>>
    %dma_start3A_2751 = arith.constant 0 : i32
    %dma_start3A_2752 = arith.constant 0 : i32
    %dma_start3A_2753 = tpu.memref_slice %arg7[%dma_start3A_2751, %dma_start3A_2752] : memref<8192x1024xf32, #tpu.memory_space<hbm>> -> memref<8192x1024xf32, #tpu.memory_space<hbm>>
    tpu.enqueue_indirect_dma source(%arg12 : memref<32x1024xf32, #tpu.memory_space<vmem>>) target(%dma_start3A_2753 : memref<8192x1024xf32, #tpu.memory_space<hbm>>) offsets(%dma_start3A_2750 : memref<32xi32, #tpu.memory_space<vmem>>) semaphore(%arg16 : memref<!tpu.dma_semaphore, #tpu.memory_space<semaphore_mem>>)
    %dma_wait3A_2754 = arith.constant 5 : i32
    %dma_wait3A_2755 = arith.constant 0 : i32
    %dma_wait3A_2756 = tpu.memref_slice %arg11[%dma_wait3A_2754, %dma_wait3A_2755] : memref<8x32xi32, #tpu.memory_space<vmem>> -> memref<1x32xi32, #tpu.memory_space<vmem>>
    %dma_wait3A_2757 = tpu.memref_squeeze %dma_wait3A_2756 : memref<1x32xi32, #tpu.memory_space<vmem>> -> memref<32xi32, #tpu.memory_space<vmem>>
    %dma_wait3A_2758 = arith.constant 0 : i32
    %dma_wait3A_2759 = arith.constant 0 : i32
    %dma_wait3A_2760 = tpu.memref_slice %arg7[%dma_wait3A_2758, %dma_wait3A_2759] : memref<8192x1024xf32, #tpu.memory_space<hbm>> -> memref<8192x1024xf32, #tpu.memory_space<hbm>>
    tpu.wait_indirect_dma semaphore(%arg17 : memref<!tpu.dma_semaphore, #tpu.memory_space<semaphore_mem>>) src(%arg13 : memref<32x1024xf32, #tpu.memory_space<vmem>>) dst(%dma_wait3A_2760 : memref<8192x1024xf32, #tpu.memory_space<hbm>>)
    %add3A_2761 = arith.constant 224 : i32
    %add3A_2762 = arith.addi %mul3A_2, %add3A_2761 : i32
    %dma_start3A_2763 = arith.constant 0 : i32
    %dma_start3A_2764 = tpu.memref_slice %arg3[%add3A_2762, %dma_start3A_2763] : memref<8192x1024xf32, #tpu.memory_space<hbm>> -> memref<32x1024xf32, #tpu.memory_space<hbm>>
    %dma_start3A_2765 = arith.constant 0 : i32
    %dma_start3A_2766 = tpu.memref_slice %arg3[%add3A_2762, %dma_start3A_2765] : memref<8192x1024xf32, #tpu.memory_space<hbm>> -> memref<32x1024xf32, #tpu.memory_space<hbm>>
    tpu.enqueue_dma source(%dma_start3A_2766 : memref<32x1024xf32, #tpu.memory_space<hbm>>) target(%arg13 : memref<32x1024xf32, #tpu.memory_space<vmem>>) target_semaphore(%arg15 : memref<!tpu.dma_semaphore, #tpu.memory_space<semaphore_mem>>)
    %dma_wait3A_2767 = arith.constant 0 : i32
    %dma_wait3A_2768 = tpu.memref_slice %arg3[%add3A_2762, %dma_wait3A_2767] : memref<8192x1024xf32, #tpu.memory_space<hbm>> -> memref<32x1024xf32, #tpu.memory_space<hbm>>
    %dma_wait3A_2769 = arith.constant 0 : i32
    %dma_wait3A_2770 = tpu.memref_slice %arg3[%add3A_2762, %dma_wait3A_2769] : memref<8192x1024xf32, #tpu.memory_space<hbm>> -> memref<32x1024xf32, #tpu.memory_space<hbm>>
    tpu.wait_dma2 semaphore(%arg15 : memref<!tpu.dma_semaphore, #tpu.memory_space<semaphore_mem>>) src(%dma_wait3A_2770 : memref<32x1024xf32, #tpu.memory_space<hbm>>) dst(%arg13 : memref<32x1024xf32, #tpu.memory_space<vmem>>)
    %dma_start3A_2771 = arith.constant 7 : i32
    %dma_start3A_2772 = arith.constant 0 : i32
    %dma_start3A_2773 = tpu.memref_slice %arg11[%dma_start3A_2771, %dma_start3A_2772] : memref<8x32xi32, #tpu.memory_space<vmem>> -> memref<1x32xi32, #tpu.memory_space<vmem>>
    %dma_start3A_2774 = tpu.memref_squeeze %dma_start3A_2773 : memref<1x32xi32, #tpu.memory_space<vmem>> -> memref<32xi32, #tpu.memory_space<vmem>>
    %dma_start3A_2775 = arith.constant 0 : i32
    %dma_start3A_2776 = arith.constant 0 : i32
    %dma_start3A_2777 = tpu.memref_slice %arg7[%dma_start3A_2775, %dma_start3A_2776] : memref<8192x1024xf32, #tpu.memory_space<hbm>> -> memref<8192x1024xf32, #tpu.memory_space<hbm>>
    tpu.enqueue_indirect_dma source(%arg13 : memref<32x1024xf32, #tpu.memory_space<vmem>>) target(%dma_start3A_2777 : memref<8192x1024xf32, #tpu.memory_space<hbm>>) offsets(%dma_start3A_2774 : memref<32xi32, #tpu.memory_space<vmem>>) semaphore(%arg17 : memref<!tpu.dma_semaphore, #tpu.memory_space<semaphore_mem>>)
    %dma_wait3A_2778 = arith.constant 6 : i32
    %dma_wait3A_2779 = arith.constant 0 : i32
    %dma_wait3A_2780 = tpu.memref_slice %arg11[%dma_wait3A_2778, %dma_wait3A_2779] : memref<8x32xi32, #tpu.memory_space<vmem>> -> memref<1x32xi32, #tpu.memory_space<vmem>>
    %dma_wait3A_2781 = tpu.memref_squeeze %dma_wait3A_2780 : memref<1x32xi32, #tpu.memory_space<vmem>> -> memref<32xi32, #tpu.memory_space<vmem>>
    %dma_wait3A_2782 = arith.constant 0 : i32
    %dma_wait3A_2783 = arith.constant 0 : i32
    %dma_wait3A_2784 = tpu.memref_slice %arg7[%dma_wait3A_2782, %dma_wait3A_2783] : memref<8192x1024xf32, #tpu.memory_space<hbm>> -> memref<8192x1024xf32, #tpu.memory_space<hbm>>
    tpu.wait_indirect_dma semaphore(%arg16 : memref<!tpu.dma_semaphore, #tpu.memory_space<semaphore_mem>>) src(%arg12 : memref<32x1024xf32, #tpu.memory_space<vmem>>) dst(%dma_wait3A_2784 : memref<8192x1024xf32, #tpu.memory_space<hbm>>)
    %dma_wait3A_2785 = arith.constant 7 : i32
    %dma_wait3A_2786 = arith.constant 0 : i32
    %dma_wait3A_2787 = tpu.memref_slice %arg11[%dma_wait3A_2785, %dma_wait3A_2786] : memref<8x32xi32, #tpu.memory_space<vmem>> -> memref<1x32xi32, #tpu.memory_space<vmem>>
    %dma_wait3A_2788 = tpu.memref_squeeze %dma_wait3A_2787 : memref<1x32xi32, #tpu.memory_space<vmem>> -> memref<32xi32, #tpu.memory_space<vmem>>
    %dma_wait3A_2789 = arith.constant 0 : i32
    %dma_wait3A_2790 = arith.constant 0 : i32
    %dma_wait3A_2791 = tpu.memref_slice %arg7[%dma_wait3A_2789, %dma_wait3A_2790] : memref<8192x1024xf32, #tpu.memory_space<hbm>> -> memref<8192x1024xf32, #tpu.memory_space<hbm>>
    tpu.wait_indirect_dma semaphore(%arg17 : memref<!tpu.dma_semaphore, #tpu.memory_space<semaphore_mem>>) src(%arg13 : memref<32x1024xf32, #tpu.memory_space<vmem>>) dst(%dma_wait3A_2791 : memref<8192x1024xf32, #tpu.memory_space<hbm>>)
    return
  }
}

#map = affine_map<(d0, d1) -> (0, 0, 0)>
#map1 = affine_map<(d0, d1) -> (0, 0)>
module attributes {stable_mosaic.version = 14 : i64} {
  func.func @_unsort_body(%arg0: i32, %arg1: i32, %arg2: memref<32x8x32xi32, #tpu.memory_space<hbm>>, %arg3: memref<8192x1024xf32, #tpu.memory_space<hbm>>, %arg4: memref<8192x1024xf32, #tpu.memory_space<hbm>>, %arg5: memref<8x32xi32, #tpu.memory_space<vmem>>, %arg6: memref<32x1024xf32, #tpu.memory_space<vmem>>, %arg7: memref<32x1024xf32, #tpu.memory_space<vmem>>, %arg8: memref<!tpu.dma_semaphore, #tpu.memory_space<semaphore_mem>>, %arg9: memref<!tpu.dma_semaphore, #tpu.memory_space<semaphore_mem>>, %arg10: memref<!tpu.dma_semaphore, #tpu.memory_space<semaphore_mem>>, %arg11: memref<!tpu.dma_semaphore, #tpu.memory_space<semaphore_mem>>) attributes {dimension_semantics = [#tpu.dimension_semantics<core_parallel>, #tpu.dimension_semantics<subcore_parallel>], iteration_bounds = array<i64: 2, 16>, scalar_prefetch = 0 : i64, scratch_operands = 7 : i64, tpu.core_type = #tpu.core_type<sc_vector_subcore>, window_params = [{transform_indices = #map}, {transform_indices = #map1}, {transform_indices = #map1}]} {
    %mul3A = arith.constant 2 : i32
    %mul3A_0 = arith.muli %arg1, %mul3A : i32
    %add3A = arith.addi %mul3A_0, %arg0 : i32
    %mul3A_1 = arith.constant 256 : i32
    %mul3A_2 = arith.muli %add3A, %mul3A_1 : i32
    "tpu.region"() ({
      %run_scoped3A = tpu.sem_alloc : memref<!tpu.dma_semaphore, #tpu.memory_space<semaphore_mem>>
      %dma_start3A_193 = arith.constant 0 : i32
      %dma_start3A_194 = arith.constant 0 : i32
      %dma_start3A_195 = tpu.memref_slice %arg2[%add3A, %dma_start3A_193, %dma_start3A_194] : memref<32x8x32xi32, #tpu.memory_space<hbm>> -> memref<1x8x32xi32, #tpu.memory_space<hbm>>
      %dma_start3A_196 = tpu.memref_squeeze %dma_start3A_195 : memref<1x8x32xi32, #tpu.memory_space<hbm>> -> memref<8x32xi32, #tpu.memory_space<hbm>>
      %dma_start3A_197 = arith.constant 0 : i32
      %dma_start3A_198 = arith.constant 0 : i32
      %dma_start3A_199 = tpu.memref_slice %arg2[%add3A, %dma_start3A_197, %dma_start3A_198] : memref<32x8x32xi32, #tpu.memory_space<hbm>> -> memref<1x8x32xi32, #tpu.memory_space<hbm>>
      %dma_start3A_200 = tpu.memref_squeeze %dma_start3A_199 : memref<1x8x32xi32, #tpu.memory_space<hbm>> -> memref<8x32xi32, #tpu.memory_space<hbm>>
      tpu.enqueue_dma source(%dma_start3A_200 : memref<8x32xi32, #tpu.memory_space<hbm>>) target(%arg5 : memref<8x32xi32, #tpu.memory_space<vmem>>) target_semaphore(%run_scoped3A : memref<!tpu.dma_semaphore, #tpu.memory_space<semaphore_mem>>)
      %dma_wait3A_201 = arith.constant 0 : i32
      %dma_wait3A_202 = arith.constant 0 : i32
      %dma_wait3A_203 = tpu.memref_slice %arg2[%add3A, %dma_wait3A_201, %dma_wait3A_202] : memref<32x8x32xi32, #tpu.memory_space<hbm>> -> memref<1x8x32xi32, #tpu.memory_space<hbm>>
      %dma_wait3A_204 = tpu.memref_squeeze %dma_wait3A_203 : memref<1x8x32xi32, #tpu.memory_space<hbm>> -> memref<8x32xi32, #tpu.memory_space<hbm>>
      %dma_wait3A_205 = arith.constant 0 : i32
      %dma_wait3A_206 = arith.constant 0 : i32
      %dma_wait3A_207 = tpu.memref_slice %arg2[%add3A, %dma_wait3A_205, %dma_wait3A_206] : memref<32x8x32xi32, #tpu.memory_space<hbm>> -> memref<1x8x32xi32, #tpu.memory_space<hbm>>
      %dma_wait3A_208 = tpu.memref_squeeze %dma_wait3A_207 : memref<1x8x32xi32, #tpu.memory_space<hbm>> -> memref<8x32xi32, #tpu.memory_space<hbm>>
      tpu.wait_dma2 semaphore(%run_scoped3A : memref<!tpu.dma_semaphore, #tpu.memory_space<semaphore_mem>>) src(%dma_wait3A_208 : memref<8x32xi32, #tpu.memory_space<hbm>>) dst(%arg5 : memref<8x32xi32, #tpu.memory_space<vmem>>)
      tpu.yield
    }) : () -> ()
    %dma_start3A = arith.constant 0 : i32
    %dma_start3A_3 = arith.constant 0 : i32
    %dma_start3A_4 = tpu.memref_slice %arg5[%dma_start3A, %dma_start3A_3] : memref<8x32xi32, #tpu.memory_space<vmem>> -> memref<1x32xi32, #tpu.memory_space<vmem>>
    %dma_start3A_5 = tpu.memref_squeeze %dma_start3A_4 : memref<1x32xi32, #tpu.memory_space<vmem>> -> memref<32xi32, #tpu.memory_space<vmem>>
    %dma_start3A_6 = arith.constant 0 : i32
    %dma_start3A_7 = arith.constant 0 : i32
    %dma_start3A_8 = tpu.memref_slice %arg3[%dma_start3A_6, %dma_start3A_7] : memref<8192x1024xf32, #tpu.memory_space<hbm>> -> memref<8192x1024xf32, #tpu.memory_space<hbm>>
    tpu.enqueue_indirect_dma source(%dma_start3A_8 : memref<8192x1024xf32, #tpu.memory_space<hbm>>) target(%arg6 : memref<32x1024xf32, #tpu.memory_space<vmem>>) offsets(%dma_start3A_5 : memref<32xi32, #tpu.memory_space<vmem>>) semaphore(%arg8 : memref<!tpu.dma_semaphore, #tpu.memory_space<semaphore_mem>>)
    %dma_wait3A = arith.constant 0 : i32
    %dma_wait3A_9 = arith.constant 0 : i32
    %dma_wait3A_10 = tpu.memref_slice %arg5[%dma_wait3A, %dma_wait3A_9] : memref<8x32xi32, #tpu.memory_space<vmem>> -> memref<1x32xi32, #tpu.memory_space<vmem>>
    %dma_wait3A_11 = tpu.memref_squeeze %dma_wait3A_10 : memref<1x32xi32, #tpu.memory_space<vmem>> -> memref<32xi32, #tpu.memory_space<vmem>>
    %dma_wait3A_12 = arith.constant 0 : i32
    %dma_wait3A_13 = arith.constant 0 : i32
    %dma_wait3A_14 = tpu.memref_slice %arg3[%dma_wait3A_12, %dma_wait3A_13] : memref<8192x1024xf32, #tpu.memory_space<hbm>> -> memref<8192x1024xf32, #tpu.memory_space<hbm>>
    tpu.wait_indirect_dma semaphore(%arg8 : memref<!tpu.dma_semaphore, #tpu.memory_space<semaphore_mem>>) src(%dma_wait3A_14 : memref<8192x1024xf32, #tpu.memory_space<hbm>>) dst(%arg6 : memref<32x1024xf32, #tpu.memory_space<vmem>>)
    %add3A_15 = arith.constant 0 : i32
    %add3A_16 = arith.addi %mul3A_2, %add3A_15 : i32
    %dma_start3A_17 = arith.constant 0 : i32
    %dma_start3A_18 = tpu.memref_slice %arg4[%add3A_16, %dma_start3A_17] : memref<8192x1024xf32, #tpu.memory_space<hbm>> -> memref<32x1024xf32, #tpu.memory_space<hbm>>
    %dma_start3A_19 = arith.constant 0 : i32
    %dma_start3A_20 = tpu.memref_slice %arg4[%add3A_16, %dma_start3A_19] : memref<8192x1024xf32, #tpu.memory_space<hbm>> -> memref<32x1024xf32, #tpu.memory_space<hbm>>
    tpu.enqueue_dma source(%arg6 : memref<32x1024xf32, #tpu.memory_space<vmem>>) target(%dma_start3A_20 : memref<32x1024xf32, #tpu.memory_space<hbm>>) target_semaphore(%arg10 : memref<!tpu.dma_semaphore, #tpu.memory_space<semaphore_mem>>)
    %dma_start3A_21 = arith.constant 1 : i32
    %dma_start3A_22 = arith.constant 0 : i32
    %dma_start3A_23 = tpu.memref_slice %arg5[%dma_start3A_21, %dma_start3A_22] : memref<8x32xi32, #tpu.memory_space<vmem>> -> memref<1x32xi32, #tpu.memory_space<vmem>>
    %dma_start3A_24 = tpu.memref_squeeze %dma_start3A_23 : memref<1x32xi32, #tpu.memory_space<vmem>> -> memref<32xi32, #tpu.memory_space<vmem>>
    %dma_start3A_25 = arith.constant 0 : i32
    %dma_start3A_26 = arith.constant 0 : i32
    %dma_start3A_27 = tpu.memref_slice %arg3[%dma_start3A_25, %dma_start3A_26] : memref<8192x1024xf32, #tpu.memory_space<hbm>> -> memref<8192x1024xf32, #tpu.memory_space<hbm>>
    tpu.enqueue_indirect_dma source(%dma_start3A_27 : memref<8192x1024xf32, #tpu.memory_space<hbm>>) target(%arg7 : memref<32x1024xf32, #tpu.memory_space<vmem>>) offsets(%dma_start3A_24 : memref<32xi32, #tpu.memory_space<vmem>>) semaphore(%arg9 : memref<!tpu.dma_semaphore, #tpu.memory_space<semaphore_mem>>)
    %dma_wait3A_28 = arith.constant 1 : i32
    %dma_wait3A_29 = arith.constant 0 : i32
    %dma_wait3A_30 = tpu.memref_slice %arg5[%dma_wait3A_28, %dma_wait3A_29] : memref<8x32xi32, #tpu.memory_space<vmem>> -> memref<1x32xi32, #tpu.memory_space<vmem>>
    %dma_wait3A_31 = tpu.memref_squeeze %dma_wait3A_30 : memref<1x32xi32, #tpu.memory_space<vmem>> -> memref<32xi32, #tpu.memory_space<vmem>>
    %dma_wait3A_32 = arith.constant 0 : i32
    %dma_wait3A_33 = arith.constant 0 : i32
    %dma_wait3A_34 = tpu.memref_slice %arg3[%dma_wait3A_32, %dma_wait3A_33] : memref<8192x1024xf32, #tpu.memory_space<hbm>> -> memref<8192x1024xf32, #tpu.memory_space<hbm>>
    tpu.wait_indirect_dma semaphore(%arg9 : memref<!tpu.dma_semaphore, #tpu.memory_space<semaphore_mem>>) src(%dma_wait3A_34 : memref<8192x1024xf32, #tpu.memory_space<hbm>>) dst(%arg7 : memref<32x1024xf32, #tpu.memory_space<vmem>>)
    %add3A_35 = arith.constant 32 : i32
    %add3A_36 = arith.addi %mul3A_2, %add3A_35 : i32
    %dma_start3A_37 = arith.constant 0 : i32
    %dma_start3A_38 = tpu.memref_slice %arg4[%add3A_36, %dma_start3A_37] : memref<8192x1024xf32, #tpu.memory_space<hbm>> -> memref<32x1024xf32, #tpu.memory_space<hbm>>
    %dma_start3A_39 = arith.constant 0 : i32
    %dma_start3A_40 = tpu.memref_slice %arg4[%add3A_36, %dma_start3A_39] : memref<8192x1024xf32, #tpu.memory_space<hbm>> -> memref<32x1024xf32, #tpu.memory_space<hbm>>
    tpu.enqueue_dma source(%arg7 : memref<32x1024xf32, #tpu.memory_space<vmem>>) target(%dma_start3A_40 : memref<32x1024xf32, #tpu.memory_space<hbm>>) target_semaphore(%arg11 : memref<!tpu.dma_semaphore, #tpu.memory_space<semaphore_mem>>)
    %dma_wait3A_41 = arith.constant 0 : i32
    %dma_wait3A_42 = tpu.memref_slice %arg4[%add3A_16, %dma_wait3A_41] : memref<8192x1024xf32, #tpu.memory_space<hbm>> -> memref<32x1024xf32, #tpu.memory_space<hbm>>
    %dma_wait3A_43 = arith.constant 0 : i32
    %dma_wait3A_44 = tpu.memref_slice %arg4[%add3A_16, %dma_wait3A_43] : memref<8192x1024xf32, #tpu.memory_space<hbm>> -> memref<32x1024xf32, #tpu.memory_space<hbm>>
    tpu.wait_dma2 semaphore(%arg10 : memref<!tpu.dma_semaphore, #tpu.memory_space<semaphore_mem>>) src(%arg6 : memref<32x1024xf32, #tpu.memory_space<vmem>>) dst(%dma_wait3A_44 : memref<32x1024xf32, #tpu.memory_space<hbm>>)
    %dma_start3A_45 = arith.constant 2 : i32
    %dma_start3A_46 = arith.constant 0 : i32
    %dma_start3A_47 = tpu.memref_slice %arg5[%dma_start3A_45, %dma_start3A_46] : memref<8x32xi32, #tpu.memory_space<vmem>> -> memref<1x32xi32, #tpu.memory_space<vmem>>
    %dma_start3A_48 = tpu.memref_squeeze %dma_start3A_47 : memref<1x32xi32, #tpu.memory_space<vmem>> -> memref<32xi32, #tpu.memory_space<vmem>>
    %dma_start3A_49 = arith.constant 0 : i32
    %dma_start3A_50 = arith.constant 0 : i32
    %dma_start3A_51 = tpu.memref_slice %arg3[%dma_start3A_49, %dma_start3A_50] : memref<8192x1024xf32, #tpu.memory_space<hbm>> -> memref<8192x1024xf32, #tpu.memory_space<hbm>>
    tpu.enqueue_indirect_dma source(%dma_start3A_51 : memref<8192x1024xf32, #tpu.memory_space<hbm>>) target(%arg6 : memref<32x1024xf32, #tpu.memory_space<vmem>>) offsets(%dma_start3A_48 : memref<32xi32, #tpu.memory_space<vmem>>) semaphore(%arg8 : memref<!tpu.dma_semaphore, #tpu.memory_space<semaphore_mem>>)
    %dma_wait3A_52 = arith.constant 2 : i32
    %dma_wait3A_53 = arith.constant 0 : i32
    %dma_wait3A_54 = tpu.memref_slice %arg5[%dma_wait3A_52, %dma_wait3A_53] : memref<8x32xi32, #tpu.memory_space<vmem>> -> memref<1x32xi32, #tpu.memory_space<vmem>>
    %dma_wait3A_55 = tpu.memref_squeeze %dma_wait3A_54 : memref<1x32xi32, #tpu.memory_space<vmem>> -> memref<32xi32, #tpu.memory_space<vmem>>
    %dma_wait3A_56 = arith.constant 0 : i32
    %dma_wait3A_57 = arith.constant 0 : i32
    %dma_wait3A_58 = tpu.memref_slice %arg3[%dma_wait3A_56, %dma_wait3A_57] : memref<8192x1024xf32, #tpu.memory_space<hbm>> -> memref<8192x1024xf32, #tpu.memory_space<hbm>>
    tpu.wait_indirect_dma semaphore(%arg8 : memref<!tpu.dma_semaphore, #tpu.memory_space<semaphore_mem>>) src(%dma_wait3A_58 : memref<8192x1024xf32, #tpu.memory_space<hbm>>) dst(%arg6 : memref<32x1024xf32, #tpu.memory_space<vmem>>)
    %add3A_59 = arith.constant 64 : i32
    %add3A_60 = arith.addi %mul3A_2, %add3A_59 : i32
    %dma_start3A_61 = arith.constant 0 : i32
    %dma_start3A_62 = tpu.memref_slice %arg4[%add3A_60, %dma_start3A_61] : memref<8192x1024xf32, #tpu.memory_space<hbm>> -> memref<32x1024xf32, #tpu.memory_space<hbm>>
    %dma_start3A_63 = arith.constant 0 : i32
    %dma_start3A_64 = tpu.memref_slice %arg4[%add3A_60, %dma_start3A_63] : memref<8192x1024xf32, #tpu.memory_space<hbm>> -> memref<32x1024xf32, #tpu.memory_space<hbm>>
    tpu.enqueue_dma source(%arg6 : memref<32x1024xf32, #tpu.memory_space<vmem>>) target(%dma_start3A_64 : memref<32x1024xf32, #tpu.memory_space<hbm>>) target_semaphore(%arg10 : memref<!tpu.dma_semaphore, #tpu.memory_space<semaphore_mem>>)
    %dma_wait3A_65 = arith.constant 0 : i32
    %dma_wait3A_66 = tpu.memref_slice %arg4[%add3A_36, %dma_wait3A_65] : memref<8192x1024xf32, #tpu.memory_space<hbm>> -> memref<32x1024xf32, #tpu.memory_space<hbm>>
    %dma_wait3A_67 = arith.constant 0 : i32
    %dma_wait3A_68 = tpu.memref_slice %arg4[%add3A_36, %dma_wait3A_67] : memref<8192x1024xf32, #tpu.memory_space<hbm>> -> memref<32x1024xf32, #tpu.memory_space<hbm>>
    tpu.wait_dma2 semaphore(%arg11 : memref<!tpu.dma_semaphore, #tpu.memory_space<semaphore_mem>>) src(%arg7 : memref<32x1024xf32, #tpu.memory_space<vmem>>) dst(%dma_wait3A_68 : memref<32x1024xf32, #tpu.memory_space<hbm>>)
    %dma_start3A_69 = arith.constant 3 : i32
    %dma_start3A_70 = arith.constant 0 : i32
    %dma_start3A_71 = tpu.memref_slice %arg5[%dma_start3A_69, %dma_start3A_70] : memref<8x32xi32, #tpu.memory_space<vmem>> -> memref<1x32xi32, #tpu.memory_space<vmem>>
    %dma_start3A_72 = tpu.memref_squeeze %dma_start3A_71 : memref<1x32xi32, #tpu.memory_space<vmem>> -> memref<32xi32, #tpu.memory_space<vmem>>
    %dma_start3A_73 = arith.constant 0 : i32
    %dma_start3A_74 = arith.constant 0 : i32
    %dma_start3A_75 = tpu.memref_slice %arg3[%dma_start3A_73, %dma_start3A_74] : memref<8192x1024xf32, #tpu.memory_space<hbm>> -> memref<8192x1024xf32, #tpu.memory_space<hbm>>
    tpu.enqueue_indirect_dma source(%dma_start3A_75 : memref<8192x1024xf32, #tpu.memory_space<hbm>>) target(%arg7 : memref<32x1024xf32, #tpu.memory_space<vmem>>) offsets(%dma_start3A_72 : memref<32xi32, #tpu.memory_space<vmem>>) semaphore(%arg9 : memref<!tpu.dma_semaphore, #tpu.memory_space<semaphore_mem>>)
    %dma_wait3A_76 = arith.constant 3 : i32
    %dma_wait3A_77 = arith.constant 0 : i32
    %dma_wait3A_78 = tpu.memref_slice %arg5[%dma_wait3A_76, %dma_wait3A_77] : memref<8x32xi32, #tpu.memory_space<vmem>> -> memref<1x32xi32, #tpu.memory_space<vmem>>
    %dma_wait3A_79 = tpu.memref_squeeze %dma_wait3A_78 : memref<1x32xi32, #tpu.memory_space<vmem>> -> memref<32xi32, #tpu.memory_space<vmem>>
    %dma_wait3A_80 = arith.constant 0 : i32
    %dma_wait3A_81 = arith.constant 0 : i32
    %dma_wait3A_82 = tpu.memref_slice %arg3[%dma_wait3A_80, %dma_wait3A_81] : memref<8192x1024xf32, #tpu.memory_space<hbm>> -> memref<8192x1024xf32, #tpu.memory_space<hbm>>
    tpu.wait_indirect_dma semaphore(%arg9 : memref<!tpu.dma_semaphore, #tpu.memory_space<semaphore_mem>>) src(%dma_wait3A_82 : memref<8192x1024xf32, #tpu.memory_space<hbm>>) dst(%arg7 : memref<32x1024xf32, #tpu.memory_space<vmem>>)
    %add3A_83 = arith.constant 96 : i32
    %add3A_84 = arith.addi %mul3A_2, %add3A_83 : i32
    %dma_start3A_85 = arith.constant 0 : i32
    %dma_start3A_86 = tpu.memref_slice %arg4[%add3A_84, %dma_start3A_85] : memref<8192x1024xf32, #tpu.memory_space<hbm>> -> memref<32x1024xf32, #tpu.memory_space<hbm>>
    %dma_start3A_87 = arith.constant 0 : i32
    %dma_start3A_88 = tpu.memref_slice %arg4[%add3A_84, %dma_start3A_87] : memref<8192x1024xf32, #tpu.memory_space<hbm>> -> memref<32x1024xf32, #tpu.memory_space<hbm>>
    tpu.enqueue_dma source(%arg7 : memref<32x1024xf32, #tpu.memory_space<vmem>>) target(%dma_start3A_88 : memref<32x1024xf32, #tpu.memory_space<hbm>>) target_semaphore(%arg11 : memref<!tpu.dma_semaphore, #tpu.memory_space<semaphore_mem>>)
    %dma_wait3A_89 = arith.constant 0 : i32
    %dma_wait3A_90 = tpu.memref_slice %arg4[%add3A_60, %dma_wait3A_89] : memref<8192x1024xf32, #tpu.memory_space<hbm>> -> memref<32x1024xf32, #tpu.memory_space<hbm>>
    %dma_wait3A_91 = arith.constant 0 : i32
    %dma_wait3A_92 = tpu.memref_slice %arg4[%add3A_60, %dma_wait3A_91] : memref<8192x1024xf32, #tpu.memory_space<hbm>> -> memref<32x1024xf32, #tpu.memory_space<hbm>>
    tpu.wait_dma2 semaphore(%arg10 : memref<!tpu.dma_semaphore, #tpu.memory_space<semaphore_mem>>) src(%arg6 : memref<32x1024xf32, #tpu.memory_space<vmem>>) dst(%dma_wait3A_92 : memref<32x1024xf32, #tpu.memory_space<hbm>>)
    %dma_start3A_93 = arith.constant 4 : i32
    %dma_start3A_94 = arith.constant 0 : i32
    %dma_start3A_95 = tpu.memref_slice %arg5[%dma_start3A_93, %dma_start3A_94] : memref<8x32xi32, #tpu.memory_space<vmem>> -> memref<1x32xi32, #tpu.memory_space<vmem>>
    %dma_start3A_96 = tpu.memref_squeeze %dma_start3A_95 : memref<1x32xi32, #tpu.memory_space<vmem>> -> memref<32xi32, #tpu.memory_space<vmem>>
    %dma_start3A_97 = arith.constant 0 : i32
    %dma_start3A_98 = arith.constant 0 : i32
    %dma_start3A_99 = tpu.memref_slice %arg3[%dma_start3A_97, %dma_start3A_98] : memref<8192x1024xf32, #tpu.memory_space<hbm>> -> memref<8192x1024xf32, #tpu.memory_space<hbm>>
    tpu.enqueue_indirect_dma source(%dma_start3A_99 : memref<8192x1024xf32, #tpu.memory_space<hbm>>) target(%arg6 : memref<32x1024xf32, #tpu.memory_space<vmem>>) offsets(%dma_start3A_96 : memref<32xi32, #tpu.memory_space<vmem>>) semaphore(%arg8 : memref<!tpu.dma_semaphore, #tpu.memory_space<semaphore_mem>>)
    %dma_wait3A_100 = arith.constant 4 : i32
    %dma_wait3A_101 = arith.constant 0 : i32
    %dma_wait3A_102 = tpu.memref_slice %arg5[%dma_wait3A_100, %dma_wait3A_101] : memref<8x32xi32, #tpu.memory_space<vmem>> -> memref<1x32xi32, #tpu.memory_space<vmem>>
    %dma_wait3A_103 = tpu.memref_squeeze %dma_wait3A_102 : memref<1x32xi32, #tpu.memory_space<vmem>> -> memref<32xi32, #tpu.memory_space<vmem>>
    %dma_wait3A_104 = arith.constant 0 : i32
    %dma_wait3A_105 = arith.constant 0 : i32
    %dma_wait3A_106 = tpu.memref_slice %arg3[%dma_wait3A_104, %dma_wait3A_105] : memref<8192x1024xf32, #tpu.memory_space<hbm>> -> memref<8192x1024xf32, #tpu.memory_space<hbm>>
    tpu.wait_indirect_dma semaphore(%arg8 : memref<!tpu.dma_semaphore, #tpu.memory_space<semaphore_mem>>) src(%dma_wait3A_106 : memref<8192x1024xf32, #tpu.memory_space<hbm>>) dst(%arg6 : memref<32x1024xf32, #tpu.memory_space<vmem>>)
    %add3A_107 = arith.constant 128 : i32
    %add3A_108 = arith.addi %mul3A_2, %add3A_107 : i32
    %dma_start3A_109 = arith.constant 0 : i32
    %dma_start3A_110 = tpu.memref_slice %arg4[%add3A_108, %dma_start3A_109] : memref<8192x1024xf32, #tpu.memory_space<hbm>> -> memref<32x1024xf32, #tpu.memory_space<hbm>>
    %dma_start3A_111 = arith.constant 0 : i32
    %dma_start3A_112 = tpu.memref_slice %arg4[%add3A_108, %dma_start3A_111] : memref<8192x1024xf32, #tpu.memory_space<hbm>> -> memref<32x1024xf32, #tpu.memory_space<hbm>>
    tpu.enqueue_dma source(%arg6 : memref<32x1024xf32, #tpu.memory_space<vmem>>) target(%dma_start3A_112 : memref<32x1024xf32, #tpu.memory_space<hbm>>) target_semaphore(%arg10 : memref<!tpu.dma_semaphore, #tpu.memory_space<semaphore_mem>>)
    %dma_wait3A_113 = arith.constant 0 : i32
    %dma_wait3A_114 = tpu.memref_slice %arg4[%add3A_84, %dma_wait3A_113] : memref<8192x1024xf32, #tpu.memory_space<hbm>> -> memref<32x1024xf32, #tpu.memory_space<hbm>>
    %dma_wait3A_115 = arith.constant 0 : i32
    %dma_wait3A_116 = tpu.memref_slice %arg4[%add3A_84, %dma_wait3A_115] : memref<8192x1024xf32, #tpu.memory_space<hbm>> -> memref<32x1024xf32, #tpu.memory_space<hbm>>
    tpu.wait_dma2 semaphore(%arg11 : memref<!tpu.dma_semaphore, #tpu.memory_space<semaphore_mem>>) src(%arg7 : memref<32x1024xf32, #tpu.memory_space<vmem>>) dst(%dma_wait3A_116 : memref<32x1024xf32, #tpu.memory_space<hbm>>)
    %dma_start3A_117 = arith.constant 5 : i32
    %dma_start3A_118 = arith.constant 0 : i32
    %dma_start3A_119 = tpu.memref_slice %arg5[%dma_start3A_117, %dma_start3A_118] : memref<8x32xi32, #tpu.memory_space<vmem>> -> memref<1x32xi32, #tpu.memory_space<vmem>>
    %dma_start3A_120 = tpu.memref_squeeze %dma_start3A_119 : memref<1x32xi32, #tpu.memory_space<vmem>> -> memref<32xi32, #tpu.memory_space<vmem>>
    %dma_start3A_121 = arith.constant 0 : i32
    %dma_start3A_122 = arith.constant 0 : i32
    %dma_start3A_123 = tpu.memref_slice %arg3[%dma_start3A_121, %dma_start3A_122] : memref<8192x1024xf32, #tpu.memory_space<hbm>> -> memref<8192x1024xf32, #tpu.memory_space<hbm>>
    tpu.enqueue_indirect_dma source(%dma_start3A_123 : memref<8192x1024xf32, #tpu.memory_space<hbm>>) target(%arg7 : memref<32x1024xf32, #tpu.memory_space<vmem>>) offsets(%dma_start3A_120 : memref<32xi32, #tpu.memory_space<vmem>>) semaphore(%arg9 : memref<!tpu.dma_semaphore, #tpu.memory_space<semaphore_mem>>)
    %dma_wait3A_124 = arith.constant 5 : i32
    %dma_wait3A_125 = arith.constant 0 : i32
    %dma_wait3A_126 = tpu.memref_slice %arg5[%dma_wait3A_124, %dma_wait3A_125] : memref<8x32xi32, #tpu.memory_space<vmem>> -> memref<1x32xi32, #tpu.memory_space<vmem>>
    %dma_wait3A_127 = tpu.memref_squeeze %dma_wait3A_126 : memref<1x32xi32, #tpu.memory_space<vmem>> -> memref<32xi32, #tpu.memory_space<vmem>>
    %dma_wait3A_128 = arith.constant 0 : i32
    %dma_wait3A_129 = arith.constant 0 : i32
    %dma_wait3A_130 = tpu.memref_slice %arg3[%dma_wait3A_128, %dma_wait3A_129] : memref<8192x1024xf32, #tpu.memory_space<hbm>> -> memref<8192x1024xf32, #tpu.memory_space<hbm>>
    tpu.wait_indirect_dma semaphore(%arg9 : memref<!tpu.dma_semaphore, #tpu.memory_space<semaphore_mem>>) src(%dma_wait3A_130 : memref<8192x1024xf32, #tpu.memory_space<hbm>>) dst(%arg7 : memref<32x1024xf32, #tpu.memory_space<vmem>>)
    %add3A_131 = arith.constant 160 : i32
    %add3A_132 = arith.addi %mul3A_2, %add3A_131 : i32
    %dma_start3A_133 = arith.constant 0 : i32
    %dma_start3A_134 = tpu.memref_slice %arg4[%add3A_132, %dma_start3A_133] : memref<8192x1024xf32, #tpu.memory_space<hbm>> -> memref<32x1024xf32, #tpu.memory_space<hbm>>
    %dma_start3A_135 = arith.constant 0 : i32
    %dma_start3A_136 = tpu.memref_slice %arg4[%add3A_132, %dma_start3A_135] : memref<8192x1024xf32, #tpu.memory_space<hbm>> -> memref<32x1024xf32, #tpu.memory_space<hbm>>
    tpu.enqueue_dma source(%arg7 : memref<32x1024xf32, #tpu.memory_space<vmem>>) target(%dma_start3A_136 : memref<32x1024xf32, #tpu.memory_space<hbm>>) target_semaphore(%arg11 : memref<!tpu.dma_semaphore, #tpu.memory_space<semaphore_mem>>)
    %dma_wait3A_137 = arith.constant 0 : i32
    %dma_wait3A_138 = tpu.memref_slice %arg4[%add3A_108, %dma_wait3A_137] : memref<8192x1024xf32, #tpu.memory_space<hbm>> -> memref<32x1024xf32, #tpu.memory_space<hbm>>
    %dma_wait3A_139 = arith.constant 0 : i32
    %dma_wait3A_140 = tpu.memref_slice %arg4[%add3A_108, %dma_wait3A_139] : memref<8192x1024xf32, #tpu.memory_space<hbm>> -> memref<32x1024xf32, #tpu.memory_space<hbm>>
    tpu.wait_dma2 semaphore(%arg10 : memref<!tpu.dma_semaphore, #tpu.memory_space<semaphore_mem>>) src(%arg6 : memref<32x1024xf32, #tpu.memory_space<vmem>>) dst(%dma_wait3A_140 : memref<32x1024xf32, #tpu.memory_space<hbm>>)
    %dma_start3A_141 = arith.constant 6 : i32
    %dma_start3A_142 = arith.constant 0 : i32
    %dma_start3A_143 = tpu.memref_slice %arg5[%dma_start3A_141, %dma_start3A_142] : memref<8x32xi32, #tpu.memory_space<vmem>> -> memref<1x32xi32, #tpu.memory_space<vmem>>
    %dma_start3A_144 = tpu.memref_squeeze %dma_start3A_143 : memref<1x32xi32, #tpu.memory_space<vmem>> -> memref<32xi32, #tpu.memory_space<vmem>>
    %dma_start3A_145 = arith.constant 0 : i32
    %dma_start3A_146 = arith.constant 0 : i32
    %dma_start3A_147 = tpu.memref_slice %arg3[%dma_start3A_145, %dma_start3A_146] : memref<8192x1024xf32, #tpu.memory_space<hbm>> -> memref<8192x1024xf32, #tpu.memory_space<hbm>>
    tpu.enqueue_indirect_dma source(%dma_start3A_147 : memref<8192x1024xf32, #tpu.memory_space<hbm>>) target(%arg6 : memref<32x1024xf32, #tpu.memory_space<vmem>>) offsets(%dma_start3A_144 : memref<32xi32, #tpu.memory_space<vmem>>) semaphore(%arg8 : memref<!tpu.dma_semaphore, #tpu.memory_space<semaphore_mem>>)
    %dma_wait3A_148 = arith.constant 6 : i32
    %dma_wait3A_149 = arith.constant 0 : i32
    %dma_wait3A_150 = tpu.memref_slice %arg5[%dma_wait3A_148, %dma_wait3A_149] : memref<8x32xi32, #tpu.memory_space<vmem>> -> memref<1x32xi32, #tpu.memory_space<vmem>>
    %dma_wait3A_151 = tpu.memref_squeeze %dma_wait3A_150 : memref<1x32xi32, #tpu.memory_space<vmem>> -> memref<32xi32, #tpu.memory_space<vmem>>
    %dma_wait3A_152 = arith.constant 0 : i32
    %dma_wait3A_153 = arith.constant 0 : i32
    %dma_wait3A_154 = tpu.memref_slice %arg3[%dma_wait3A_152, %dma_wait3A_153] : memref<8192x1024xf32, #tpu.memory_space<hbm>> -> memref<8192x1024xf32, #tpu.memory_space<hbm>>
    tpu.wait_indirect_dma semaphore(%arg8 : memref<!tpu.dma_semaphore, #tpu.memory_space<semaphore_mem>>) src(%dma_wait3A_154 : memref<8192x1024xf32, #tpu.memory_space<hbm>>) dst(%arg6 : memref<32x1024xf32, #tpu.memory_space<vmem>>)
    %add3A_155 = arith.constant 192 : i32
    %add3A_156 = arith.addi %mul3A_2, %add3A_155 : i32
    %dma_start3A_157 = arith.constant 0 : i32
    %dma_start3A_158 = tpu.memref_slice %arg4[%add3A_156, %dma_start3A_157] : memref<8192x1024xf32, #tpu.memory_space<hbm>> -> memref<32x1024xf32, #tpu.memory_space<hbm>>
    %dma_start3A_159 = arith.constant 0 : i32
    %dma_start3A_160 = tpu.memref_slice %arg4[%add3A_156, %dma_start3A_159] : memref<8192x1024xf32, #tpu.memory_space<hbm>> -> memref<32x1024xf32, #tpu.memory_space<hbm>>
    tpu.enqueue_dma source(%arg6 : memref<32x1024xf32, #tpu.memory_space<vmem>>) target(%dma_start3A_160 : memref<32x1024xf32, #tpu.memory_space<hbm>>) target_semaphore(%arg10 : memref<!tpu.dma_semaphore, #tpu.memory_space<semaphore_mem>>)
    %dma_wait3A_161 = arith.constant 0 : i32
    %dma_wait3A_162 = tpu.memref_slice %arg4[%add3A_132, %dma_wait3A_161] : memref<8192x1024xf32, #tpu.memory_space<hbm>> -> memref<32x1024xf32, #tpu.memory_space<hbm>>
    %dma_wait3A_163 = arith.constant 0 : i32
    %dma_wait3A_164 = tpu.memref_slice %arg4[%add3A_132, %dma_wait3A_163] : memref<8192x1024xf32, #tpu.memory_space<hbm>> -> memref<32x1024xf32, #tpu.memory_space<hbm>>
    tpu.wait_dma2 semaphore(%arg11 : memref<!tpu.dma_semaphore, #tpu.memory_space<semaphore_mem>>) src(%arg7 : memref<32x1024xf32, #tpu.memory_space<vmem>>) dst(%dma_wait3A_164 : memref<32x1024xf32, #tpu.memory_space<hbm>>)
    %dma_start3A_165 = arith.constant 7 : i32
    %dma_start3A_166 = arith.constant 0 : i32
    %dma_start3A_167 = tpu.memref_slice %arg5[%dma_start3A_165, %dma_start3A_166] : memref<8x32xi32, #tpu.memory_space<vmem>> -> memref<1x32xi32, #tpu.memory_space<vmem>>
    %dma_start3A_168 = tpu.memref_squeeze %dma_start3A_167 : memref<1x32xi32, #tpu.memory_space<vmem>> -> memref<32xi32, #tpu.memory_space<vmem>>
    %dma_start3A_169 = arith.constant 0 : i32
    %dma_start3A_170 = arith.constant 0 : i32
    %dma_start3A_171 = tpu.memref_slice %arg3[%dma_start3A_169, %dma_start3A_170] : memref<8192x1024xf32, #tpu.memory_space<hbm>> -> memref<8192x1024xf32, #tpu.memory_space<hbm>>
    tpu.enqueue_indirect_dma source(%dma_start3A_171 : memref<8192x1024xf32, #tpu.memory_space<hbm>>) target(%arg7 : memref<32x1024xf32, #tpu.memory_space<vmem>>) offsets(%dma_start3A_168 : memref<32xi32, #tpu.memory_space<vmem>>) semaphore(%arg9 : memref<!tpu.dma_semaphore, #tpu.memory_space<semaphore_mem>>)
    %dma_wait3A_172 = arith.constant 7 : i32
    %dma_wait3A_173 = arith.constant 0 : i32
    %dma_wait3A_174 = tpu.memref_slice %arg5[%dma_wait3A_172, %dma_wait3A_173] : memref<8x32xi32, #tpu.memory_space<vmem>> -> memref<1x32xi32, #tpu.memory_space<vmem>>
    %dma_wait3A_175 = tpu.memref_squeeze %dma_wait3A_174 : memref<1x32xi32, #tpu.memory_space<vmem>> -> memref<32xi32, #tpu.memory_space<vmem>>
    %dma_wait3A_176 = arith.constant 0 : i32
    %dma_wait3A_177 = arith.constant 0 : i32
    %dma_wait3A_178 = tpu.memref_slice %arg3[%dma_wait3A_176, %dma_wait3A_177] : memref<8192x1024xf32, #tpu.memory_space<hbm>> -> memref<8192x1024xf32, #tpu.memory_space<hbm>>
    tpu.wait_indirect_dma semaphore(%arg9 : memref<!tpu.dma_semaphore, #tpu.memory_space<semaphore_mem>>) src(%dma_wait3A_178 : memref<8192x1024xf32, #tpu.memory_space<hbm>>) dst(%arg7 : memref<32x1024xf32, #tpu.memory_space<vmem>>)
    %add3A_179 = arith.constant 224 : i32
    %add3A_180 = arith.addi %mul3A_2, %add3A_179 : i32
    %dma_start3A_181 = arith.constant 0 : i32
    %dma_start3A_182 = tpu.memref_slice %arg4[%add3A_180, %dma_start3A_181] : memref<8192x1024xf32, #tpu.memory_space<hbm>> -> memref<32x1024xf32, #tpu.memory_space<hbm>>
    %dma_start3A_183 = arith.constant 0 : i32
    %dma_start3A_184 = tpu.memref_slice %arg4[%add3A_180, %dma_start3A_183] : memref<8192x1024xf32, #tpu.memory_space<hbm>> -> memref<32x1024xf32, #tpu.memory_space<hbm>>
    tpu.enqueue_dma source(%arg7 : memref<32x1024xf32, #tpu.memory_space<vmem>>) target(%dma_start3A_184 : memref<32x1024xf32, #tpu.memory_space<hbm>>) target_semaphore(%arg11 : memref<!tpu.dma_semaphore, #tpu.memory_space<semaphore_mem>>)
    %dma_wait3A_185 = arith.constant 0 : i32
    %dma_wait3A_186 = tpu.memref_slice %arg4[%add3A_156, %dma_wait3A_185] : memref<8192x1024xf32, #tpu.memory_space<hbm>> -> memref<32x1024xf32, #tpu.memory_space<hbm>>
    %dma_wait3A_187 = arith.constant 0 : i32
    %dma_wait3A_188 = tpu.memref_slice %arg4[%add3A_156, %dma_wait3A_187] : memref<8192x1024xf32, #tpu.memory_space<hbm>> -> memref<32x1024xf32, #tpu.memory_space<hbm>>
    tpu.wait_dma2 semaphore(%arg10 : memref<!tpu.dma_semaphore, #tpu.memory_space<semaphore_mem>>) src(%arg6 : memref<32x1024xf32, #tpu.memory_space<vmem>>) dst(%dma_wait3A_188 : memref<32x1024xf32, #tpu.memory_space<hbm>>)
    %dma_wait3A_189 = arith.constant 0 : i32
    %dma_wait3A_190 = tpu.memref_slice %arg4[%add3A_180, %dma_wait3A_189] : memref<8192x1024xf32, #tpu.memory_space<hbm>> -> memref<32x1024xf32, #tpu.memory_space<hbm>>
    %dma_wait3A_191 = arith.constant 0 : i32
    %dma_wait3A_192 = tpu.memref_slice %arg4[%add3A_180, %dma_wait3A_191] : memref<8192x1024xf32, #tpu.memory_space<hbm>> -> memref<32x1024xf32, #tpu.memory_space<hbm>>
    tpu.wait_dma2 semaphore(%arg11 : memref<!tpu.dma_semaphore, #tpu.memory_space<semaphore_mem>>) src(%arg7 : memref<32x1024xf32, #tpu.memory_space<vmem>>) dst(%dma_wait3A_192 : memref<32x1024xf32, #tpu.memory_space<hbm>>)
    return
  }
}

module attributes {stable_mosaic.version = 14 : i64} {
  func.func @_grouped_body(%arg0: i32, %arg1: memref<16xi32, #tpu.memory_space<smem>>, %arg2: memref<256x1024xf32, #tpu.memory_space<vmem>>, %arg3: memref<1024x1024xbf16, #tpu.memory_space<vmem>>, %arg4: memref<1024xf32, #tpu.memory_space<vmem>>, %arg5: memref<1024x16xf32, #tpu.memory_space<vmem>>, %arg6: memref<16xf32, #tpu.memory_space<vmem>>, %arg7: memref<16x8xf32, #tpu.memory_space<vmem>>, %arg8: memref<8xf32, #tpu.memory_space<vmem>>, %arg9: memref<8192x1024xbf16, #tpu.memory_space<vmem>>, %arg10: memref<8x1024xf32, #tpu.memory_space<vmem>>, %arg11: memref<256x1024xf32, #tpu.memory_space<vmem>>) attributes {dimension_semantics = [#tpu.dimension_semantics<arbitrary>], iteration_bounds = array<i64: 32>, scalar_prefetch = 1 : i64, scratch_operands = 0 : i64, tpu.core_type = #tpu.core_type<tc>, window_params = [{transform_indices = @transform_0, window_bounds = array<i64: 256, 1024>}, {pipeline_mode = #tpu.pipeline_mode<synchronous>, transform_indices = @transform_1, window_bounds = array<i64: 1024, 1024>}, {pipeline_mode = #tpu.pipeline_mode<synchronous>, transform_indices = @transform_2, window_bounds = array<i64: 1024>}, {pipeline_mode = #tpu.pipeline_mode<synchronous>, transform_indices = @transform_3, window_bounds = array<i64: 1024, 16>}, {pipeline_mode = #tpu.pipeline_mode<synchronous>, transform_indices = @transform_4, window_bounds = array<i64: 16>}, {pipeline_mode = #tpu.pipeline_mode<synchronous>, transform_indices = @transform_5, window_bounds = array<i64: 16, 8>}, {pipeline_mode = #tpu.pipeline_mode<synchronous>, transform_indices = @transform_6, window_bounds = array<i64: 8>}, {pipeline_mode = #tpu.pipeline_mode<synchronous>, transform_indices = @transform_7, window_bounds = array<i64: 8192, 1024>}, {pipeline_mode = #tpu.pipeline_mode<synchronous>, transform_indices = @transform_8, window_bounds = array<i64: 8, 1024>}, {transform_indices = @transform_9, window_bounds = array<i64: 256, 1024>}]} {
    %mul3A = arith.constant 256 : i32
    %mul3A_0 = arith.muli %arg0, %mul3A : i32
    %get3A = arith.constant 0 : index
    %get3A_1 = arith.constant 0 : index
    %get3A_2 = vector.load %arg2[%get3A, %get3A_1] : memref<256x1024xf32, #tpu.memory_space<vmem>>, vector<256x1024xf32>
    %convert_element_type3A = arith.truncf %get3A_2 : vector<256x1024xf32> to vector<256x1024xbf16>
    %get3A_3 = arith.constant 0 : index
    %get3A_4 = arith.constant 0 : index
    %get3A_5 = vector.load %arg3[%get3A_3, %get3A_4] : memref<1024x1024xbf16, #tpu.memory_space<vmem>>, vector<1024x1024xbf16>
    %dot_general3A = arith.constant dense<0.000000e+00> : vector<256x1024xf32>
    %dot_general3A_6 = tpu.matmul %convert_element_type3A, %get3A_5, %dot_general3A {dimension_numbers = #tpu.dot_dimension_numbers<[1], [0], [0], [1], [0, 0, 1, 1], [], []>, transpose_lhs_hint = false} : vector<256x1024xbf16>, vector<1024x1024xbf16>, vector<256x1024xf32> -> vector<256x1024xf32>
    %get3A_7 = arith.constant 0 : index
    %get3A_8 = vector.load %arg4[%get3A_7] : memref<1024xf32, #tpu.memory_space<vmem>>, vector<1024xf32>
    %broadcast_in_dim3A = vector.shape_cast %get3A_8 : vector<1024xf32> to vector<1x1024xf32>
    %add3A = vector.broadcast %broadcast_in_dim3A : vector<1x1024xf32> to vector<256x1024xf32>
    %add3A_9 = arith.addf %dot_general3A_6, %add3A : vector<256x1024xf32>
    %get3A_10 = arith.constant 0 : index
    %get3A_11 = arith.constant 0 : index
    %get3A_12 = vector.load %arg5[%get3A_10, %get3A_11] : memref<1024x16xf32, #tpu.memory_space<vmem>>, vector<1024x16xf32>
    %dot_general3A_13 = arith.constant dense<0.000000e+00> : vector<256x16xf32>
    %dot_general3A_14 = tpu.matmul %add3A_9, %get3A_12, %dot_general3A_13 {dimension_numbers = #tpu.dot_dimension_numbers<[1], [0], [0], [1], [0, 0, 1, 1], [], []>, transpose_lhs_hint = false} : vector<256x1024xf32>, vector<1024x16xf32>, vector<256x16xf32> -> vector<256x16xf32>
    %get3A_15 = arith.constant 0 : index
    %get3A_16 = vector.load %arg6[%get3A_15] : memref<16xf32, #tpu.memory_space<vmem>>, vector<16xf32>
    %broadcast_in_dim3A_17 = vector.shape_cast %get3A_16 : vector<16xf32> to vector<1x16xf32>
    %add3A_18 = vector.broadcast %broadcast_in_dim3A_17 : vector<1x16xf32> to vector<256x16xf32>
    %add3A_19 = arith.addf %dot_general3A_14, %add3A_18 : vector<256x16xf32>
    %max3A = arith.constant 0.000000e+00 : f32
    %max3A_20 = vector.broadcast %max3A : f32 to vector<256x16xf32>
    %max3A_21 = arith.maximumf %add3A_19, %max3A_20 : vector<256x16xf32>
    %get3A_22 = arith.constant 0 : index
    %get3A_23 = arith.constant 0 : index
    %get3A_24 = vector.load %arg7[%get3A_22, %get3A_23] : memref<16x8xf32, #tpu.memory_space<vmem>>, vector<16x8xf32>
    %dot_general3A_25 = arith.constant dense<0.000000e+00> : vector<256x8xf32>
    %dot_general3A_26 = tpu.matmul %max3A_21, %get3A_24, %dot_general3A_25 {dimension_numbers = #tpu.dot_dimension_numbers<[1], [0], [0], [1], [0, 0, 1, 1], [], []>, transpose_lhs_hint = false} : vector<256x16xf32>, vector<16x8xf32>, vector<256x8xf32> -> vector<256x8xf32>
    %get3A_27 = arith.constant 0 : index
    %get3A_28 = vector.load %arg8[%get3A_27] : memref<8xf32, #tpu.memory_space<vmem>>, vector<8xf32>
    %broadcast_in_dim3A_29 = vector.shape_cast %get3A_28 : vector<8xf32> to vector<1x8xf32>
    %add3A_30 = vector.broadcast %broadcast_in_dim3A_29 : vector<1x8xf32> to vector<256x8xf32>
    %add3A_31 = arith.addf %dot_general3A_26, %add3A_30 : vector<256x8xf32>
    %reduce_max3A = arith.constant dense<0xFF800000> : vector<256xf32>
    %reduce_max3A_32 = vector.multi_reduction <maximumf>, %add3A_31, %reduce_max3A [1] : vector<256x8xf32> to vector<256xf32>
    %broadcast_in_dim3A_33 = vector.shape_cast %reduce_max3A_32 : vector<256xf32> to vector<256x1xf32>
    %iota3A = tpu.iota {dimensions = array<i32: 0>} : vector<256x1xi32>
    %add3A_34 = vector.broadcast %mul3A_0 : i32 to vector<256x1xi32>
    %add3A_35 = arith.addi %add3A_34, %iota3A : vector<256x1xi32>
    %broadcast_in_dim3A_36 = arith.constant 0 : i32
    %broadcast_in_dim3A_37 = vector.broadcast %broadcast_in_dim3A_36 : i32 to vector<256x1xi32>
    %get3A_38 = arith.constant 1 : index
    %get3A_39 = memref.load %arg1[%get3A_38] : memref<16xi32, #tpu.memory_space<smem>>
    %le3A = arith.cmpi sle, %get3A_39, %mul3A_0 : i32
    %jit3A = arith.constant 1 : i32
    %jit3A_40 = arith.constant 0 : i32
    %select_n3A = arith.select %le3A, %jit3A, %jit3A_40 : i32
    %add3A_41 = arith.constant 0 : i32
    %add3A_42 = arith.addi %add3A_41, %select_n3A : i32
    %get3A_43 = arith.constant 1 : index
    %get3A_44 = memref.load %arg1[%get3A_43] : memref<16xi32, #tpu.memory_space<smem>>
    %add3A_45 = arith.constant 256 : i32
    %add3A_46 = arith.addi %mul3A_0, %add3A_45 : i32
    %sub3A = arith.constant 1 : i32
    %sub3A_47 = arith.subi %add3A_46, %sub3A : i32
    %le3A_48 = arith.cmpi sle, %get3A_44, %sub3A_47 : i32
    %jit3A_49 = arith.constant 1 : i32
    %jit3A_50 = arith.constant 0 : i32
    %select_n3A_51 = arith.select %le3A_48, %jit3A_49, %jit3A_50 : i32
    %add3A_52 = arith.constant 0 : i32
    %add3A_53 = arith.addi %add3A_52, %select_n3A_51 : i32
    %get3A_54 = arith.constant 1 : index
    %get3A_55 = memref.load %arg1[%get3A_54] : memref<16xi32, #tpu.memory_space<smem>>
    %ge3A = vector.broadcast %get3A_55 : i32 to vector<256x1xi32>
    %ge3A_56 = arith.cmpi sge, %add3A_35, %ge3A : vector<256x1xi32>
    %jit3A_57 = arith.constant 1 : i32
    %jit3A_58 = arith.constant 0 : i32
    %broadcast_in_dim3A_59 = vector.broadcast %jit3A_57 : i32 to vector<256x1xi32>
    %broadcast_in_dim3A_60 = vector.broadcast %jit3A_58 : i32 to vector<256x1xi32>
    %select_n3A_61 = arith.select %ge3A_56, %broadcast_in_dim3A_59, %broadcast_in_dim3A_60 : vector<256x1xi1>, vector<256x1xi32>
    %add3A_62 = arith.addi %broadcast_in_dim3A_37, %select_n3A_61 : vector<256x1xi32>
    %get3A_63 = arith.constant 2 : index
    %get3A_64 = memref.load %arg1[%get3A_63] : memref<16xi32, #tpu.memory_space<smem>>
    %le3A_65 = arith.cmpi sle, %get3A_64, %mul3A_0 : i32
    %jit3A_66 = arith.constant 1 : i32
    %jit3A_67 = arith.constant 0 : i32
    %select_n3A_68 = arith.select %le3A_65, %jit3A_66, %jit3A_67 : i32
    %add3A_69 = arith.addi %add3A_42, %select_n3A_68 : i32
    %get3A_70 = arith.constant 2 : index
    %get3A_71 = memref.load %arg1[%get3A_70] : memref<16xi32, #tpu.memory_space<smem>>
    %add3A_72 = arith.constant 256 : i32
    %add3A_73 = arith.addi %mul3A_0, %add3A_72 : i32
    %sub3A_74 = arith.constant 1 : i32
    %sub3A_75 = arith.subi %add3A_73, %sub3A_74 : i32
    %le3A_76 = arith.cmpi sle, %get3A_71, %sub3A_75 : i32
    %jit3A_77 = arith.constant 1 : i32
    %jit3A_78 = arith.constant 0 : i32
    %select_n3A_79 = arith.select %le3A_76, %jit3A_77, %jit3A_78 : i32
    %add3A_80 = arith.addi %add3A_53, %select_n3A_79 : i32
    %get3A_81 = arith.constant 2 : index
    %get3A_82 = memref.load %arg1[%get3A_81] : memref<16xi32, #tpu.memory_space<smem>>
    %ge3A_83 = vector.broadcast %get3A_82 : i32 to vector<256x1xi32>
    %ge3A_84 = arith.cmpi sge, %add3A_35, %ge3A_83 : vector<256x1xi32>
    %jit3A_85 = arith.constant 1 : i32
    %jit3A_86 = arith.constant 0 : i32
    %broadcast_in_dim3A_87 = vector.broadcast %jit3A_85 : i32 to vector<256x1xi32>
    %broadcast_in_dim3A_88 = vector.broadcast %jit3A_86 : i32 to vector<256x1xi32>
    %select_n3A_89 = arith.select %ge3A_84, %broadcast_in_dim3A_87, %broadcast_in_dim3A_88 : vector<256x1xi1>, vector<256x1xi32>
    %add3A_90 = arith.addi %add3A_62, %select_n3A_89 : vector<256x1xi32>
    %get3A_91 = arith.constant 3 : index
    %get3A_92 = memref.load %arg1[%get3A_91] : memref<16xi32, #tpu.memory_space<smem>>
    %le3A_93 = arith.cmpi sle, %get3A_92, %mul3A_0 : i32
    %jit3A_94 = arith.constant 1 : i32
    %jit3A_95 = arith.constant 0 : i32
    %select_n3A_96 = arith.select %le3A_93, %jit3A_94, %jit3A_95 : i32
    %add3A_97 = arith.addi %add3A_69, %select_n3A_96 : i32
    %get3A_98 = arith.constant 3 : index
    %get3A_99 = memref.load %arg1[%get3A_98] : memref<16xi32, #tpu.memory_space<smem>>
    %add3A_100 = arith.constant 256 : i32
    %add3A_101 = arith.addi %mul3A_0, %add3A_100 : i32
    %sub3A_102 = arith.constant 1 : i32
    %sub3A_103 = arith.subi %add3A_101, %sub3A_102 : i32
    %le3A_104 = arith.cmpi sle, %get3A_99, %sub3A_103 : i32
    %jit3A_105 = arith.constant 1 : i32
    %jit3A_106 = arith.constant 0 : i32
    %select_n3A_107 = arith.select %le3A_104, %jit3A_105, %jit3A_106 : i32
    %add3A_108 = arith.addi %add3A_80, %select_n3A_107 : i32
    %get3A_109 = arith.constant 3 : index
    %get3A_110 = memref.load %arg1[%get3A_109] : memref<16xi32, #tpu.memory_space<smem>>
    %ge3A_111 = vector.broadcast %get3A_110 : i32 to vector<256x1xi32>
    %ge3A_112 = arith.cmpi sge, %add3A_35, %ge3A_111 : vector<256x1xi32>
    %jit3A_113 = arith.constant 1 : i32
    %jit3A_114 = arith.constant 0 : i32
    %broadcast_in_dim3A_115 = vector.broadcast %jit3A_113 : i32 to vector<256x1xi32>
    %broadcast_in_dim3A_116 = vector.broadcast %jit3A_114 : i32 to vector<256x1xi32>
    %select_n3A_117 = arith.select %ge3A_112, %broadcast_in_dim3A_115, %broadcast_in_dim3A_116 : vector<256x1xi1>, vector<256x1xi32>
    %add3A_118 = arith.addi %add3A_90, %select_n3A_117 : vector<256x1xi32>
    %get3A_119 = arith.constant 4 : index
    %get3A_120 = memref.load %arg1[%get3A_119] : memref<16xi32, #tpu.memory_space<smem>>
    %le3A_121 = arith.cmpi sle, %get3A_120, %mul3A_0 : i32
    %jit3A_122 = arith.constant 1 : i32
    %jit3A_123 = arith.constant 0 : i32
    %select_n3A_124 = arith.select %le3A_121, %jit3A_122, %jit3A_123 : i32
    %add3A_125 = arith.addi %add3A_97, %select_n3A_124 : i32
    %get3A_126 = arith.constant 4 : index
    %get3A_127 = memref.load %arg1[%get3A_126] : memref<16xi32, #tpu.memory_space<smem>>
    %add3A_128 = arith.constant 256 : i32
    %add3A_129 = arith.addi %mul3A_0, %add3A_128 : i32
    %sub3A_130 = arith.constant 1 : i32
    %sub3A_131 = arith.subi %add3A_129, %sub3A_130 : i32
    %le3A_132 = arith.cmpi sle, %get3A_127, %sub3A_131 : i32
    %jit3A_133 = arith.constant 1 : i32
    %jit3A_134 = arith.constant 0 : i32
    %select_n3A_135 = arith.select %le3A_132, %jit3A_133, %jit3A_134 : i32
    %add3A_136 = arith.addi %add3A_108, %select_n3A_135 : i32
    %get3A_137 = arith.constant 4 : index
    %get3A_138 = memref.load %arg1[%get3A_137] : memref<16xi32, #tpu.memory_space<smem>>
    %ge3A_139 = vector.broadcast %get3A_138 : i32 to vector<256x1xi32>
    %ge3A_140 = arith.cmpi sge, %add3A_35, %ge3A_139 : vector<256x1xi32>
    %jit3A_141 = arith.constant 1 : i32
    %jit3A_142 = arith.constant 0 : i32
    %broadcast_in_dim3A_143 = vector.broadcast %jit3A_141 : i32 to vector<256x1xi32>
    %broadcast_in_dim3A_144 = vector.broadcast %jit3A_142 : i32 to vector<256x1xi32>
    %select_n3A_145 = arith.select %ge3A_140, %broadcast_in_dim3A_143, %broadcast_in_dim3A_144 : vector<256x1xi1>, vector<256x1xi32>
    %add3A_146 = arith.addi %add3A_118, %select_n3A_145 : vector<256x1xi32>
    %get3A_147 = arith.constant 5 : index
    %get3A_148 = memref.load %arg1[%get3A_147] : memref<16xi32, #tpu.memory_space<smem>>
    %le3A_149 = arith.cmpi sle, %get3A_148, %mul3A_0 : i32
    %jit3A_150 = arith.constant 1 : i32
    %jit3A_151 = arith.constant 0 : i32
    %select_n3A_152 = arith.select %le3A_149, %jit3A_150, %jit3A_151 : i32
    %add3A_153 = arith.addi %add3A_125, %select_n3A_152 : i32
    %get3A_154 = arith.constant 5 : index
    %get3A_155 = memref.load %arg1[%get3A_154] : memref<16xi32, #tpu.memory_space<smem>>
    %add3A_156 = arith.constant 256 : i32
    %add3A_157 = arith.addi %mul3A_0, %add3A_156 : i32
    %sub3A_158 = arith.constant 1 : i32
    %sub3A_159 = arith.subi %add3A_157, %sub3A_158 : i32
    %le3A_160 = arith.cmpi sle, %get3A_155, %sub3A_159 : i32
    %jit3A_161 = arith.constant 1 : i32
    %jit3A_162 = arith.constant 0 : i32
    %select_n3A_163 = arith.select %le3A_160, %jit3A_161, %jit3A_162 : i32
    %add3A_164 = arith.addi %add3A_136, %select_n3A_163 : i32
    %get3A_165 = arith.constant 5 : index
    %get3A_166 = memref.load %arg1[%get3A_165] : memref<16xi32, #tpu.memory_space<smem>>
    %ge3A_167 = vector.broadcast %get3A_166 : i32 to vector<256x1xi32>
    %ge3A_168 = arith.cmpi sge, %add3A_35, %ge3A_167 : vector<256x1xi32>
    %jit3A_169 = arith.constant 1 : i32
    %jit3A_170 = arith.constant 0 : i32
    %broadcast_in_dim3A_171 = vector.broadcast %jit3A_169 : i32 to vector<256x1xi32>
    %broadcast_in_dim3A_172 = vector.broadcast %jit3A_170 : i32 to vector<256x1xi32>
    %select_n3A_173 = arith.select %ge3A_168, %broadcast_in_dim3A_171, %broadcast_in_dim3A_172 : vector<256x1xi1>, vector<256x1xi32>
    %add3A_174 = arith.addi %add3A_146, %select_n3A_173 : vector<256x1xi32>
    %get3A_175 = arith.constant 6 : index
    %get3A_176 = memref.load %arg1[%get3A_175] : memref<16xi32, #tpu.memory_space<smem>>
    %le3A_177 = arith.cmpi sle, %get3A_176, %mul3A_0 : i32
    %jit3A_178 = arith.constant 1 : i32
    %jit3A_179 = arith.constant 0 : i32
    %select_n3A_180 = arith.select %le3A_177, %jit3A_178, %jit3A_179 : i32
    %add3A_181 = arith.addi %add3A_153, %select_n3A_180 : i32
    %get3A_182 = arith.constant 6 : index
    %get3A_183 = memref.load %arg1[%get3A_182] : memref<16xi32, #tpu.memory_space<smem>>
    %add3A_184 = arith.constant 256 : i32
    %add3A_185 = arith.addi %mul3A_0, %add3A_184 : i32
    %sub3A_186 = arith.constant 1 : i32
    %sub3A_187 = arith.subi %add3A_185, %sub3A_186 : i32
    %le3A_188 = arith.cmpi sle, %get3A_183, %sub3A_187 : i32
    %jit3A_189 = arith.constant 1 : i32
    %jit3A_190 = arith.constant 0 : i32
    %select_n3A_191 = arith.select %le3A_188, %jit3A_189, %jit3A_190 : i32
    %add3A_192 = arith.addi %add3A_164, %select_n3A_191 : i32
    %get3A_193 = arith.constant 6 : index
    %get3A_194 = memref.load %arg1[%get3A_193] : memref<16xi32, #tpu.memory_space<smem>>
    %ge3A_195 = vector.broadcast %get3A_194 : i32 to vector<256x1xi32>
    %ge3A_196 = arith.cmpi sge, %add3A_35, %ge3A_195 : vector<256x1xi32>
    %jit3A_197 = arith.constant 1 : i32
    %jit3A_198 = arith.constant 0 : i32
    %broadcast_in_dim3A_199 = vector.broadcast %jit3A_197 : i32 to vector<256x1xi32>
    %broadcast_in_dim3A_200 = vector.broadcast %jit3A_198 : i32 to vector<256x1xi32>
    %select_n3A_201 = arith.select %ge3A_196, %broadcast_in_dim3A_199, %broadcast_in_dim3A_200 : vector<256x1xi1>, vector<256x1xi32>
    %add3A_202 = arith.addi %add3A_174, %select_n3A_201 : vector<256x1xi32>
    %get3A_203 = arith.constant 7 : index
    %get3A_204 = memref.load %arg1[%get3A_203] : memref<16xi32, #tpu.memory_space<smem>>
    %le3A_205 = arith.cmpi sle, %get3A_204, %mul3A_0 : i32
    %jit3A_206 = arith.constant 1 : i32
    %jit3A_207 = arith.constant 0 : i32
    %select_n3A_208 = arith.select %le3A_205, %jit3A_206, %jit3A_207 : i32
    %add3A_209 = arith.addi %add3A_181, %select_n3A_208 : i32
    %get3A_210 = arith.constant 7 : index
    %get3A_211 = memref.load %arg1[%get3A_210] : memref<16xi32, #tpu.memory_space<smem>>
    %add3A_212 = arith.constant 256 : i32
    %add3A_213 = arith.addi %mul3A_0, %add3A_212 : i32
    %sub3A_214 = arith.constant 1 : i32
    %sub3A_215 = arith.subi %add3A_213, %sub3A_214 : i32
    %le3A_216 = arith.cmpi sle, %get3A_211, %sub3A_215 : i32
    %jit3A_217 = arith.constant 1 : i32
    %jit3A_218 = arith.constant 0 : i32
    %select_n3A_219 = arith.select %le3A_216, %jit3A_217, %jit3A_218 : i32
    %add3A_220 = arith.addi %add3A_192, %select_n3A_219 : i32
    %get3A_221 = arith.constant 7 : index
    %get3A_222 = memref.load %arg1[%get3A_221] : memref<16xi32, #tpu.memory_space<smem>>
    %ge3A_223 = vector.broadcast %get3A_222 : i32 to vector<256x1xi32>
    %ge3A_224 = arith.cmpi sge, %add3A_35, %ge3A_223 : vector<256x1xi32>
    %jit3A_225 = arith.constant 1 : i32
    %jit3A_226 = arith.constant 0 : i32
    %broadcast_in_dim3A_227 = vector.broadcast %jit3A_225 : i32 to vector<256x1xi32>
    %broadcast_in_dim3A_228 = vector.broadcast %jit3A_226 : i32 to vector<256x1xi32>
    %select_n3A_229 = arith.select %ge3A_224, %broadcast_in_dim3A_227, %broadcast_in_dim3A_228 : vector<256x1xi1>, vector<256x1xi32>
    %add3A_230 = arith.addi %add3A_202, %select_n3A_229 : vector<256x1xi32>
    %get3A_231 = arith.constant 8 : index
    %get3A_232 = memref.load %arg1[%get3A_231] : memref<16xi32, #tpu.memory_space<smem>>
    %le3A_233 = arith.cmpi sle, %get3A_232, %mul3A_0 : i32
    %jit3A_234 = arith.constant 1 : i32
    %jit3A_235 = arith.constant 0 : i32
    %select_n3A_236 = arith.select %le3A_233, %jit3A_234, %jit3A_235 : i32
    %add3A_237 = arith.addi %add3A_209, %select_n3A_236 : i32
    %get3A_238 = arith.constant 8 : index
    %get3A_239 = memref.load %arg1[%get3A_238] : memref<16xi32, #tpu.memory_space<smem>>
    %add3A_240 = arith.constant 256 : i32
    %add3A_241 = arith.addi %mul3A_0, %add3A_240 : i32
    %sub3A_242 = arith.constant 1 : i32
    %sub3A_243 = arith.subi %add3A_241, %sub3A_242 : i32
    %le3A_244 = arith.cmpi sle, %get3A_239, %sub3A_243 : i32
    %jit3A_245 = arith.constant 1 : i32
    %jit3A_246 = arith.constant 0 : i32
    %select_n3A_247 = arith.select %le3A_244, %jit3A_245, %jit3A_246 : i32
    %add3A_248 = arith.addi %add3A_220, %select_n3A_247 : i32
    %get3A_249 = arith.constant 8 : index
    %get3A_250 = memref.load %arg1[%get3A_249] : memref<16xi32, #tpu.memory_space<smem>>
    %ge3A_251 = vector.broadcast %get3A_250 : i32 to vector<256x1xi32>
    %ge3A_252 = arith.cmpi sge, %add3A_35, %ge3A_251 : vector<256x1xi32>
    %jit3A_253 = arith.constant 1 : i32
    %jit3A_254 = arith.constant 0 : i32
    %broadcast_in_dim3A_255 = vector.broadcast %jit3A_253 : i32 to vector<256x1xi32>
    %broadcast_in_dim3A_256 = vector.broadcast %jit3A_254 : i32 to vector<256x1xi32>
    %select_n3A_257 = arith.select %ge3A_252, %broadcast_in_dim3A_255, %broadcast_in_dim3A_256 : vector<256x1xi1>, vector<256x1xi32>
    %add3A_258 = arith.addi %add3A_230, %select_n3A_257 : vector<256x1xi32>
    %iota3A_259 = tpu.iota {dimensions = array<i32: 1>} : vector<256x8xi32>
    %eq3A = vector.broadcast %add3A_258 : vector<256x1xi32> to vector<256x8xi32>
    %eq3A_260 = arith.cmpi eq, %iota3A_259, %eq3A : vector<256x8xi32>
    %jit3A_261 = arith.constant 0.000000e+00 : f32
    %broadcast_in_dim3A_262 = vector.shape_cast %broadcast_in_dim3A_33 : vector<256x1xf32> to vector<256x1xf32>
    %broadcast_in_dim3A_263 = vector.broadcast %broadcast_in_dim3A_262 : vector<256x1xf32> to vector<256x8xf32>
    %broadcast_in_dim3A_264 = vector.broadcast %jit3A_261 : f32 to vector<256x8xf32>
    %select_n3A_265 = arith.select %eq3A_260, %broadcast_in_dim3A_263, %broadcast_in_dim3A_264 : vector<256x8xi1>, vector<256x8xf32>
    %get3A_266 = arith.constant 0 : index
    %get3A_267 = arith.constant 0 : index
    %get3A_268 = vector.load %arg10[%get3A_266, %get3A_267] : memref<8x1024xf32, #tpu.memory_space<vmem>>, vector<8x1024xf32>
    %dot_general3A_269 = arith.constant dense<0.000000e+00> : vector<256x1024xf32>
    %dot_general3A_270 = tpu.matmul %select_n3A_265, %get3A_268, %dot_general3A_269 {dimension_numbers = #tpu.dot_dimension_numbers<[1], [0], [0], [1], [0, 0, 1, 1], [], []>, transpose_lhs_hint = false} : vector<256x8xf32>, vector<8x1024xf32>, vector<256x1024xf32> -> vector<256x1024xf32>
    %add3A_271 = arith.addf %add3A_9, %dot_general3A_270 : vector<256x1024xf32>
    %add3A_272 = arith.constant 1 : i32
    %add3A_273 = arith.addi %add3A_248, %add3A_272 : i32
    %while3A = arith.subi %add3A_273, %add3A_237 : i32
    %while3A_274 = arith.addi %add3A_237, %while3A : i32
    %while3A_275 = arith.constant 1 : i32
    %while3A_276 = arith.divsi %while3A, %while3A_275 : i32
    %while3A_277 = arith.muli %while3A_276, %while3A_275 : i32
    %while3A_278 = arith.addi %add3A_237, %while3A_277 : i32
    %while3A_279 = arith.constant 1 : i32
    %while3A_280 = scf.for %while3A_285 = %add3A_237 to %while3A_278 step %while3A_279 iter_args(%while3A_286 = %add3A_271) -> (vector<256x1024xf32>)  : i32 {
      %get3A_287 = arith.index_cast %while3A_285 : i32 to index
      %get3A_288 = memref.load %arg1[%get3A_287] : memref<16xi32, #tpu.memory_space<smem>>
      %ge3A_289 = vector.broadcast %get3A_288 : i32 to vector<256x1xi32>
      %ge3A_290 = arith.cmpi sge, %add3A_35, %ge3A_289 : vector<256x1xi32>
      %add3A_291 = arith.constant 1 : i32
      %add3A_292 = arith.addi %while3A_285, %add3A_291 : i32
      %get3A_293 = arith.index_cast %add3A_292 : i32 to index
      %get3A_294 = memref.load %arg1[%get3A_293] : memref<16xi32, #tpu.memory_space<smem>>
      %lt3A = vector.broadcast %get3A_294 : i32 to vector<256x1xi32>
      %lt3A_295 = arith.cmpi slt, %add3A_35, %lt3A : vector<256x1xi32>
      %and3A = arith.andi %ge3A_290, %lt3A_295 : vector<256x1xi1>
      %jit3A_296 = arith.constant 0.000000e+00 : f32
      %broadcast_in_dim3A_297 = vector.broadcast %jit3A_296 : f32 to vector<256x1xf32>
      %select_n3A_298 = arith.select %and3A, %broadcast_in_dim3A_33, %broadcast_in_dim3A_297 : vector<256x1xi1>, vector<256x1xf32>
      %mul3A_299 = vector.broadcast %select_n3A_298 : vector<256x1xf32> to vector<256x1024xf32>
      %mul3A_300 = arith.mulf %get3A_2, %mul3A_299 : vector<256x1024xf32>
      %convert_element_type3A_301 = arith.truncf %mul3A_300 : vector<256x1024xf32> to vector<256x1024xbf16>
      %mul3A_302 = arith.constant 1024 : i32
      %mul3A_303 = arith.muli %while3A_285, %mul3A_302 : i32
      %get3A_304 = arith.index_cast %mul3A_303 : i32 to index
      %get3A_305 = arith.constant 0 : index
      %get3A_306 = vector.load %arg9[%get3A_304, %get3A_305] : memref<8192x1024xbf16, #tpu.memory_space<vmem>>, vector<1024x1024xbf16>
      %dot_general3A_307 = arith.constant dense<0.000000e+00> : vector<256x1024xf32>
      %dot_general3A_308 = tpu.matmul %convert_element_type3A_301, %get3A_306, %dot_general3A_307 {dimension_numbers = #tpu.dot_dimension_numbers<[1], [0], [0], [1], [0, 0, 1, 1], [], []>, transpose_lhs_hint = false} : vector<256x1024xbf16>, vector<1024x1024xbf16>, vector<256x1024xf32> -> vector<256x1024xf32>
      %add3A_309 = arith.addf %while3A_286, %dot_general3A_308 : vector<256x1024xf32>
      scf.yield %add3A_309 : vector<256x1024xf32>
    }
    %while3A_281 = arith.constant 1 : i32
    %while3A_282 = scf.for %while3A_285 = %while3A_278 to %while3A_274 step %while3A_281 iter_args(%while3A_286 = %while3A_280) -> (vector<256x1024xf32>)  : i32 {
      %get3A_287 = arith.index_cast %while3A_285 : i32 to index
      %get3A_288 = memref.load %arg1[%get3A_287] : memref<16xi32, #tpu.memory_space<smem>>
      %ge3A_289 = vector.broadcast %get3A_288 : i32 to vector<256x1xi32>
      %ge3A_290 = arith.cmpi sge, %add3A_35, %ge3A_289 : vector<256x1xi32>
      %add3A_291 = arith.constant 1 : i32
      %add3A_292 = arith.addi %while3A_285, %add3A_291 : i32
      %get3A_293 = arith.index_cast %add3A_292 : i32 to index
      %get3A_294 = memref.load %arg1[%get3A_293] : memref<16xi32, #tpu.memory_space<smem>>
      %lt3A = vector.broadcast %get3A_294 : i32 to vector<256x1xi32>
      %lt3A_295 = arith.cmpi slt, %add3A_35, %lt3A : vector<256x1xi32>
      %and3A = arith.andi %ge3A_290, %lt3A_295 : vector<256x1xi1>
      %jit3A_296 = arith.constant 0.000000e+00 : f32
      %broadcast_in_dim3A_297 = vector.broadcast %jit3A_296 : f32 to vector<256x1xf32>
      %select_n3A_298 = arith.select %and3A, %broadcast_in_dim3A_33, %broadcast_in_dim3A_297 : vector<256x1xi1>, vector<256x1xf32>
      %mul3A_299 = vector.broadcast %select_n3A_298 : vector<256x1xf32> to vector<256x1024xf32>
      %mul3A_300 = arith.mulf %get3A_2, %mul3A_299 : vector<256x1024xf32>
      %convert_element_type3A_301 = arith.truncf %mul3A_300 : vector<256x1024xf32> to vector<256x1024xbf16>
      %mul3A_302 = arith.constant 1024 : i32
      %mul3A_303 = arith.muli %while3A_285, %mul3A_302 : i32
      %get3A_304 = arith.index_cast %mul3A_303 : i32 to index
      %get3A_305 = arith.constant 0 : index
      %get3A_306 = vector.load %arg9[%get3A_304, %get3A_305] : memref<8192x1024xbf16, #tpu.memory_space<vmem>>, vector<1024x1024xbf16>
      %dot_general3A_307 = arith.constant dense<0.000000e+00> : vector<256x1024xf32>
      %dot_general3A_308 = tpu.matmul %convert_element_type3A_301, %get3A_306, %dot_general3A_307 {dimension_numbers = #tpu.dot_dimension_numbers<[1], [0], [0], [1], [0, 0, 1, 1], [], []>, transpose_lhs_hint = false} : vector<256x1024xbf16>, vector<1024x1024xbf16>, vector<256x1024xf32> -> vector<256x1024xf32>
      %add3A_309 = arith.addf %while3A_286, %dot_general3A_308 : vector<256x1024xf32>
      scf.yield %add3A_309 : vector<256x1024xf32>
    }
    %swap3A = arith.constant 0 : index
    %swap3A_283 = arith.constant 0 : index
    %swap3A_284 = vector.load %arg11[%swap3A, %swap3A_283] : memref<256x1024xf32, #tpu.memory_space<vmem>>, vector<256x1024xf32>
    tpu.vector_store %arg11[%swap3A, %swap3A_283], %while3A_282 {strides = array<i32>} : memref<256x1024xf32, #tpu.memory_space<vmem>>, vector<256x1024xf32>,
    return
  }
  func.func @transform_0(%arg0: i32, %arg1: memref<16xi32, #tpu.memory_space<smem>>) -> (i32, i32) {
    %c0_i32 = arith.constant 0 : i32
    %c0_i32_0 = arith.constant 0 : i32
    return %arg0, %c0_i32 : i32, i32
  }
  func.func @transform_1(%arg0: i32, %arg1: memref<16xi32, #tpu.memory_space<smem>>) -> (i32, i32) {
    %c0_i32 = arith.constant 0 : i32
    %c0_i32_0 = arith.constant 0 : i32
    %c0_i32_1 = arith.constant 0 : i32
    return %c0_i32, %c0_i32_0 : i32, i32
  }
  func.func @transform_2(%arg0: i32, %arg1: memref<16xi32, #tpu.memory_space<smem>>) -> i32 {
    %c0_i32 = arith.constant 0 : i32
    %c0_i32_0 = arith.constant 0 : i32
    return %c0_i32 : i32
  }
  func.func @transform_3(%arg0: i32, %arg1: memref<16xi32, #tpu.memory_space<smem>>) -> (i32, i32) {
    %c0_i32 = arith.constant 0 : i32
    %c0_i32_0 = arith.constant 0 : i32
    %c0_i32_1 = arith.constant 0 : i32
    return %c0_i32, %c0_i32_0 : i32, i32
  }
  func.func @transform_4(%arg0: i32, %arg1: memref<16xi32, #tpu.memory_space<smem>>) -> i32 {
    %c0_i32 = arith.constant 0 : i32
    %c0_i32_0 = arith.constant 0 : i32
    return %c0_i32 : i32
  }
  func.func @transform_5(%arg0: i32, %arg1: memref<16xi32, #tpu.memory_space<smem>>) -> (i32, i32) {
    %c0_i32 = arith.constant 0 : i32
    %c0_i32_0 = arith.constant 0 : i32
    %c0_i32_1 = arith.constant 0 : i32
    return %c0_i32, %c0_i32_0 : i32, i32
  }
  func.func @transform_6(%arg0: i32, %arg1: memref<16xi32, #tpu.memory_space<smem>>) -> i32 {
    %c0_i32 = arith.constant 0 : i32
    %c0_i32_0 = arith.constant 0 : i32
    return %c0_i32 : i32
  }
  func.func @transform_7(%arg0: i32, %arg1: memref<16xi32, #tpu.memory_space<smem>>) -> (i32, i32) {
    %c0_i32 = arith.constant 0 : i32
    %c0_i32_0 = arith.constant 0 : i32
    %c0_i32_1 = arith.constant 0 : i32
    return %c0_i32, %c0_i32_0 : i32, i32
  }
  func.func @transform_8(%arg0: i32, %arg1: memref<16xi32, #tpu.memory_space<smem>>) -> (i32, i32) {
    %c0_i32 = arith.constant 0 : i32
    %c0_i32_0 = arith.constant 0 : i32
    %c0_i32_1 = arith.constant 0 : i32
    return %c0_i32, %c0_i32_0 : i32, i32
  }
  func.func @transform_9(%arg0: i32, %arg1: memref<16xi32, #tpu.memory_space<smem>>) -> (i32, i32) {
    %c0_i32 = arith.constant 0 : i32
    %c0_i32_0 = arith.constant 0 : i32
    return %arg0, %c0_i32 : i32, i32
  }
}

module attributes {stable_mosaic.version = 14 : i64} {
  func.func @_sel_body(%arg0: i32, %arg1: memref<1024x1024xf32, #tpu.memory_space<vmem>>, %arg2: memref<1024x1024xf32, #tpu.memory_space<vmem>>, %arg3: memref<1024xf32, #tpu.memory_space<vmem>>, %arg4: memref<1024x16xf32, #tpu.memory_space<vmem>>, %arg5: memref<16xf32, #tpu.memory_space<vmem>>, %arg6: memref<16x8xf32, #tpu.memory_space<vmem>>, %arg7: memref<8xf32, #tpu.memory_space<vmem>>, %arg8: memref<1024xi32, #tpu.memory_space<vmem>>, %arg9: memref<1x4x16xi32, #tpu.memory_space<vmem>>) attributes {dimension_semantics = [#tpu.dimension_semantics<arbitrary>], iteration_bounds = array<i64: 8>, scalar_prefetch = 0 : i64, scratch_operands = 0 : i64, tpu.core_type = #tpu.core_type<tc>, window_params = [{transform_indices = @transform_0, window_bounds = array<i64: 1024, 1024>}, {pipeline_mode = #tpu.pipeline_mode<synchronous>, transform_indices = @transform_1, window_bounds = array<i64: 1024, 1024>}, {pipeline_mode = #tpu.pipeline_mode<synchronous>, transform_indices = @transform_2, window_bounds = array<i64: 1024>}, {pipeline_mode = #tpu.pipeline_mode<synchronous>, transform_indices = @transform_3, window_bounds = array<i64: 1024, 16>}, {pipeline_mode = #tpu.pipeline_mode<synchronous>, transform_indices = @transform_4, window_bounds = array<i64: 16>}, {pipeline_mode = #tpu.pipeline_mode<synchronous>, transform_indices = @transform_5, window_bounds = array<i64: 16, 8>}, {pipeline_mode = #tpu.pipeline_mode<synchronous>, transform_indices = @transform_6, window_bounds = array<i64: 8>}, {transform_indices = @transform_7, window_bounds = array<i64: 1024>}, {transform_indices = @transform_8, window_bounds = array<i64: 1, 4, 16>}]} {
    %get3A = arith.constant 0 : index
    %get3A_0 = arith.constant 0 : index
    %get3A_1 = vector.load %arg1[%get3A, %get3A_0] : memref<1024x1024xf32, #tpu.memory_space<vmem>>, vector<1024x1024xf32>
    %get3A_2 = arith.constant 0 : index
    %get3A_3 = arith.constant 0 : index
    %get3A_4 = vector.load %arg2[%get3A_2, %get3A_3] : memref<1024x1024xf32, #tpu.memory_space<vmem>>, vector<1024x1024xf32>
    %dot_general3A = arith.constant dense<0.000000e+00> : vector<1024x1024xf32>
    %dot_general3A_5 = tpu.matmul %get3A_1, %get3A_4, %dot_general3A {dimension_numbers = #tpu.dot_dimension_numbers<[1], [0], [0], [1], [0, 0, 1, 1], [], []>, transpose_lhs_hint = false} : vector<1024x1024xf32>, vector<1024x1024xf32>, vector<1024x1024xf32> -> vector<1024x1024xf32>
    %get3A_6 = arith.constant 0 : index
    %get3A_7 = vector.load %arg3[%get3A_6] : memref<1024xf32, #tpu.memory_space<vmem>>, vector<1024xf32>
    %broadcast_in_dim3A = vector.shape_cast %get3A_7 : vector<1024xf32> to vector<1x1024xf32>
    %add3A = vector.broadcast %broadcast_in_dim3A : vector<1x1024xf32> to vector<1024x1024xf32>
    %add3A_8 = arith.addf %dot_general3A_5, %add3A : vector<1024x1024xf32>
    %get3A_9 = arith.constant 0 : index
    %get3A_10 = arith.constant 0 : index
    %get3A_11 = vector.load %arg4[%get3A_9, %get3A_10] : memref<1024x16xf32, #tpu.memory_space<vmem>>, vector<1024x16xf32>
    %dot_general3A_12 = arith.constant dense<0.000000e+00> : vector<1024x16xf32>
    %dot_general3A_13 = tpu.matmul %add3A_8, %get3A_11, %dot_general3A_12 {dimension_numbers = #tpu.dot_dimension_numbers<[1], [0], [0], [1], [0, 0, 1, 1], [], []>, transpose_lhs_hint = false} : vector<1024x1024xf32>, vector<1024x16xf32>, vector<1024x16xf32> -> vector<1024x16xf32>
    %get3A_14 = arith.constant 0 : index
    %get3A_15 = vector.load %arg5[%get3A_14] : memref<16xf32, #tpu.memory_space<vmem>>, vector<16xf32>
    %broadcast_in_dim3A_16 = vector.shape_cast %get3A_15 : vector<16xf32> to vector<1x16xf32>
    %add3A_17 = vector.broadcast %broadcast_in_dim3A_16 : vector<1x16xf32> to vector<1024x16xf32>
    %add3A_18 = arith.addf %dot_general3A_13, %add3A_17 : vector<1024x16xf32>
    %max3A = arith.constant 0.000000e+00 : f32
    %max3A_19 = vector.broadcast %max3A : f32 to vector<1024x16xf32>
    %max3A_20 = arith.maximumf %add3A_18, %max3A_19 : vector<1024x16xf32>
    %get3A_21 = arith.constant 0 : index
    %get3A_22 = arith.constant 0 : index
    %get3A_23 = vector.load %arg6[%get3A_21, %get3A_22] : memref<16x8xf32, #tpu.memory_space<vmem>>, vector<16x8xf32>
    %dot_general3A_24 = arith.constant dense<0.000000e+00> : vector<1024x8xf32>
    %dot_general3A_25 = tpu.matmul %max3A_20, %get3A_23, %dot_general3A_24 {dimension_numbers = #tpu.dot_dimension_numbers<[1], [0], [0], [1], [0, 0, 1, 1], [], []>, transpose_lhs_hint = false} : vector<1024x16xf32>, vector<16x8xf32>, vector<1024x8xf32> -> vector<1024x8xf32>
    %get3A_26 = arith.constant 0 : index
    %get3A_27 = vector.load %arg7[%get3A_26] : memref<8xf32, #tpu.memory_space<vmem>>, vector<8xf32>
    %broadcast_in_dim3A_28 = vector.shape_cast %get3A_27 : vector<8xf32> to vector<1x8xf32>
    %add3A_29 = vector.broadcast %broadcast_in_dim3A_28 : vector<1x8xf32> to vector<1024x8xf32>
    %add3A_30 = arith.addf %dot_general3A_25, %add3A_29 : vector<1024x8xf32>
    %reduce_max3A = arith.constant dense<0xFF800000> : vector<1024xf32>
    %reduce_max3A_31 = vector.multi_reduction <maximumf>, %add3A_30, %reduce_max3A [1] : vector<1024x8xf32> to vector<1024xf32>
    %broadcast_in_dim3A_32 = vector.shape_cast %reduce_max3A_31 : vector<1024xf32> to vector<1024x1xf32>
    %iota3A = tpu.iota {dimensions = array<i32: 1>} : vector<1024x8xi32>
    %eq3A = vector.broadcast %broadcast_in_dim3A_32 : vector<1024x1xf32> to vector<1024x8xf32>
    %eq3A_33 = arith.cmpf oeq, %add3A_30, %eq3A : vector<1024x8xf32>
    %jit3A = arith.constant 8 : i32
    %broadcast_in_dim3A_34 = vector.broadcast %jit3A : i32 to vector<1024x8xi32>
    %select_n3A = arith.select %eq3A_33, %iota3A, %broadcast_in_dim3A_34 : vector<1024x8xi1>, vector<1024x8xi32>
    %reduce_min3A = arith.constant dense<2147483647> : vector<1024xi32>
    %reduce_min3A_35 = vector.multi_reduction <minsi>, %select_n3A, %reduce_min3A [1] : vector<1024x8xi32> to vector<1024xi32>
    %swap3A = arith.constant 0 : index
    %swap3A_36 = vector.load %arg8[%swap3A] : memref<1024xi32, #tpu.memory_space<vmem>>, vector<1024xi32>
    tpu.vector_store %arg8[%swap3A], %reduce_min3A_35 {strides = array<i32>} : memref<1024xi32, #tpu.memory_space<vmem>>, vector<1024xi32>,
    %iota3A_37 = tpu.iota {dimensions = array<i32: 1>} : vector<1024x16xi32>
    %broadcast_in_dim3A_38 = vector.shape_cast %reduce_min3A_35 : vector<1024xi32> to vector<1024x1xi32>
    %eq3A_39 = vector.broadcast %broadcast_in_dim3A_38 : vector<1024x1xi32> to vector<1024x16xi32>
    %eq3A_40 = arith.cmpi eq, %iota3A_37, %eq3A_39 : vector<1024x16xi32>
    %jit3A_41 = arith.constant 1 : i32
    %jit3A_42 = arith.constant 0 : i32
    %broadcast_in_dim3A_43 = vector.broadcast %jit3A_41 : i32 to vector<1024x16xi32>
    %broadcast_in_dim3A_44 = vector.broadcast %jit3A_42 : i32 to vector<1024x16xi32>
    %select_n3A_45 = arith.select %eq3A_40, %broadcast_in_dim3A_43, %broadcast_in_dim3A_44 : vector<1024x16xi1>, vector<1024x16xi32>
    %slice3A = vector.extract_strided_slice %select_n3A_45 {offsets = [0, 0], sizes = [256, 16], strides = [1, 1]} : vector<1024x16xi32> to vector<256x16xi32>
    %reduce_sum3A = arith.constant dense<0> : vector<16xi32>
    %reduce_sum3A_46 = vector.multi_reduction <add>, %slice3A, %reduce_sum3A [0] : vector<256x16xi32> to vector<16xi32>
    %swap3A_47 = arith.constant 0 : index
    %swap3A_48 = arith.constant 0 : index
    %swap3A_49 = arith.constant 0 : index
    %swap3A_50 = vector.load %arg9[%swap3A_47, %swap3A_48, %swap3A_49] : memref<1x4x16xi32, #tpu.memory_space<vmem>>, vector<1x1x16xi32>
    %swap3A_51 = vector.shape_cast %swap3A_50 : vector<1x1x16xi32> to vector<16xi32>
    %swap3A_52 = vector.shape_cast %reduce_sum3A_46 : vector<16xi32> to vector<1x1x16xi32>
    tpu.vector_store %arg9[%swap3A_47, %swap3A_48, %swap3A_49], %swap3A_52 {strides = array<i32>} : memref<1x4x16xi32, #tpu.memory_space<vmem>>, vector<1x1x16xi32>,
    %slice3A_53 = vector.extract_strided_slice %select_n3A_45 {offsets = [256, 0], sizes = [256, 16], strides = [1, 1]} : vector<1024x16xi32> to vector<256x16xi32>
    %reduce_sum3A_54 = arith.constant dense<0> : vector<16xi32>
    %reduce_sum3A_55 = vector.multi_reduction <add>, %slice3A_53, %reduce_sum3A_54 [0] : vector<256x16xi32> to vector<16xi32>
    %swap3A_56 = arith.constant 0 : index
    %swap3A_57 = arith.constant 1 : index
    %swap3A_58 = arith.constant 0 : index
    %swap3A_59 = vector.load %arg9[%swap3A_56, %swap3A_57, %swap3A_58] : memref<1x4x16xi32, #tpu.memory_space<vmem>>, vector<1x1x16xi32>
    %swap3A_60 = vector.shape_cast %swap3A_59 : vector<1x1x16xi32> to vector<16xi32>
    %swap3A_61 = vector.shape_cast %reduce_sum3A_55 : vector<16xi32> to vector<1x1x16xi32>
    tpu.vector_store %arg9[%swap3A_56, %swap3A_57, %swap3A_58], %swap3A_61 {strides = array<i32>} : memref<1x4x16xi32, #tpu.memory_space<vmem>>, vector<1x1x16xi32>,
    %slice3A_62 = vector.extract_strided_slice %select_n3A_45 {offsets = [512, 0], sizes = [256, 16], strides = [1, 1]} : vector<1024x16xi32> to vector<256x16xi32>
    %reduce_sum3A_63 = arith.constant dense<0> : vector<16xi32>
    %reduce_sum3A_64 = vector.multi_reduction <add>, %slice3A_62, %reduce_sum3A_63 [0] : vector<256x16xi32> to vector<16xi32>
    %swap3A_65 = arith.constant 0 : index
    %swap3A_66 = arith.constant 2 : index
    %swap3A_67 = arith.constant 0 : index
    %swap3A_68 = vector.load %arg9[%swap3A_65, %swap3A_66, %swap3A_67] : memref<1x4x16xi32, #tpu.memory_space<vmem>>, vector<1x1x16xi32>
    %swap3A_69 = vector.shape_cast %swap3A_68 : vector<1x1x16xi32> to vector<16xi32>
    %swap3A_70 = vector.shape_cast %reduce_sum3A_64 : vector<16xi32> to vector<1x1x16xi32>
    tpu.vector_store %arg9[%swap3A_65, %swap3A_66, %swap3A_67], %swap3A_70 {strides = array<i32>} : memref<1x4x16xi32, #tpu.memory_space<vmem>>, vector<1x1x16xi32>,
    %slice3A_71 = vector.extract_strided_slice %select_n3A_45 {offsets = [768, 0], sizes = [256, 16], strides = [1, 1]} : vector<1024x16xi32> to vector<256x16xi32>
    %reduce_sum3A_72 = arith.constant dense<0> : vector<16xi32>
    %reduce_sum3A_73 = vector.multi_reduction <add>, %slice3A_71, %reduce_sum3A_72 [0] : vector<256x16xi32> to vector<16xi32>
    %swap3A_74 = arith.constant 0 : index
    %swap3A_75 = arith.constant 3 : index
    %swap3A_76 = arith.constant 0 : index
    %swap3A_77 = vector.load %arg9[%swap3A_74, %swap3A_75, %swap3A_76] : memref<1x4x16xi32, #tpu.memory_space<vmem>>, vector<1x1x16xi32>
    %swap3A_78 = vector.shape_cast %swap3A_77 : vector<1x1x16xi32> to vector<16xi32>
    %swap3A_79 = vector.shape_cast %reduce_sum3A_73 : vector<16xi32> to vector<1x1x16xi32>
    tpu.vector_store %arg9[%swap3A_74, %swap3A_75, %swap3A_76], %swap3A_79 {strides = array<i32>} : memref<1x4x16xi32, #tpu.memory_space<vmem>>, vector<1x1x16xi32>,
    return
  }
  func.func @transform_0(%arg0: i32) -> (i32, i32) {
    %c0_i32 = arith.constant 0 : i32
    %c0_i32_0 = arith.constant 0 : i32
    return %arg0, %c0_i32 : i32, i32
  }
  func.func @transform_1(%arg0: i32) -> (i32, i32) {
    %c0_i32 = arith.constant 0 : i32
    %c0_i32_0 = arith.constant 0 : i32
    %c0_i32_1 = arith.constant 0 : i32
    return %c0_i32, %c0_i32_0 : i32, i32
  }
  func.func @transform_2(%arg0: i32) -> i32 {
    %c0_i32 = arith.constant 0 : i32
    %c0_i32_0 = arith.constant 0 : i32
    return %c0_i32 : i32
  }
  func.func @transform_3(%arg0: i32) -> (i32, i32) {
    %c0_i32 = arith.constant 0 : i32
    %c0_i32_0 = arith.constant 0 : i32
    %c0_i32_1 = arith.constant 0 : i32
    return %c0_i32, %c0_i32_0 : i32, i32
  }
  func.func @transform_4(%arg0: i32) -> i32 {
    %c0_i32 = arith.constant 0 : i32
    %c0_i32_0 = arith.constant 0 : i32
    return %c0_i32 : i32
  }
  func.func @transform_5(%arg0: i32) -> (i32, i32) {
    %c0_i32 = arith.constant 0 : i32
    %c0_i32_0 = arith.constant 0 : i32
    %c0_i32_1 = arith.constant 0 : i32
    return %c0_i32, %c0_i32_0 : i32, i32
  }
  func.func @transform_6(%arg0: i32) -> i32 {
    %c0_i32 = arith.constant 0 : i32
    %c0_i32_0 = arith.constant 0 : i32
    return %c0_i32 : i32
  }
  func.func @transform_7(%arg0: i32) -> i32 {
    %c0_i32 = arith.constant 0 : i32
    return %arg0 : i32
  }
  func.func @transform_8(%arg0: i32) -> (i32, i32, i32) {
    %c0_i32 = arith.constant 0 : i32
    %c0_i32_0 = arith.constant 0 : i32
    %c0_i32_1 = arith.constant 0 : i32
    return %arg0, %c0_i32, %c0_i32_0 : i32, i32, i32
  }
}

</mosaic_0001>

<sc_bundles>
// kernel: kernel.6.cloned.1.call-start
scs
__scs_entry_jumppad:
0x0: {  	(pc) =	sbr.rel $0x88, $3  }
0x1: {  	(tag) =	ssettag $0x0;
	lr =	simm.s32 $0x1  }
0x2: {  	[smem:$0x3F98] =	sst lr;
	_ =	strace $0xD0000000  }
0x3: {  	_ = 	snop  }
0x4: {  	_ = 	snop  }
0x5: {  	_ = 	snop  }
0x6: {  	_ = 	snop  }
0x7: {  	_ = 	snop  }
__scs_overlays_trampoline_lowered:
0x8: {  	[smem:$0x3FA7] =	sst s0  }
0x9: {  	[smem:$0x3FA8] =	sst s1  }
0xa: {  	[smem:$0x3FA9] =	sst s2  }
0xb: {  	[smem:$0x3FAA] =	sst s3  }
0xc: {  	[smem:$0x3FAB] =	sst s4  }
0xd: {  	[smem:$0x3FAC] =	sst s5  }
0xe: {  	[smem:$0x3FAD] =	sst s6  }
0xf: {  	[smem:$0x3FAE] =	sst s7  }
0x10: {  	[smem:$0x3FAF] =	sst s8  }
0x11: {  	[smem:$0x3FB0] =	sst s9;
	s0 =	simm.s32 @!p0 $0x0  }
0x12: {  	s1 =	sld [smem:$0x3F96];
	s0 =	simm.s32 @p0 $0x1  }
0x13: {  	[smem:$0x3FB1] =	sst s0;
	s0 =	simm.s32 @!p1 $0x0  }
0x14: {  	s2 =	sld [smem:$0x3F95];
	s0 =	simm.s32 @p1 $0x1  }
0x15: {  	[smem:$0x3FB2] =	sst s0;
	s0 =	simm.s32 @!p2 $0x0  }
0x16: {  	s3 =	sld [smem:$0x3FDB];
	s0 =	simm.s32 @p2 $0x1  }
0x17: {  	s4 =	simm.s32 $0x1BF5;
	[smem:$0x3FB4] =	sst s0  }
0x18: {  	s0 =	sld [smem:$0x3F97];
	_ =	swait.ge [sflag:s4], $0x0  }
0x19: {  	s7 =	sld [smem:$0x3F98]  }
0x1a: {  	s8 =	sadd.s32 $0xFFFFE003, lr  }
0x1b: {  	s9 =	sadd.s32 $0xFFFFFEF7, lr;
	s5 =	simm.s32 $0xFFFFFFFF;
	p2 =	slt.u32 s8, $0xFFFFF086  }
0x1c: {  	p1 =	slt.u32 s9, $0xF7A;
	s5 =	simm.s32 @!p2 $0x0  }
0x1d: {  	s5 =	simm.s32 @p1 $0x1;
	p0 =	seq.s32 s7, s2  }
0x1e: {  	s7 =	smul.u32 @!p0 $0xF7A, s2;
	p2 =	seq.s32 @!p0 s5, $0x0  }
0x1f: {  	s9 =	smul.u32 $0xF7A, s1;
	s8 =	simm.s32 @!p0 $0x1BF5;
	p2 =	por !p2, p0  }
0x20: {  	[sflag:s8] =	ssyncset.s32 @!p0 $0xFFFFF086;
	s6 =	sadd.s32 @!p0 s3, s7;
	s7 =	simm.s32 @!p0 $0x108  }
0x21: {  	s3 =	sadd.s32 s3, s9;
	s6 =	sadd.s32 @!p0 $0x88, s6;
	s7 =	simm.s32 @p2 $0x1082  }
0x22: {  	[simem:s7], [sflag:s8] =	dma.local @!p0 [hbm:s6], $0xF7A  }
0x23: {  	s9 =	sor.u32 $0xD0000000, s2;
	s6 =	simm.s32 $0x108;
	_ =	swait.ge @!p0 [sflag:s8], $0x0  }
0x24: {  	s3 =	sadd.s32 $0x88, s3;
	s6 =	simm.s32 @!p1 $0x1082;
	[sflag:s4] =	ssyncset.s32 $0xFFFFF086  }
0x25: {  	[simem:s6], [sflag:s4] =	dma.local [hbm:s3], $0xF7A  }
0x26: {  	[smem:$0x3F98] =	sst s1;
	(tag) =	ssettag s2;
	_ =	strace s9  }
0x27: {  	s1 =	sld [smem:$0x3FA8]  }
0x28: {  	s2 =	sld [smem:$0x3FA9]  }
0x29: {  	s4 =	sld [smem:$0x3FAB]  }
0x2a: {  	p0 =	seq.s32 s5, $0x0;
	s5 =	sld [smem:$0x3FAC]  }
0x2b: {  	s6 =	sld [smem:$0x3FAD]  }
0x2c: {  	s7 =	sld [smem:$0x3FAE]  }
0x2d: {  	s3 =	simm.s32 $0x108;
	s8 =	sld [smem:$0x3FAF]  }
0x2e: {  	s3 =	simm.s32 @!p0 $0x1082;
	s9 =	sld [smem:$0x3FB0]  }
0x2f: {  	lr =	sadd.s32 s0, s3;
	s0 =	sld [smem:$0x3FA7]  }
0x30: {  	s3 =	sld [smem:$0x3FAA]  }
0x31: {  	[smem:$0x3FB3] =	sst s10  }
0x32: {  	s10 =	sld [smem:$0x3FB1];
	_ =	sdelay $0x3  }
0x33: {  	p0 =	seq.s32 s10, $0x1;
	s10 =	sld [smem:$0x3FB3];
	_ =	sdelay $0x3  }
0x34: {  	[smem:$0x3FB3] =	sst s10  }
0x35: {  	s10 =	sld [smem:$0x3FB2];
	_ =	sdelay $0x3  }
0x36: {  	p1 =	seq.s32 s10, $0x1;
	s10 =	sld [smem:$0x3FB3];
	_ =	sdelay $0x3  }
0x37: {  	[smem:$0x3FB3] =	sst s10  }
0x38: {  	s10 =	sld [smem:$0x3FB4]  }
0x39: {  	_ = 	snop;
	(pc) =	sbr.ind lr, $3  }
0x3a: {  	_ = 	snop  }
0x3b: {  	_ = 	snop  }
0x3c: {  	p2 =	seq.s32 s10, $0x1;
	s10 =	sld [smem:$0x3FB3]  }
0x3d: {  	_ =	shalt  }
0x3e: {  	_ =	shalt  }
0x3f: {  	_ =	shalt  }
0x40: {  	_ =	shalt  }
0x41: {  	_ =	shalt  }
0x42: {  	_ =	shalt  }
0x43: {  	_ =	shalt  }
0x44: {  	_ =	shalt  }
0x45: {  	_ =	shalt  }
0x46: {  	_ =	shalt  }
0x47: {  	_ =	shalt  }
0x48: {  	_ =	shalt  }
0x49: {  	_ =	shalt  }
0x4a: {  	_ =	shalt  }
0x4b: {  	_ =	shalt  }
0x4c: {  	_ =	shalt  }
0x4d: {  	_ =	shalt  }
0x4e: {  	_ =	shalt  }
0x4f: {  	_ =	shalt  }
0x50: {  	_ =	shalt  }
0x51: {  	_ =	shalt  }
0x52: {  	_ =	shalt  }
0x53: {  	_ =	shalt  }
0x54: {  	_ =	shalt  }
0x55: {  	_ =	shalt  }
0x56: {  	_ =	shalt  }
0x57: {  	_ =	shalt  }
0x58: {  	_ =	shalt  }
0x59: {  	_ =	shalt  }
0x5a: {  	_ =	shalt  }
0x5b: {  	_ =	shalt  }
0x5c: {  	_ =	shalt  }
0x5d: {  	_ =	shalt  }
0x5e: {  	_ =	shalt  }
0x5f: {  	_ =	shalt  }
0x60: {  	_ =	shalt  }
0x61: {  	_ =	shalt  }
0x62: {  	_ =	shalt  }
0x63: {  	_ =	shalt  }
0x64: {  	_ =	shalt  }
0x65: {  	_ =	shalt  }
0x66: {  	_ =	shalt  }
0x67: {  	_ =	shalt  }
0x68: {  	_ =	shalt  }
0x69: {  	_ =	shalt  }
0x6a: {  	_ =	shalt  }
0x6b: {  	_ =	shalt  }
0x6c: {  	_ =	shalt  }
0x6d: {  	_ =	shalt  }
0x6e: {  	_ =	shalt  }
0x6f: {  	_ =	shalt  }
0x70: {  	_ =	shalt  }
0x71: {  	_ =	shalt  }
0x72: {  	_ =	shalt  }
0x73: {  	_ =	shalt  }
0x74: {  	_ =	shalt  }
0x75: {  	_ =	shalt  }
0x76: {  	_ =	shalt  }
0x77: {  	_ =	shalt  }
0x78: {  	_ =	shalt  }
0x79: {  	_ =	shalt  }
0x7a: {  	_ =	shalt  }
0x7b: {  	_ =	shalt  }
0x7c: {  	_ =	shalt  }
0x7d: {  	_ =	shalt  }
0x7e: {  	_ =	shalt  }
0x7f: {  	_ =	shalt  }
0x80: {  	_ =	shalt  }
0x81: {  	_ =	shalt  }
0x82: {  	_ =	shalt  }
0x83: {  	_ =	shalt  }
0x84: {  	_ =	shalt  }
0x85: {  	_ =	shalt  }
0x86: {  	_ =	shalt  }
0x87: {  	_ =	shalt  }
.Lfunc_end0:
.L_simem_size_0:
called_computation_lowered:
.L_overlay_start_0:
0x88: {  	s2 =	sld [smem:$0x3FD9]  }
0x89: {  	s3 =	sld [smem:$0x3FFE];
	_ =	sdelay $0x1  }
0x8a: {  	s1 =	srdreg.scid  }
0x8b: {  	s0 =	sand.u32 $0x1, s1  }
0x8c: {  	s17 =	sshll.u32 s0, $0xA;
	s2 =	sadd.s32 s3, s2  }
0x8d: {  	s2 =	sadd.s32 s2, s17  }
0x8e: {  	[smem:$0x3FBF] =	sst s2  }
0x8f: {  	_ = 	snop  }
0x90: {  	s2 =	sld [smem:$0x3FC9]  }
0x91: {  	s18 =	sld [smem:$0x3FD0];
	(tm) =	ssettm $0x1  }
0x92: {  	s4 =	sld [smem:$0x3FFB];
	_ =	sdelay $0x3  }
0x93: {  	_ =	strace s4  }
0x94: {  	s4 =	sld [smem:$0x3FFC];
	_ =	sdelay $0x3  }
0x95: {  	_ =	strace s4  }
0x96: {  	s4 =	sld [smem:$0x3FFD];
	_ =	sdelay $0x3  }
0x97: {  	_ =	strace s4  }
0x98: {  	_ =	strace $0x8FFFFFFF  }
0x99: {  	s19 =	sld [smem:$0x3FDB];
	_ =	sdelay $0x1  }
0x9a: {  	s5 =	simm.s32 $_scs_section_size  }
0x9b: {  	s6 =	simm.s32 $_size__tile_overlayer_lowered;
	s7 =	simm.s32 $_tile_overlayer_lowered  }
0x9c: {  	s22 =	simm.s32 $0x1BFF;
	s21 =	sshll.u32 s7, $0x1;
	s4 =	sadd.s32 s5, s19  }
0x9d: {  	s8 =	simm.s32 $0x0;
	s20 =	sshll.u32 s6, $0x1;
	s6 =	sadd.s32 s21, s4  }
0x9e: {  	[timem:s8], [sflag:s22] =	dma.local [hbm:s6], s20  }
0x9f: {  	_ =	swait.ge [sflag:s22], s20  }
0xa0: {  	s5 =	ssub.s32 $0x0, s20;
	[sflag:s22] =	ssyncset.done $0x0  }
0xa1: {  	[sflag:s22] =	ssyncadd.s32 s5;
	_ =	sdelay $0x1  }
0xa2: {  	s23 =	simm.s32 $0x1B8B  }
0xa3: {  	_ =	swait.ge [sflag:s23], $0x1  }
0xa4: {  	[sflag:s23] =	ssyncset.done $0x0  }
0xa5: {  	s25 =	simm.s32 $0x1B8E;
	s24 =	sld [smem:$0x3FFE];
	[sflag:s23] =	ssyncadd.s32 $0xFFFFFFFF  }
0xa6: {  	s26 =	simm.s32 $execute0_lowered;
	[smem:$0x3FD2] =	sst s25  }
0xa7: {  	s6 =	sshll.u32 s26, $0x1;
	_ =	strace $0x80000046;
	[dreg:$0x1] =	wrdreg $0xFFFFFFFF  }
0xa8: {  	s28 =	simm.s32 $_size_execute0_lowered;
	s4 =	sadd.s32 s4, s6;
	[dreg:$0x0] =	wrdreg $0x0  }
0xa9: {  	s6 =	sshll.u32 s28, $0x1;
	[dreg:$0x2] =	wrdreg s4  }
0xaa: {  	[dreg:$0x3] =	wrdreg s6  }
0xab: {  	[dreg:$0x4] =	wrdreg $0xC0  }
0xac: {  	_ =	task [dreg:s8], $0x5FFFF  }
0xad: {  	[dreg:$0x1] =	wrdreg $0xFFFFFFFF  }
0xae: {  	[dreg:$0x0] =	wrdreg $0x60  }
0xaf: {  	[dreg:$0x2] =	wrdreg s24  }
0xb0: {  	[dreg:$0x3] =	wrdreg s2  }
0xb1: {  	[dreg:$0x4] =	wrdreg s18  }
0xb2: {  	[dreg:$0x5] =	wrdreg $0x9  }
0xb3: {  	_ =	task.clear_ibuf [dreg:s8], $0x6FFFF;
	_ =	strace $0x90000046  }
0xb4: {  	s29 =	simm.s32 $0x9;
	_ =	strace $0x80000048  }
0xb5: {  	_ =	swait.ge [sflag:s29], $0x1  }
0xb6: {  	[sflag:s29] =	ssyncadd.s32 $0xFFFFFFFF  }
0xb7: {  	_ =	strace $0x90000048  }
0xb8: {  	_ =	sfence  }
0xb9: {  	s30 =	sld [smem:$0x0];
	_ =	sdelay $0x2  }
0xba: {  	s31 =	sshll.u32 s1, $0xD;
	s1 =	sshrl.u32 s1, $0x2  }
0xbb: {  	s3 =	sand.u32 $0x4000, s31;
	s1 =	sadd.s32 s1, s30  }
0xbc: {  	s0 =	sor.u32 s3, s0;
	s1 =	sshll.u32 s1, $0x11  }
0xbd: {  	s0 =	sor.u32 s1, s0  }
0xbe: {  	s0 =	sadd.s32 $0x8F2B, s0  }
0xbf: {  	[sflag:s0] =	ssyncadd.remote.s32 $0x1  }
0xc0: {  	_ =	sfence.sel $0xFFFF  }
0xc1: {  	[dreg:$0x0] =	wrdreg $0xFFFFFFFF;
	(pc) =	sbr.abs _section_cstart, $3  }
0xc2: {  	[dreg:$0x1] =	wrdreg $0xFFFFFFFF  }
0xc3: {  	_ =	task.clear_ibuf [dreg:s8], $0x2FFFF;
	_ =	strace $0x9FFFFFFF  }
0xc4: {  	(tm) =	ssettm $0x7FFFFFFF  }
0xc5: {  	_ =	shalt  }
tec
execute0_lowered:
.L_overlay_start_1:
0x0: {  	(tag) =	ssettag $0x1  }
0x1: {  	s4 =	srdreg.scid;
	s5 =	stileid.u32  }
0x2: {  	s4 =	sand.u32 $0x1, s4;
	s5 =	sshll.u32 s5, $0x1  }
0x3: {  	s9 =	sor.u32 s4, s5  }
0x4: {  	s0 =	rddreg [dreg:$0x0];
	v4 =	vmov s9  }
0x5: {  	s1 =	rddreg [dreg:$0x1];
	s3 =	simm.s32 $0x0;
	v0 =	vimm.s32 $0x0;
	vm0 =	veq.s32 v4, $0x1F  }
0x6: {  	[smem:$0x7FF] =	sst s3;
	v0 =	vsel vm0, $0xFFFFFFFF, v0  }
0x7: {  	s2 =	rddreg [dreg:$0x2];
	_ =	strace $0x80000047;
	vm0 =	vgt.u32 v4, $0x1D;
	[tilespmem:$0x1FE30] =	vst v0;
	v0 =	vimm.s32 $0x0  }
0x8: {  	v0 =	vsel vm0, $0xFFFFFFFF, v0  }
0x9: {  	vm0 =	vgt.u32 v4, $0x1C;
	[tilespmem:$0x1FE40] =	vst v0;
	v0 =	vimm.s32 $0x0  }
0xa: {  	v0 =	vsel vm0, $0xFFFFFFFF, v0  }
0xb: {  	vm0 =	vgt.u32 v4, $0x1B;
	[tilespmem:$0x1FE50] =	vst v0;
	v0 =	vimm.s32 $0x0  }
0xc: {  	v0 =	vsel vm0, $0xFFFFFFFF, v0  }
0xd: {  	vm0 =	vgt.u32 v4, $0x1A;
	[tilespmem:$0x1FE60] =	vst v0;
	v0 =	vimm.s32 $0x0  }
0xe: {  	v0 =	vsel vm0, $0xFFFFFFFF, v0  }
0xf: {  	vm0 =	vgt.u32 v4, $0x19;
	[tilespmem:$0x1FE70] =	vst v0;
	v0 =	vimm.s32 $0x0  }
0x10: {  	v0 =	vsel vm0, $0xFFFFFFFF, v0  }
0x11: {  	vm0 =	vgt.u32 v4, $0x18;
	[tilespmem:$0x1FE80] =	vst v0;
	v0 =	vimm.s32 $0x0  }
0x12: {  	v0 =	vsel vm0, $0xFFFFFFFF, v0  }
0x13: {  	vm0 =	vgt.u32 v4, $0x17;
	[tilespmem:$0x1FE90] =	vst v0;
	v0 =	vimm.s32 $0x0  }
0x14: {  	v0 =	vsel vm0, $0xFFFFFFFF, v0  }
0x15: {  	vm0 =	vgt.u32 v4, $0x16;
	[tilespmem:$0x1FEA0] =	vst v0;
	v0 =	vimm.s32 $0x0  }
0x16: {  	v0 =	vsel vm0, $0xFFFFFFFF, v0  }
0x17: {  	vm0 =	vgt.u32 v4, $0x15;
	[tilespmem:$0x1FEB0] =	vst v0;
	v0 =	vimm.s32 $0x0  }
0x18: {  	v0 =	vsel vm0, $0xFFFFFFFF, v0  }
0x19: {  	vm0 =	vgt.u32 v4, $0x14;
	[tilespmem:$0x1FEC0] =	vst v0;
	v0 =	vimm.s32 $0x0  }
0x1a: {  	v0 =	vsel vm0, $0xFFFFFFFF, v0  }
0x1b: {  	vm0 =	vgt.u32 v4, $0x13;
	[tilespmem:$0x1FED0] =	vst v0;
	v0 =	vimm.s32 $0x0  }
0x1c: {  	v0 =	vsel vm0, $0xFFFFFFFF, v0  }
0x1d: {  	vm0 =	vgt.u32 v4, $0x12;
	[tilespmem:$0x1FEE0] =	vst v0;
	v0 =	vimm.s32 $0x0  }
0x1e: {  	v0 =	vsel vm0, $0xFFFFFFFF, v0  }
0x1f: {  	vm0 =	vgt.u32 v4, $0x11;
	[tilespmem:$0x1FEF0] =	vst v0;
	v0 =	vimm.s32 $0x0  }
0x20: {  	v0 =	vsel vm0, $0xFFFFFFFF, v0  }
0x21: {  	vm0 =	vgt.u32 v4, $0x10;
	[tilespmem:$0x1FF00] =	vst v0;
	v0 =	vimm.s32 $0x0  }
0x22: {  	v0 =	vsel vm0, $0xFFFFFFFF, v0  }
0x23: {  	vm0 =	vgt.u32 v4, $0xF;
	[tilespmem:$0x1FF10] =	vst v0;
	v0 =	vimm.s32 $0x0  }
0x24: {  	v5 =	vimm.s32 $0x0;
	v0 =	vsel vm0, $0xFFFFFFFF, v0;
	vm0 =	vgt.u32 v4, $0xE  }
0x25: {  	v5 =	vsel vm0, $0xFFFFFFFF, v5  }
0x26: {  	vm0 =	vgt.u32 v4, $0xD;
	[tilespmem:$0x1FF30] =	vst v5;
	v5 =	vimm.s32 $0x0  }
0x27: {  	v5 =	vsel vm0, $0xFFFFFFFF, v5  }
0x28: {  	vm0 =	vgt.u32 v4, $0xC;
	[tilespmem:$0x1FF40] =	vst v5;
	v5 =	vimm.s32 $0x0  }
0x29: {  	v5 =	vsel vm0, $0xFFFFFFFF, v5  }
0x2a: {  	vm0 =	vgt.u32 v4, $0xB;
	[tilespmem:$0x1FF50] =	vst v5;
	v5 =	vimm.s32 $0x0  }
0x2b: {  	v5 =	vsel vm0, $0xFFFFFFFF, v5  }
0x2c: {  	vm0 =	vgt.u32 v4, $0xA;
	[tilespmem:$0x1FF60] =	vst v5;
	v5 =	vimm.s32 $0x0  }
0x2d: {  	v5 =	vsel vm0, $0xFFFFFFFF, v5  }
0x2e: {  	s6 =	sadd.s32 $0x2800, s0;
	vm0 =	vgt.u32 v4, $0x9;
	[tilespmem:$0x1FF70] =	vst v5;
	v5 =	vimm.s32 $0x0  }
0x2f: {  	s28 =	simm.s32 $0x100;
	[dreg:$0x4] =	wrdreg s6;
	v5 =	vsel vm0, $0xFFFFFFFF, v5  }
0x30: {  	s31 =	simm.s32 $0x1180;
	[dreg:$0xf] =	wrdreg s28;
	vm0 =	vgt.u32 v4, $0x8;
	[tilespmem:$0x1FF80] =	vst v5;
	v5 =	vimm.s32 $0x0  }
0x31: {  	[dreg:$0x10] =	wrdreg s31;
	v5 =	vsel vm0, $0xFFFFFFFF, v5  }
0x32: {  	s5 =	sshll.u32 s9, $0x5;
	s7 =	sshll.u32 s9, $0x7;
	s17 =	sshll.u32 s9, $0xF;
	vm0 =	vgt.u32 v4, $0x7;
	[tilespmem:$0x1FF90] =	vst v5;
	v5 =	vimm.s32 $0x0  }
0x33: {  	s5 =	sadd.s32 s5, s0;
	s15 =	sadd.s32 s7, s0;
	s0 =	sadd.s32 $0x2A00, s0;
	v5 =	vsel vm0, $0xFFFFFFFF, v5  }
0x34: {  	s29 =	simm.s32 $0x1580;
	s8 =	sadd.s32 s1, s17;
	[dreg:$0x5] =	wrdreg s0;
	vm0 =	vgt.u32 v4, $0x6;
	[tilespmem:$0x1FFA0] =	vst v5;
	v5 =	vimm.s32 $0x0  }
0x35: {  	v3 =	vlaneseq.u32;
	s30 =	simm.s32 $0x1;
	s16 =	sadd.s32 $0x2400, s5;
	[dreg:$0x11] =	wrdreg s8;
	v5 =	vsel vm0, $0xFFFFFFFF, v5  }
0x36: {  	vm15 =	vmmov $0xff;
	s10 =	sadd.s32 $0x100, s2;
	s18 =	sadd.s32 $0x2C00, s15;
	[dreg:$0x6] =	wrdreg s16;
	vm0 =	vgt.u32 v4, $0x5;
	[tilespmem:$0x1FFB0] =	vst v5;
	v5 =	vimm.s32 $0x0  }
0x37: {  	vm1 =	vcmask $0x70C;
	vm2 =	vcmask $0xB10;
	s20 =	ssub.s32 $0x2, s4;
	s19 =	sadd.s32 $0x1000, s8;
	[dreg:$0x7] =	wrdreg s18;
	v5 =	vsel vm0, $0xFFFFFFFF, v5  }
0x38: {  	vm3 =	vcmask $0xF14;
	s6 =	sadd.s32 $0x200, s2;
	s21 =	sadd.s32 $0x2000, s8;
	[dreg:$0x8] =	wrdreg s19;
	vm0 =	vgt.u32 v4, $0x4;
	[tilespmem:$0x1FFC0] =	vst v5;
	v5 =	vimm.s32 $0x0  }
0x39: {  	vm4 =	vcmask $0x1318;
	vm5 =	vcmask $0x171C;
	s4 =	sshrl.u32 s20, $0x1;
	s22 =	sadd.s32 $0x3000, s8;
	[dreg:$0x9] =	wrdreg s21;
	v5 =	vsel vm0, $0xFFFFFFFF, v5  }
0x3a: {  	vm6 =	vcmask $0x1B20;
	p0 =	sne.s32 s9, $0x0;
	s23 =	sadd.s32 $0x4000, s8;
	[dreg:$0xa] =	wrdreg s22;
	vm0 =	vgt.u32 v4, $0x3;
	[tilespmem:$0x1FFD0] =	vst v5;
	v5 =	vimm.s32 $0x0  }
0x3b: {  	v2 =	vshrl.u32 v3, $0x3;
	v1 =	vand.u32 $0x7, v3;
	s9 =	simm.s32 $0x9580;
	s24 =	sadd.s32 $0x5000, s8;
	[dreg:$0xb] =	wrdreg s23;
	v5 =	vsel vm0, $0xFFFFFFFF, v5  }
0x3c: {  	v3 =	vor.u32 $0x8, v3;
	s1 =	ssub.s32 s20, s4;
	s25 =	sadd.s32 $0x6000, s8;
	[dreg:$0xc] =	wrdreg s24;
	vm0 =	vgt.u32 v4, $0x2;
	[tilespmem:$0x1FFE0] =	vst v5;
	v5 =	vimm.s32 $0x0  }
0x3d: {  	v2 =	vmul.u32 $0x8, v2;
	s7 =	sadd.s32 $0x300, s2;
	vm13 =	vgt.u32 v4, $0x1;
	s26 =	sadd.s32 $0x7000, s8;
	[dreg:$0xd] =	wrdreg s25;
	[tilespmem:$0x1FF20] =	vst v0;
	v5 =	vsel vm0, $0xFFFFFFFF, v5  }
0x3e: {  	vm14 =	veq.s32 v4, $0x0;
	s17 =	smax.u32 s1, $0x1;
	[dreg:$0xe] =	wrdreg s26;
	s24 =	simm.s32 $0x2;
	v0 =	vimm.s32 $0x0;
	vm0 =	vcmask $0x308;
	[tilespmem:$0x1FFF0] =	vst v5  }
.LBB2_1:
0x3f: {  	[dreg:$0x12] =	wrdreg s17  }
0x40: {  	s26 =	rddreg [dreg:$0x6];
	s0 =	simm.s32 $0x5  }
0x41: {  	[tilespmem:s3], [sflag:$0x5] =	stream.linear.gather [hbm4b:s26+s3], $0x100, $0x38;
	[tilespmem:$0x11600] =	vst v63  }
0x42: {  	_ =	swait.ge [sflag:s0], $0x100  }
0x43: {  	s21 =	rddreg [dreg:$0x4];
	[sflag:s0] =	ssyncset.done $0x0  }
0x44: {  	s28 =	rddreg [dreg:$0xf];
	[sflag:s0] =	ssyncadd.s32 $0xFFFFFF00  }
0x45: {  	[tilespmem:s28], [sflag:$0x5] =	stream.linear.gather [hbm4b:s21+s3], $0x1000, $0x38;
	[tilespmem:$0x11600] =	vst v63  }
0x46: {  	_ =	swait.ge [sflag:s0], $0x1000  }
0x47: {  	[sflag:s0] =	ssyncset.done $0x0  }
0x48: {  	[sflag:s0] =	ssyncadd.s32 $0xFFFFF000  }
0x49: {  	v4 =	vld [tilespmem:$0x100]  }
0x4a: {  	v5 =	vld [tilespmem:$0x180];
	_ =	sdelay $0x4  }
0x4b: {  	v10 =	vadd.s32 v4, v5;
	v4 =	vsel vm14, $0x0, v4;
	v5 =	vnsel vm13, $0x0, v5  }
0x4c: {  	v4 =	vadd.s32 v4, v5;
	v5 =	vld [tilespmem:$0x1FFF0]  }
0x4d: {  	v6 =	vld [tilespmem:$0x200];
	_ =	sdelay $0x3  }
0x4e: {  	vm7 =	vnez.u8 v5  }
0x4f: {  	v5 =	vnsel vm7, $0x0, v6  }
0x50: {  	v4 =	vadd.s32 v5, v4;
	v5 =	vld [tilespmem:$0x1FFE0]  }
0x51: {  	v7 =	vld [tilespmem:$0x280];
	_ =	sdelay $0x3  }
0x52: {  	vm7 =	vnez.u8 v5  }
0x53: {  	v5 =	vnsel vm7, $0x0, v7  }
0x54: {  	v4 =	vadd.s32 v5, v4;
	v5 =	vld [tilespmem:$0x1FFD0]  }
0x55: {  	v8 =	vld [tilespmem:$0x300];
	_ =	sdelay $0x3  }
0x56: {  	vm7 =	vnez.u8 v5  }
0x57: {  	v5 =	vnsel vm7, $0x0, v8  }
0x58: {  	v4 =	vadd.s32 v5, v4;
	v5 =	vld [tilespmem:$0x1FFC0]  }
0x59: {  	v9 =	vld [tilespmem:$0x380];
	_ =	sdelay $0x3  }
0x5a: {  	vm7 =	vnez.u8 v5  }
0x5b: {  	v5 =	vnsel vm7, $0x0, v9  }
0x5c: {  	v4 =	vadd.s32 v5, v4;
	v5 =	vld [tilespmem:$0x1FFB0]  }
0x5d: {  	v11 =	vld [tilespmem:$0x400];
	_ =	sdelay $0x3  }
0x5e: {  	vm7 =	vnez.u8 v5  }
0x5f: {  	v5 =	vnsel vm7, $0x0, v11  }
0x60: {  	v4 =	vadd.s32 v5, v4;
	v5 =	vld [tilespmem:$0x1FFA0]  }
0x61: {  	v12 =	vld [tilespmem:$0x480];
	_ =	sdelay $0x3  }
0x62: {  	vm7 =	vnez.u8 v5  }
0x63: {  	v5 =	vnsel vm7, $0x0, v12  }
0x64: {  	v4 =	vadd.s32 v5, v4;
	v5 =	vld [tilespmem:$0x1FF90]  }
0x65: {  	v13 =	vld [tilespmem:$0x500];
	_ =	sdelay $0x3  }
0x66: {  	vm7 =	vnez.u8 v5  }
0x67: {  	v5 =	vnsel vm7, $0x0, v13  }
0x68: {  	v4 =	vadd.s32 v5, v4;
	v5 =	vld [tilespmem:$0x1FF80]  }
0x69: {  	v14 =	vld [tilespmem:$0x580];
	_ =	sdelay $0x3  }
0x6a: {  	vm7 =	vnez.u8 v5  }
0x6b: {  	v5 =	vnsel vm7, $0x0, v14  }
0x6c: {  	v4 =	vadd.s32 v5, v4;
	v5 =	vld [tilespmem:$0x1FF70]  }
0x6d: {  	v15 =	vld [tilespmem:$0x600];
	_ =	sdelay $0x3  }
0x6e: {  	vm7 =	vnez.u8 v5  }
0x6f: {  	v5 =	vnsel vm7, $0x0, v15  }
0x70: {  	v4 =	vadd.s32 v5, v4;
	v5 =	vld [tilespmem:$0x1FF60]  }
0x71: {  	v16 =	vld [tilespmem:$0x680];
	_ =	sdelay $0x3  }
0x72: {  	vm7 =	vnez.u8 v5  }
0x73: {  	v5 =	vnsel vm7, $0x0, v16  }
0x74: {  	v4 =	vadd.s32 v5, v4;
	v5 =	vld [tilespmem:$0x1FF50]  }
0x75: {  	v17 =	vld [tilespmem:$0x700];
	_ =	sdelay $0x3  }
0x76: {  	vm7 =	vnez.u8 v5  }
0x77: {  	v5 =	vnsel vm7, $0x0, v17  }
0x78: {  	v4 =	vadd.s32 v5, v4;
	v5 =	vld [tilespmem:$0x1FF40]  }
0x79: {  	v18 =	vld [tilespmem:$0x780];
	_ =	sdelay $0x3  }
0x7a: {  	vm7 =	vnez.u8 v5  }
0x7b: {  	v5 =	vnsel vm7, $0x0, v18  }
0x7c: {  	v4 =	vadd.s32 v5, v4;
	v5 =	vld [tilespmem:$0x1FF30]  }
0x7d: {  	v19 =	vld [tilespmem:$0x800];
	_ =	sdelay $0x3  }
0x7e: {  	vm7 =	vnez.u8 v5  }
0x7f: {  	v5 =	vnsel vm7, $0x0, v19  }
0x80: {  	v4 =	vadd.s32 v5, v4;
	v5 =	vld [tilespmem:$0x1FF20]  }
0x81: {  	v20 =	vld [tilespmem:$0x880];
	_ =	sdelay $0x3  }
0x82: {  	vm7 =	vnez.u8 v5  }
0x83: {  	v5 =	vnsel vm7, $0x0, v20  }
0x84: {  	v4 =	vadd.s32 v5, v4;
	v5 =	vld [tilespmem:$0x1FF10]  }
0x85: {  	v48 =	vld [tilespmem:$0x900];
	_ =	sdelay $0x3  }
0x86: {  	vm7 =	vnez.u8 v5  }
0x87: {  	v5 =	vnsel vm7, $0x0, v48  }
0x88: {  	v4 =	vadd.s32 v5, v4;
	v5 =	vld [tilespmem:$0x1FF00]  }
0x89: {  	v49 =	vld [tilespmem:$0x980];
	_ =	sdelay $0x3  }
0x8a: {  	vm7 =	vnez.u8 v5  }
0x8b: {  	v10 =	vadd.s32 v6, v10;
	v5 =	vnsel vm7, $0x0, v49  }
0x8c: {  	v10 =	vadd.s32 v7, v10;
	v4 =	vadd.s32 v5, v4;
	v5 =	vld [tilespmem:$0x1FEF0]  }
0x8d: {  	v50 =	vld [tilespmem:$0xA00];
	v10 =	vadd.s32 v8, v10  }
0x8e: {  	v10 =	vadd.s32 v9, v10  }
0x8f: {  	v10 =	vadd.s32 v11, v10  }
0x90: {  	v10 =	vadd.s32 v12, v10  }
0x91: {  	v10 =	vadd.s32 v13, v10;
	vm7 =	vnez.u8 v5  }
0x92: {  	v10 =	vadd.s32 v14, v10;
	v5 =	vnsel vm7, $0x0, v50  }
0x93: {  	v10 =	vadd.s32 v15, v10;
	v4 =	vadd.s32 v5, v4;
	v5 =	vld [tilespmem:$0x1FEE0]  }
0x94: {  	v51 =	vld [tilespmem:$0xA80];
	v47 =	vadd.s32 v16, v10  }
0x95: {  	v52 =	vld [tilespmem:$0xB00];
	v6 =	vadd.s32 v17, v47  }
0x96: {  	v53 =	vld [tilespmem:$0xB80];
	v6 =	vadd.s32 v18, v6  }
0x97: {  	v54 =	vld [tilespmem:$0xC00];
	v6 =	vadd.s32 v19, v6  }
0x98: {  	v55 =	vld [tilespmem:$0xC80];
	v6 =	vadd.s32 v20, v6;
	vm7 =	vnez.u8 v5  }
0x99: {  	v56 =	vld [tilespmem:$0xD00];
	v6 =	vadd.s32 v48, v6;
	v5 =	vnsel vm7, $0x0, v51  }
0x9a: {  	v6 =	vadd.s32 v49, v6;
	v4 =	vadd.s32 v5, v4;
	v5 =	vld [tilespmem:$0x1FED0]  }
0x9b: {  	v57 =	vld [tilespmem:$0xD80];
	v6 =	vadd.s32 v50, v6  }
0x9c: {  	v58 =	vld [tilespmem:$0xE00];
	v6 =	vadd.s32 v51, v6  }
0x9d: {  	v59 =	vld [tilespmem:$0xE80];
	v6 =	vadd.s32 v52, v6  }
0x9e: {  	v60 =	vld [tilespmem:$0xF00];
	v6 =	vadd.s32 v53, v6  }
0x9f: {  	v61 =	vld [tilespmem:$0xF80];
	v6 =	vadd.s32 v54, v6;
	vm7 =	vnez.u8 v5  }
0xa0: {  	v62 =	vld [tilespmem:$0x1000];
	v6 =	vadd.s32 v55, v6;
	v5 =	vnsel vm7, $0x0, v52  }
0xa1: {  	v6 =	vadd.s32 v56, v6;
	v4 =	vadd.s32 v5, v4;
	v5 =	vld [tilespmem:$0x1FEC0]  }
0xa2: {  	v6 =	vadd.s32 v57, v6;
	v12 =	vld [tilespmem:$0x1FEB0]  }
0xa3: {  	v63 =	vld [tilespmem:$0x1080];
	v6 =	vadd.s32 v58, v6  }
0xa4: {  	v6 =	vadd.s32 v59, v6;
	v13 =	vld [tilespmem:$0x1FEA0]  }
0xa5: {  	v6 =	vadd.s32 v60, v6;
	v14 =	vld [tilespmem:$0x1FE90]  }
0xa6: {  	v6 =	vadd.s32 v61, v6;
	v15 =	vld [tilespmem:$0x1FE80];
	vm7 =	vnez.u8 v5  }
0xa7: {  	v6 =	vadd.s32 v62, v6;
	v16 =	vld [tilespmem:$0x1FE70];
	v5 =	vnsel vm7, $0x0, v53;
	vm7 =	vnez.u8 v12  }
0xa8: {  	v17 =	vld [tilespmem:$0x1FE60];
	v4 =	vadd.s32 v5, v4;
	v5 =	vadd.s32 v63, v6;
	v6 =	vnsel vm7, $0x0, v54  }
0xa9: {  	v21 =	vld [tilespmem:$0x1FE50];
	vm7 =	vnez.u8 v13;
	v4 =	vadd.s32 v6, v4  }
0xaa: {  	v22 =	vld [tilespmem:$0x1FE40];
	v6 =	vnsel vm7, $0x0, v55;
	v5 =	vnsel vm15, $0x0, v5;
	vm7 =	vnez.u8 v14  }
0xab: {  	v23 =	vld [tilespmem:$0x1FE30];
	v4 =	vadd.s32 v6, v4;
	v6 =	vnsel vm7, $0x0, v56;
	(xrf0) =	vadd.scan.msk.s32 $0xffff, v5;
	vm7 =	vnez.u8 v15  }
0xac: {  	v4 =	vadd.s32 v6, v4;
	v6 =	vnsel vm7, $0x0, v57;
	vm7 =	vnez.u8 v16  }
0xad: {  	v4 =	vadd.s32 v6, v4;
	v6 =	vnsel vm7, $0x0, v58;
	vm7 =	vnez.u8 v17  }
0xae: {  	v4 =	vadd.s32 v6, v4;
	v6 =	vnsel vm7, $0x0, v59;
	vm7 =	vnez.u8 v21  }
0xaf: {  	v4 =	vadd.s32 v6, v4;
	v6 =	vnsel vm7, $0x0, v60;
	vm7 =	vnez.u8 v22  }
0xb0: {  	v4 =	vadd.s32 v6, v4;
	v6 =	vnsel vm7, $0x0, v61;
	vm7 =	vnez.u8 v23  }
0xb1: {  	v4 =	vadd.s32 v6, v4;
	v6 =	vnsel vm7, $0x0, v62;
	v24, _, _ =	vpop (xrf0)  }
0xb2: {  	v4 =	vadd.s32 v6, v4;
	v5 =	vsub.s32 v24, v5  }
0xb3: {  	v4 =	vadd.s32 v5, v4;
	[tilespmem:$0x1100] =	vst @!p0 v5  }
0xb4: {  	s31 =	simm.s32 @!p0 $0x1100;
	s28 =	simm.s32 @!p0 $0x0;
	s26 =	rddreg [dreg:$0x5];
	[tilespmem:$0x11580] =	vst v4  }
0xb5: {  	[hbm4b:s26+s28] =	stream.linear.scatter @!p0 [tilespmem:s31], [sflag:$0x5], $0x80, $0x38;
	[tilespmem:$0x11600] =	vst v63  }
0xb6: {  	s26 =	simm.s32 @!p0 $0x5  }
0xb7: {  	_ =	swait.ge @!p0 [sflag:s26], $0x80  }
0xb8: {  	[sflag:s26] =	ssyncset.done @!p0 $0x0  }
0xb9: {  	[sflag:s26] =	ssyncadd.s32 @!p0 $0xFFFFFF80  }
0xba: {  	v4 =	vld [tilespmem:$0x0];
	_ =	sdelay $0x4  }
0xbb: {  	vm7 =	veq.s32 v4, $0x0  }
0xbc: {  	vm10 =	veq.s32 v4, $0x1;
	v5 =	vsel vm7, $0x1, v0  }
0xbd: {  	s4 =	simm.s32 $0x11580;
	vm11 =	veq.s32 v4, $0x2;
	v25 =	vsel vm10, $0x1, v0;
	(xrf0) =	vadd.scan.msk.s32 $0xffff, v5  }
0xbe: {  	v26 =	vsel vm11, $0x1, v0;
	v5 =	vld.idx.msk [tilespmem:v4+s4+$0x0], $0xffff;
	(xrf0) =	vadd.scan.msk.s32 $0xffff, v25  }
0xbf: {  	(xrf0) =	vadd.scan.msk.s32 $0xffff, v26;
	_ =	sdelay $0x1  }
0xc0: {  	vm8 =	veq.s32 v4, $0x3;
	vm9 =	veq.s32 v4, $0x4;
	vm12 =	veq.s32 v4, $0x7  }
0xc1: {  	v28 =	vsel vm8, $0x1, v0;
	v29 =	vmpcnt.ones.xlane vm7;
	v31 =	vmpcnt.ones.xlane vm10  }
0xc2: {  	v32 =	vsel vm9, $0x1, v0;
	v35 =	vmpcnt.ones.xlane vm11;
	(xrf0) =	vadd.scan.msk.s32 $0xffff, v28;
	v27, _, _ =	vpop (xrf0);
	v5 =	vadd.s32 $0xFFFFFFFF, v5  }
0xc3: {  	v39 =	vmpcnt.ones.xlane vm8;
	v42 =	vmpcnt.ones.xlane vm9;
	v6 =	vadd.s32 v27, v5;
	v30, _, _ =	vpop (xrf0)  }
0xc4: {  	v43 =	vsel vm12, $0x1, v0;
	(xrf0) =	vadd.scan.msk.s32 $0xffff, v32;
	v6 =	vnsel vm7, $0x0, v6;
	v7 =	vadd.s32 v30, v5;
	v34, _, _ =	vpop (xrf0)  }
0xc5: {  	v6 =	vsel vm10, v7, v6;
	vm10 =	veq.s32 v4, $0x5;
	v9 =	vadd.s32 v34, v5  }
0xc6: {  	v36 =	vsel vm10, $0x1, v0;
	v6 =	vsel vm11, v9, v6;
	vm11 =	veq.s32 v4, $0x6  }
0xc7: {  	v51 =	vmpcnt.ones.xlane vm12;
	vm7 =	vmmov $0x1;
	(xrf0) =	vadd.scan.msk.s32 $0xffff, v36;
	v40 =	vsel vm11, $0x1, v0  }
0xc8: {  	v33 =	vsel vm0, $0x0, v31;
	v37 =	vsel vm1, $0x0, v35;
	v8 =	vnsel vm7, $0x0, v29;
	v38, _, _ =	vpop (xrf0);
	(xrf0) =	vadd.scan.msk.s32 $0xffff, v40  }
0xc9: {  	v45 =	vsel vm3, $0x0, v42;
	v53 =	vsel vm6, $0x0, v51;
	v7 =	vadd.s32 v8, v33  }
0xca: {  	v47 =	vld [tilespmem:$0x11580];
	v4 =	vsel vm2, $0x0, v39;
	v46 =	vmpcnt.ones.xlane vm10;
	v7 =	vadd.s32 v37, v7;
	v44, _, _ =	vpop (xrf0);
	(xrf0) =	vadd.scan.msk.s32 $0xffff, v43  }
0xcb: {  	v50 =	vld [tilespmem:$0x10];
	v41 =	vadd.s32 v38, v5;
	v49 =	vmpcnt.ones.xlane vm11;
	v4 =	vadd.s32 v4, v7  }
0xcc: {  	v6 =	vsel vm8, v41, v6;
	v9 =	vsel vm4, $0x0, v46;
	v4 =	vadd.s32 v45, v4  }
0xcd: {  	v7 =	vadd.s32 v44, v5;
	v8 =	vsel vm5, $0x0, v49;
	v4 =	vadd.s32 v9, v4;
	v48, _, _ =	vpop (xrf0)  }
0xce: {  	v6 =	vsel vm9, v7, v6;
	v4 =	vadd.s32 v8, v4;
	v7 =	vadd.s32 v48, v5;
	v52, _, _ =	vpop (xrf0)  }
0xcf: {  	v4 =	vadd.s32 v53, v4;
	v6 =	vsel vm10, v7, v6;
	v7 =	vadd.s32 v52, v5  }
0xd0: {  	v4 =	vadd.s32 v47, v4;
	v54, _, _ =	vpop (xrf0);
	vm10 =	veq.s32 v50, $0x0;
	v6 =	vsel vm11, v7, v6  }
0xd1: {  	[tilespmem:$0x11580] =	vst v4;
	v5 =	vadd.s32 v54, v5;
	v4 =	vsel vm10, $0x1, v0;
	vm11 =	veq.s32 v50, $0x1  }
0xd2: {  	v5 =	vsel vm12, v5, v6;
	(xrf0) =	vadd.scan.msk.s32 $0xffff, v4;
	v4 =	vsel vm11, $0x1, v0;
	vm12 =	veq.s32 v50, $0x2  }
0xd3: {  	vm9 =	veq.s32 v50, $0x3;
	[tilespmem:$0x1180] =	vst v5;
	(xrf0) =	vadd.scan.msk.s32 $0xffff, v4;
	v4 =	vsel vm12, $0x1, v0  }
0xd4: {  	vm8 =	veq.s32 v50, $0x4;
	v5 =	vld.idx.msk [tilespmem:v50+s4+$0x0], $0xffff;
	(xrf0) =	vadd.scan.msk.s32 $0xffff, v4;
	v4 =	vsel vm9, $0x1, v0  }
0xd5: {  	(xrf0) =	vadd.scan.msk.s32 $0xffff, v4;
	v4 =	vsel vm8, $0x1, v0  }
0xd6: {  	v55 =	vmpcnt.ones.xlane vm10;
	v57 =	vmpcnt.ones.xlane vm11  }
0xd7: {  	v18 =	vmpcnt.ones.xlane vm8  }
0xd8: {  	v6 =	vnsel vm7, $0x0, v55;
	v61 =	vmpcnt.ones.xlane vm12;
	v59 =	vsel vm0, $0x0, v57;
	(xrf0) =	vadd.scan.msk.s32 $0xffff, v4;
	v4, _, _ =	vpop (xrf0)  }
0xd9: {  	v14 =	vmpcnt.ones.xlane vm9;
	v6 =	vadd.s32 v6, v59;
	v5 =	vadd.s32 $0xFFFFFFFF, v5;
	v56, _, _ =	vpop (xrf0)  }
0xda: {  	v13 =	vsel vm1, $0x0, v61;
	v4 =	vadd.s32 v4, v5;
	v7 =	vadd.s32 v56, v5;
	v58, _, _ =	vpop (xrf0)  }
0xdb: {  	v4 =	vnsel vm10, $0x0, v4;
	vm10 =	veq.s32 v50, $0x5;
	v9 =	vadd.s32 v58, v5  }
0xdc: {  	v4 =	vsel vm11, v7, v4;
	v63 =	vsel vm10, $0x1, v0;
	vm11 =	veq.s32 v50, $0x6  }
0xdd: {  	v60, _, _ =	vpop (xrf0);
	v4 =	vsel vm12, v9, v4;
	(xrf0) =	vadd.scan.msk.s32 $0xffff, v63;
	v15 =	vsel vm11, $0x1, v0;
	vm12 =	veq.s32 v50, $0x7  }
0xde: {  	v17 =	vsel vm2, $0x0, v14;
	v6 =	vadd.s32 v13, v6;
	v62, _, _ =	vpop (xrf0);
	(xrf0) =	vadd.scan.msk.s32 $0xffff, v15;
	v19 =	vsel vm12, $0x1, v0  }
0xdf: {  	v21 =	vsel vm3, $0x0, v18;
	v6 =	vadd.s32 v17, v6;
	v22 =	vmpcnt.ones.xlane vm10;
	(xrf0) =	vadd.scan.msk.s32 $0xffff, v19  }
0xe0: {  	v6 =	vadd.s32 v21, v6;
	v24 =	vmpcnt.ones.xlane vm11;
	v10 =	vld [tilespmem:$0x11580]  }
0xe1: {  	v16 =	vadd.s32 v60, v5;
	v9 =	vsel vm4, $0x0, v22;
	v26 =	vmpcnt.ones.xlane vm12;
	v25 =	vld [tilespmem:$0x20]  }
0xe2: {  	v20 =	vadd.s32 v62, v5;
	v6 =	vadd.s32 v9, v6;
	v8 =	vsel vm5, $0x0, v24  }
0xe3: {  	v4 =	vsel vm9, v16, v4;
	v6 =	vadd.s32 v8, v6;
	v28 =	vsel vm6, $0x0, v26;
	v23, _, _ =	vpop (xrf0)  }
0xe4: {  	v4 =	vsel vm8, v20, v4;
	v6 =	vadd.s32 v28, v6;
	v7 =	vadd.s32 v23, v5;
	v27, _, _ =	vpop (xrf0)  }
0xe5: {  	v4 =	vsel vm10, v7, v4;
	v7 =	vadd.s32 v27, v5;
	v29, _, _ =	vpop (xrf0);
	v6 =	vadd.s32 v10, v6  }
0xe6: {  	vm9 =	veq.s32 v25, $0x0;
	v4 =	vsel vm11, v7, v4;
	v5 =	vadd.s32 v29, v5  }
0xe7: {  	[tilespmem:$0x11580] =	vst v6;
	v4 =	vsel vm12, v5, v4;
	v5 =	vsel vm9, $0x1, v0  }
0xe8: {  	[tilespmem:$0x1190] =	vst v4;
	(xrf0) =	vadd.scan.msk.s32 $0xffff, v5  }
0xe9: {  	vm10 =	veq.s32 v25, $0x1;
	v4 =	vld.idx.msk [tilespmem:v25+s4+$0x0], $0xffff  }
0xea: {  	vm11 =	veq.s32 v25, $0x2;
	v5 =	vsel vm10, $0x1, v0  }
0xeb: {  	(xrf0) =	vadd.scan.msk.s32 $0xffff, v5;
	v5 =	vsel vm11, $0x1, v0  }
0xec: {  	(xrf0) =	vadd.scan.msk.s32 $0xffff, v5;
	_ =	sdelay $0x1  }
0xed: {  	vm8 =	veq.s32 v25, $0x3;
	v5, _, _ =	vpop (xrf0);
	v4 =	vadd.s32 $0xFFFFFFFF, v4  }
0xee: {  	v30 =	vsel vm8, $0x1, v0;
	v5 =	vadd.s32 v5, v4  }
0xef: {  	v31 =	vmpcnt.ones.xlane vm9;
	v5 =	vnsel vm9, $0x0, v5;
	vm9 =	veq.s32 v25, $0x4  }
0xf0: {  	v33 =	vmpcnt.ones.xlane vm10;
	(xrf0) =	vadd.scan.msk.s32 $0xffff, v30;
	v32, _, _ =	vpop (xrf0);
	v34 =	vsel vm9, $0x1, v0  }
0xf1: {  	v41 =	vmpcnt.ones.xlane vm8;
	v37 =	vmpcnt.ones.xlane vm11;
	vm12 =	veq.s32 v25, $0x7;
	v36, _, _ =	vpop (xrf0);
	(xrf0) =	vadd.scan.msk.s32 $0xffff, v34  }
0xf2: {  	v7 =	vnsel vm7, $0x0, v31;
	v35 =	vsel vm0, $0x0, v33;
	v6 =	vadd.s32 v32, v4  }
0xf3: {  	v5 =	vsel vm10, v6, v5;
	vm10 =	veq.s32 v25, $0x5;
	v8 =	vadd.s32 v36, v4  }
0xf4: {  	v38 =	vsel vm10, $0x1, v0;
	v5 =	vsel vm11, v8, v5;
	vm11 =	veq.s32 v25, $0x6  }
0xf5: {  	v44 =	vsel vm2, $0x0, v41;
	v46 =	vsel vm12, $0x1, v0;
	(xrf0) =	vadd.scan.msk.s32 $0xffff, v38;
	v42 =	vsel vm11, $0x1, v0  }
0xf6: {  	v39 =	vsel vm1, $0x0, v37;
	v6 =	vadd.s32 v7, v35;
	v40, _, _ =	vpop (xrf0);
	v45 =	vmpcnt.ones.xlane vm9;
	(xrf0) =	vadd.scan.msk.s32 $0xffff, v42  }
0xf7: {  	v54 =	vmpcnt.ones.xlane vm12;
	v6 =	vadd.s32 v39, v6;
	v49 =	vmpcnt.ones.xlane vm10;
	v47, _, _ =	vpop (xrf0);
	(xrf0) =	vadd.scan.msk.s32 $0xffff, v46  }
0xf8: {  	v50 =	vld [tilespmem:$0x11580];
	v6 =	vadd.s32 v44, v6;
	v48 =	vsel vm3, $0x0, v45;
	v52 =	vmpcnt.ones.xlane vm11  }
0xf9: {  	v53 =	vld [tilespmem:$0x30];
	v56 =	vsel vm6, $0x0, v54;
	v6 =	vadd.s32 v48, v6;
	v9 =	vsel vm4, $0x0, v49  }
0xfa: {  	v43 =	vadd.s32 v40, v4;
	v6 =	vadd.s32 v9, v6;
	v8 =	vsel vm5, $0x0, v52  }
0xfb: {  	v5 =	vsel vm8, v43, v5;
	v6 =	vadd.s32 v8, v6;
	v7 =	vadd.s32 v47, v4;
	v51, _, _ =	vpop (xrf0)  }
0xfc: {  	v6 =	vadd.s32 v56, v6;
	v5 =	vsel vm9, v7, v5;
	v7 =	vadd.s32 v51, v4;
	v55, _, _ =	vpop (xrf0)  }
0xfd: {  	v6 =	vadd.s32 v50, v6;
	v5 =	vsel vm10, v7, v5;
	v7 =	vadd.s32 v55, v4;
	v57, _, _ =	vpop (xrf0)  }
0xfe: {  	vm9 =	veq.s32 v53, $0x0;
	v5 =	vsel vm11, v7, v5;
	v4 =	vadd.s32 v57, v4  }
0xff: {  	[tilespmem:$0x11580] =	vst v6;
	v4 =	vsel vm12, v4, v5;
	v5 =	vsel vm9, $0x1, v0  }
0x100: {  	[tilespmem:$0x1200] =	vst v4;
	(xrf0) =	vadd.scan.msk.s32 $0xffff, v5  }
0x101: {  	vm10 =	veq.s32 v53, $0x1;
	v4 =	vld.idx.msk [tilespmem:v53+s4+$0x0], $0xffff  }
0x102: {  	vm11 =	veq.s32 v53, $0x2;
	v5 =	vsel vm10, $0x1, v0  }
0x103: {  	(xrf0) =	vadd.scan.msk.s32 $0xffff, v5;
	v5 =	vsel vm11, $0x1, v0  }
0x104: {  	(xrf0) =	vadd.scan.msk.s32 $0xffff, v5;
	_ =	sdelay $0x1  }
0x105: {  	vm8 =	veq.s32 v53, $0x3;
	v5, _, _ =	vpop (xrf0);
	v4 =	vadd.s32 $0xFFFFFFFF, v4  }
0x106: {  	v58 =	vsel vm8, $0x1, v0;
	v17 =	vmpcnt.ones.xlane vm8;
	v5 =	vadd.s32 v5, v4  }
0x107: {  	v59 =	vmpcnt.ones.xlane vm9;
	v5 =	vnsel vm9, $0x0, v5;
	vm9 =	veq.s32 v53, $0x4  }
0x108: {  	v61 =	vmpcnt.ones.xlane vm10;
	(xrf0) =	vadd.scan.msk.s32 $0xffff, v58;
	v60, _, _ =	vpop (xrf0);
	v62 =	vsel vm9, $0x1, v0  }
0x109: {  	v20 =	vsel vm2, $0x0, v17;
	v7 =	vnsel vm7, $0x0, v59;
	v12, _, _ =	vpop (xrf0);
	(xrf0) =	vadd.scan.msk.s32 $0xffff, v62  }
0x10a: {  	v13 =	vmpcnt.ones.xlane vm11;
	v63 =	vsel vm0, $0x0, v61;
	v6 =	vadd.s32 v60, v4  }
0x10b: {  	v5 =	vsel vm10, v6, v5;
	vm10 =	veq.s32 v53, $0x5;
	v8 =	vadd.s32 v12, v4  }
0x10c: {  	v14 =	vsel vm10, $0x1, v0;
	v5 =	vsel vm11, v8, v5;
	vm11 =	veq.s32 v53, $0x6  }
0x10d: {  	v15 =	vsel vm1, $0x0, v13;
	vm12 =	veq.s32 v53, $0x7;
	(xrf0) =	vadd.scan.msk.s32 $0xffff, v14;
	v18 =	vsel vm11, $0x1, v0  }
0x10e: {  	v22 =	vsel vm12, $0x1, v0;
	v6 =	vadd.s32 v7, v63;
	v16, _, _ =	vpop (xrf0);
	v21 =	vmpcnt.ones.xlane vm9;
	(xrf0) =	vadd.scan.msk.s32 $0xffff, v18  }
0x10f: {  	v30 =	vmpcnt.ones.xlane vm12;
	v6 =	vadd.s32 v15, v6;
	v25 =	vmpcnt.ones.xlane vm10;
	v23, _, _ =	vpop (xrf0);
	(xrf0) =	vadd.scan.msk.s32 $0xffff, v22  }
0x110: {  	v26 =	vld [tilespmem:$0x11580];
	v6 =	vadd.s32 v20, v6;
	v24 =	vsel vm3, $0x0, v21;
	v28 =	vmpcnt.ones.xlane vm11  }
0x111: {  	v29 =	vld [tilespmem:$0x40];
	v32 =	vsel vm6, $0x0, v30;
	v6 =	vadd.s32 v24, v6;
	v9 =	vsel vm4, $0x0, v25  }
0x112: {  	v19 =	vadd.s32 v16, v4;
	v6 =	vadd.s32 v9, v6;
	v8 =	vsel vm5, $0x0, v28  }
0x113: {  	v5 =	vsel vm8, v19, v5;
	v6 =	vadd.s32 v8, v6;
	v7 =	vadd.s32 v23, v4;
	v27, _, _ =	vpop (xrf0)  }
0x114: {  	v6 =	vadd.s32 v32, v6;
	v5 =	vsel vm9, v7, v5;
	v7 =	vadd.s32 v27, v4;
	v31, _, _ =	vpop (xrf0)  }
0x115: {  	v6 =	vadd.s32 v26, v6;
	v5 =	vsel vm10, v7, v5;
	v7 =	vadd.s32 v31, v4;
	v33, _, _ =	vpop (xrf0)  }
0x116: {  	vm9 =	veq.s32 v29, $0x0;
	v5 =	vsel vm11, v7, v5;
	v4 =	vadd.s32 v33, v4  }
0x117: {  	[tilespmem:$0x11580] =	vst v6;
	v4 =	vsel vm12, v4, v5;
	v5 =	vsel vm9, $0x1, v0  }
0x118: {  	[tilespmem:$0x1210] =	vst v4;
	(xrf0) =	vadd.scan.msk.s32 $0xffff, v5  }
0x119: {  	vm10 =	veq.s32 v29, $0x1;
	v4 =	vld.idx.msk [tilespmem:v29+s4+$0x0], $0xffff  }
0x11a: {  	vm11 =	veq.s32 v29, $0x2;
	v5 =	vsel vm10, $0x1, v0  }
0x11b: {  	(xrf0) =	vadd.scan.msk.s32 $0xffff, v5;
	v5 =	vsel vm11, $0x1, v0  }
0x11c: {  	(xrf0) =	vadd.scan.msk.s32 $0xffff, v5;
	_ =	sdelay $0x1  }
0x11d: {  	vm8 =	veq.s32 v29, $0x3;
	v5, _, _ =	vpop (xrf0);
	v4 =	vadd.s32 $0xFFFFFFFF, v4  }
0x11e: {  	v34 =	vsel vm8, $0x1, v0;
	v45 =	vmpcnt.ones.xlane vm8;
	v5 =	vadd.s32 v5, v4  }
0x11f: {  	v35 =	vmpcnt.ones.xlane vm9;
	v5 =	vnsel vm9, $0x0, v5;
	vm9 =	veq.s32 v29, $0x4  }
0x120: {  	v37 =	vmpcnt.ones.xlane vm10;
	(xrf0) =	vadd.scan.msk.s32 $0xffff, v34;
	v36, _, _ =	vpop (xrf0);
	v38 =	vsel vm9, $0x1, v0  }
0x121: {  	v48 =	vsel vm2, $0x0, v45;
	v7 =	vnsel vm7, $0x0, v35;
	v40, _, _ =	vpop (xrf0);
	(xrf0) =	vadd.scan.msk.s32 $0xffff, v38  }
0x122: {  	v41 =	vmpcnt.ones.xlane vm11;
	v39 =	vsel vm0, $0x0, v37;
	v6 =	vadd.s32 v36, v4  }
0x123: {  	v5 =	vsel vm10, v6, v5;
	vm10 =	veq.s32 v29, $0x5;
	v8 =	vadd.s32 v40, v4  }
0x124: {  	v42 =	vsel vm10, $0x1, v0;
	v5 =	vsel vm11, v8, v5;
	vm11 =	veq.s32 v29, $0x6  }
0x125: {  	v43 =	vsel vm1, $0x0, v41;
	vm12 =	veq.s32 v29, $0x7;
	(xrf0) =	vadd.scan.msk.s32 $0xffff, v42;
	v46 =	vsel vm11, $0x1, v0  }
0x126: {  	v50 =	vsel vm12, $0x1, v0;
	v6 =	vadd.s32 v7, v39;
	v44, _, _ =	vpop (xrf0);
	v49 =	vmpcnt.ones.xlane vm9;
	(xrf0) =	vadd.scan.msk.s32 $0xffff, v46  }
0x127: {  	v58 =	vmpcnt.ones.xlane vm12;
	v6 =	vadd.s32 v43, v6;
	v53 =	vmpcnt.ones.xlane vm10;
	v51, _, _ =	vpop (xrf0);
	(xrf0) =	vadd.scan.msk.s32 $0xffff, v50  }
0x128: {  	v54 =	vld [tilespmem:$0x11580];
	v6 =	vadd.s32 v48, v6;
	v52 =	vsel vm3, $0x0, v49;
	v56 =	vmpcnt.ones.xlane vm11  }
0x129: {  	v57 =	vld [tilespmem:$0x50];
	v60 =	vsel vm6, $0x0, v58;
	v6 =	vadd.s32 v52, v6;
	v9 =	vsel vm4, $0x0, v53  }
0x12a: {  	v47 =	vadd.s32 v44, v4;
	v6 =	vadd.s32 v9, v6;
	v8 =	vsel vm5, $0x0, v56  }
0x12b: {  	v5 =	vsel vm8, v47, v5;
	v6 =	vadd.s32 v8, v6;
	v7 =	vadd.s32 v51, v4;
	v55, _, _ =	vpop (xrf0)  }
0x12c: {  	v6 =	vadd.s32 v60, v6;
	v5 =	vsel vm9, v7, v5;
	v7 =	vadd.s32 v55, v4;
	v59, _, _ =	vpop (xrf0)  }
0x12d: {  	v6 =	vadd.s32 v54, v6;
	v5 =	vsel vm10, v7, v5;
	v7 =	vadd.s32 v59, v4;
	v61, _, _ =	vpop (xrf0)  }
0x12e: {  	vm9 =	veq.s32 v57, $0x0;
	v5 =	vsel vm11, v7, v5;
	v4 =	vadd.s32 v61, v4  }
0x12f: {  	[tilespmem:$0x11580] =	vst v6;
	v4 =	vsel vm12, v4, v5;
	v5 =	vsel vm9, $0x1, v0  }
0x130: {  	[tilespmem:$0x1280] =	vst v4;
	(xrf0) =	vadd.scan.msk.s32 $0xffff, v5  }
0x131: {  	vm10 =	veq.s32 v57, $0x1;
	v4 =	vld.idx.msk [tilespmem:v57+s4+$0x0], $0xffff  }
0x132: {  	vm11 =	veq.s32 v57, $0x2;
	v5 =	vsel vm10, $0x1, v0  }
0x133: {  	(xrf0) =	vadd.scan.msk.s32 $0xffff, v5;
	v5 =	vsel vm11, $0x1, v0  }
0x134: {  	(xrf0) =	vadd.scan.msk.s32 $0xffff, v5;
	_ =	sdelay $0x1  }
0x135: {  	vm8 =	veq.s32 v57, $0x3;
	v5, _, _ =	vpop (xrf0);
	v4 =	vadd.s32 $0xFFFFFFFF, v4  }
0x136: {  	v62 =	vsel vm8, $0x1, v0;
	v21 =	vmpcnt.ones.xlane vm8;
	v5 =	vadd.s32 v5, v4  }
0x137: {  	v63 =	vmpcnt.ones.xlane vm9;
	v5 =	vnsel vm9, $0x0, v5;
	vm9 =	veq.s32 v57, $0x4  }
0x138: {  	v13 =	vmpcnt.ones.xlane vm10;
	(xrf0) =	vadd.scan.msk.s32 $0xffff, v62;
	v12, _, _ =	vpop (xrf0);
	v14 =	vsel vm9, $0x1, v0  }
0x139: {  	v24 =	vsel vm2, $0x0, v21;
	v7 =	vnsel vm7, $0x0, v63;
	v16, _, _ =	vpop (xrf0);
	(xrf0) =	vadd.scan.msk.s32 $0xffff, v14  }
0x13a: {  	v17 =	vmpcnt.ones.xlane vm11;
	v15 =	vsel vm0, $0x0, v13;
	v6 =	vadd.s32 v12, v4  }
0x13b: {  	v5 =	vsel vm10, v6, v5;
	vm10 =	veq.s32 v57, $0x5;
	v8 =	vadd.s32 v16, v4  }
0x13c: {  	v18 =	vsel vm10, $0x1, v0;
	v5 =	vsel vm11, v8, v5;
	vm11 =	veq.s32 v57, $0x6  }
0x13d: {  	v19 =	vsel vm1, $0x0, v17;
	vm12 =	veq.s32 v57, $0x7;
	(xrf0) =	vadd.scan.msk.s32 $0xffff, v18;
	v22 =	vsel vm11, $0x1, v0  }
0x13e: {  	v26 =	vsel vm12, $0x1, v0;
	v6 =	vadd.s32 v7, v15;
	v20, _, _ =	vpop (xrf0);
	v25 =	vmpcnt.ones.xlane vm9;
	(xrf0) =	vadd.scan.msk.s32 $0xffff, v22  }
0x13f: {  	v34 =	vmpcnt.ones.xlane vm12;
	v6 =	vadd.s32 v19, v6;
	v29 =	vmpcnt.ones.xlane vm10;
	v27, _, _ =	vpop (xrf0);
	(xrf0) =	vadd.scan.msk.s32 $0xffff, v26  }
0x140: {  	v30 =	vld [tilespmem:$0x11580];
	v6 =	vadd.s32 v24, v6;
	v28 =	vsel vm3, $0x0, v25;
	v32 =	vmpcnt.ones.xlane vm11  }
0x141: {  	v33 =	vld [tilespmem:$0x60];
	v36 =	vsel vm6, $0x0, v34;
	v6 =	vadd.s32 v28, v6;
	v9 =	vsel vm4, $0x0, v29  }
0x142: {  	v23 =	vadd.s32 v20, v4;
	v6 =	vadd.s32 v9, v6;
	v8 =	vsel vm5, $0x0, v32  }
0x143: {  	v5 =	vsel vm8, v23, v5;
	v6 =	vadd.s32 v8, v6;
	v7 =	vadd.s32 v27, v4;
	v31, _, _ =	vpop (xrf0)  }
0x144: {  	v6 =	vadd.s32 v36, v6;
	v5 =	vsel vm9, v7, v5;
	v7 =	vadd.s32 v31, v4;
	v35, _, _ =	vpop (xrf0)  }
0x145: {  	v6 =	vadd.s32 v30, v6;
	v5 =	vsel vm10, v7, v5;
	v7 =	vadd.s32 v35, v4;
	v37, _, _ =	vpop (xrf0)  }
0x146: {  	vm9 =	veq.s32 v33, $0x0;
	v5 =	vsel vm11, v7, v5;
	v4 =	vadd.s32 v37, v4  }
0x147: {  	[tilespmem:$0x11580] =	vst v6;
	v4 =	vsel vm12, v4, v5;
	v5 =	vsel vm9, $0x1, v0  }
0x148: {  	[tilespmem:$0x1290] =	vst v4;
	(xrf0) =	vadd.scan.msk.s32 $0xffff, v5  }
0x149: {  	vm10 =	veq.s32 v33, $0x1;
	v4 =	vld.idx.msk [tilespmem:v33+s4+$0x0], $0xffff  }
0x14a: {  	vm11 =	veq.s32 v33, $0x2;
	v5 =	vsel vm10, $0x1, v0  }
0x14b: {  	(xrf0) =	vadd.scan.msk.s32 $0xffff, v5;
	v5 =	vsel vm11, $0x1, v0  }
0x14c: {  	(xrf0) =	vadd.scan.msk.s32 $0xffff, v5;
	_ =	sdelay $0x1  }
0x14d: {  	vm8 =	veq.s32 v33, $0x3;
	v5, _, _ =	vpop (xrf0);
	v4 =	vadd.s32 $0xFFFFFFFF, v4  }
0x14e: {  	v38 =	vsel vm8, $0x1, v0;
	v49 =	vmpcnt.ones.xlane vm8;
	v5 =	vadd.s32 v5, v4  }
0x14f: {  	v39 =	vmpcnt.ones.xlane vm9;
	v5 =	vnsel vm9, $0x0, v5;
	vm9 =	veq.s32 v33, $0x4  }
0x150: {  	v41 =	vmpcnt.ones.xlane vm10;
	(xrf0) =	vadd.scan.msk.s32 $0xffff, v38;
	v40, _, _ =	vpop (xrf0);
	v42 =	vsel vm9, $0x1, v0  }
0x151: {  	v52 =	vsel vm2, $0x0, v49;
	v7 =	vnsel vm7, $0x0, v39;
	v44, _, _ =	vpop (xrf0);
	(xrf0) =	vadd.scan.msk.s32 $0xffff, v42  }
0x152: {  	v45 =	vmpcnt.ones.xlane vm11;
	v43 =	vsel vm0, $0x0, v41;
	v6 =	vadd.s32 v40, v4  }
0x153: {  	v5 =	vsel vm10, v6, v5;
	vm10 =	veq.s32 v33, $0x5;
	v8 =	vadd.s32 v44, v4  }
0x154: {  	v46 =	vsel vm10, $0x1, v0;
	v5 =	vsel vm11, v8, v5;
	vm11 =	veq.s32 v33, $0x6  }
0x155: {  	v47 =	vsel vm1, $0x0, v45;
	vm12 =	veq.s32 v33, $0x7;
	(xrf0) =	vadd.scan.msk.s32 $0xffff, v46;
	v50 =	vsel vm11, $0x1, v0  }
0x156: {  	v54 =	vsel vm12, $0x1, v0;
	v6 =	vadd.s32 v7, v43;
	v48, _, _ =	vpop (xrf0);
	v53 =	vmpcnt.ones.xlane vm9;
	(xrf0) =	vadd.scan.msk.s32 $0xffff, v50  }
0x157: {  	v62 =	vmpcnt.ones.xlane vm12;
	v6 =	vadd.s32 v47, v6;
	v57 =	vmpcnt.ones.xlane vm10;
	v55, _, _ =	vpop (xrf0);
	(xrf0) =	vadd.scan.msk.s32 $0xffff, v54  }
0x158: {  	v58 =	vld [tilespmem:$0x11580];
	v6 =	vadd.s32 v52, v6;
	v56 =	vsel vm3, $0x0, v53;
	v60 =	vmpcnt.ones.xlane vm11  }
0x159: {  	v61 =	vld [tilespmem:$0x70];
	v13 =	vsel vm6, $0x0, v62;
	v6 =	vadd.s32 v56, v6;
	v9 =	vsel vm4, $0x0, v57  }
0x15a: {  	v51 =	vadd.s32 v48, v4;
	v6 =	vadd.s32 v9, v6;
	v8 =	vsel vm5, $0x0, v60  }
0x15b: {  	v5 =	vsel vm8, v51, v5;
	v6 =	vadd.s32 v8, v6;
	v7 =	vadd.s32 v55, v4;
	v59, _, _ =	vpop (xrf0)  }
0x15c: {  	v6 =	vadd.s32 v13, v6;
	v5 =	vsel vm9, v7, v5;
	v7 =	vadd.s32 v59, v4;
	v63, _, _ =	vpop (xrf0)  }
0x15d: {  	v6 =	vadd.s32 v58, v6;
	v5 =	vsel vm10, v7, v5;
	v7 =	vadd.s32 v63, v4;
	v14, _, _ =	vpop (xrf0)  }
0x15e: {  	vm9 =	veq.s32 v61, $0x0;
	v5 =	vsel vm11, v7, v5;
	v4 =	vadd.s32 v14, v4  }
0x15f: {  	[tilespmem:$0x11580] =	vst v6;
	v4 =	vsel vm12, v4, v5;
	v5 =	vsel vm9, $0x1, v0  }
0x160: {  	[tilespmem:$0x1300] =	vst v4;
	(xrf0) =	vadd.scan.msk.s32 $0xffff, v5  }
0x161: {  	vm10 =	veq.s32 v61, $0x1;
	v4 =	vld.idx.msk [tilespmem:v61+s4+$0x0], $0xffff  }
0x162: {  	vm11 =	veq.s32 v61, $0x2;
	v5 =	vsel vm10, $0x1, v0  }
0x163: {  	(xrf0) =	vadd.scan.msk.s32 $0xffff, v5;
	v5 =	vsel vm11, $0x1, v0  }
0x164: {  	(xrf0) =	vadd.scan.msk.s32 $0xffff, v5;
	_ =	sdelay $0x1  }
0x165: {  	vm8 =	veq.s32 v61, $0x3;
	v5, _, _ =	vpop (xrf0);
	v4 =	vadd.s32 $0xFFFFFFFF, v4  }
0x166: {  	v15 =	vsel vm8, $0x1, v0;
	v26 =	vmpcnt.ones.xlane vm8;
	v5 =	vadd.s32 v5, v4  }
0x167: {  	v16 =	vmpcnt.ones.xlane vm9;
	v5 =	vnsel vm9, $0x0, v5;
	vm9 =	veq.s32 v61, $0x4  }
0x168: {  	v18 =	vmpcnt.ones.xlane vm10;
	(xrf0) =	vadd.scan.msk.s32 $0xffff, v15;
	v17, _, _ =	vpop (xrf0);
	v19 =	vsel vm9, $0x1, v0  }
0x169: {  	v29 =	vsel vm2, $0x0, v26;
	v7 =	vnsel vm7, $0x0, v16;
	v21, _, _ =	vpop (xrf0);
	(xrf0) =	vadd.scan.msk.s32 $0xffff, v19  }
0x16a: {  	v22 =	vmpcnt.ones.xlane vm11;
	v20 =	vsel vm0, $0x0, v18;
	v6 =	vadd.s32 v17, v4  }
0x16b: {  	v5 =	vsel vm10, v6, v5;
	vm10 =	veq.s32 v61, $0x5;
	v8 =	vadd.s32 v21, v4  }
0x16c: {  	v23 =	vsel vm10, $0x1, v0;
	v5 =	vsel vm11, v8, v5;
	vm11 =	veq.s32 v61, $0x6  }
0x16d: {  	v24 =	vsel vm1, $0x0, v22;
	vm12 =	veq.s32 v61, $0x7;
	(xrf0) =	vadd.scan.msk.s32 $0xffff, v23;
	v27 =	vsel vm11, $0x1, v0  }
0x16e: {  	v31 =	vsel vm12, $0x1, v0;
	v6 =	vadd.s32 v7, v20;
	v25, _, _ =	vpop (xrf0);
	v30 =	vmpcnt.ones.xlane vm9;
	(xrf0) =	vadd.scan.msk.s32 $0xffff, v27  }
0x16f: {  	v39 =	vmpcnt.ones.xlane vm12;
	v6 =	vadd.s32 v24, v6;
	v34 =	vmpcnt.ones.xlane vm10;
	v32, _, _ =	vpop (xrf0);
	(xrf0) =	vadd.scan.msk.s32 $0xffff, v31  }
0x170: {  	v35 =	vld [tilespmem:$0x11580];
	v6 =	vadd.s32 v29, v6;
	v33 =	vsel vm3, $0x0, v30;
	v37 =	vmpcnt.ones.xlane vm11  }
0x171: {  	v38 =	vld [tilespmem:$0x80];
	v41 =	vsel vm6, $0x0, v39;
	v6 =	vadd.s32 v33, v6;
	v9 =	vsel vm4, $0x0, v34  }
0x172: {  	v28 =	vadd.s32 v25, v4;
	v6 =	vadd.s32 v9, v6;
	v8 =	vsel vm5, $0x0, v37  }
0x173: {  	v5 =	vsel vm8, v28, v5;
	v6 =	vadd.s32 v8, v6;
	v7 =	vadd.s32 v32, v4;
	v36, _, _ =	vpop (xrf0)  }
0x174: {  	v6 =	vadd.s32 v41, v6;
	v5 =	vsel vm9, v7, v5;
	v7 =	vadd.s32 v36, v4;
	v40, _, _ =	vpop (xrf0)  }
0x175: {  	v6 =	vadd.s32 v35, v6;
	v5 =	vsel vm10, v7, v5;
	v7 =	vadd.s32 v40, v4;
	v42, _, _ =	vpop (xrf0)  }
0x176: {  	vm9 =	veq.s32 v38, $0x0;
	v5 =	vsel vm11, v7, v5;
	v4 =	vadd.s32 v42, v4  }
0x177: {  	[tilespmem:$0x11580] =	vst v6;
	v4 =	vsel vm12, v4, v5;
	v5 =	vsel vm9, $0x1, v0  }
0x178: {  	[tilespmem:$0x1310] =	vst v4;
	(xrf0) =	vadd.scan.msk.s32 $0xffff, v5  }
0x179: {  	vm10 =	veq.s32 v38, $0x1;
	v4 =	vld.idx.msk [tilespmem:v38+s4+$0x0], $0xffff  }
0x17a: {  	vm11 =	veq.s32 v38, $0x2;
	v5 =	vsel vm10, $0x1, v0  }
0x17b: {  	(xrf0) =	vadd.scan.msk.s32 $0xffff, v5;
	v5 =	vsel vm11, $0x1, v0  }
0x17c: {  	(xrf0) =	vadd.scan.msk.s32 $0xffff, v5;
	_ =	sdelay $0x1  }
0x17d: {  	vm8 =	veq.s32 v38, $0x3;
	v5, _, _ =	vpop (xrf0);
	v4 =	vadd.s32 $0xFFFFFFFF, v4  }
0x17e: {  	v43 =	vsel vm8, $0x1, v0;
	v54 =	vmpcnt.ones.xlane vm8;
	v5 =	vadd.s32 v5, v4  }
0x17f: {  	v44 =	vmpcnt.ones.xlane vm9;
	v5 =	vnsel vm9, $0x0, v5;
	vm9 =	veq.s32 v38, $0x4  }
0x180: {  	v46 =	vmpcnt.ones.xlane vm10;
	(xrf0) =	vadd.scan.msk.s32 $0xffff, v43;
	v45, _, _ =	vpop (xrf0);
	v47 =	vsel vm9, $0x1, v0  }
0x181: {  	v57 =	vsel vm2, $0x0, v54;
	v7 =	vnsel vm7, $0x0, v44;
	v49, _, _ =	vpop (xrf0);
	(xrf0) =	vadd.scan.msk.s32 $0xffff, v47  }
0x182: {  	v50 =	vmpcnt.ones.xlane vm11;
	v48 =	vsel vm0, $0x0, v46;
	v6 =	vadd.s32 v45, v4  }
0x183: {  	v5 =	vsel vm10, v6, v5;
	vm10 =	veq.s32 v38, $0x5;
	v8 =	vadd.s32 v49, v4  }
0x184: {  	v51 =	vsel vm10, $0x1, v0;
	v5 =	vsel vm11, v8, v5;
	vm11 =	veq.s32 v38, $0x6  }
0x185: {  	v52 =	vsel vm1, $0x0, v50;
	vm12 =	veq.s32 v38, $0x7;
	(xrf0) =	vadd.scan.msk.s32 $0xffff, v51;
	v55 =	vsel vm11, $0x1, v0  }
0x186: {  	v59 =	vsel vm12, $0x1, v0;
	v6 =	vadd.s32 v7, v48;
	v53, _, _ =	vpop (xrf0);
	v58 =	vmpcnt.ones.xlane vm9;
	(xrf0) =	vadd.scan.msk.s32 $0xffff, v55  }
0x187: {  	v18 =	vmpcnt.ones.xlane vm12;
	v6 =	vadd.s32 v52, v6;
	v62 =	vmpcnt.ones.xlane vm10;
	v60, _, _ =	vpop (xrf0);
	(xrf0) =	vadd.scan.msk.s32 $0xffff, v59  }
0x188: {  	v63 =	vld [tilespmem:$0x11580];
	v6 =	vadd.s32 v57, v6;
	v61 =	vsel vm3, $0x0, v58;
	v16 =	vmpcnt.ones.xlane vm11  }
0x189: {  	v17 =	vld [tilespmem:$0x90];
	v20 =	vsel vm6, $0x0, v18;
	v6 =	vadd.s32 v61, v6;
	v9 =	vsel vm4, $0x0, v62  }
0x18a: {  	v56 =	vadd.s32 v53, v4;
	v6 =	vadd.s32 v9, v6;
	v8 =	vsel vm5, $0x0, v16  }
0x18b: {  	v5 =	vsel vm8, v56, v5;
	v6 =	vadd.s32 v8, v6;
	v7 =	vadd.s32 v60, v4;
	v15, _, _ =	vpop (xrf0)  }
0x18c: {  	v6 =	vadd.s32 v20, v6;
	v5 =	vsel vm9, v7, v5;
	v7 =	vadd.s32 v15, v4;
	v19, _, _ =	vpop (xrf0)  }
0x18d: {  	v6 =	vadd.s32 v63, v6;
	v5 =	vsel vm10, v7, v5;
	v7 =	vadd.s32 v19, v4;
	v21, _, _ =	vpop (xrf0)  }
0x18e: {  	vm9 =	veq.s32 v17, $0x0;
	v5 =	vsel vm11, v7, v5;
	v4 =	vadd.s32 v21, v4  }
0x18f: {  	[tilespmem:$0x11580] =	vst v6;
	v4 =	vsel vm12, v4, v5;
	v5 =	vsel vm9, $0x1, v0  }
0x190: {  	[tilespmem:$0x1380] =	vst v4;
	(xrf0) =	vadd.scan.msk.s32 $0xffff, v5  }
0x191: {  	vm10 =	veq.s32 v17, $0x1;
	v4 =	vld.idx.msk [tilespmem:v17+s4+$0x0], $0xffff  }
0x192: {  	vm11 =	veq.s32 v17, $0x2;
	v5 =	vsel vm10, $0x1, v0  }
0x193: {  	(xrf0) =	vadd.scan.msk.s32 $0xffff, v5;
	v5 =	vsel vm11, $0x1, v0  }
0x194: {  	(xrf0) =	vadd.scan.msk.s32 $0xffff, v5;
	_ =	sdelay $0x1  }
0x195: {  	vm8 =	veq.s32 v17, $0x3;
	v5, _, _ =	vpop (xrf0);
	v4 =	vadd.s32 $0xFFFFFFFF, v4  }
0x196: {  	v22 =	vsel vm8, $0x1, v0;
	v33 =	vmpcnt.ones.xlane vm8;
	v5 =	vadd.s32 v5, v4  }
0x197: {  	v23 =	vmpcnt.ones.xlane vm9;
	v5 =	vnsel vm9, $0x0, v5;
	vm9 =	veq.s32 v17, $0x4  }
0x198: {  	v25 =	vmpcnt.ones.xlane vm10;
	(xrf0) =	vadd.scan.msk.s32 $0xffff, v22;
	v24, _, _ =	vpop (xrf0);
	v26 =	vsel vm9, $0x1, v0  }
0x199: {  	v36 =	vsel vm2, $0x0, v33;
	v7 =	vnsel vm7, $0x0, v23;
	v28, _, _ =	vpop (xrf0);
	(xrf0) =	vadd.scan.msk.s32 $0xffff, v26  }
0x19a: {  	v29 =	vmpcnt.ones.xlane vm11;
	v27 =	vsel vm0, $0x0, v25;
	v6 =	vadd.s32 v24, v4  }
0x19b: {  	v5 =	vsel vm10, v6, v5;
	vm10 =	veq.s32 v17, $0x5;
	v8 =	vadd.s32 v28, v4  }
0x19c: {  	v30 =	vsel vm10, $0x1, v0;
	v5 =	vsel vm11, v8, v5;
	vm11 =	veq.s32 v17, $0x6  }
0x19d: {  	v31 =	vsel vm1, $0x0, v29;
	vm12 =	veq.s32 v17, $0x7;
	(xrf0) =	vadd.scan.msk.s32 $0xffff, v30;
	v34 =	vsel vm11, $0x1, v0  }
0x19e: {  	v38 =	vsel vm12, $0x1, v0;
	v6 =	vadd.s32 v7, v27;
	v32, _, _ =	vpop (xrf0);
	v37 =	vmpcnt.ones.xlane vm9;
	(xrf0) =	vadd.scan.msk.s32 $0xffff, v34  }
0x19f: {  	v46 =	vmpcnt.ones.xlane vm12;
	v6 =	vadd.s32 v31, v6;
	v41 =	vmpcnt.ones.xlane vm10;
	v39, _, _ =	vpop (xrf0);
	(xrf0) =	vadd.scan.msk.s32 $0xffff, v38  }
0x1a0: {  	v42 =	vld [tilespmem:$0x11580];
	v6 =	vadd.s32 v36, v6;
	v40 =	vsel vm3, $0x0, v37;
	v44 =	vmpcnt.ones.xlane vm11  }
0x1a1: {  	v45 =	vld [tilespmem:$0xA0];
	v48 =	vsel vm6, $0x0, v46;
	v6 =	vadd.s32 v40, v6;
	v9 =	vsel vm4, $0x0, v41  }
0x1a2: {  	v35 =	vadd.s32 v32, v4;
	v6 =	vadd.s32 v9, v6;
	v8 =	vsel vm5, $0x0, v44  }
0x1a3: {  	v5 =	vsel vm8, v35, v5;
	v6 =	vadd.s32 v8, v6;
	v7 =	vadd.s32 v39, v4;
	v43, _, _ =	vpop (xrf0)  }
0x1a4: {  	v6 =	vadd.s32 v48, v6;
	v5 =	vsel vm9, v7, v5;
	v7 =	vadd.s32 v43, v4;
	v47, _, _ =	vpop (xrf0)  }
0x1a5: {  	v6 =	vadd.s32 v42, v6;
	v5 =	vsel vm10, v7, v5;
	v7 =	vadd.s32 v47, v4;
	v49, _, _ =	vpop (xrf0)  }
0x1a6: {  	vm9 =	veq.s32 v45, $0x0;
	v5 =	vsel vm11, v7, v5;
	v4 =	vadd.s32 v49, v4  }
0x1a7: {  	[tilespmem:$0x11580] =	vst v6;
	v4 =	vsel vm12, v4, v5;
	v5 =	vsel vm9, $0x1, v0  }
0x1a8: {  	[tilespmem:$0x1390] =	vst v4;
	(xrf0) =	vadd.scan.msk.s32 $0xffff, v5  }
0x1a9: {  	vm10 =	veq.s32 v45, $0x1;
	v4 =	vld.idx.msk [tilespmem:v45+s4+$0x0], $0xffff  }
0x1aa: {  	vm11 =	veq.s32 v45, $0x2;
	v5 =	vsel vm10, $0x1, v0  }
0x1ab: {  	(xrf0) =	vadd.scan.msk.s32 $0xffff, v5;
	v5 =	vsel vm11, $0x1, v0  }
0x1ac: {  	(xrf0) =	vadd.scan.msk.s32 $0xffff, v5;
	_ =	sdelay $0x1  }
0x1ad: {  	vm8 =	veq.s32 v45, $0x3;
	v5, _, _ =	vpop (xrf0);
	v4 =	vadd.s32 $0xFFFFFFFF, v4  }
0x1ae: {  	v50 =	vsel vm8, $0x1, v0;
	v61 =	vmpcnt.ones.xlane vm8;
	v5 =	vadd.s32 v5, v4  }
0x1af: {  	v51 =	vmpcnt.ones.xlane vm9;
	v5 =	vnsel vm9, $0x0, v5;
	vm9 =	veq.s32 v45, $0x4  }
0x1b0: {  	v53 =	vmpcnt.ones.xlane vm10;
	(xrf0) =	vadd.scan.msk.s32 $0xffff, v50;
	v52, _, _ =	vpop (xrf0);
	v54 =	vsel vm9, $0x1, v0  }
0x1b1: {  	v12 =	vsel vm2, $0x0, v61;
	v7 =	vnsel vm7, $0x0, v51;
	v56, _, _ =	vpop (xrf0);
	(xrf0) =	vadd.scan.msk.s32 $0xffff, v54  }
0x1b2: {  	v57 =	vmpcnt.ones.xlane vm11;
	v55 =	vsel vm0, $0x0, v53;
	v6 =	vadd.s32 v52, v4  }
0x1b3: {  	v5 =	vsel vm10, v6, v5;
	vm10 =	veq.s32 v45, $0x5;
	v8 =	vadd.s32 v56, v4  }
0x1b4: {  	v58 =	vsel vm10, $0x1, v0;
	v5 =	vsel vm11, v8, v5;
	vm11 =	veq.s32 v45, $0x6  }
0x1b5: {  	v59 =	vsel vm1, $0x0, v57;
	vm12 =	veq.s32 v45, $0x7;
	(xrf0) =	vadd.scan.msk.s32 $0xffff, v58;
	v62 =	vsel vm11, $0x1, v0  }
0x1b6: {  	v14 =	vsel vm12, $0x1, v0;
	v6 =	vadd.s32 v7, v55;
	v60, _, _ =	vpop (xrf0);
	v13 =	vmpcnt.ones.xlane vm9;
	(xrf0) =	vadd.scan.msk.s32 $0xffff, v62  }
0x1b7: {  	v22 =	vmpcnt.ones.xlane vm12;
	v6 =	vadd.s32 v59, v6;
	v17 =	vmpcnt.ones.xlane vm10;
	v15, _, _ =	vpop (xrf0);
	(xrf0) =	vadd.scan.msk.s32 $0xffff, v14  }
0x1b8: {  	v18 =	vld [tilespmem:$0x11580];
	v6 =	vadd.s32 v12, v6;
	v16 =	vsel vm3, $0x0, v13;
	v20 =	vmpcnt.ones.xlane vm11  }
0x1b9: {  	v21 =	vld [tilespmem:$0xB0];
	v24 =	vsel vm6, $0x0, v22;
	v6 =	vadd.s32 v16, v6;
	v9 =	vsel vm4, $0x0, v17  }
0x1ba: {  	v63 =	vadd.s32 v60, v4;
	v6 =	vadd.s32 v9, v6;
	v8 =	vsel vm5, $0x0, v20  }
0x1bb: {  	v5 =	vsel vm8, v63, v5;
	v6 =	vadd.s32 v8, v6;
	v7 =	vadd.s32 v15, v4;
	v19, _, _ =	vpop (xrf0)  }
0x1bc: {  	v6 =	vadd.s32 v24, v6;
	v5 =	vsel vm9, v7, v5;
	v7 =	vadd.s32 v19, v4;
	v23, _, _ =	vpop (xrf0)  }
0x1bd: {  	v6 =	vadd.s32 v18, v6;
	v5 =	vsel vm10, v7, v5;
	v7 =	vadd.s32 v23, v4;
	v25, _, _ =	vpop (xrf0)  }
0x1be: {  	vm9 =	veq.s32 v21, $0x0;
	v5 =	vsel vm11, v7, v5;
	v4 =	vadd.s32 v25, v4  }
0x1bf: {  	[tilespmem:$0x11580] =	vst v6;
	v4 =	vsel vm12, v4, v5;
	v5 =	vsel vm9, $0x1, v0  }
0x1c0: {  	[tilespmem:$0x1400] =	vst v4;
	(xrf0) =	vadd.scan.msk.s32 $0xffff, v5  }
0x1c1: {  	vm10 =	veq.s32 v21, $0x1;
	v4 =	vld.idx.msk [tilespmem:v21+s4+$0x0], $0xffff  }
0x1c2: {  	vm11 =	veq.s32 v21, $0x2;
	v5 =	vsel vm10, $0x1, v0  }
0x1c3: {  	(xrf0) =	vadd.scan.msk.s32 $0xffff, v5;
	v5 =	vsel vm11, $0x1, v0  }
0x1c4: {  	(xrf0) =	vadd.scan.msk.s32 $0xffff, v5;
	_ =	sdelay $0x1  }
0x1c5: {  	vm8 =	veq.s32 v21, $0x3;
	v5, _, _ =	vpop (xrf0);
	v4 =	vadd.s32 $0xFFFFFFFF, v4  }
0x1c6: {  	v26 =	vsel vm8, $0x1, v0;
	v37 =	vmpcnt.ones.xlane vm8;
	v5 =	vadd.s32 v5, v4  }
0x1c7: {  	v27 =	vmpcnt.ones.xlane vm9;
	v5 =	vnsel vm9, $0x0, v5;
	vm9 =	veq.s32 v21, $0x4  }
0x1c8: {  	v29 =	vmpcnt.ones.xlane vm10;
	(xrf0) =	vadd.scan.msk.s32 $0xffff, v26;
	v28, _, _ =	vpop (xrf0);
	v30 =	vsel vm9, $0x1, v0  }
0x1c9: {  	v40 =	vsel vm2, $0x0, v37;
	v7 =	vnsel vm7, $0x0, v27;
	v32, _, _ =	vpop (xrf0);
	(xrf0) =	vadd.scan.msk.s32 $0xffff, v30  }
0x1ca: {  	v33 =	vmpcnt.ones.xlane vm11;
	v31 =	vsel vm0, $0x0, v29;
	v6 =	vadd.s32 v28, v4  }
0x1cb: {  	v5 =	vsel vm10, v6, v5;
	vm10 =	veq.s32 v21, $0x5;
	v8 =	vadd.s32 v32, v4  }
0x1cc: {  	v34 =	vsel vm10, $0x1, v0;
	v5 =	vsel vm11, v8, v5;
	vm11 =	veq.s32 v21, $0x6  }
0x1cd: {  	v35 =	vsel vm1, $0x0, v33;
	vm12 =	veq.s32 v21, $0x7;
	(xrf0) =	vadd.scan.msk.s32 $0xffff, v34;
	v38 =	vsel vm11, $0x1, v0  }
0x1ce: {  	v42 =	vsel vm12, $0x1, v0;
	v6 =	vadd.s32 v7, v31;
	v36, _, _ =	vpop (xrf0);
	v41 =	vmpcnt.ones.xlane vm9;
	(xrf0) =	vadd.scan.msk.s32 $0xffff, v38  }
0x1cf: {  	v50 =	vmpcnt.ones.xlane vm12;
	v6 =	vadd.s32 v35, v6;
	v45 =	vmpcnt.ones.xlane vm10;
	v43, _, _ =	vpop (xrf0);
	(xrf0) =	vadd.scan.msk.s32 $0xffff, v42  }
0x1d0: {  	v46 =	vld [tilespmem:$0x11580];
	v6 =	vadd.s32 v40, v6;
	v44 =	vsel vm3, $0x0, v41;
	v48 =	vmpcnt.ones.xlane vm11  }
0x1d1: {  	v49 =	vld [tilespmem:$0xC0];
	v52 =	vsel vm6, $0x0, v50;
	v6 =	vadd.s32 v44, v6;
	v9 =	vsel vm4, $0x0, v45  }
0x1d2: {  	v39 =	vadd.s32 v36, v4;
	v6 =	vadd.s32 v9, v6;
	v8 =	vsel vm5, $0x0, v48  }
0x1d3: {  	v5 =	vsel vm8, v39, v5;
	v6 =	vadd.s32 v8, v6;
	v7 =	vadd.s32 v43, v4;
	v47, _, _ =	vpop (xrf0)  }
0x1d4: {  	v6 =	vadd.s32 v52, v6;
	v5 =	vsel vm9, v7, v5;
	v7 =	vadd.s32 v47, v4;
	v51, _, _ =	vpop (xrf0)  }
0x1d5: {  	v6 =	vadd.s32 v46, v6;
	v5 =	vsel vm10, v7, v5;
	v7 =	vadd.s32 v51, v4;
	v53, _, _ =	vpop (xrf0)  }
0x1d6: {  	vm9 =	veq.s32 v49, $0x0;
	v5 =	vsel vm11, v7, v5;
	v4 =	vadd.s32 v53, v4  }
0x1d7: {  	[tilespmem:$0x11580] =	vst v6;
	v4 =	vsel vm12, v4, v5;
	v5 =	vsel vm9, $0x1, v0  }
0x1d8: {  	[tilespmem:$0x1410] =	vst v4;
	(xrf0) =	vadd.scan.msk.s32 $0xffff, v5  }
0x1d9: {  	vm10 =	veq.s32 v49, $0x1;
	v4 =	vld.idx.msk [tilespmem:v49+s4+$0x0], $0xffff  }
0x1da: {  	vm11 =	veq.s32 v49, $0x2;
	v5 =	vsel vm10, $0x1, v0  }
0x1db: {  	(xrf0) =	vadd.scan.msk.s32 $0xffff, v5;
	v5 =	vsel vm11, $0x1, v0  }
0x1dc: {  	(xrf0) =	vadd.scan.msk.s32 $0xffff, v5;
	_ =	sdelay $0x1  }
0x1dd: {  	vm8 =	veq.s32 v49, $0x3;
	v5, _, _ =	vpop (xrf0);
	v4 =	vadd.s32 $0xFFFFFFFF, v4  }
0x1de: {  	v54 =	vsel vm8, $0x1, v0;
	v13 =	vmpcnt.ones.xlane vm8;
	v5 =	vadd.s32 v5, v4  }
0x1df: {  	v55 =	vmpcnt.ones.xlane vm9;
	v5 =	vnsel vm9, $0x0, v5;
	vm9 =	veq.s32 v49, $0x4  }
0x1e0: {  	v57 =	vmpcnt.ones.xlane vm10;
	(xrf0) =	vadd.scan.msk.s32 $0xffff, v54;
	v56, _, _ =	vpop (xrf0);
	v58 =	vsel vm9, $0x1, v0  }
0x1e1: {  	v16 =	vsel vm2, $0x0, v13;
	v7 =	vnsel vm7, $0x0, v55;
	v60, _, _ =	vpop (xrf0);
	(xrf0) =	vadd.scan.msk.s32 $0xffff, v58  }
0x1e2: {  	v61 =	vmpcnt.ones.xlane vm11;
	v59 =	vsel vm0, $0x0, v57;
	v6 =	vadd.s32 v56, v4  }
0x1e3: {  	v5 =	vsel vm10, v6, v5;
	vm10 =	veq.s32 v49, $0x5;
	v8 =	vadd.s32 v60, v4  }
0x1e4: {  	v62 =	vsel vm10, $0x1, v0;
	v5 =	vsel vm11, v8, v5;
	vm11 =	veq.s32 v49, $0x6  }
0x1e5: {  	v63 =	vsel vm1, $0x0, v61;
	vm12 =	veq.s32 v49, $0x7;
	(xrf0) =	vadd.scan.msk.s32 $0xffff, v62;
	v14 =	vsel vm11, $0x1, v0  }
0x1e6: {  	v18 =	vsel vm12, $0x1, v0;
	v6 =	vadd.s32 v7, v59;
	v12, _, _ =	vpop (xrf0);
	v17 =	vmpcnt.ones.xlane vm9;
	(xrf0) =	vadd.scan.msk.s32 $0xffff, v14  }
0x1e7: {  	v26 =	vmpcnt.ones.xlane vm12;
	v6 =	vadd.s32 v63, v6;
	v21 =	vmpcnt.ones.xlane vm10;
	v19, _, _ =	vpop (xrf0);
	(xrf0) =	vadd.scan.msk.s32 $0xffff, v18  }
0x1e8: {  	v22 =	vld [tilespmem:$0x11580];
	v6 =	vadd.s32 v16, v6;
	v20 =	vsel vm3, $0x0, v17;
	v24 =	vmpcnt.ones.xlane vm11  }
0x1e9: {  	v25 =	vld [tilespmem:$0xD0];
	v28 =	vsel vm6, $0x0, v26;
	v6 =	vadd.s32 v20, v6;
	v9 =	vsel vm4, $0x0, v21  }
0x1ea: {  	v15 =	vadd.s32 v12, v4;
	v6 =	vadd.s32 v9, v6;
	v8 =	vsel vm5, $0x0, v24  }
0x1eb: {  	v5 =	vsel vm8, v15, v5;
	v6 =	vadd.s32 v8, v6;
	v7 =	vadd.s32 v19, v4;
	v23, _, _ =	vpop (xrf0)  }
0x1ec: {  	v6 =	vadd.s32 v28, v6;
	v5 =	vsel vm9, v7, v5;
	v7 =	vadd.s32 v23, v4;
	v27, _, _ =	vpop (xrf0)  }
0x1ed: {  	v6 =	vadd.s32 v22, v6;
	v5 =	vsel vm10, v7, v5;
	v7 =	vadd.s32 v27, v4;
	v29, _, _ =	vpop (xrf0)  }
0x1ee: {  	vm9 =	veq.s32 v25, $0x0;
	v5 =	vsel vm11, v7, v5;
	v4 =	vadd.s32 v29, v4  }
0x1ef: {  	[tilespmem:$0x11580] =	vst v6;
	v4 =	vsel vm12, v4, v5;
	v5 =	vsel vm9, $0x1, v0  }
0x1f0: {  	[tilespmem:$0x1480] =	vst v4;
	(xrf0) =	vadd.scan.msk.s32 $0xffff, v5  }
0x1f1: {  	vm10 =	veq.s32 v25, $0x1;
	v4 =	vld.idx.msk [tilespmem:v25+s4+$0x0], $0xffff  }
0x1f2: {  	vm11 =	veq.s32 v25, $0x2;
	v5 =	vsel vm10, $0x1, v0  }
0x1f3: {  	(xrf0) =	vadd.scan.msk.s32 $0xffff, v5;
	v5 =	vsel vm11, $0x1, v0  }
0x1f4: {  	(xrf0) =	vadd.scan.msk.s32 $0xffff, v5;
	_ =	sdelay $0x1  }
0x1f5: {  	vm8 =	veq.s32 v25, $0x3;
	v5, _, _ =	vpop (xrf0);
	v4 =	vadd.s32 $0xFFFFFFFF, v4  }
0x1f6: {  	v30 =	vsel vm8, $0x1, v0;
	v41 =	vmpcnt.ones.xlane vm8;
	v5 =	vadd.s32 v5, v4  }
0x1f7: {  	v31 =	vmpcnt.ones.xlane vm9;
	v5 =	vnsel vm9, $0x0, v5;
	vm9 =	veq.s32 v25, $0x4  }
0x1f8: {  	v33 =	vmpcnt.ones.xlane vm10;
	(xrf0) =	vadd.scan.msk.s32 $0xffff, v30;
	v32, _, _ =	vpop (xrf0);
	v34 =	vsel vm9, $0x1, v0  }
0x1f9: {  	v44 =	vsel vm2, $0x0, v41;
	v7 =	vnsel vm7, $0x0, v31;
	v36, _, _ =	vpop (xrf0);
	(xrf0) =	vadd.scan.msk.s32 $0xffff, v34  }
0x1fa: {  	v37 =	vmpcnt.ones.xlane vm11;
	v35 =	vsel vm0, $0x0, v33;
	v6 =	vadd.s32 v32, v4  }
0x1fb: {  	v5 =	vsel vm10, v6, v5;
	vm10 =	veq.s32 v25, $0x5;
	v8 =	vadd.s32 v36, v4  }
0x1fc: {  	v38 =	vsel vm10, $0x1, v0;
	v5 =	vsel vm11, v8, v5;
	vm11 =	veq.s32 v25, $0x6  }
0x1fd: {  	v39 =	vsel vm1, $0x0, v37;
	vm12 =	veq.s32 v25, $0x7;
	(xrf0) =	vadd.scan.msk.s32 $0xffff, v38;
	v42 =	vsel vm11, $0x1, v0  }
0x1fe: {  	v46 =	vsel vm12, $0x1, v0;
	v6 =	vadd.s32 v7, v35;
	v40, _, _ =	vpop (xrf0);
	v45 =	vmpcnt.ones.xlane vm9;
	(xrf0) =	vadd.scan.msk.s32 $0xffff, v42  }
0x1ff: {  	v54 =	vmpcnt.ones.xlane vm12;
	v6 =	vadd.s32 v39, v6;
	v49 =	vmpcnt.ones.xlane vm10;
	v47, _, _ =	vpop (xrf0);
	(xrf0) =	vadd.scan.msk.s32 $0xffff, v46  }
0x200: {  	v50 =	vld [tilespmem:$0x11580];
	v6 =	vadd.s32 v44, v6;
	v48 =	vsel vm3, $0x0, v45;
	v52 =	vmpcnt.ones.xlane vm11  }
0x201: {  	v53 =	vld [tilespmem:$0xE0];
	v56 =	vsel vm6, $0x0, v54;
	v6 =	vadd.s32 v48, v6;
	v9 =	vsel vm4, $0x0, v49  }
0x202: {  	v43 =	vadd.s32 v40, v4;
	v6 =	vadd.s32 v9, v6;
	v8 =	vsel vm5, $0x0, v52  }
0x203: {  	v5 =	vsel vm8, v43, v5;
	v6 =	vadd.s32 v8, v6;
	v7 =	vadd.s32 v47, v4;
	v51, _, _ =	vpop (xrf0)  }
0x204: {  	v6 =	vadd.s32 v56, v6;
	v5 =	vsel vm9, v7, v5;
	v7 =	vadd.s32 v51, v4;
	v55, _, _ =	vpop (xrf0)  }
0x205: {  	v6 =	vadd.s32 v50, v6;
	v5 =	vsel vm10, v7, v5;
	v7 =	vadd.s32 v55, v4;
	v57, _, _ =	vpop (xrf0)  }
0x206: {  	vm9 =	veq.s32 v53, $0x0;
	v5 =	vsel vm11, v7, v5;
	v4 =	vadd.s32 v57, v4  }
0x207: {  	[tilespmem:$0x11580] =	vst v6;
	v4 =	vsel vm12, v4, v5;
	v5 =	vsel vm9, $0x1, v0  }
0x208: {  	[tilespmem:$0x1490] =	vst v4;
	(xrf0) =	vadd.scan.msk.s32 $0xffff, v5  }
0x209: {  	vm10 =	veq.s32 v53, $0x1;
	v4 =	vld.idx.msk [tilespmem:v53+s4+$0x0], $0xffff  }
0x20a: {  	vm11 =	veq.s32 v53, $0x2;
	v5 =	vsel vm10, $0x1, v0  }
0x20b: {  	(xrf0) =	vadd.scan.msk.s32 $0xffff, v5;
	v5 =	vsel vm11, $0x1, v0  }
0x20c: {  	(xrf0) =	vadd.scan.msk.s32 $0xffff, v5;
	_ =	sdelay $0x1  }
0x20d: {  	vm8 =	veq.s32 v53, $0x3;
	v5, _, _ =	vpop (xrf0);
	v4 =	vadd.s32 $0xFFFFFFFF, v4  }
0x20e: {  	v58 =	vsel vm8, $0x1, v0;
	v17 =	vmpcnt.ones.xlane vm8;
	v5 =	vadd.s32 v5, v4  }
0x20f: {  	v59 =	vmpcnt.ones.xlane vm9;
	v5 =	vnsel vm9, $0x0, v5;
	vm9 =	veq.s32 v53, $0x4  }
0x210: {  	(xrf0) =	vadd.scan.msk.s32 $0xffff, v58;
	v60, _, _ =	vpop (xrf0);
	v62 =	vsel vm9, $0x1, v0  }
0x211: {  	v20 =	vsel vm2, $0x0, v17;
	v61 =	vmpcnt.ones.xlane vm10;
	vm12 =	veq.s32 v53, $0x7;
	v12, _, _ =	vpop (xrf0);
	(xrf0) =	vadd.scan.msk.s32 $0xffff, v62  }
0x212: {  	v13 =	vmpcnt.ones.xlane vm11;
	v30 =	vmpcnt.ones.xlane vm12;
	v6 =	vadd.s32 v60, v4  }
0x213: {  	v5 =	vsel vm10, v6, v5;
	vm10 =	veq.s32 v53, $0x5;
	v8 =	vadd.s32 v12, v4  }
0x214: {  	v14 =	vsel vm10, $0x1, v0;
	v5 =	vsel vm11, v8, v5;
	vm11 =	veq.s32 v53, $0x6  }
0x215: {  	v29 =	vld [tilespmem:$0xF0];
	v7 =	vnsel vm7, $0x0, v59;
	v63 =	vsel vm0, $0x0, v61;
	(xrf0) =	vadd.scan.msk.s32 $0xffff, v14;
	v18 =	vsel vm11, $0x1, v0  }
0x216: {  	v15 =	vsel vm1, $0x0, v13;
	v22 =	vsel vm12, $0x1, v0;
	v32 =	vsel vm6, $0x0, v30;
	v16, _, _ =	vpop (xrf0);
	(xrf0) =	vadd.scan.msk.s32 $0xffff, v18  }
0x217: {  	v6 =	vadd.s32 v7, v63;
	v21 =	vmpcnt.ones.xlane vm9;
	v19 =	vadd.s32 v16, v4;
	v23, _, _ =	vpop (xrf0);
	(xrf0) =	vadd.scan.msk.s32 $0xffff, v22  }
0x218: {  	v6 =	vadd.s32 v15, v6;
	v25 =	vmpcnt.ones.xlane vm10;
	v5 =	vsel vm8, v19, v5  }
0x219: {  	v26 =	vld [tilespmem:$0x11580];
	v6 =	vadd.s32 v20, v6;
	v24 =	vsel vm3, $0x0, v21;
	v28 =	vmpcnt.ones.xlane vm11  }
0x21a: {  	vm8 =	veq.s32 v29, $0x0;
	v6 =	vadd.s32 v24, v6;
	v9 =	vsel vm4, $0x0, v25  }
0x21b: {  	v6 =	vadd.s32 v9, v6;
	v8 =	vsel vm5, $0x0, v28;
	v7 =	vadd.s32 v23, v4;
	v27, _, _ =	vpop (xrf0)  }
0x21c: {  	v6 =	vadd.s32 v8, v6;
	v5 =	vsel vm9, v7, v5;
	v7 =	vadd.s32 v27, v4;
	v31, _, _ =	vpop (xrf0)  }
0x21d: {  	v6 =	vadd.s32 v32, v6;
	v5 =	vsel vm10, v7, v5;
	v7 =	vadd.s32 v31, v4;
	v33, _, _ =	vpop (xrf0)  }
0x21e: {  	v6 =	vadd.s32 v26, v6;
	v5 =	vsel vm11, v7, v5;
	v4 =	vadd.s32 v33, v4  }
0x21f: {  	[tilespmem:$0x11580] =	vst v6;
	vm9 =	veq.s32 v29, $0x1;
	v4 =	vsel vm12, v4, v5;
	v5 =	vsel vm8, $0x1, v0  }
0x220: {  	[tilespmem:$0x1500] =	vst v4;
	(xrf0) =	vadd.scan.msk.s32 $0xffff, v5;
	v5 =	vsel vm9, $0x1, v0  }
0x221: {  	v4 =	vld.idx.msk [tilespmem:v29+s4+$0x0], $0xffff;
	(xrf0) =	vadd.scan.msk.s32 $0xffff, v5  }
0x222: {  	v34 =	vmpcnt.ones.xlane vm8;
	vm12 =	veq.s32 v29, $0x2  }
0x223: {  	v5 =	vsel vm12, $0x1, v0  }
0x224: {  	v6 =	vnsel vm7, $0x0, v34;
	vm7 =	veq.s32 v29, $0x6  }
0x225: {  	v47 =	vsel vm7, $0x1, v0;
	vm10 =	veq.s32 v29, $0x3;
	(xrf0) =	vadd.scan.msk.s32 $0xffff, v5  }
0x226: {  	v55 =	vmpcnt.ones.xlane vm7;
	v35 =	vsel vm10, $0x1, v0;
	v5, _, _ =	vpop (xrf0);
	v4 =	vadd.s32 $0xFFFFFFFF, v4  }
0x227: {  	v37 =	vmpcnt.ones.xlane vm9;
	vm11 =	veq.s32 v29, $0x5;
	v5 =	vadd.s32 v5, v4;
	v36, _, _ =	vpop (xrf0);
	(xrf0) =	vadd.scan.msk.s32 $0xffff, v35  }
0x228: {  	v46 =	vmpcnt.ones.xlane vm10;
	v5 =	vnsel vm8, $0x0, v5;
	vm8 =	veq.s32 v29, $0x4  }
0x229: {  	v59 =	vsel vm5, $0x0, v55;
	v40 =	vsel vm0, $0x0, v37;
	v39 =	vsel vm8, $0x1, v0  }
0x22a: {  	v45 =	vsel vm11, $0x1, v0;
	v53 =	vmpcnt.ones.xlane vm11;
	v38 =	vadd.s32 v36, v4;
	(xrf0) =	vadd.scan.msk.s32 $0xffff, v39  }
0x22b: {  	v42 =	vmpcnt.ones.xlane vm12;
	v41, _, _ =	vpop (xrf0);
	v5 =	vsel vm9, v38, v5;
	vm9 =	veq.s32 v29, $0x7;
	(xrf0) =	vadd.scan.msk.s32 $0xffff, v45  }
0x22c: {  	v6 =	vadd.s32 v6, v40;
	v50 =	vsel vm2, $0x0, v46;
	v49 =	vsel vm9, $0x1, v0;
	(xrf0) =	vadd.scan.msk.s32 $0xffff, v47  }
0x22d: {  	v8 =	vsel vm4, $0x0, v53;
	v44 =	vsel vm1, $0x0, v42;
	v51 =	vmpcnt.ones.xlane vm8;
	v48, _, _ =	vpop (xrf0);
	(xrf0) =	vadd.scan.msk.s32 $0xffff, v49  }
0x22e: {  	v6 =	vadd.s32 v44, v6;
	v43 =	vadd.s32 v41, v4;
	v57 =	vmpcnt.ones.xlane vm9  }
0x22f: {  	v56 =	vld [tilespmem:$0x11580];
	v6 =	vadd.s32 v50, v6;
	v5 =	vsel vm12, v43, v5;
	v54 =	vsel vm3, $0x0, v51  }
0x230: {  	v6 =	vadd.s32 v54, v6;
	v61 =	vsel vm6, $0x0, v57;
	v7 =	vadd.s32 v48, v4;
	v52, _, _ =	vpop (xrf0)  }
0x231: {  	v6 =	vadd.s32 v8, v6;
	v5 =	vsel vm10, v7, v5;
	v7 =	vadd.s32 v52, v4;
	v58, _, _ =	vpop (xrf0)  }
0x232: {  	v6 =	vadd.s32 v59, v6;
	v5 =	vsel vm8, v7, v5;
	v60, _, _ =	vpop (xrf0);
	v7 =	vadd.s32 v58, v4  }
0x233: {  	v6 =	vadd.s32 v61, v6;
	v5 =	vsel vm11, v7, v5;
	v62 =	vadd.s32 v60, v4;
	v63, _, _ =	vpop (xrf0)  }
0x234: {  	v6 =	vadd.s32 v56, v6;
	v5 =	vsel vm7, v62, v5;
	v4 =	vadd.s32 v63, v4  }
0x235: {  	s22 =	rddreg [dreg:$0x7];
	[tilespmem:$0x11580] =	vst v6;
	v4 =	vsel vm9, v4, v5  }
0x236: {  	s23 =	rddreg [dreg:$0x10];
	[tilespmem:$0x1510] =	vst v4  }
0x237: {  	[hbm4b:s22+s3] =	stream.linear.scatter [tilespmem:s23], [sflag:$0x5], $0x400, $0x38;
	[tilespmem:$0x11600] =	vst v63  }
0x238: {  	_ =	swait.ge [sflag:s0], $0x400  }
0x239: {  	[sflag:s0] =	ssyncset.done $0x0  }
0x23a: {  	s25 =	rddreg [dreg:$0x11];
	[sflag:s0] =	ssyncadd.s32 $0xFFFFFC00  }
0x23b: {  	[tilespmem:s29], [sflag:$0x1] =	stream.linear.gather [hbm4b:s25+s3], $0x8000, $0x38;
	[tilespmem:$0x11600] =	vst v63  }
0x23c: {  	_ =	swait.ge [sflag:s30], $0x8000  }
0x23d: {  	[sflag:s30] =	ssyncset.done $0x0  }
0x23e: {  	[sflag:s30] =	ssyncadd.s32 $0xFFFF8000  }
0x23f: {  	v4 =	vld [tilespmem:$0x1180];
	_ =	sdelay $0x4  }
0x240: {  	v5 =	vshll.u32 v4, $0x3  }
0x241: {  	v4 =	vand.u32 $0x7, v4;
	v5 =	vand.u32 $0xFFFFFFC0, v5  }
0x242: {  	v4 =	vor.u32 v4, v5  }
0x243: {  	v5 =	vperm.xlane v4, v1;
	_ =	sdelay $0x1  }
0x244: {  	v5 =	vadd.s32 v2, v5;
	_ =	sdelay $0x3  }
0x245: {  	vm7 =	vmmov $0xffff;
	s0 =	rddreg [dreg:$0x2]  }
0x246: {  	[hbm4b:s0+s3] =	stream.indirect_vreg.scatter [tilespmem:s29], [sflag:$0x3], $0x80, v5, vm7, $0xb8;
	[tilespmem:$0x11600] =	vst v63  }
0x247: {  	s1 =	simm.s32 $0x1D80;
	v4 =	vperm.xlane v4, v3  }
0x248: {  	[hbm4b:s10+s3] =	stream.indirect_vreg.scatter [tilespmem:s1], [sflag:$0x3], $0x80, v5, vm7, $0xb8;
	[tilespmem:$0x11600] =	vst v63  }
0x249: {  	s26 =	simm.s32 $0x2580;
	v4 =	vadd.s32 v2, v4  }
0x24a: {  	[hbm4b:s6+s3] =	stream.indirect_vreg.scatter [tilespmem:s26], [sflag:$0x3], $0x80, v5, vm7, $0xb8;
	[tilespmem:$0x11600] =	vst v63  }
0x24b: {  	s28 =	simm.s32 $0x2D80  }
0x24c: {  	[hbm4b:s7+s3] =	stream.indirect_vreg.scatter [tilespmem:s28], [sflag:$0x3], $0x80, v5, vm7, $0xb8;
	[tilespmem:$0x11600] =	vst v63  }
0x24d: {  	s31 =	simm.s32 $0x3580  }
0x24e: {  	[hbm4b:s0+s3] =	stream.indirect_vreg.scatter [tilespmem:s31], [sflag:$0x3], $0x80, v4, vm7, $0xb8;
	[tilespmem:$0x11600] =	vst v63  }
0x24f: {  	s2 =	simm.s32 $0x3D80  }
0x250: {  	[hbm4b:s10+s3] =	stream.indirect_vreg.scatter [tilespmem:s2], [sflag:$0x3], $0x80, v4, vm7, $0xb8;
	[tilespmem:$0x11600] =	vst v63  }
0x251: {  	s4 =	simm.s32 $0x4580  }
0x252: {  	[hbm4b:s6+s3] =	stream.indirect_vreg.scatter [tilespmem:s4], [sflag:$0x3], $0x80, v4, vm7, $0xb8;
	[tilespmem:$0x11600] =	vst v63  }
0x253: {  	s5 =	simm.s32 $0x4D80  }
0x254: {  	[hbm4b:s7+s3] =	stream.indirect_vreg.scatter [tilespmem:s5], [sflag:$0x3], $0x80, v4, vm7, $0xb8;
	[tilespmem:$0x11600] =	vst v63  }
0x255: {  	v4 =	vld [tilespmem:$0x1190];
	_ =	sdelay $0x4  }
0x256: {  	v5 =	vshll.u32 v4, $0x3  }
0x257: {  	v4 =	vand.u32 $0x7, v4;
	v5 =	vand.u32 $0xFFFFFFC0, v5  }
0x258: {  	v4 =	vor.u32 v4, v5  }
0x259: {  	v5 =	vperm.xlane v4, v1;
	_ =	sdelay $0x1  }
0x25a: {  	v5 =	vadd.s32 v2, v5;
	_ =	sdelay $0x3  }
0x25b: {  	s8 =	simm.s32 $0x5580  }
0x25c: {  	[hbm4b:s0+s3] =	stream.indirect_vreg.scatter [tilespmem:s8], [sflag:$0x3], $0x80, v5, vm7, $0xb8;
	[tilespmem:$0x11600] =	vst v63  }
0x25d: {  	s11 =	simm.s32 $0x5D80;
	v4 =	vperm.xlane v4, v3  }
0x25e: {  	[hbm4b:s10+s3] =	stream.indirect_vreg.scatter [tilespmem:s11], [sflag:$0x3], $0x80, v5, vm7, $0xb8;
	[tilespmem:$0x11600] =	vst v63  }
0x25f: {  	s17 =	simm.s32 $0x6580;
	v4 =	vadd.s32 v2, v4  }
0x260: {  	[hbm4b:s6+s3] =	stream.indirect_vreg.scatter [tilespmem:s17], [sflag:$0x3], $0x80, v5, vm7, $0xb8;
	[tilespmem:$0x11600] =	vst v63  }
0x261: {  	s18 =	simm.s32 $0x6D80  }
0x262: {  	[hbm4b:s7+s3] =	stream.indirect_vreg.scatter [tilespmem:s18], [sflag:$0x3], $0x80, v5, vm7, $0xb8;
	[tilespmem:$0x11600] =	vst v63  }
0x263: {  	s19 =	simm.s32 $0x7580  }
0x264: {  	[hbm4b:s0+s3] =	stream.indirect_vreg.scatter [tilespmem:s19], [sflag:$0x3], $0x80, v4, vm7, $0xb8;
	[tilespmem:$0x11600] =	vst v63  }
0x265: {  	s20 =	simm.s32 $0x7D80  }
0x266: {  	[hbm4b:s10+s3] =	stream.indirect_vreg.scatter [tilespmem:s20], [sflag:$0x3], $0x80, v4, vm7, $0xb8;
	[tilespmem:$0x11600] =	vst v63  }
0x267: {  	s22 =	simm.s32 $0x8580  }
0x268: {  	[hbm4b:s6+s3] =	stream.indirect_vreg.scatter [tilespmem:s22], [sflag:$0x3], $0x80, v4, vm7, $0xb8;
	[tilespmem:$0x11600] =	vst v63  }
0x269: {  	s25 =	simm.s32 $0x8D80  }
0x26a: {  	[hbm4b:s7+s3] =	stream.indirect_vreg.scatter [tilespmem:s25], [sflag:$0x3], $0x80, v4, vm7, $0xb8;
	[tilespmem:$0x11600] =	vst v63  }
0x26b: {  	s23 =	rddreg [dreg:$0x8]  }
0x26c: {  	[tilespmem:s9], [sflag:$0x2] =	stream.linear.gather [hbm4b:s23+s3], $0x8000, $0x38;
	[tilespmem:$0x11600] =	vst v63  }
0x26d: {  	_ =	swait.ge [sflag:s24], $0x8000  }
0x26e: {  	[sflag:s24] =	ssyncset.done $0x0  }
0x26f: {  	[sflag:s24] =	ssyncadd.s32 $0xFFFF8000  }
0x270: {  	v4 =	vld [tilespmem:$0x1200];
	_ =	sdelay $0x4  }
0x271: {  	v5 =	vshll.u32 v4, $0x3  }
0x272: {  	v4 =	vand.u32 $0x7, v4;
	v5 =	vand.u32 $0xFFFFFFC0, v5  }
0x273: {  	v4 =	vor.u32 v4, v5  }
0x274: {  	v5 =	vperm.xlane v4, v1;
	_ =	sdelay $0x1  }
0x275: {  	v5 =	vadd.s32 v2, v5;
	_ =	sdelay $0x4  }
0x276: {  	[hbm4b:s0+s3] =	stream.indirect_vreg.scatter [tilespmem:s9], [sflag:$0x4], $0x80, v5, vm7, $0xb8;
	[tilespmem:$0x11600] =	vst v63  }
0x277: {  	s28 =	simm.s32 $0x9D80;
	v4 =	vperm.xlane v4, v3  }
0x278: {  	[hbm4b:s10+s3] =	stream.indirect_vreg.scatter [tilespmem:s28], [sflag:$0x4], $0x80, v5, vm7, $0xb8;
	[tilespmem:$0x11600] =	vst v63  }
0x279: {  	s31 =	simm.s32 $0xA580;
	v4 =	vadd.s32 v2, v4  }
0x27a: {  	[hbm4b:s6+s3] =	stream.indirect_vreg.scatter [tilespmem:s31], [sflag:$0x4], $0x80, v5, vm7, $0xb8;
	[tilespmem:$0x11600] =	vst v63  }
0x27b: {  	s22 =	simm.s32 $0xAD80  }
0x27c: {  	[hbm4b:s7+s3] =	stream.indirect_vreg.scatter [tilespmem:s22], [sflag:$0x4], $0x80, v5, vm7, $0xb8;
	[tilespmem:$0x11600] =	vst v63  }
0x27d: {  	s25 =	simm.s32 $0xB580  }
0x27e: {  	[hbm4b:s0+s3] =	stream.indirect_vreg.scatter [tilespmem:s25], [sflag:$0x4], $0x80, v4, vm7, $0xb8;
	[tilespmem:$0x11600] =	vst v63  }
0x27f: {  	s26 =	simm.s32 $0xBD80  }
0x280: {  	[hbm4b:s10+s3] =	stream.indirect_vreg.scatter [tilespmem:s26], [sflag:$0x4], $0x80, v4, vm7, $0xb8;
	[tilespmem:$0x11600] =	vst v63  }
0x281: {  	s28 =	simm.s32 $0xC580  }
0x282: {  	[hbm4b:s6+s3] =	stream.indirect_vreg.scatter [tilespmem:s28], [sflag:$0x4], $0x80, v4, vm7, $0xb8;
	[tilespmem:$0x11600] =	vst v63  }
0x283: {  	s31 =	simm.s32 $0xCD80  }
0x284: {  	[hbm4b:s7+s3] =	stream.indirect_vreg.scatter [tilespmem:s31], [sflag:$0x4], $0x80, v4, vm7, $0xb8;
	[tilespmem:$0x11600] =	vst v63  }
0x285: {  	v4 =	vld [tilespmem:$0x1210];
	_ =	sdelay $0x4  }
0x286: {  	v5 =	vshll.u32 v4, $0x3  }
0x287: {  	v4 =	vand.u32 $0x7, v4;
	v5 =	vand.u32 $0xFFFFFFC0, v5  }
0x288: {  	v4 =	vor.u32 v4, v5  }
0x289: {  	v5 =	vperm.xlane v4, v1;
	_ =	sdelay $0x1  }
0x28a: {  	v5 =	vadd.s32 v2, v5;
	_ =	sdelay $0x3  }
0x28b: {  	s22 =	simm.s32 $0xD580  }
0x28c: {  	[hbm4b:s0+s3] =	stream.indirect_vreg.scatter [tilespmem:s22], [sflag:$0x4], $0x80, v5, vm7, $0xb8;
	[tilespmem:$0x11600] =	vst v63  }
0x28d: {  	s26 =	simm.s32 $0xDD80;
	v4 =	vperm.xlane v4, v3  }
0x28e: {  	[hbm4b:s10+s3] =	stream.indirect_vreg.scatter [tilespmem:s26], [sflag:$0x4], $0x80, v5, vm7, $0xb8;
	[tilespmem:$0x11600] =	vst v63  }
0x28f: {  	s31 =	simm.s32 $0xE580;
	v4 =	vadd.s32 v2, v4  }
0x290: {  	[hbm4b:s6+s3] =	stream.indirect_vreg.scatter [tilespmem:s31], [sflag:$0x4], $0x80, v5, vm7, $0xb8;
	[tilespmem:$0x11600] =	vst v63  }
0x291: {  	s26 =	simm.s32 $0xED80  }
0x292: {  	[hbm4b:s7+s3] =	stream.indirect_vreg.scatter [tilespmem:s26], [sflag:$0x4], $0x80, v5, vm7, $0xb8;
	[tilespmem:$0x11600] =	vst v63  }
0x293: {  	s31 =	simm.s32 $0xF580  }
0x294: {  	[hbm4b:s0+s3] =	stream.indirect_vreg.scatter [tilespmem:s31], [sflag:$0x4], $0x80, v4, vm7, $0xb8;
	[tilespmem:$0x11600] =	vst v63  }
0x295: {  	s26 =	simm.s32 $0xFD80  }
0x296: {  	[hbm4b:s10+s3] =	stream.indirect_vreg.scatter [tilespmem:s26], [sflag:$0x4], $0x80, v4, vm7, $0xb8;
	[tilespmem:$0x11600] =	vst v63  }
0x297: {  	s31 =	simm.s32 $0x10580  }
0x298: {  	[hbm4b:s6+s3] =	stream.indirect_vreg.scatter [tilespmem:s31], [sflag:$0x4], $0x80, v4, vm7, $0xb8;
	[tilespmem:$0x11600] =	vst v63  }
0x299: {  	s1 =	simm.s32 $0x3;
	s26 =	simm.s32 $0x10D80  }
0x29a: {  	[hbm4b:s7+s3] =	stream.indirect_vreg.scatter [tilespmem:s26], [sflag:$0x4], $0x80, v4, vm7, $0xb8;
	[tilespmem:$0x11600] =	vst v63  }
0x29b: {  	_ =	swait.ge [sflag:s1], $0x8000  }
0x29c: {  	[sflag:s1] =	ssyncset.done $0x0  }
0x29d: {  	s31 =	rddreg [dreg:$0x9];
	[sflag:s1] =	ssyncadd.s32 $0xFFFF8000  }
0x29e: {  	[tilespmem:s29], [sflag:$0x1] =	stream.linear.gather [hbm4b:s31+s3], $0x8000, $0x38;
	[tilespmem:$0x11600] =	vst v63  }
0x29f: {  	_ =	swait.ge [sflag:s30], $0x8000  }
0x2a0: {  	[sflag:s30] =	ssyncset.done $0x0  }
0x2a1: {  	[sflag:s30] =	ssyncadd.s32 $0xFFFF8000  }
0x2a2: {  	v4 =	vld [tilespmem:$0x1280];
	_ =	sdelay $0x4  }
0x2a3: {  	v5 =	vshll.u32 v4, $0x3  }
0x2a4: {  	v4 =	vand.u32 $0x7, v4;
	v5 =	vand.u32 $0xFFFFFFC0, v5  }
0x2a5: {  	v4 =	vor.u32 v4, v5  }
0x2a6: {  	v5 =	vperm.xlane v4, v1;
	_ =	sdelay $0x1  }
0x2a7: {  	v5 =	vadd.s32 v2, v5;
	_ =	sdelay $0x4  }
0x2a8: {  	[hbm4b:s0+s3] =	stream.indirect_vreg.scatter [tilespmem:s29], [sflag:$0x3], $0x80, v5, vm7, $0xb8;
	[tilespmem:$0x11600] =	vst v63  }
0x2a9: {  	s13 =	simm.s32 $0x1D80;
	v4 =	vperm.xlane v4, v3  }
0x2aa: {  	[hbm4b:s10+s3] =	stream.indirect_vreg.scatter [tilespmem:s13], [sflag:$0x3], $0x80, v5, vm7, $0xb8;
	[tilespmem:$0x11600] =	vst v63  }
0x2ab: {  	s21 =	simm.s32 $0x2580;
	v4 =	vadd.s32 v2, v4  }
0x2ac: {  	[hbm4b:s6+s3] =	stream.indirect_vreg.scatter [tilespmem:s21], [sflag:$0x3], $0x80, v5, vm7, $0xb8;
	[tilespmem:$0x11600] =	vst v63  }
0x2ad: {  	s12 =	simm.s32 $0x2D80  }
0x2ae: {  	[hbm4b:s7+s3] =	stream.indirect_vreg.scatter [tilespmem:s12], [sflag:$0x3], $0x80, v5, vm7, $0xb8;
	[tilespmem:$0x11600] =	vst v63  }
0x2af: {  	s16 =	simm.s32 $0x3580  }
0x2b0: {  	[hbm4b:s0+s3] =	stream.indirect_vreg.scatter [tilespmem:s16], [sflag:$0x3], $0x80, v4, vm7, $0xb8;
	[tilespmem:$0x11600] =	vst v63  }
0x2b1: {  	s15 =	simm.s32 $0x3D80  }
0x2b2: {  	[hbm4b:s10+s3] =	stream.indirect_vreg.scatter [tilespmem:s15], [sflag:$0x3], $0x80, v4, vm7, $0xb8;
	[tilespmem:$0x11600] =	vst v63  }
0x2b3: {  	s4 =	simm.s32 $0x4580  }
0x2b4: {  	[hbm4b:s6+s3] =	stream.indirect_vreg.scatter [tilespmem:s4], [sflag:$0x3], $0x80, v4, vm7, $0xb8;
	[tilespmem:$0x11600] =	vst v63  }
0x2b5: {  	s2 =	simm.s32 $0x4D80  }
0x2b6: {  	[hbm4b:s7+s3] =	stream.indirect_vreg.scatter [tilespmem:s2], [sflag:$0x3], $0x80, v4, vm7, $0xb8;
	[tilespmem:$0x11600] =	vst v63  }
0x2b7: {  	v4 =	vld [tilespmem:$0x1290];
	_ =	sdelay $0x4  }
0x2b8: {  	v5 =	vshll.u32 v4, $0x3  }
0x2b9: {  	v4 =	vand.u32 $0x7, v4;
	v5 =	vand.u32 $0xFFFFFFC0, v5  }
0x2ba: {  	v4 =	vor.u32 v4, v5  }
0x2bb: {  	v5 =	vperm.xlane v4, v1;
	_ =	sdelay $0x1  }
0x2bc: {  	v5 =	vadd.s32 v2, v5;
	_ =	sdelay $0x3  }
0x2bd: {  	s14 =	simm.s32 $0x5580  }
0x2be: {  	[hbm4b:s0+s3] =	stream.indirect_vreg.scatter [tilespmem:s14], [sflag:$0x3], $0x80, v5, vm7, $0xb8;
	[tilespmem:$0x11600] =	vst v63  }
0x2bf: {  	s8 =	simm.s32 $0x5D80;
	v4 =	vperm.xlane v4, v3  }
0x2c0: {  	[hbm4b:s10+s3] =	stream.indirect_vreg.scatter [tilespmem:s8], [sflag:$0x3], $0x80, v5, vm7, $0xb8;
	[tilespmem:$0x11600] =	vst v63  }
0x2c1: {  	s17 =	simm.s32 $0x6580;
	v4 =	vadd.s32 v2, v4  }
0x2c2: {  	[hbm4b:s6+s3] =	stream.indirect_vreg.scatter [tilespmem:s17], [sflag:$0x3], $0x80, v5, vm7, $0xb8;
	[tilespmem:$0x11600] =	vst v63  }
0x2c3: {  	s18 =	simm.s32 $0x6D80  }
0x2c4: {  	[hbm4b:s7+s3] =	stream.indirect_vreg.scatter [tilespmem:s18], [sflag:$0x3], $0x80, v5, vm7, $0xb8;
	[tilespmem:$0x11600] =	vst v63  }
0x2c5: {  	s19 =	simm.s32 $0x7580  }
0x2c6: {  	[hbm4b:s0+s3] =	stream.indirect_vreg.scatter [tilespmem:s19], [sflag:$0x3], $0x80, v4, vm7, $0xb8;
	[tilespmem:$0x11600] =	vst v63  }
0x2c7: {  	s20 =	simm.s32 $0x7D80  }
0x2c8: {  	[hbm4b:s10+s3] =	stream.indirect_vreg.scatter [tilespmem:s20], [sflag:$0x3], $0x80, v4, vm7, $0xb8;
	[tilespmem:$0x11600] =	vst v63  }
0x2c9: {  	s11 =	simm.s32 $0x8580  }
0x2ca: {  	[hbm4b:s6+s3] =	stream.indirect_vreg.scatter [tilespmem:s11], [sflag:$0x3], $0x80, v4, vm7, $0xb8;
	[tilespmem:$0x11600] =	vst v63  }
0x2cb: {  	s5 =	simm.s32 $0x8D80  }
0x2cc: {  	[hbm4b:s7+s3] =	stream.indirect_vreg.scatter [tilespmem:s5], [sflag:$0x3], $0x80, v4, vm7, $0xb8;
	[tilespmem:$0x11600] =	vst v63  }
0x2cd: {  	s5 =	simm.s32 $0x4  }
0x2ce: {  	_ =	swait.ge [sflag:s5], $0x8000  }
0x2cf: {  	[sflag:s5] =	ssyncset.done $0x0  }
0x2d0: {  	s18 =	rddreg [dreg:$0xa];
	[sflag:s5] =	ssyncadd.s32 $0xFFFF8000  }
0x2d1: {  	[tilespmem:s9], [sflag:$0x2] =	stream.linear.gather [hbm4b:s18+s3], $0x8000, $0x38;
	[tilespmem:$0x11600] =	vst v63  }
0x2d2: {  	_ =	swait.ge [sflag:s24], $0x8000  }
0x2d3: {  	[sflag:s24] =	ssyncset.done $0x0  }
0x2d4: {  	[sflag:s24] =	ssyncadd.s32 $0xFFFF8000  }
0x2d5: {  	v4 =	vld [tilespmem:$0x1300];
	_ =	sdelay $0x4  }
0x2d6: {  	v5 =	vshll.u32 v4, $0x3  }
0x2d7: {  	v4 =	vand.u32 $0x7, v4;
	v5 =	vand.u32 $0xFFFFFFC0, v5  }
0x2d8: {  	v4 =	vor.u32 v4, v5  }
0x2d9: {  	v5 =	vperm.xlane v4, v1;
	_ =	sdelay $0x1  }
0x2da: {  	v5 =	vadd.s32 v2, v5;
	_ =	sdelay $0x4  }
0x2db: {  	[hbm4b:s0+s3] =	stream.indirect_vreg.scatter [tilespmem:s9], [sflag:$0x4], $0x80, v5, vm7, $0xb8;
	[tilespmem:$0x11600] =	vst v63  }
0x2dc: {  	s23 =	simm.s32 $0x9D80;
	v4 =	vperm.xlane v4, v3  }
0x2dd: {  	[hbm4b:s10+s3] =	stream.indirect_vreg.scatter [tilespmem:s23], [sflag:$0x4], $0x80, v5, vm7, $0xb8;
	[tilespmem:$0x11600] =	vst v63  }
0x2de: {  	s19 =	simm.s32 $0xA580;
	v4 =	vadd.s32 v2, v4  }
0x2df: {  	[hbm4b:s6+s3] =	stream.indirect_vreg.scatter [tilespmem:s19], [sflag:$0x4], $0x80, v5, vm7, $0xb8;
	[tilespmem:$0x11600] =	vst v63  }
0x2e0: {  	s20 =	simm.s32 $0xAD80  }
0x2e1: {  	[hbm4b:s7+s3] =	stream.indirect_vreg.scatter [tilespmem:s20], [sflag:$0x4], $0x80, v5, vm7, $0xb8;
	[tilespmem:$0x11600] =	vst v63  }
0x2e2: {  	s21 =	simm.s32 $0xB580  }
0x2e3: {  	[hbm4b:s0+s3] =	stream.indirect_vreg.scatter [tilespmem:s21], [sflag:$0x4], $0x80, v4, vm7, $0xb8;
	[tilespmem:$0x11600] =	vst v63  }
0x2e4: {  	s23 =	simm.s32 $0xBD80  }
0x2e5: {  	[hbm4b:s10+s3] =	stream.indirect_vreg.scatter [tilespmem:s23], [sflag:$0x4], $0x80, v4, vm7, $0xb8;
	[tilespmem:$0x11600] =	vst v63  }
0x2e6: {  	s26 =	simm.s32 $0xC580  }
0x2e7: {  	[hbm4b:s6+s3] =	stream.indirect_vreg.scatter [tilespmem:s26], [sflag:$0x4], $0x80, v4, vm7, $0xb8;
	[tilespmem:$0x11600] =	vst v63  }
0x2e8: {  	s25 =	simm.s32 $0xCD80  }
0x2e9: {  	[hbm4b:s7+s3] =	stream.indirect_vreg.scatter [tilespmem:s25], [sflag:$0x4], $0x80, v4, vm7, $0xb8;
	[tilespmem:$0x11600] =	vst v63  }
0x2ea: {  	v4 =	vld [tilespmem:$0x1310];
	_ =	sdelay $0x4  }
0x2eb: {  	v5 =	vshll.u32 v4, $0x3  }
0x2ec: {  	v4 =	vand.u32 $0x7, v4;
	v5 =	vand.u32 $0xFFFFFFC0, v5  }
0x2ed: {  	v4 =	vor.u32 v4, v5  }
0x2ee: {  	v5 =	vperm.xlane v4, v1;
	_ =	sdelay $0x1  }
0x2ef: {  	v5 =	vadd.s32 v2, v5;
	_ =	sdelay $0x3  }
0x2f0: {  	s28 =	simm.s32 $0xD580  }
0x2f1: {  	[hbm4b:s0+s3] =	stream.indirect_vreg.scatter [tilespmem:s28], [sflag:$0x4], $0x80, v5, vm7, $0xb8;
	[tilespmem:$0x11600] =	vst v63  }
0x2f2: {  	s22 =	simm.s32 $0xDD80;
	v4 =	vperm.xlane v4, v3  }
0x2f3: {  	[hbm4b:s10+s3] =	stream.indirect_vreg.scatter [tilespmem:s22], [sflag:$0x4], $0x80, v5, vm7, $0xb8;
	[tilespmem:$0x11600] =	vst v63  }
0x2f4: {  	v4 =	vadd.s32 v2, v4;
	s28 =	simm.s32 $0xE580  }
0x2f5: {  	[hbm4b:s6+s3] =	stream.indirect_vreg.scatter [tilespmem:s28], [sflag:$0x4], $0x80, v5, vm7, $0xb8;
	[tilespmem:$0x11600] =	vst v63  }
0x2f6: {  	s12 =	simm.s32 $0xED80  }
0x2f7: {  	[hbm4b:s7+s3] =	stream.indirect_vreg.scatter [tilespmem:s12], [sflag:$0x4], $0x80, v5, vm7, $0xb8;
	[tilespmem:$0x11600] =	vst v63  }
0x2f8: {  	s13 =	simm.s32 $0xF580  }
0x2f9: {  	[hbm4b:s0+s3] =	stream.indirect_vreg.scatter [tilespmem:s13], [sflag:$0x4], $0x80, v4, vm7, $0xb8;
	[tilespmem:$0x11600] =	vst v63  }
0x2fa: {  	s14 =	simm.s32 $0xFD80  }
0x2fb: {  	[hbm4b:s10+s3] =	stream.indirect_vreg.scatter [tilespmem:s14], [sflag:$0x4], $0x80, v4, vm7, $0xb8;
	[tilespmem:$0x11600] =	vst v63  }
0x2fc: {  	s17 =	simm.s32 $0x10580  }
0x2fd: {  	[hbm4b:s6+s3] =	stream.indirect_vreg.scatter [tilespmem:s17], [sflag:$0x4], $0x80, v4, vm7, $0xb8;
	[tilespmem:$0x11600] =	vst v63  }
0x2fe: {  	s18 =	simm.s32 $0x10D80  }
0x2ff: {  	[hbm4b:s7+s3] =	stream.indirect_vreg.scatter [tilespmem:s18], [sflag:$0x4], $0x80, v4, vm7, $0xb8;
	[tilespmem:$0x11600] =	vst v63  }
0x300: {  	_ =	swait.ge [sflag:s1], $0x8000  }
0x301: {  	[sflag:s1] =	ssyncset.done $0x0  }
0x302: {  	s22 =	rddreg [dreg:$0xb];
	[sflag:s1] =	ssyncadd.s32 $0xFFFF8000  }
0x303: {  	[tilespmem:s29], [sflag:$0x1] =	stream.linear.gather [hbm4b:s22+s3], $0x8000, $0x38;
	[tilespmem:$0x11600] =	vst v63  }
0x304: {  	_ =	swait.ge [sflag:s30], $0x8000  }
0x305: {  	[sflag:s30] =	ssyncset.done $0x0  }
0x306: {  	[sflag:s30] =	ssyncadd.s32 $0xFFFF8000  }
0x307: {  	v4 =	vld [tilespmem:$0x1380];
	_ =	sdelay $0x4  }
0x308: {  	v5 =	vshll.u32 v4, $0x3  }
0x309: {  	v4 =	vand.u32 $0x7, v4;
	v5 =	vand.u32 $0xFFFFFFC0, v5  }
0x30a: {  	v4 =	vor.u32 v4, v5  }
0x30b: {  	v5 =	vperm.xlane v4, v1;
	_ =	sdelay $0x1  }
0x30c: {  	v5 =	vadd.s32 v2, v5;
	_ =	sdelay $0x4  }
0x30d: {  	[hbm4b:s0+s3] =	stream.indirect_vreg.scatter [tilespmem:s29], [sflag:$0x3], $0x80, v5, vm7, $0xb8;
	[tilespmem:$0x11600] =	vst v63  }
0x30e: {  	s25 =	simm.s32 $0x1D80;
	v4 =	vperm.xlane v4, v3  }
0x30f: {  	[hbm4b:s10+s3] =	stream.indirect_vreg.scatter [tilespmem:s25], [sflag:$0x3], $0x80, v5, vm7, $0xb8;
	[tilespmem:$0x11600] =	vst v63  }
0x310: {  	s26 =	simm.s32 $0x2580;
	v4 =	vadd.s32 v2, v4  }
0x311: {  	[hbm4b:s6+s3] =	stream.indirect_vreg.scatter [tilespmem:s26], [sflag:$0x3], $0x80, v5, vm7, $0xb8;
	[tilespmem:$0x11600] =	vst v63  }
0x312: {  	s28 =	simm.s32 $0x2D80  }
0x313: {  	[hbm4b:s7+s3] =	stream.indirect_vreg.scatter [tilespmem:s28], [sflag:$0x3], $0x80, v5, vm7, $0xb8;
	[tilespmem:$0x11600] =	vst v63  }
0x314: {  	s31 =	simm.s32 $0x3580  }
0x315: {  	[hbm4b:s0+s3] =	stream.indirect_vreg.scatter [tilespmem:s31], [sflag:$0x3], $0x80, v4, vm7, $0xb8;
	[tilespmem:$0x11600] =	vst v63  }
0x316: {  	s31 =	simm.s32 $0x3D80  }
0x317: {  	[hbm4b:s10+s3] =	stream.indirect_vreg.scatter [tilespmem:s31], [sflag:$0x3], $0x80, v4, vm7, $0xb8;
	[tilespmem:$0x11600] =	vst v63  }
0x318: {  	s25 =	simm.s32 $0x4580  }
0x319: {  	[hbm4b:s6+s3] =	stream.indirect_vreg.scatter [tilespmem:s25], [sflag:$0x3], $0x80, v4, vm7, $0xb8;
	[tilespmem:$0x11600] =	vst v63  }
0x31a: {  	s26 =	simm.s32 $0x4D80  }
0x31b: {  	[hbm4b:s7+s3] =	stream.indirect_vreg.scatter [tilespmem:s26], [sflag:$0x3], $0x80, v4, vm7, $0xb8;
	[tilespmem:$0x11600] =	vst v63  }
0x31c: {  	v4 =	vld [tilespmem:$0x1390];
	_ =	sdelay $0x4  }
0x31d: {  	v5 =	vshll.u32 v4, $0x3  }
0x31e: {  	v4 =	vand.u32 $0x7, v4;
	v5 =	vand.u32 $0xFFFFFFC0, v5  }
0x31f: {  	v4 =	vor.u32 v4, v5  }
0x320: {  	v5 =	vperm.xlane v4, v1;
	_ =	sdelay $0x1  }
0x321: {  	v5 =	vadd.s32 v2, v5;
	_ =	sdelay $0x3  }
0x322: {  	s28 =	simm.s32 $0x5580  }
0x323: {  	[hbm4b:s0+s3] =	stream.indirect_vreg.scatter [tilespmem:s28], [sflag:$0x3], $0x80, v5, vm7, $0xb8;
	[tilespmem:$0x11600] =	vst v63  }
0x324: {  	s31 =	simm.s32 $0x5D80;
	v4 =	vperm.xlane v4, v3  }
0x325: {  	[hbm4b:s10+s3] =	stream.indirect_vreg.scatter [tilespmem:s31], [sflag:$0x3], $0x80, v5, vm7, $0xb8;
	[tilespmem:$0x11600] =	vst v63  }
0x326: {  	s8 =	simm.s32 $0x6580;
	v4 =	vadd.s32 v2, v4  }
0x327: {  	[hbm4b:s6+s3] =	stream.indirect_vreg.scatter [tilespmem:s8], [sflag:$0x3], $0x80, v5, vm7, $0xb8;
	[tilespmem:$0x11600] =	vst v63  }
0x328: {  	s25 =	simm.s32 $0x6D80  }
0x329: {  	[hbm4b:s7+s3] =	stream.indirect_vreg.scatter [tilespmem:s25], [sflag:$0x3], $0x80, v5, vm7, $0xb8;
	[tilespmem:$0x11600] =	vst v63  }
0x32a: {  	s26 =	simm.s32 $0x7580  }
0x32b: {  	[hbm4b:s0+s3] =	stream.indirect_vreg.scatter [tilespmem:s26], [sflag:$0x3], $0x80, v4, vm7, $0xb8;
	[tilespmem:$0x11600] =	vst v63  }
0x32c: {  	s28 =	simm.s32 $0x7D80  }
0x32d: {  	[hbm4b:s10+s3] =	stream.indirect_vreg.scatter [tilespmem:s28], [sflag:$0x3], $0x80, v4, vm7, $0xb8;
	[tilespmem:$0x11600] =	vst v63  }
0x32e: {  	s31 =	simm.s32 $0x8580  }
0x32f: {  	[hbm4b:s6+s3] =	stream.indirect_vreg.scatter [tilespmem:s31], [sflag:$0x3], $0x80, v4, vm7, $0xb8;
	[tilespmem:$0x11600] =	vst v63  }
0x330: {  	s22 =	simm.s32 $0x8D80  }
0x331: {  	[hbm4b:s7+s3] =	stream.indirect_vreg.scatter [tilespmem:s22], [sflag:$0x3], $0x80, v4, vm7, $0xb8;
	[tilespmem:$0x11600] =	vst v63  }
0x332: {  	_ =	swait.ge [sflag:s5], $0x8000  }
0x333: {  	[sflag:s5] =	ssyncset.done $0x0  }
0x334: {  	s25 =	rddreg [dreg:$0xc];
	[sflag:s5] =	ssyncadd.s32 $0xFFFF8000  }
0x335: {  	[tilespmem:s9], [sflag:$0x2] =	stream.linear.gather [hbm4b:s25+s3], $0x8000, $0x38;
	[tilespmem:$0x11600] =	vst v63  }
0x336: {  	_ =	swait.ge [sflag:s24], $0x8000  }
0x337: {  	[sflag:s24] =	ssyncset.done $0x0  }
0x338: {  	[sflag:s24] =	ssyncadd.s32 $0xFFFF8000  }
0x339: {  	v4 =	vld [tilespmem:$0x1400];
	_ =	sdelay $0x4  }
0x33a: {  	v5 =	vshll.u32 v4, $0x3  }
0x33b: {  	v4 =	vand.u32 $0x7, v4;
	v5 =	vand.u32 $0xFFFFFFC0, v5  }
0x33c: {  	v4 =	vor.u32 v4, v5  }
0x33d: {  	v5 =	vperm.xlane v4, v1;
	_ =	sdelay $0x1  }
0x33e: {  	v5 =	vadd.s32 v2, v5;
	_ =	sdelay $0x4  }
0x33f: {  	[hbm4b:s0+s3] =	stream.indirect_vreg.scatter [tilespmem:s9], [sflag:$0x4], $0x80, v5, vm7, $0xb8;
	[tilespmem:$0x11600] =	vst v63  }
0x340: {  	s15 =	simm.s32 $0x9D80;
	v4 =	vperm.xlane v4, v3  }
0x341: {  	[hbm4b:s10+s3] =	stream.indirect_vreg.scatter [tilespmem:s15], [sflag:$0x4], $0x80, v5, vm7, $0xb8;
	[tilespmem:$0x11600] =	vst v63  }
0x342: {  	s2 =	simm.s32 $0xA580;
	v4 =	vadd.s32 v2, v4  }
0x343: {  	[hbm4b:s6+s3] =	stream.indirect_vreg.scatter [tilespmem:s2], [sflag:$0x4], $0x80, v5, vm7, $0xb8;
	[tilespmem:$0x11600] =	vst v63  }
0x344: {  	s16 =	simm.s32 $0xAD80  }
0x345: {  	[hbm4b:s7+s3] =	stream.indirect_vreg.scatter [tilespmem:s16], [sflag:$0x4], $0x80, v5, vm7, $0xb8;
	[tilespmem:$0x11600] =	vst v63  }
0x346: {  	s4 =	simm.s32 $0xB580  }
0x347: {  	[hbm4b:s0+s3] =	stream.indirect_vreg.scatter [tilespmem:s4], [sflag:$0x4], $0x80, v4, vm7, $0xb8;
	[tilespmem:$0x11600] =	vst v63  }
0x348: {  	s28 =	simm.s32 $0xBD80  }
0x349: {  	[hbm4b:s10+s3] =	stream.indirect_vreg.scatter [tilespmem:s28], [sflag:$0x4], $0x80, v4, vm7, $0xb8;
	[tilespmem:$0x11600] =	vst v63  }
0x34a: {  	s21 =	simm.s32 $0xC580  }
0x34b: {  	[hbm4b:s6+s3] =	stream.indirect_vreg.scatter [tilespmem:s21], [sflag:$0x4], $0x80, v4, vm7, $0xb8;
	[tilespmem:$0x11600] =	vst v63  }
0x34c: {  	s23 =	simm.s32 $0xCD80  }
0x34d: {  	[hbm4b:s7+s3] =	stream.indirect_vreg.scatter [tilespmem:s23], [sflag:$0x4], $0x80, v4, vm7, $0xb8;
	[tilespmem:$0x11600] =	vst v63  }
0x34e: {  	v4 =	vld [tilespmem:$0x1410];
	_ =	sdelay $0x4  }
0x34f: {  	v5 =	vshll.u32 v4, $0x3  }
0x350: {  	v4 =	vand.u32 $0x7, v4;
	v5 =	vand.u32 $0xFFFFFFC0, v5  }
0x351: {  	v4 =	vor.u32 v4, v5  }
0x352: {  	v5 =	vperm.xlane v4, v1;
	_ =	sdelay $0x1  }
0x353: {  	v5 =	vadd.s32 v2, v5;
	_ =	sdelay $0x3  }
0x354: {  	s31 =	simm.s32 $0xD580  }
0x355: {  	[hbm4b:s0+s3] =	stream.indirect_vreg.scatter [tilespmem:s31], [sflag:$0x4], $0x80, v5, vm7, $0xb8;
	[tilespmem:$0x11600] =	vst v63  }
0x356: {  	s20 =	simm.s32 $0xDD80;
	v4 =	vperm.xlane v4, v3  }
0x357: {  	[hbm4b:s10+s3] =	stream.indirect_vreg.scatter [tilespmem:s20], [sflag:$0x4], $0x80, v5, vm7, $0xb8;
	[tilespmem:$0x11600] =	vst v63  }
0x358: {  	s19 =	simm.s32 $0xE580;
	v4 =	vadd.s32 v2, v4  }
0x359: {  	[hbm4b:s6+s3] =	stream.indirect_vreg.scatter [tilespmem:s19], [sflag:$0x4], $0x80, v5, vm7, $0xb8;
	[tilespmem:$0x11600] =	vst v63  }
0x35a: {  	s11 =	simm.s32 $0xED80  }
0x35b: {  	[hbm4b:s7+s3] =	stream.indirect_vreg.scatter [tilespmem:s11], [sflag:$0x4], $0x80, v5, vm7, $0xb8;
	[tilespmem:$0x11600] =	vst v63  }
0x35c: {  	s12 =	simm.s32 $0xF580  }
0x35d: {  	[hbm4b:s0+s3] =	stream.indirect_vreg.scatter [tilespmem:s12], [sflag:$0x4], $0x80, v4, vm7, $0xb8;
	[tilespmem:$0x11600] =	vst v63  }
0x35e: {  	s13 =	simm.s32 $0xFD80  }
0x35f: {  	[hbm4b:s10+s3] =	stream.indirect_vreg.scatter [tilespmem:s13], [sflag:$0x4], $0x80, v4, vm7, $0xb8;
	[tilespmem:$0x11600] =	vst v63  }
0x360: {  	s14 =	simm.s32 $0x10580  }
0x361: {  	[hbm4b:s6+s3] =	stream.indirect_vreg.scatter [tilespmem:s14], [sflag:$0x4], $0x80, v4, vm7, $0xb8;
	[tilespmem:$0x11600] =	vst v63  }
0x362: {  	s18 =	simm.s32 $0x10D80  }
0x363: {  	[hbm4b:s7+s3] =	stream.indirect_vreg.scatter [tilespmem:s18], [sflag:$0x4], $0x80, v4, vm7, $0xb8;
	[tilespmem:$0x11600] =	vst v63  }
0x364: {  	_ =	swait.ge [sflag:s1], $0x8000  }
0x365: {  	[sflag:s1] =	ssyncset.done $0x0  }
0x366: {  	s18 =	rddreg [dreg:$0xd];
	[sflag:s1] =	ssyncadd.s32 $0xFFFF8000  }
0x367: {  	[tilespmem:s29], [sflag:$0x1] =	stream.linear.gather [hbm4b:s18+s3], $0x8000, $0x38;
	[tilespmem:$0x11600] =	vst v63  }
0x368: {  	_ =	swait.ge [sflag:s30], $0x8000  }
0x369: {  	[sflag:s30] =	ssyncset.done $0x0  }
0x36a: {  	[sflag:s30] =	ssyncadd.s32 $0xFFFF8000  }
0x36b: {  	v4 =	vld [tilespmem:$0x1480];
	_ =	sdelay $0x4  }
0x36c: {  	v5 =	vshll.u32 v4, $0x3  }
0x36d: {  	v4 =	vand.u32 $0x7, v4;
	v5 =	vand.u32 $0xFFFFFFC0, v5  }
0x36e: {  	v4 =	vor.u32 v4, v5  }
0x36f: {  	v5 =	vperm.xlane v4, v1;
	_ =	sdelay $0x1  }
0x370: {  	v5 =	vadd.s32 v2, v5;
	_ =	sdelay $0x4  }
0x371: {  	[hbm4b:s0+s3] =	stream.indirect_vreg.scatter [tilespmem:s29], [sflag:$0x3], $0x80, v5, vm7, $0xb8;
	[tilespmem:$0x11600] =	vst v63  }
0x372: {  	s19 =	simm.s32 $0x1D80;
	v4 =	vperm.xlane v4, v3  }
0x373: {  	[hbm4b:s10+s3] =	stream.indirect_vreg.scatter [tilespmem:s19], [sflag:$0x3], $0x80, v5, vm7, $0xb8;
	[tilespmem:$0x11600] =	vst v63  }
0x374: {  	s20 =	simm.s32 $0x2580;
	v4 =	vadd.s32 v2, v4  }
0x375: {  	[hbm4b:s6+s3] =	stream.indirect_vreg.scatter [tilespmem:s20], [sflag:$0x3], $0x80, v5, vm7, $0xb8;
	[tilespmem:$0x11600] =	vst v63  }
0x376: {  	s26 =	simm.s32 $0x2D80  }
0x377: {  	[hbm4b:s7+s3] =	stream.indirect_vreg.scatter [tilespmem:s26], [sflag:$0x3], $0x80, v5, vm7, $0xb8;
	[tilespmem:$0x11600] =	vst v63  }
0x378: {  	s17 =	simm.s32 $0x3580  }
0x379: {  	[hbm4b:s0+s3] =	stream.indirect_vreg.scatter [tilespmem:s17], [sflag:$0x3], $0x80, v4, vm7, $0xb8;
	[tilespmem:$0x11600] =	vst v63  }
0x37a: {  	s19 =	simm.s32 $0x3D80  }
0x37b: {  	[hbm4b:s10+s3] =	stream.indirect_vreg.scatter [tilespmem:s19], [sflag:$0x3], $0x80, v4, vm7, $0xb8;
	[tilespmem:$0x11600] =	vst v63  }
0x37c: {  	s20 =	simm.s32 $0x4580  }
0x37d: {  	[hbm4b:s6+s3] =	stream.indirect_vreg.scatter [tilespmem:s20], [sflag:$0x3], $0x80, v4, vm7, $0xb8;
	[tilespmem:$0x11600] =	vst v63  }
0x37e: {  	s26 =	simm.s32 $0x4D80  }
0x37f: {  	[hbm4b:s7+s3] =	stream.indirect_vreg.scatter [tilespmem:s26], [sflag:$0x3], $0x80, v4, vm7, $0xb8;
	[tilespmem:$0x11600] =	vst v63  }
0x380: {  	v4 =	vld [tilespmem:$0x1490];
	_ =	sdelay $0x4  }
0x381: {  	v5 =	vshll.u32 v4, $0x3  }
0x382: {  	v4 =	vand.u32 $0x7, v4;
	v5 =	vand.u32 $0xFFFFFFC0, v5  }
0x383: {  	v4 =	vor.u32 v4, v5  }
0x384: {  	v5 =	vperm.xlane v4, v1;
	_ =	sdelay $0x1  }
0x385: {  	v5 =	vadd.s32 v2, v5;
	_ =	sdelay $0x3  }
0x386: {  	s19 =	simm.s32 $0x5580  }
0x387: {  	[hbm4b:s0+s3] =	stream.indirect_vreg.scatter [tilespmem:s19], [sflag:$0x3], $0x80, v5, vm7, $0xb8;
	[tilespmem:$0x11600] =	vst v63  }
0x388: {  	s20 =	simm.s32 $0x5D80;
	v4 =	vperm.xlane v4, v3  }
0x389: {  	[hbm4b:s10+s3] =	stream.indirect_vreg.scatter [tilespmem:s20], [sflag:$0x3], $0x80, v5, vm7, $0xb8;
	[tilespmem:$0x11600] =	vst v63  }
0x38a: {  	s26 =	simm.s32 $0x6580;
	v4 =	vadd.s32 v2, v4  }
0x38b: {  	[hbm4b:s6+s3] =	stream.indirect_vreg.scatter [tilespmem:s26], [sflag:$0x3], $0x80, v5, vm7, $0xb8;
	[tilespmem:$0x11600] =	vst v63  }
0x38c: {  	s19 =	simm.s32 $0x6D80  }
0x38d: {  	[hbm4b:s7+s3] =	stream.indirect_vreg.scatter [tilespmem:s19], [sflag:$0x3], $0x80, v5, vm7, $0xb8;
	[tilespmem:$0x11600] =	vst v63  }
0x38e: {  	s20 =	simm.s32 $0x7580  }
0x38f: {  	[hbm4b:s0+s3] =	stream.indirect_vreg.scatter [tilespmem:s20], [sflag:$0x3], $0x80, v4, vm7, $0xb8;
	[tilespmem:$0x11600] =	vst v63  }
0x390: {  	s26 =	simm.s32 $0x7D80  }
0x391: {  	[hbm4b:s10+s3] =	stream.indirect_vreg.scatter [tilespmem:s26], [sflag:$0x3], $0x80, v4, vm7, $0xb8;
	[tilespmem:$0x11600] =	vst v63  }
0x392: {  	s19 =	simm.s32 $0x8580  }
0x393: {  	[hbm4b:s6+s3] =	stream.indirect_vreg.scatter [tilespmem:s19], [sflag:$0x3], $0x80, v4, vm7, $0xb8;
	[tilespmem:$0x11600] =	vst v63  }
0x394: {  	s8 =	simm.s32 $0x8D80  }
0x395: {  	[hbm4b:s7+s3] =	stream.indirect_vreg.scatter [tilespmem:s8], [sflag:$0x3], $0x80, v4, vm7, $0xb8;
	[tilespmem:$0x11600] =	vst v63  }
0x396: {  	s17 =	rddreg [dreg:$0x12];
	_ =	swait.ge [sflag:s5], $0x8000  }
0x397: {  	[sflag:s5] =	ssyncset.done $0x0  }
0x398: {  	s20 =	rddreg [dreg:$0xe];
	[sflag:s5] =	ssyncadd.s32 $0xFFFF8000  }
0x399: {  	[tilespmem:s9], [sflag:$0x2] =	stream.linear.gather [hbm4b:s20+s3], $0x8000, $0x38;
	[tilespmem:$0x11600] =	vst v63  }
0x39a: {  	_ =	swait.ge [sflag:s24], $0x8000  }
0x39b: {  	[sflag:s24] =	ssyncset.done $0x0  }
0x39c: {  	[sflag:s24] =	ssyncadd.s32 $0xFFFF8000  }
0x39d: {  	v4 =	vld [tilespmem:$0x1500];
	_ =	sdelay $0x4  }
0x39e: {  	v5 =	vshll.u32 v4, $0x3  }
0x39f: {  	v4 =	vand.u32 $0x7, v4;
	v5 =	vand.u32 $0xFFFFFFC0, v5  }
0x3a0: {  	v4 =	vor.u32 v4, v5  }
0x3a1: {  	v5 =	vperm.xlane v4, v1;
	_ =	sdelay $0x1  }
0x3a2: {  	v5 =	vadd.s32 v2, v5;
	_ =	sdelay $0x4  }
0x3a3: {  	[hbm4b:s0+s3] =	stream.indirect_vreg.scatter [tilespmem:s9], [sflag:$0x4], $0x80, v5, vm7, $0xb8;
	[tilespmem:$0x11600] =	vst v63  }
0x3a4: {  	s15 =	simm.s32 $0x9D80;
	v4 =	vperm.xlane v4, v3  }
0x3a5: {  	[hbm4b:s10+s3] =	stream.indirect_vreg.scatter [tilespmem:s15], [sflag:$0x4], $0x80, v5, vm7, $0xb8;
	[tilespmem:$0x11600] =	vst v63  }
0x3a6: {  	s25 =	simm.s32 $0xA580;
	v4 =	vadd.s32 v2, v4  }
0x3a7: {  	[hbm4b:s6+s3] =	stream.indirect_vreg.scatter [tilespmem:s25], [sflag:$0x4], $0x80, v5, vm7, $0xb8;
	[tilespmem:$0x11600] =	vst v63  }
0x3a8: {  	s16 =	simm.s32 $0xAD80  }
0x3a9: {  	[hbm4b:s7+s3] =	stream.indirect_vreg.scatter [tilespmem:s16], [sflag:$0x4], $0x80, v5, vm7, $0xb8;
	[tilespmem:$0x11600] =	vst v63  }
0x3aa: {  	s2 =	simm.s32 $0xB580  }
0x3ab: {  	[hbm4b:s0+s3] =	stream.indirect_vreg.scatter [tilespmem:s2], [sflag:$0x4], $0x80, v4, vm7, $0xb8;
	[tilespmem:$0x11600] =	vst v63  }
0x3ac: {  	s28 =	simm.s32 $0xBD80  }
0x3ad: {  	[hbm4b:s10+s3] =	stream.indirect_vreg.scatter [tilespmem:s28], [sflag:$0x4], $0x80, v4, vm7, $0xb8;
	[tilespmem:$0x11600] =	vst v63  }
0x3ae: {  	s22 =	simm.s32 $0xC580  }
0x3af: {  	[hbm4b:s6+s3] =	stream.indirect_vreg.scatter [tilespmem:s22], [sflag:$0x4], $0x80, v4, vm7, $0xb8;
	[tilespmem:$0x11600] =	vst v63  }
0x3b0: {  	s23 =	simm.s32 $0xCD80  }
0x3b1: {  	[hbm4b:s7+s3] =	stream.indirect_vreg.scatter [tilespmem:s23], [sflag:$0x4], $0x80, v4, vm7, $0xb8;
	[tilespmem:$0x11600] =	vst v63  }
0x3b2: {  	v4 =	vld [tilespmem:$0x1510];
	_ =	sdelay $0x4  }
0x3b3: {  	v5 =	vshll.u32 v4, $0x3  }
0x3b4: {  	v4 =	vand.u32 $0x7, v4;
	v5 =	vand.u32 $0xFFFFFFC0, v5  }
0x3b5: {  	v4 =	vor.u32 v4, v5  }
0x3b6: {  	v5 =	vperm.xlane v4, v1;
	_ =	sdelay $0x1  }
0x3b7: {  	v5 =	vadd.s32 v2, v5;
	_ =	sdelay $0x3  }
0x3b8: {  	s28 =	simm.s32 $0xD580  }
0x3b9: {  	[hbm4b:s0+s3] =	stream.indirect_vreg.scatter [tilespmem:s28], [sflag:$0x4], $0x80, v5, vm7, $0xb8;
	[tilespmem:$0x11600] =	vst v63  }
0x3ba: {  	s21 =	simm.s32 $0xDD80;
	v4 =	vperm.xlane v4, v3  }
0x3bb: {  	[hbm4b:s10+s3] =	stream.indirect_vreg.scatter [tilespmem:s21], [sflag:$0x4], $0x80, v5, vm7, $0xb8;
	[tilespmem:$0x11600] =	vst v63  }
0x3bc: {  	s31 =	simm.s32 $0xE580;
	v4 =	vadd.s32 v2, v4  }
0x3bd: {  	[hbm4b:s6+s3] =	stream.indirect_vreg.scatter [tilespmem:s31], [sflag:$0x4], $0x80, v5, vm7, $0xb8;
	[tilespmem:$0x11600] =	vst v63  }
0x3be: {  	s4 =	simm.s32 $0xED80  }
0x3bf: {  	[hbm4b:s7+s3] =	stream.indirect_vreg.scatter [tilespmem:s4], [sflag:$0x4], $0x80, v5, vm7, $0xb8;
	[tilespmem:$0x11600] =	vst v63  }
0x3c0: {  	s11 =	simm.s32 $0xF580  }
0x3c1: {  	[hbm4b:s0+s3] =	stream.indirect_vreg.scatter [tilespmem:s11], [sflag:$0x4], $0x80, v4, vm7, $0xb8;
	[tilespmem:$0x11600] =	vst v63  }
0x3c2: {  	s12 =	simm.s32 $0xFD80  }
0x3c3: {  	[hbm4b:s10+s3] =	stream.indirect_vreg.scatter [tilespmem:s12], [sflag:$0x4], $0x80, v4, vm7, $0xb8;
	[tilespmem:$0x11600] =	vst v63  }
0x3c4: {  	s13 =	simm.s32 $0x10580  }
0x3c5: {  	[hbm4b:s6+s3] =	stream.indirect_vreg.scatter [tilespmem:s13], [sflag:$0x4], $0x80, v4, vm7, $0xb8;
	[tilespmem:$0x11600] =	vst v63  }
0x3c6: {  	s14 =	simm.s32 $0x10D80;
	s17 =	sadd.s32 $0xFFFFFFFF, s17  }
0x3c7: {  	[hbm4b:s7+s3] =	stream.indirect_vreg.scatter [tilespmem:s14], [sflag:$0x4], $0x80, v4, vm7, $0xb8;
	[tilespmem:$0x11600] =	vst v63  }
0x3c8: {  	p1 =	sne.s32 s17, $0x0;
	_ =	swait.ge [sflag:s1], $0x8000  }
.Ltmp0:
0x3c9: {  	[sflag:s1] =	ssyncset.done $0x0;
	(pc) =	sbr.rel @p1 .LBB2_1-.Ltmp0, $4  }
0x3ca: {  	[sflag:s1] =	ssyncadd.s32 $0xFFFF8000  }
0x3cb: {  	_ =	swait.ge [sflag:s5], $0x8000  }
0x3cc: {  	[sflag:s5] =	ssyncset.done $0x0  }
0x3cd: {  	[sflag:s5] =	ssyncadd.s32 $0xFFFF8000  }
0x3ce: {  	_ =	sfence.sel $0x180000  }
0x3cf: {  	[bflag:$0x0] =	sbarrier.arrive $0xFFFF  }
0x3d0: {  	_ =	strace $0x90000047  }
0x3d1: {  	s0 =	stileid.u32;
	[bflag:$0x2] =	sbarrier.arrive $0xFFFF  }
0x3d2: {  	p0 =	sne.s32 s0, $0x0;
	s0 =	rddreg [dreg:$0x3]  }
0x3d3: {  	s0 =	sadd.s32 @!p0 $0x100000, s0  }
0x3d4: {  	[sflag:s0] =	ssyncadd.tile.s32 @!p0 $0x1;
	_ =	shalt  }
.Lfunc_end2:
_tile_overlayer_lowered:
.L_overlay_start_2:
0x3d5: {  	(tag) =	ssettag $0x2  }
0x3d6: {  	s0 =	rddreg [dreg:$0x0];
	s2 =	stileid.u32  }
0x3d7: {  	s1 =	rddreg [dreg:$0x1];
	p0 =	sne.s32 s2, $0x0  }
0x3d8: {  	s3 =	rddreg [dreg:$0x2];
	[bflag:$0x3] =	sbarrier.arrive $0xFFFF;
	s2 =	simm.s32 @!p0 $0x1C05  }
0x3d9: {  	[timem:s3], [sflag:s2] =	dma.local @!p0 [hbm:s0], s1  }
0x3da: {  	s0 =	simm.s32 @!p0 $0x5  }
0x3db: {  	_ =	swait.ge @!p0 [sflag:s0], s1  }
0x3dc: {  	s1 =	ssub.s32 @!p0 $0x0, s1;
	[sflag:s0] =	ssyncset.done @!p0 $0x0  }
0x3dd: {  	[sflag:s0] =	ssyncadd.s32 @!p0 s1  }
0x3de: {  	[bflag:$0x3] =	sbarrier.arrive $0xFFFF  }
0x3df: {  	_ =	shalt  }

// kernel: kernel.9.cloned.1.call-start
scs
__scs_entry_jumppad:
0x0: {  	(pc) =	sbr.rel $0x88, $3  }
0x1: {  	(tag) =	ssettag $0x0;
	lr =	simm.s32 $0x1  }
0x2: {  	[smem:$0x3F98] =	sst lr;
	_ =	strace $0xD0000000  }
0x3: {  	_ = 	snop  }
0x4: {  	_ = 	snop  }
0x5: {  	_ = 	snop  }
0x6: {  	_ = 	snop  }
0x7: {  	_ = 	snop  }
__scs_overlays_trampoline_lowered:
0x8: {  	[smem:$0x3FA7] =	sst s0  }
0x9: {  	[smem:$0x3FA8] =	sst s1  }
0xa: {  	[smem:$0x3FA9] =	sst s2  }
0xb: {  	[smem:$0x3FAA] =	sst s3  }
0xc: {  	[smem:$0x3FAB] =	sst s4  }
0xd: {  	[smem:$0x3FAC] =	sst s5  }
0xe: {  	[smem:$0x3FAD] =	sst s6  }
0xf: {  	[smem:$0x3FAE] =	sst s7  }
0x10: {  	[smem:$0x3FAF] =	sst s8  }
0x11: {  	[smem:$0x3FB0] =	sst s9;
	s0 =	simm.s32 @!p0 $0x0  }
0x12: {  	s1 =	sld [smem:$0x3F96];
	s0 =	simm.s32 @p0 $0x1  }
0x13: {  	[smem:$0x3FB1] =	sst s0;
	s0 =	simm.s32 @!p1 $0x0  }
0x14: {  	s2 =	sld [smem:$0x3F95];
	s0 =	simm.s32 @p1 $0x1  }
0x15: {  	[smem:$0x3FB2] =	sst s0;
	s0 =	simm.s32 @!p2 $0x0  }
0x16: {  	s3 =	sld [smem:$0x3FDB];
	s0 =	simm.s32 @p2 $0x1  }
0x17: {  	s4 =	simm.s32 $0x1BF5;
	[smem:$0x3FB4] =	sst s0  }
0x18: {  	s0 =	sld [smem:$0x3F97];
	_ =	swait.ge [sflag:s4], $0x0  }
0x19: {  	s7 =	sld [smem:$0x3F98]  }
0x1a: {  	s8 =	sadd.s32 $0xFFFFE003, lr  }
0x1b: {  	s9 =	sadd.s32 $0xFFFFFEF7, lr;
	s5 =	simm.s32 $0xFFFFFFFF;
	p2 =	slt.u32 s8, $0xFFFFF086  }
0x1c: {  	p1 =	slt.u32 s9, $0xF7A;
	s5 =	simm.s32 @!p2 $0x0  }
0x1d: {  	s5 =	simm.s32 @p1 $0x1;
	p0 =	seq.s32 s7, s2  }
0x1e: {  	s7 =	smul.u32 @!p0 $0xF7A, s2;
	p2 =	seq.s32 @!p0 s5, $0x0  }
0x1f: {  	s9 =	smul.u32 $0xF7A, s1;
	s8 =	simm.s32 @!p0 $0x1BF5;
	p2 =	por !p2, p0  }
0x20: {  	[sflag:s8] =	ssyncset.s32 @!p0 $0xFFFFF086;
	s6 =	sadd.s32 @!p0 s3, s7;
	s7 =	simm.s32 @!p0 $0x108  }
0x21: {  	s3 =	sadd.s32 s3, s9;
	s6 =	sadd.s32 @!p0 $0x88, s6;
	s7 =	simm.s32 @p2 $0x1082  }
0x22: {  	[simem:s7], [sflag:s8] =	dma.local @!p0 [hbm:s6], $0xF7A  }
0x23: {  	s9 =	sor.u32 $0xD0000000, s2;
	s6 =	simm.s32 $0x108;
	_ =	swait.ge @!p0 [sflag:s8], $0x0  }
0x24: {  	s3 =	sadd.s32 $0x88, s3;
	s6 =	simm.s32 @!p1 $0x1082;
	[sflag:s4] =	ssyncset.s32 $0xFFFFF086  }
0x25: {  	[simem:s6], [sflag:s4] =	dma.local [hbm:s3], $0xF7A  }
0x26: {  	[smem:$0x3F98] =	sst s1;
	(tag) =	ssettag s2;
	_ =	strace s9  }
0x27: {  	s1 =	sld [smem:$0x3FA8]  }
0x28: {  	s2 =	sld [smem:$0x3FA9]  }
0x29: {  	s4 =	sld [smem:$0x3FAB]  }
0x2a: {  	p0 =	seq.s32 s5, $0x0;
	s5 =	sld [smem:$0x3FAC]  }
0x2b: {  	s6 =	sld [smem:$0x3FAD]  }
0x2c: {  	s7 =	sld [smem:$0x3FAE]  }
0x2d: {  	s3 =	simm.s32 $0x108;
	s8 =	sld [smem:$0x3FAF]  }
0x2e: {  	s3 =	simm.s32 @!p0 $0x1082;
	s9 =	sld [smem:$0x3FB0]  }
0x2f: {  	lr =	sadd.s32 s0, s3;
	s0 =	sld [smem:$0x3FA7]  }
0x30: {  	s3 =	sld [smem:$0x3FAA]  }
0x31: {  	[smem:$0x3FB3] =	sst s10  }
0x32: {  	s10 =	sld [smem:$0x3FB1];
	_ =	sdelay $0x3  }
0x33: {  	p0 =	seq.s32 s10, $0x1;
	s10 =	sld [smem:$0x3FB3];
	_ =	sdelay $0x3  }
0x34: {  	[smem:$0x3FB3] =	sst s10  }
0x35: {  	s10 =	sld [smem:$0x3FB2];
	_ =	sdelay $0x3  }
0x36: {  	p1 =	seq.s32 s10, $0x1;
	s10 =	sld [smem:$0x3FB3];
	_ =	sdelay $0x3  }
0x37: {  	[smem:$0x3FB3] =	sst s10  }
0x38: {  	s10 =	sld [smem:$0x3FB4]  }
0x39: {  	_ = 	snop;
	(pc) =	sbr.ind lr, $3  }
0x3a: {  	_ = 	snop  }
0x3b: {  	_ = 	snop  }
0x3c: {  	p2 =	seq.s32 s10, $0x1;
	s10 =	sld [smem:$0x3FB3]  }
0x3d: {  	_ =	shalt  }
0x3e: {  	_ =	shalt  }
0x3f: {  	_ =	shalt  }
0x40: {  	_ =	shalt  }
0x41: {  	_ =	shalt  }
0x42: {  	_ =	shalt  }
0x43: {  	_ =	shalt  }
0x44: {  	_ =	shalt  }
0x45: {  	_ =	shalt  }
0x46: {  	_ =	shalt  }
0x47: {  	_ =	shalt  }
0x48: {  	_ =	shalt  }
0x49: {  	_ =	shalt  }
0x4a: {  	_ =	shalt  }
0x4b: {  	_ =	shalt  }
0x4c: {  	_ =	shalt  }
0x4d: {  	_ =	shalt  }
0x4e: {  	_ =	shalt  }
0x4f: {  	_ =	shalt  }
0x50: {  	_ =	shalt  }
0x51: {  	_ =	shalt  }
0x52: {  	_ =	shalt  }
0x53: {  	_ =	shalt  }
0x54: {  	_ =	shalt  }
0x55: {  	_ =	shalt  }
0x56: {  	_ =	shalt  }
0x57: {  	_ =	shalt  }
0x58: {  	_ =	shalt  }
0x59: {  	_ =	shalt  }
0x5a: {  	_ =	shalt  }
0x5b: {  	_ =	shalt  }
0x5c: {  	_ =	shalt  }
0x5d: {  	_ =	shalt  }
0x5e: {  	_ =	shalt  }
0x5f: {  	_ =	shalt  }
0x60: {  	_ =	shalt  }
0x61: {  	_ =	shalt  }
0x62: {  	_ =	shalt  }
0x63: {  	_ =	shalt  }
0x64: {  	_ =	shalt  }
0x65: {  	_ =	shalt  }
0x66: {  	_ =	shalt  }
0x67: {  	_ =	shalt  }
0x68: {  	_ =	shalt  }
0x69: {  	_ =	shalt  }
0x6a: {  	_ =	shalt  }
0x6b: {  	_ =	shalt  }
0x6c: {  	_ =	shalt  }
0x6d: {  	_ =	shalt  }
0x6e: {  	_ =	shalt  }
0x6f: {  	_ =	shalt  }
0x70: {  	_ =	shalt  }
0x71: {  	_ =	shalt  }
0x72: {  	_ =	shalt  }
0x73: {  	_ =	shalt  }
0x74: {  	_ =	shalt  }
0x75: {  	_ =	shalt  }
0x76: {  	_ =	shalt  }
0x77: {  	_ =	shalt  }
0x78: {  	_ =	shalt  }
0x79: {  	_ =	shalt  }
0x7a: {  	_ =	shalt  }
0x7b: {  	_ =	shalt  }
0x7c: {  	_ =	shalt  }
0x7d: {  	_ =	shalt  }
0x7e: {  	_ =	shalt  }
0x7f: {  	_ =	shalt  }
0x80: {  	_ =	shalt  }
0x81: {  	_ =	shalt  }
0x82: {  	_ =	shalt  }
0x83: {  	_ =	shalt  }
0x84: {  	_ =	shalt  }
0x85: {  	_ =	shalt  }
0x86: {  	_ =	shalt  }
0x87: {  	_ =	shalt  }
.Lfunc_end0:
.L_simem_size_0:
called_computation.1_lowered:
.L_overlay_start_0:
0x88: {  	s2 =	sld [smem:$0x3FD9]  }
0x89: {  	s3 =	sld [smem:$0x3FFE];
	_ =	sdelay $0x1  }
0x8a: {  	s1 =	srdreg.scid  }
0x8b: {  	s0 =	sand.u32 $0x1, s1  }
0x8c: {  	s17 =	sshll.u32 s0, $0xA;
	s2 =	sadd.s32 s3, s2  }
0x8d: {  	s2 =	sadd.s32 s2, s17  }
0x8e: {  	[smem:$0x3FBF] =	sst s2  }
0x8f: {  	_ = 	snop  }
0x90: {  	s2 =	sld [smem:$0x3FD0];
	(tm) =	ssettm $0x1  }
0x91: {  	s18 =	sld [smem:$0x3FFB];
	_ =	sdelay $0x3  }
0x92: {  	_ =	strace s18  }
0x93: {  	s3 =	sld [smem:$0x3FFC];
	_ =	sdelay $0x3  }
0x94: {  	_ =	strace s3  }
0x95: {  	s3 =	sld [smem:$0x3FFD];
	_ =	sdelay $0x3  }
0x96: {  	_ =	strace s3  }
0x97: {  	_ =	strace $0x8FFFFFFF  }
0x98: {  	s19 =	sld [smem:$0x3FDB];
	_ =	sdelay $0x1  }
0x99: {  	s4 =	simm.s32 $_scs_section_size  }
0x9a: {  	s5 =	simm.s32 $_size__tile_overlayer_lowered;
	s6 =	simm.s32 $_tile_overlayer_lowered  }
0x9b: {  	s22 =	simm.s32 $0x1BFF;
	s21 =	sshll.u32 s6, $0x1;
	s3 =	sadd.s32 s4, s19  }
0x9c: {  	s7 =	simm.s32 $0x0;
	s20 =	sshll.u32 s5, $0x1;
	s5 =	sadd.s32 s21, s3  }
0x9d: {  	[timem:s7], [sflag:s22] =	dma.local [hbm:s5], s20  }
0x9e: {  	_ =	swait.ge [sflag:s22], s20  }
0x9f: {  	s4 =	ssub.s32 $0x0, s20;
	[sflag:s22] =	ssyncset.done $0x0  }
0xa0: {  	[sflag:s22] =	ssyncadd.s32 s4;
	_ =	sdelay $0x1  }
0xa1: {  	s23 =	simm.s32 $0x1B8B  }
0xa2: {  	_ =	swait.ge [sflag:s23], $0x1  }
0xa3: {  	[sflag:s23] =	ssyncset.done $0x0  }
0xa4: {  	s25 =	simm.s32 $0x1B8E;
	s24 =	sld [smem:$0x3FFE];
	[sflag:s23] =	ssyncadd.s32 $0xFFFFFFFF  }
0xa5: {  	s26 =	simm.s32 $execute0_lowered;
	[smem:$0x3FD2] =	sst s25  }
0xa6: {  	s5 =	sshll.u32 s26, $0x1;
	_ =	strace $0x80000049;
	[dreg:$0x1] =	wrdreg $0xFFFFFFFF  }
0xa7: {  	s28 =	simm.s32 $_size_execute0_lowered;
	s3 =	sadd.s32 s3, s5;
	[dreg:$0x0] =	wrdreg $0x0  }
0xa8: {  	s5 =	sshll.u32 s28, $0x1;
	[dreg:$0x2] =	wrdreg s3  }
0xa9: {  	[dreg:$0x3] =	wrdreg s5  }
0xaa: {  	[dreg:$0x4] =	wrdreg $0xC0  }
0xab: {  	_ =	task [dreg:s7], $0x5FFFF  }
0xac: {  	[dreg:$0x1] =	wrdreg $0xFFFFFFFF  }
0xad: {  	[dreg:$0x0] =	wrdreg $0x60  }
0xae: {  	[dreg:$0x2] =	wrdreg s24  }
0xaf: {  	[dreg:$0x3] =	wrdreg s2  }
0xb0: {  	[dreg:$0x4] =	wrdreg $0x9  }
0xb1: {  	_ =	task.clear_ibuf [dreg:s7], $0x5FFFF;
	_ =	strace $0x90000049  }
0xb2: {  	s29 =	simm.s32 $0x9;
	_ =	strace $0x8000004B  }
0xb3: {  	_ =	swait.ge [sflag:s29], $0x1  }
0xb4: {  	[sflag:s29] =	ssyncadd.s32 $0xFFFFFFFF  }
0xb5: {  	_ =	strace $0x9000004B  }
0xb6: {  	_ =	sfence  }
0xb7: {  	s30 =	sld [smem:$0x0];
	_ =	sdelay $0x2  }
0xb8: {  	s31 =	sshll.u32 s1, $0xD;
	s1 =	sshrl.u32 s1, $0x2  }
0xb9: {  	s3 =	sand.u32 $0x4000, s31;
	s1 =	sadd.s32 s1, s30  }
0xba: {  	s0 =	sor.u32 s3, s0;
	s1 =	sshll.u32 s1, $0x11  }
0xbb: {  	s0 =	sor.u32 s1, s0  }
0xbc: {  	s0 =	sadd.s32 $0x8F2B, s0  }
0xbd: {  	[sflag:s0] =	ssyncadd.remote.s32 $0x1  }
0xbe: {  	_ =	sfence.sel $0xFFFF  }
0xbf: {  	[dreg:$0x0] =	wrdreg $0xFFFFFFFF;
	(pc) =	sbr.abs _section_cstart, $3  }
0xc0: {  	[dreg:$0x1] =	wrdreg $0xFFFFFFFF  }
0xc1: {  	_ =	task.clear_ibuf [dreg:s7], $0x2FFFF;
	_ =	strace $0x9FFFFFFF  }
0xc2: {  	(tm) =	ssettm $0x7FFFFFFF  }
0xc3: {  	_ =	shalt  }
tec
execute0_lowered:
.L_overlay_start_1:
0x0: {  	(tag) =	ssettag $0x1  }
0x1: {  	s0 =	srdreg.scid  }
0x2: {  	s2 =	stileid.u32;
	s1 =	rddreg [dreg:$0x0]  }
0x3: {  	s3 =	rddreg [dreg:$0x1];
	s29 =	simm.s32 $0x400;
	s28 =	simm.s32 $0x8400  }
0x4: {  	s19 =	simm.s32 $0x2;
	s0 =	sand.u32 $0x1, s0;
	s2 =	sshll.u32 s2, $0x1  }
0x5: {  	s20 =	simm.s32 $0x3;
	s21 =	simm.s32 $0x4;
	s4 =	sor.u32 s0, s2  }
0x6: {  	s2 =	simm.s32 $0x0;
	s5 =	sshll.u32 s4, $0x7;
	s4 =	sshll.u32 s4, $0xF  }
0x7: {  	[smem:$0x7FF] =	sst s2;
	s5 =	sadd.s32 s5, s1;
	s8 =	sadd.s32 s3, s4  }
0x8: {  	_ =	strace $0x8000004A;
	s5 =	sadd.s32 $0x2C00, s5;
	[dreg:$0xb] =	wrdreg s8  }
0x9: {  	s6 =	sadd.s32 $0x3E00, s1;
	s3 =	sadd.s32 $0x1000, s8;
	[dreg:$0x3] =	wrdreg s5  }
0xa: {  	s7 =	sadd.s32 $0x3F00, s1;
	s22 =	sadd.s32 $0x2000, s8;
	[dreg:$0x4] =	wrdreg s3  }
0xb: {  	s0 =	ssub.s32 $0x2, s0;
	s24 =	sadd.s32 $0x3000, s8;
	[dreg:$0x5] =	wrdreg s22  }
0xc: {  	s23 =	sshrl.u32 s0, $0x1;
	s25 =	sadd.s32 $0x4000, s8;
	[dreg:$0x6] =	wrdreg s24  }
0xd: {  	s4 =	sadd.s32 $0x3C00, s1;
	s26 =	sadd.s32 $0x5000, s8;
	[dreg:$0x7] =	wrdreg s25  }
0xe: {  	v2 =	vlaneseq.u32;
	s0 =	ssub.s32 s0, s23;
	s30 =	sadd.s32 $0x6000, s8;
	[dreg:$0x8] =	wrdreg s26  }
0xf: {  	vm0 =	vmmov $0xffff;
	v1 =	vshrl.u32 v2, $0x3;
	s31 =	sadd.s32 $0x7000, s8;
	s8 =	smax.u32 s0, $0x1;
	[dreg:$0x9] =	wrdreg s30  }
0x10: {  	v0 =	vand.u32 $0x7, v2;
	v2 =	vor.u32 $0x8, v2;
	v1 =	vmul.u32 $0x8, v1;
	s5 =	sadd.s32 $0x3D00, s1;
	[dreg:$0xa] =	wrdreg s31;
	s26 =	simm.s32 $0x1  }
.LBB2_1:
0x11: {  	s22 =	rddreg [dreg:$0x3];
	s13 =	simm.s32 $0x5  }
0x12: {  	[tilespmem:s2], [sflag:$0x5] =	stream.linear.gather [hbm4b:s22+s2], $0x400, $0x38;
	[tilespmem:$0x10400] =	vst v63  }
0x13: {  	_ =	swait.ge [sflag:s13], $0x400  }
0x14: {  	[sflag:s13] =	ssyncset.done $0x0  }
0x15: {  	[sflag:s13] =	ssyncadd.s32 $0xFFFFFC00  }
0x16: {  	v3 =	vld [tilespmem:$0x0];
	_ =	sdelay $0x4  }
0x17: {  	v4 =	vshll.u32 v3, $0x3  }
0x18: {  	v3 =	vand.u32 $0x7, v3;
	v4 =	vand.u32 $0xFFFFFFC0, v4  }
0x19: {  	v3 =	vor.u32 v3, v4  }
0x1a: {  	v4 =	vperm.xlane v3, v0;
	_ =	sdelay $0x1  }
0x1b: {  	v4 =	vadd.s32 v1, v4;
	_ =	sdelay $0x4  }
0x1c: {  	[tilespmem:s29], [sflag:$0x1] =	stream.indirect_vreg.gather [hbm4b:s4+s2], $0x80, v4, vm0, $0xb8;
	[tilespmem:$0x10400] =	vst v63  }
0x1d: {  	s0 =	simm.s32 $0xC00;
	v3 =	vperm.xlane v3, v2  }
0x1e: {  	[tilespmem:s0], [sflag:$0x1] =	stream.indirect_vreg.gather [hbm4b:s5+s2], $0x80, v4, vm0, $0xb8;
	[tilespmem:$0x10400] =	vst v63  }
0x1f: {  	s14 =	simm.s32 $0x1400;
	v3 =	vadd.s32 v1, v3  }
0x20: {  	[tilespmem:s14], [sflag:$0x1] =	stream.indirect_vreg.gather [hbm4b:s6+s2], $0x80, v4, vm0, $0xb8;
	[tilespmem:$0x10400] =	vst v63  }
0x21: {  	s15 =	simm.s32 $0x1C00  }
0x22: {  	[tilespmem:s15], [sflag:$0x1] =	stream.indirect_vreg.gather [hbm4b:s7+s2], $0x80, v4, vm0, $0xb8;
	[tilespmem:$0x10400] =	vst v63  }
0x23: {  	s16 =	simm.s32 $0x2400  }
0x24: {  	[tilespmem:s16], [sflag:$0x1] =	stream.indirect_vreg.gather [hbm4b:s4+s2], $0x80, v3, vm0, $0xb8;
	[tilespmem:$0x10400] =	vst v63  }
0x25: {  	s17 =	simm.s32 $0x2C00  }
0x26: {  	[tilespmem:s17], [sflag:$0x1] =	stream.indirect_vreg.gather [hbm4b:s5+s2], $0x80, v3, vm0, $0xb8;
	[tilespmem:$0x10400] =	vst v63  }
0x27: {  	s18 =	simm.s32 $0x3400  }
0x28: {  	[tilespmem:s18], [sflag:$0x1] =	stream.indirect_vreg.gather [hbm4b:s6+s2], $0x80, v3, vm0, $0xb8;
	[tilespmem:$0x10400] =	vst v63  }
0x29: {  	s22 =	simm.s32 $0x3C00  }
0x2a: {  	[tilespmem:s22], [sflag:$0x1] =	stream.indirect_vreg.gather [hbm4b:s7+s2], $0x80, v3, vm0, $0xb8;
	[tilespmem:$0x10400] =	vst v63  }
0x2b: {  	v3 =	vld [tilespmem:$0x10];
	_ =	sdelay $0x4  }
0x2c: {  	v49 =	vshll.u32 v3, $0x3  }
0x2d: {  	v3 =	vand.u32 $0x7, v3;
	v4 =	vand.u32 $0xFFFFFFC0, v49  }
0x2e: {  	v3 =	vor.u32 v3, v4  }
0x2f: {  	v4 =	vperm.xlane v3, v0;
	_ =	sdelay $0x1  }
0x30: {  	v4 =	vadd.s32 v1, v4;
	_ =	sdelay $0x3  }
0x31: {  	s23 =	simm.s32 $0x4400  }
0x32: {  	[tilespmem:s23], [sflag:$0x1] =	stream.indirect_vreg.gather [hbm4b:s4+s2], $0x80, v4, vm0, $0xb8;
	[tilespmem:$0x10400] =	vst v63  }
0x33: {  	s24 =	simm.s32 $0x4C00;
	v3 =	vperm.xlane v3, v2  }
0x34: {  	[tilespmem:s24], [sflag:$0x1] =	stream.indirect_vreg.gather [hbm4b:s5+s2], $0x80, v4, vm0, $0xb8;
	[tilespmem:$0x10400] =	vst v63  }
0x35: {  	s25 =	simm.s32 $0x5400;
	v3 =	vadd.s32 v1, v3  }
0x36: {  	[tilespmem:s25], [sflag:$0x1] =	stream.indirect_vreg.gather [hbm4b:s6+s2], $0x80, v4, vm0, $0xb8;
	[tilespmem:$0x10400] =	vst v63  }
0x37: {  	s30 =	simm.s32 $0x5C00  }
0x38: {  	[tilespmem:s30], [sflag:$0x1] =	stream.indirect_vreg.gather [hbm4b:s7+s2], $0x80, v4, vm0, $0xb8;
	[tilespmem:$0x10400] =	vst v63  }
0x39: {  	s31 =	simm.s32 $0x6400  }
0x3a: {  	[tilespmem:s31], [sflag:$0x1] =	stream.indirect_vreg.gather [hbm4b:s4+s2], $0x80, v3, vm0, $0xb8;
	[tilespmem:$0x10400] =	vst v63  }
0x3b: {  	s14 =	simm.s32 $0x6C00  }
0x3c: {  	[tilespmem:s14], [sflag:$0x1] =	stream.indirect_vreg.gather [hbm4b:s5+s2], $0x80, v3, vm0, $0xb8;
	[tilespmem:$0x10400] =	vst v63  }
0x3d: {  	s15 =	simm.s32 $0x7400  }
0x3e: {  	[tilespmem:s15], [sflag:$0x1] =	stream.indirect_vreg.gather [hbm4b:s6+s2], $0x80, v3, vm0, $0xb8;
	[tilespmem:$0x10400] =	vst v63  }
0x3f: {  	s16 =	simm.s32 $0x7C00  }
0x40: {  	[tilespmem:s16], [sflag:$0x1] =	stream.indirect_vreg.gather [hbm4b:s7+s2], $0x80, v3, vm0, $0xb8;
	[tilespmem:$0x10400] =	vst v63  }
0x41: {  	_ =	swait.ge [sflag:s26], $0x8000  }
0x42: {  	[sflag:s26] =	ssyncset.done $0x0  }
0x43: {  	s17 =	rddreg [dreg:$0xb];
	[sflag:s26] =	ssyncadd.s32 $0xFFFF8000  }
0x44: {  	[hbm4b:s17+s2] =	stream.linear.scatter [tilespmem:s29], [sflag:$0x3], $0x8000, $0x38;
	[tilespmem:$0x10400] =	vst v63  }
0x45: {  	v3 =	vld [tilespmem:$0x80];
	_ =	sdelay $0x4  }
0x46: {  	v50 =	vshll.u32 v3, $0x3  }
0x47: {  	v3 =	vand.u32 $0x7, v3;
	v4 =	vand.u32 $0xFFFFFFC0, v50  }
0x48: {  	v3 =	vor.u32 v3, v4  }
0x49: {  	v4 =	vperm.xlane v3, v0;
	_ =	sdelay $0x1  }
0x4a: {  	v4 =	vadd.s32 v1, v4;
	_ =	sdelay $0x4  }
0x4b: {  	[tilespmem:s28], [sflag:$0x2] =	stream.indirect_vreg.gather [hbm4b:s4+s2], $0x80, v4, vm0, $0xb8;
	[tilespmem:$0x10400] =	vst v63  }
0x4c: {  	s18 =	simm.s32 $0x8C00;
	v3 =	vperm.xlane v3, v2  }
0x4d: {  	[tilespmem:s18], [sflag:$0x2] =	stream.indirect_vreg.gather [hbm4b:s5+s2], $0x80, v4, vm0, $0xb8;
	[tilespmem:$0x10400] =	vst v63  }
0x4e: {  	s22 =	simm.s32 $0x9400;
	v3 =	vadd.s32 v1, v3  }
0x4f: {  	[tilespmem:s22], [sflag:$0x2] =	stream.indirect_vreg.gather [hbm4b:s6+s2], $0x80, v4, vm0, $0xb8;
	[tilespmem:$0x10400] =	vst v63  }
0x50: {  	s23 =	simm.s32 $0x9C00  }
0x51: {  	[tilespmem:s23], [sflag:$0x2] =	stream.indirect_vreg.gather [hbm4b:s7+s2], $0x80, v4, vm0, $0xb8;
	[tilespmem:$0x10400] =	vst v63  }
0x52: {  	s24 =	simm.s32 $0xA400  }
0x53: {  	[tilespmem:s24], [sflag:$0x2] =	stream.indirect_vreg.gather [hbm4b:s4+s2], $0x80, v3, vm0, $0xb8;
	[tilespmem:$0x10400] =	vst v63  }
0x54: {  	s25 =	simm.s32 $0xAC00  }
0x55: {  	[tilespmem:s25], [sflag:$0x2] =	stream.indirect_vreg.gather [hbm4b:s5+s2], $0x80, v3, vm0, $0xb8;
	[tilespmem:$0x10400] =	vst v63  }
0x56: {  	s30 =	simm.s32 $0xB400  }
0x57: {  	[tilespmem:s30], [sflag:$0x2] =	stream.indirect_vreg.gather [hbm4b:s6+s2], $0x80, v3, vm0, $0xb8;
	[tilespmem:$0x10400] =	vst v63  }
0x58: {  	s31 =	simm.s32 $0xBC00  }
0x59: {  	[tilespmem:s31], [sflag:$0x2] =	stream.indirect_vreg.gather [hbm4b:s7+s2], $0x80, v3, vm0, $0xb8;
	[tilespmem:$0x10400] =	vst v63  }
0x5a: {  	v3 =	vld [tilespmem:$0x90];
	_ =	sdelay $0x4  }
0x5b: {  	v51 =	vshll.u32 v3, $0x3  }
0x5c: {  	v3 =	vand.u32 $0x7, v3;
	v4 =	vand.u32 $0xFFFFFFC0, v51  }
0x5d: {  	v3 =	vor.u32 v3, v4  }
0x5e: {  	v4 =	vperm.xlane v3, v0;
	_ =	sdelay $0x1  }
0x5f: {  	v4 =	vadd.s32 v1, v4;
	_ =	sdelay $0x3  }
0x60: {  	s0 =	simm.s32 $0xC400  }
0x61: {  	[tilespmem:s0], [sflag:$0x2] =	stream.indirect_vreg.gather [hbm4b:s4+s2], $0x80, v4, vm0, $0xb8;
	[tilespmem:$0x10400] =	vst v63  }
0x62: {  	s14 =	simm.s32 $0xCC00;
	v3 =	vperm.xlane v3, v2  }
0x63: {  	[tilespmem:s14], [sflag:$0x2] =	stream.indirect_vreg.gather [hbm4b:s5+s2], $0x80, v4, vm0, $0xb8;
	[tilespmem:$0x10400] =	vst v63  }
0x64: {  	s15 =	simm.s32 $0xD400;
	v3 =	vadd.s32 v1, v3  }
0x65: {  	[tilespmem:s15], [sflag:$0x2] =	stream.indirect_vreg.gather [hbm4b:s6+s2], $0x80, v4, vm0, $0xb8;
	[tilespmem:$0x10400] =	vst v63  }
0x66: {  	s23 =	simm.s32 $0xDC00  }
0x67: {  	[tilespmem:s23], [sflag:$0x2] =	stream.indirect_vreg.gather [hbm4b:s7+s2], $0x80, v4, vm0, $0xb8;
	[tilespmem:$0x10400] =	vst v63  }
0x68: {  	s0 =	simm.s32 $0xE400  }
0x69: {  	[tilespmem:s0], [sflag:$0x2] =	stream.indirect_vreg.gather [hbm4b:s4+s2], $0x80, v3, vm0, $0xb8;
	[tilespmem:$0x10400] =	vst v63  }
0x6a: {  	s14 =	simm.s32 $0xEC00  }
0x6b: {  	[tilespmem:s14], [sflag:$0x2] =	stream.indirect_vreg.gather [hbm4b:s5+s2], $0x80, v3, vm0, $0xb8;
	[tilespmem:$0x10400] =	vst v63  }
0x6c: {  	s15 =	simm.s32 $0xF400  }
0x6d: {  	[tilespmem:s15], [sflag:$0x2] =	stream.indirect_vreg.gather [hbm4b:s6+s2], $0x80, v3, vm0, $0xb8;
	[tilespmem:$0x10400] =	vst v63  }
0x6e: {  	s23 =	simm.s32 $0xFC00  }
0x6f: {  	[tilespmem:s23], [sflag:$0x2] =	stream.indirect_vreg.gather [hbm4b:s7+s2], $0x80, v3, vm0, $0xb8;
	[tilespmem:$0x10400] =	vst v63  }
0x70: {  	_ =	swait.ge [sflag:s19], $0x8000  }
0x71: {  	[sflag:s19] =	ssyncset.done $0x0  }
0x72: {  	s0 =	rddreg [dreg:$0x4];
	[sflag:s19] =	ssyncadd.s32 $0xFFFF8000  }
0x73: {  	[hbm4b:s0+s2] =	stream.linear.scatter [tilespmem:s28], [sflag:$0x4], $0x8000, $0x38;
	[tilespmem:$0x10400] =	vst v63  }
0x74: {  	_ =	swait.ge [sflag:s20], $0x8000  }
0x75: {  	[sflag:s20] =	ssyncset.done $0x0  }
0x76: {  	[sflag:s20] =	ssyncadd.s32 $0xFFFF8000  }
0x77: {  	v3 =	vld [tilespmem:$0x100];
	_ =	sdelay $0x4  }
0x78: {  	v52 =	vshll.u32 v3, $0x3  }
0x79: {  	v3 =	vand.u32 $0x7, v3;
	v4 =	vand.u32 $0xFFFFFFC0, v52  }
0x7a: {  	v3 =	vor.u32 v3, v4  }
0x7b: {  	v4 =	vperm.xlane v3, v0;
	_ =	sdelay $0x1  }
0x7c: {  	v4 =	vadd.s32 v1, v4;
	_ =	sdelay $0x4  }
0x7d: {  	[tilespmem:s29], [sflag:$0x1] =	stream.indirect_vreg.gather [hbm4b:s4+s2], $0x80, v4, vm0, $0xb8;
	[tilespmem:$0x10400] =	vst v63  }
0x7e: {  	s10 =	simm.s32 $0xC00;
	v3 =	vperm.xlane v3, v2  }
0x7f: {  	[tilespmem:s10], [sflag:$0x1] =	stream.indirect_vreg.gather [hbm4b:s5+s2], $0x80, v4, vm0, $0xb8;
	[tilespmem:$0x10400] =	vst v63  }
0x80: {  	s1 =	simm.s32 $0x1400;
	v3 =	vadd.s32 v1, v3  }
0x81: {  	[tilespmem:s1], [sflag:$0x1] =	stream.indirect_vreg.gather [hbm4b:s6+s2], $0x80, v4, vm0, $0xb8;
	[tilespmem:$0x10400] =	vst v63  }
0x82: {  	s10 =	simm.s32 $0x1C00  }
0x83: {  	[tilespmem:s10], [sflag:$0x1] =	stream.indirect_vreg.gather [hbm4b:s7+s2], $0x80, v4, vm0, $0xb8;
	[tilespmem:$0x10400] =	vst v63  }
0x84: {  	s3 =	simm.s32 $0x2400  }
0x85: {  	[tilespmem:s3], [sflag:$0x1] =	stream.indirect_vreg.gather [hbm4b:s4+s2], $0x80, v3, vm0, $0xb8;
	[tilespmem:$0x10400] =	vst v63  }
0x86: {  	s9 =	simm.s32 $0x2C00  }
0x87: {  	[tilespmem:s9], [sflag:$0x1] =	stream.indirect_vreg.gather [hbm4b:s5+s2], $0x80, v3, vm0, $0xb8;
	[tilespmem:$0x10400] =	vst v63  }
0x88: {  	s11 =	simm.s32 $0x3400  }
0x89: {  	[tilespmem:s11], [sflag:$0x1] =	stream.indirect_vreg.gather [hbm4b:s6+s2], $0x80, v3, vm0, $0xb8;
	[tilespmem:$0x10400] =	vst v63  }
0x8a: {  	s12 =	simm.s32 $0x3C00  }
0x8b: {  	[tilespmem:s12], [sflag:$0x1] =	stream.indirect_vreg.gather [hbm4b:s7+s2], $0x80, v3, vm0, $0xb8;
	[tilespmem:$0x10400] =	vst v63  }
0x8c: {  	v3 =	vld [tilespmem:$0x110];
	_ =	sdelay $0x4  }
0x8d: {  	v53 =	vshll.u32 v3, $0x3  }
0x8e: {  	v3 =	vand.u32 $0x7, v3;
	v4 =	vand.u32 $0xFFFFFFC0, v53  }
0x8f: {  	v3 =	vor.u32 v3, v4  }
0x90: {  	v4 =	vperm.xlane v3, v0;
	_ =	sdelay $0x1  }
0x91: {  	v4 =	vadd.s32 v1, v4;
	_ =	sdelay $0x3  }
0x92: {  	s13 =	simm.s32 $0x4400  }
0x93: {  	[tilespmem:s13], [sflag:$0x1] =	stream.indirect_vreg.gather [hbm4b:s4+s2], $0x80, v4, vm0, $0xb8;
	[tilespmem:$0x10400] =	vst v63  }
0x94: {  	s14 =	simm.s32 $0x4C00;
	v3 =	vperm.xlane v3, v2  }
0x95: {  	[tilespmem:s14], [sflag:$0x1] =	stream.indirect_vreg.gather [hbm4b:s5+s2], $0x80, v4, vm0, $0xb8;
	[tilespmem:$0x10400] =	vst v63  }
0x96: {  	s3 =	simm.s32 $0x5400;
	v3 =	vadd.s32 v1, v3  }
0x97: {  	[tilespmem:s3], [sflag:$0x1] =	stream.indirect_vreg.gather [hbm4b:s6+s2], $0x80, v4, vm0, $0xb8;
	[tilespmem:$0x10400] =	vst v63  }
0x98: {  	s9 =	simm.s32 $0x5C00  }
0x99: {  	[tilespmem:s9], [sflag:$0x1] =	stream.indirect_vreg.gather [hbm4b:s7+s2], $0x80, v4, vm0, $0xb8;
	[tilespmem:$0x10400] =	vst v63  }
0x9a: {  	s11 =	simm.s32 $0x6400  }
0x9b: {  	[tilespmem:s11], [sflag:$0x1] =	stream.indirect_vreg.gather [hbm4b:s4+s2], $0x80, v3, vm0, $0xb8;
	[tilespmem:$0x10400] =	vst v63  }
0x9c: {  	s12 =	simm.s32 $0x6C00  }
0x9d: {  	[tilespmem:s12], [sflag:$0x1] =	stream.indirect_vreg.gather [hbm4b:s5+s2], $0x80, v3, vm0, $0xb8;
	[tilespmem:$0x10400] =	vst v63  }
0x9e: {  	s13 =	simm.s32 $0x7400  }
0x9f: {  	[tilespmem:s13], [sflag:$0x1] =	stream.indirect_vreg.gather [hbm4b:s6+s2], $0x80, v3, vm0, $0xb8;
	[tilespmem:$0x10400] =	vst v63  }
0xa0: {  	s15 =	simm.s32 $0x7C00  }
0xa1: {  	[tilespmem:s15], [sflag:$0x1] =	stream.indirect_vreg.gather [hbm4b:s7+s2], $0x80, v3, vm0, $0xb8;
	[tilespmem:$0x10400] =	vst v63  }
0xa2: {  	_ =	swait.ge [sflag:s26], $0x8000  }
0xa3: {  	[sflag:s26] =	ssyncset.done $0x0  }
0xa4: {  	s1 =	rddreg [dreg:$0x5];
	[sflag:s26] =	ssyncadd.s32 $0xFFFF8000  }
0xa5: {  	[hbm4b:s1+s2] =	stream.linear.scatter [tilespmem:s29], [sflag:$0x3], $0x8000, $0x38;
	[tilespmem:$0x10400] =	vst v63  }
0xa6: {  	_ =	swait.ge [sflag:s21], $0x8000  }
0xa7: {  	[sflag:s21] =	ssyncset.done $0x0  }
0xa8: {  	[sflag:s21] =	ssyncadd.s32 $0xFFFF8000  }
0xa9: {  	v3 =	vld [tilespmem:$0x180];
	_ =	sdelay $0x4  }
0xaa: {  	v54 =	vshll.u32 v3, $0x3  }
0xab: {  	v3 =	vand.u32 $0x7, v3;
	v4 =	vand.u32 $0xFFFFFFC0, v54  }
0xac: {  	v3 =	vor.u32 v3, v4  }
0xad: {  	v4 =	vperm.xlane v3, v0;
	_ =	sdelay $0x1  }
0xae: {  	v4 =	vadd.s32 v1, v4;
	_ =	sdelay $0x4  }
0xaf: {  	[tilespmem:s28], [sflag:$0x2] =	stream.indirect_vreg.gather [hbm4b:s4+s2], $0x80, v4, vm0, $0xb8;
	[tilespmem:$0x10400] =	vst v63  }
0xb0: {  	s1 =	simm.s32 $0x8C00;
	v3 =	vperm.xlane v3, v2  }
0xb1: {  	[tilespmem:s1], [sflag:$0x2] =	stream.indirect_vreg.gather [hbm4b:s5+s2], $0x80, v4, vm0, $0xb8;
	[tilespmem:$0x10400] =	vst v63  }
0xb2: {  	s0 =	simm.s32 $0x9400;
	v3 =	vadd.s32 v1, v3  }
0xb3: {  	[tilespmem:s0], [sflag:$0x2] =	stream.indirect_vreg.gather [hbm4b:s6+s2], $0x80, v4, vm0, $0xb8;
	[tilespmem:$0x10400] =	vst v63  }
0xb4: {  	s22 =	simm.s32 $0x9C00  }
0xb5: {  	[tilespmem:s22], [sflag:$0x2] =	stream.indirect_vreg.gather [hbm4b:s7+s2], $0x80, v4, vm0, $0xb8;
	[tilespmem:$0x10400] =	vst v63  }
0xb6: {  	s24 =	simm.s32 $0xA400  }
0xb7: {  	[tilespmem:s24], [sflag:$0x2] =	stream.indirect_vreg.gather [hbm4b:s4+s2], $0x80, v3, vm0, $0xb8;
	[tilespmem:$0x10400] =	vst v63  }
0xb8: {  	s25 =	simm.s32 $0xAC00  }
0xb9: {  	[tilespmem:s25], [sflag:$0x2] =	stream.indirect_vreg.gather [hbm4b:s5+s2], $0x80, v3, vm0, $0xb8;
	[tilespmem:$0x10400] =	vst v63  }
0xba: {  	s30 =	simm.s32 $0xB400  }
0xbb: {  	[tilespmem:s30], [sflag:$0x2] =	stream.indirect_vreg.gather [hbm4b:s6+s2], $0x80, v3, vm0, $0xb8;
	[tilespmem:$0x10400] =	vst v63  }
0xbc: {  	s16 =	simm.s32 $0xBC00  }
0xbd: {  	[tilespmem:s16], [sflag:$0x2] =	stream.indirect_vreg.gather [hbm4b:s7+s2], $0x80, v3, vm0, $0xb8;
	[tilespmem:$0x10400] =	vst v63  }
0xbe: {  	v3 =	vld [tilespmem:$0x190];
	_ =	sdelay $0x4  }
0xbf: {  	v55 =	vshll.u32 v3, $0x3  }
0xc0: {  	v3 =	vand.u32 $0x7, v3;
	v4 =	vand.u32 $0xFFFFFFC0, v55  }
0xc1: {  	v3 =	vor.u32 v3, v4  }
0xc2: {  	v4 =	vperm.xlane v3, v0;
	_ =	sdelay $0x1  }
0xc3: {  	v4 =	vadd.s32 v1, v4;
	_ =	sdelay $0x3  }
0xc4: {  	s17 =	simm.s32 $0xC400  }
0xc5: {  	[tilespmem:s17], [sflag:$0x2] =	stream.indirect_vreg.gather [hbm4b:s4+s2], $0x80, v4, vm0, $0xb8;
	[tilespmem:$0x10400] =	vst v63  }
0xc6: {  	s18 =	simm.s32 $0xCC00;
	v3 =	vperm.xlane v3, v2  }
0xc7: {  	[tilespmem:s18], [sflag:$0x2] =	stream.indirect_vreg.gather [hbm4b:s5+s2], $0x80, v4, vm0, $0xb8;
	[tilespmem:$0x10400] =	vst v63  }
0xc8: {  	s31 =	simm.s32 $0xD400;
	v3 =	vadd.s32 v1, v3  }
0xc9: {  	[tilespmem:s31], [sflag:$0x2] =	stream.indirect_vreg.gather [hbm4b:s6+s2], $0x80, v4, vm0, $0xb8;
	[tilespmem:$0x10400] =	vst v63  }
0xca: {  	s22 =	simm.s32 $0xDC00  }
0xcb: {  	[tilespmem:s22], [sflag:$0x2] =	stream.indirect_vreg.gather [hbm4b:s7+s2], $0x80, v4, vm0, $0xb8;
	[tilespmem:$0x10400] =	vst v63  }
0xcc: {  	s31 =	simm.s32 $0xE400  }
0xcd: {  	[tilespmem:s31], [sflag:$0x2] =	stream.indirect_vreg.gather [hbm4b:s4+s2], $0x80, v3, vm0, $0xb8;
	[tilespmem:$0x10400] =	vst v63  }
0xce: {  	s22 =	simm.s32 $0xEC00  }
0xcf: {  	[tilespmem:s22], [sflag:$0x2] =	stream.indirect_vreg.gather [hbm4b:s5+s2], $0x80, v3, vm0, $0xb8;
	[tilespmem:$0x10400] =	vst v63  }
0xd0: {  	s22 =	simm.s32 $0xF400  }
0xd1: {  	[tilespmem:s22], [sflag:$0x2] =	stream.indirect_vreg.gather [hbm4b:s6+s2], $0x80, v3, vm0, $0xb8;
	[tilespmem:$0x10400] =	vst v63  }
0xd2: {  	s23 =	simm.s32 $0xFC00  }
0xd3: {  	[tilespmem:s23], [sflag:$0x2] =	stream.indirect_vreg.gather [hbm4b:s7+s2], $0x80, v3, vm0, $0xb8;
	[tilespmem:$0x10400] =	vst v63  }
0xd4: {  	_ =	swait.ge [sflag:s19], $0x8000  }
0xd5: {  	[sflag:s19] =	ssyncset.done $0x0  }
0xd6: {  	s23 =	rddreg [dreg:$0x6];
	[sflag:s19] =	ssyncadd.s32 $0xFFFF8000  }
0xd7: {  	[hbm4b:s23+s2] =	stream.linear.scatter [tilespmem:s28], [sflag:$0x4], $0x8000, $0x38;
	[tilespmem:$0x10400] =	vst v63  }
0xd8: {  	_ =	swait.ge [sflag:s20], $0x8000  }
0xd9: {  	[sflag:s20] =	ssyncset.done $0x0  }
0xda: {  	[sflag:s20] =	ssyncadd.s32 $0xFFFF8000  }
0xdb: {  	v3 =	vld [tilespmem:$0x200];
	_ =	sdelay $0x4  }
0xdc: {  	v56 =	vshll.u32 v3, $0x3  }
0xdd: {  	v3 =	vand.u32 $0x7, v3;
	v4 =	vand.u32 $0xFFFFFFC0, v56  }
0xde: {  	v3 =	vor.u32 v3, v4  }
0xdf: {  	v4 =	vperm.xlane v3, v0;
	_ =	sdelay $0x1  }
0xe0: {  	v4 =	vadd.s32 v1, v4;
	_ =	sdelay $0x4  }
0xe1: {  	[tilespmem:s29], [sflag:$0x1] =	stream.indirect_vreg.gather [hbm4b:s4+s2], $0x80, v4, vm0, $0xb8;
	[tilespmem:$0x10400] =	vst v63  }
0xe2: {  	s23 =	simm.s32 $0xC00;
	v3 =	vperm.xlane v3, v2  }
0xe3: {  	[tilespmem:s23], [sflag:$0x1] =	stream.indirect_vreg.gather [hbm4b:s5+s2], $0x80, v4, vm0, $0xb8;
	[tilespmem:$0x10400] =	vst v63  }
0xe4: {  	v3 =	vadd.s32 v1, v3;
	s23 =	simm.s32 $0x1400  }
0xe5: {  	[tilespmem:s23], [sflag:$0x1] =	stream.indirect_vreg.gather [hbm4b:s6+s2], $0x80, v4, vm0, $0xb8;
	[tilespmem:$0x10400] =	vst v63  }
0xe6: {  	_ = 	snop  }
0xe7: {  	[tilespmem:s10], [sflag:$0x1] =	stream.indirect_vreg.gather [hbm4b:s7+s2], $0x80, v4, vm0, $0xb8;
	[tilespmem:$0x10400] =	vst v63  }
0xe8: {  	s23 =	simm.s32 $0x2400  }
0xe9: {  	[tilespmem:s23], [sflag:$0x1] =	stream.indirect_vreg.gather [hbm4b:s4+s2], $0x80, v3, vm0, $0xb8;
	[tilespmem:$0x10400] =	vst v63  }
0xea: {  	s23 =	simm.s32 $0x2C00  }
0xeb: {  	[tilespmem:s23], [sflag:$0x1] =	stream.indirect_vreg.gather [hbm4b:s5+s2], $0x80, v3, vm0, $0xb8;
	[tilespmem:$0x10400] =	vst v63  }
0xec: {  	s23 =	simm.s32 $0x3400  }
0xed: {  	[tilespmem:s23], [sflag:$0x1] =	stream.indirect_vreg.gather [hbm4b:s6+s2], $0x80, v3, vm0, $0xb8;
	[tilespmem:$0x10400] =	vst v63  }
0xee: {  	s23 =	simm.s32 $0x3C00  }
0xef: {  	[tilespmem:s23], [sflag:$0x1] =	stream.indirect_vreg.gather [hbm4b:s7+s2], $0x80, v3, vm0, $0xb8;
	[tilespmem:$0x10400] =	vst v63  }
0xf0: {  	v3 =	vld [tilespmem:$0x210];
	_ =	sdelay $0x4  }
0xf1: {  	v57 =	vshll.u32 v3, $0x3  }
0xf2: {  	v3 =	vand.u32 $0x7, v3;
	v4 =	vand.u32 $0xFFFFFFC0, v57  }
0xf3: {  	v3 =	vor.u32 v3, v4  }
0xf4: {  	v4 =	vperm.xlane v3, v0;
	_ =	sdelay $0x1  }
0xf5: {  	v4 =	vadd.s32 v1, v4;
	_ =	sdelay $0x3  }
0xf6: {  	s23 =	simm.s32 $0x4400  }
0xf7: {  	[tilespmem:s23], [sflag:$0x1] =	stream.indirect_vreg.gather [hbm4b:s4+s2], $0x80, v4, vm0, $0xb8;
	[tilespmem:$0x10400] =	vst v63  }
0xf8: {  	v3 =	vperm.xlane v3, v2  }
0xf9: {  	[tilespmem:s14], [sflag:$0x1] =	stream.indirect_vreg.gather [hbm4b:s5+s2], $0x80, v4, vm0, $0xb8;
	[tilespmem:$0x10400] =	vst v63  }
0xfa: {  	v3 =	vadd.s32 v1, v3  }
0xfb: {  	[tilespmem:s3], [sflag:$0x1] =	stream.indirect_vreg.gather [hbm4b:s6+s2], $0x80, v4, vm0, $0xb8;
	[tilespmem:$0x10400] =	vst v63  }
0xfc: {  	_ = 	snop  }
0xfd: {  	[tilespmem:s9], [sflag:$0x1] =	stream.indirect_vreg.gather [hbm4b:s7+s2], $0x80, v4, vm0, $0xb8;
	[tilespmem:$0x10400] =	vst v63  }
0xfe: {  	_ = 	snop  }
0xff: {  	[tilespmem:s11], [sflag:$0x1] =	stream.indirect_vreg.gather [hbm4b:s4+s2], $0x80, v3, vm0, $0xb8;
	[tilespmem:$0x10400] =	vst v63  }
0x100: {  	_ = 	snop  }
0x101: {  	[tilespmem:s12], [sflag:$0x1] =	stream.indirect_vreg.gather [hbm4b:s5+s2], $0x80, v3, vm0, $0xb8;
	[tilespmem:$0x10400] =	vst v63  }
0x102: {  	_ = 	snop  }
0x103: {  	[tilespmem:s13], [sflag:$0x1] =	stream.indirect_vreg.gather [hbm4b:s6+s2], $0x80, v3, vm0, $0xb8;
	[tilespmem:$0x10400] =	vst v63  }
0x104: {  	_ = 	snop  }
0x105: {  	[tilespmem:s15], [sflag:$0x1] =	stream.indirect_vreg.gather [hbm4b:s7+s2], $0x80, v3, vm0, $0xb8;
	[tilespmem:$0x10400] =	vst v63  }
0x106: {  	_ =	swait.ge [sflag:s26], $0x8000  }
0x107: {  	[sflag:s26] =	ssyncset.done $0x0  }
0x108: {  	s23 =	rddreg [dreg:$0x7];
	[sflag:s26] =	ssyncadd.s32 $0xFFFF8000  }
0x109: {  	[hbm4b:s23+s2] =	stream.linear.scatter [tilespmem:s29], [sflag:$0x3], $0x8000, $0x38;
	[tilespmem:$0x10400] =	vst v63  }
0x10a: {  	_ =	swait.ge [sflag:s21], $0x8000  }
0x10b: {  	[sflag:s21] =	ssyncset.done $0x0  }
0x10c: {  	[sflag:s21] =	ssyncadd.s32 $0xFFFF8000  }
0x10d: {  	v3 =	vld [tilespmem:$0x280];
	_ =	sdelay $0x4  }
0x10e: {  	v58 =	vshll.u32 v3, $0x3  }
0x10f: {  	v3 =	vand.u32 $0x7, v3;
	v4 =	vand.u32 $0xFFFFFFC0, v58  }
0x110: {  	v3 =	vor.u32 v3, v4  }
0x111: {  	v4 =	vperm.xlane v3, v0;
	_ =	sdelay $0x1  }
0x112: {  	v4 =	vadd.s32 v1, v4;
	_ =	sdelay $0x4  }
0x113: {  	[tilespmem:s28], [sflag:$0x2] =	stream.indirect_vreg.gather [hbm4b:s4+s2], $0x80, v4, vm0, $0xb8;
	[tilespmem:$0x10400] =	vst v63  }
0x114: {  	v3 =	vperm.xlane v3, v2  }
0x115: {  	[tilespmem:s1], [sflag:$0x2] =	stream.indirect_vreg.gather [hbm4b:s5+s2], $0x80, v4, vm0, $0xb8;
	[tilespmem:$0x10400] =	vst v63  }
0x116: {  	v3 =	vadd.s32 v1, v3  }
0x117: {  	[tilespmem:s0], [sflag:$0x2] =	stream.indirect_vreg.gather [hbm4b:s6+s2], $0x80, v4, vm0, $0xb8;
	[tilespmem:$0x10400] =	vst v63  }
0x118: {  	s23 =	simm.s32 $0x9C00  }
0x119: {  	[tilespmem:s23], [sflag:$0x2] =	stream.indirect_vreg.gather [hbm4b:s7+s2], $0x80, v4, vm0, $0xb8;
	[tilespmem:$0x10400] =	vst v63  }
0x11a: {  	s24 =	simm.s32 $0xA400  }
0x11b: {  	[tilespmem:s24], [sflag:$0x2] =	stream.indirect_vreg.gather [hbm4b:s4+s2], $0x80, v3, vm0, $0xb8;
	[tilespmem:$0x10400] =	vst v63  }
0x11c: {  	s25 =	simm.s32 $0xAC00  }
0x11d: {  	[tilespmem:s25], [sflag:$0x2] =	stream.indirect_vreg.gather [hbm4b:s5+s2], $0x80, v3, vm0, $0xb8;
	[tilespmem:$0x10400] =	vst v63  }
0x11e: {  	s30 =	simm.s32 $0xB400  }
0x11f: {  	[tilespmem:s30], [sflag:$0x2] =	stream.indirect_vreg.gather [hbm4b:s6+s2], $0x80, v3, vm0, $0xb8;
	[tilespmem:$0x10400] =	vst v63  }
0x120: {  	s30 =	simm.s32 $0xBC00  }
0x121: {  	[tilespmem:s30], [sflag:$0x2] =	stream.indirect_vreg.gather [hbm4b:s7+s2], $0x80, v3, vm0, $0xb8;
	[tilespmem:$0x10400] =	vst v63  }
0x122: {  	v3 =	vld [tilespmem:$0x290];
	_ =	sdelay $0x4  }
0x123: {  	v59 =	vshll.u32 v3, $0x3  }
0x124: {  	v3 =	vand.u32 $0x7, v3;
	v4 =	vand.u32 $0xFFFFFFC0, v59  }
0x125: {  	v3 =	vor.u32 v3, v4  }
0x126: {  	v4 =	vperm.xlane v3, v0;
	_ =	sdelay $0x1  }
0x127: {  	v4 =	vadd.s32 v1, v4;
	_ =	sdelay $0x3  }
0x128: {  	s30 =	simm.s32 $0xC400  }
0x129: {  	[tilespmem:s30], [sflag:$0x2] =	stream.indirect_vreg.gather [hbm4b:s4+s2], $0x80, v4, vm0, $0xb8;
	[tilespmem:$0x10400] =	vst v63  }
0x12a: {  	v3 =	vperm.xlane v3, v2;
	s30 =	simm.s32 $0xCC00  }
0x12b: {  	[tilespmem:s30], [sflag:$0x2] =	stream.indirect_vreg.gather [hbm4b:s5+s2], $0x80, v4, vm0, $0xb8;
	[tilespmem:$0x10400] =	vst v63  }
0x12c: {  	s16 =	simm.s32 $0xD400;
	v3 =	vadd.s32 v1, v3  }
0x12d: {  	[tilespmem:s16], [sflag:$0x2] =	stream.indirect_vreg.gather [hbm4b:s6+s2], $0x80, v4, vm0, $0xb8;
	[tilespmem:$0x10400] =	vst v63  }
0x12e: {  	s17 =	simm.s32 $0xDC00  }
0x12f: {  	[tilespmem:s17], [sflag:$0x2] =	stream.indirect_vreg.gather [hbm4b:s7+s2], $0x80, v4, vm0, $0xb8;
	[tilespmem:$0x10400] =	vst v63  }
0x130: {  	s31 =	simm.s32 $0xE400  }
0x131: {  	[tilespmem:s31], [sflag:$0x2] =	stream.indirect_vreg.gather [hbm4b:s4+s2], $0x80, v3, vm0, $0xb8;
	[tilespmem:$0x10400] =	vst v63  }
0x132: {  	s18 =	simm.s32 $0xEC00  }
0x133: {  	[tilespmem:s18], [sflag:$0x2] =	stream.indirect_vreg.gather [hbm4b:s5+s2], $0x80, v3, vm0, $0xb8;
	[tilespmem:$0x10400] =	vst v63  }
0x134: {  	s22 =	simm.s32 $0xF400  }
0x135: {  	[tilespmem:s22], [sflag:$0x2] =	stream.indirect_vreg.gather [hbm4b:s6+s2], $0x80, v3, vm0, $0xb8;
	[tilespmem:$0x10400] =	vst v63  }
0x136: {  	s22 =	simm.s32 $0xFC00  }
0x137: {  	[tilespmem:s22], [sflag:$0x2] =	stream.indirect_vreg.gather [hbm4b:s7+s2], $0x80, v3, vm0, $0xb8;
	[tilespmem:$0x10400] =	vst v63  }
0x138: {  	_ =	swait.ge [sflag:s19], $0x8000  }
0x139: {  	[sflag:s19] =	ssyncset.done $0x0  }
0x13a: {  	s22 =	rddreg [dreg:$0x8];
	[sflag:s19] =	ssyncadd.s32 $0xFFFF8000  }
0x13b: {  	[hbm4b:s22+s2] =	stream.linear.scatter [tilespmem:s28], [sflag:$0x4], $0x8000, $0x38;
	[tilespmem:$0x10400] =	vst v63  }
0x13c: {  	_ =	swait.ge [sflag:s20], $0x8000  }
0x13d: {  	[sflag:s20] =	ssyncset.done $0x0  }
0x13e: {  	[sflag:s20] =	ssyncadd.s32 $0xFFFF8000  }
0x13f: {  	v3 =	vld [tilespmem:$0x300];
	_ =	sdelay $0x4  }
0x140: {  	v60 =	vshll.u32 v3, $0x3  }
0x141: {  	v3 =	vand.u32 $0x7, v3;
	v4 =	vand.u32 $0xFFFFFFC0, v60  }
0x142: {  	v3 =	vor.u32 v3, v4  }
0x143: {  	v4 =	vperm.xlane v3, v0;
	_ =	sdelay $0x1  }
0x144: {  	v4 =	vadd.s32 v1, v4;
	_ =	sdelay $0x4  }
0x145: {  	[tilespmem:s29], [sflag:$0x1] =	stream.indirect_vreg.gather [hbm4b:s4+s2], $0x80, v4, vm0, $0xb8;
	[tilespmem:$0x10400] =	vst v63  }
0x146: {  	s22 =	simm.s32 $0xC00;
	v3 =	vperm.xlane v3, v2  }
0x147: {  	[tilespmem:s22], [sflag:$0x1] =	stream.indirect_vreg.gather [hbm4b:s5+s2], $0x80, v4, vm0, $0xb8;
	[tilespmem:$0x10400] =	vst v63  }
0x148: {  	v3 =	vadd.s32 v1, v3;
	s22 =	simm.s32 $0x1400  }
0x149: {  	[tilespmem:s22], [sflag:$0x1] =	stream.indirect_vreg.gather [hbm4b:s6+s2], $0x80, v4, vm0, $0xb8;
	[tilespmem:$0x10400] =	vst v63  }
0x14a: {  	s10 =	simm.s32 $0x1C00  }
0x14b: {  	[tilespmem:s10], [sflag:$0x1] =	stream.indirect_vreg.gather [hbm4b:s7+s2], $0x80, v4, vm0, $0xb8;
	[tilespmem:$0x10400] =	vst v63  }
0x14c: {  	s22 =	simm.s32 $0x2400  }
0x14d: {  	[tilespmem:s22], [sflag:$0x1] =	stream.indirect_vreg.gather [hbm4b:s4+s2], $0x80, v3, vm0, $0xb8;
	[tilespmem:$0x10400] =	vst v63  }
0x14e: {  	s22 =	simm.s32 $0x2C00  }
0x14f: {  	[tilespmem:s22], [sflag:$0x1] =	stream.indirect_vreg.gather [hbm4b:s5+s2], $0x80, v3, vm0, $0xb8;
	[tilespmem:$0x10400] =	vst v63  }
0x150: {  	s22 =	simm.s32 $0x3400  }
0x151: {  	[tilespmem:s22], [sflag:$0x1] =	stream.indirect_vreg.gather [hbm4b:s6+s2], $0x80, v3, vm0, $0xb8;
	[tilespmem:$0x10400] =	vst v63  }
0x152: {  	s22 =	simm.s32 $0x3C00  }
0x153: {  	[tilespmem:s22], [sflag:$0x1] =	stream.indirect_vreg.gather [hbm4b:s7+s2], $0x80, v3, vm0, $0xb8;
	[tilespmem:$0x10400] =	vst v63  }
0x154: {  	v3 =	vld [tilespmem:$0x310];
	_ =	sdelay $0x4  }
0x155: {  	v61 =	vshll.u32 v3, $0x3  }
0x156: {  	v3 =	vand.u32 $0x7, v3;
	v4 =	vand.u32 $0xFFFFFFC0, v61  }
0x157: {  	v3 =	vor.u32 v3, v4  }
0x158: {  	v4 =	vperm.xlane v3, v0;
	_ =	sdelay $0x1  }
0x159: {  	v4 =	vadd.s32 v1, v4;
	_ =	sdelay $0x3  }
0x15a: {  	s22 =	simm.s32 $0x4400  }
0x15b: {  	[tilespmem:s22], [sflag:$0x1] =	stream.indirect_vreg.gather [hbm4b:s4+s2], $0x80, v4, vm0, $0xb8;
	[tilespmem:$0x10400] =	vst v63  }
0x15c: {  	s14 =	simm.s32 $0x4C00;
	v3 =	vperm.xlane v3, v2  }
0x15d: {  	[tilespmem:s14], [sflag:$0x1] =	stream.indirect_vreg.gather [hbm4b:s5+s2], $0x80, v4, vm0, $0xb8;
	[tilespmem:$0x10400] =	vst v63  }
0x15e: {  	s3 =	simm.s32 $0x5400;
	v3 =	vadd.s32 v1, v3  }
0x15f: {  	[tilespmem:s3], [sflag:$0x1] =	stream.indirect_vreg.gather [hbm4b:s6+s2], $0x80, v4, vm0, $0xb8;
	[tilespmem:$0x10400] =	vst v63  }
0x160: {  	s9 =	simm.s32 $0x5C00  }
0x161: {  	[tilespmem:s9], [sflag:$0x1] =	stream.indirect_vreg.gather [hbm4b:s7+s2], $0x80, v4, vm0, $0xb8;
	[tilespmem:$0x10400] =	vst v63  }
0x162: {  	s11 =	simm.s32 $0x6400  }
0x163: {  	[tilespmem:s11], [sflag:$0x1] =	stream.indirect_vreg.gather [hbm4b:s4+s2], $0x80, v3, vm0, $0xb8;
	[tilespmem:$0x10400] =	vst v63  }
0x164: {  	s12 =	simm.s32 $0x6C00  }
0x165: {  	[tilespmem:s12], [sflag:$0x1] =	stream.indirect_vreg.gather [hbm4b:s5+s2], $0x80, v3, vm0, $0xb8;
	[tilespmem:$0x10400] =	vst v63  }
0x166: {  	s13 =	simm.s32 $0x7400  }
0x167: {  	[tilespmem:s13], [sflag:$0x1] =	stream.indirect_vreg.gather [hbm4b:s6+s2], $0x80, v3, vm0, $0xb8;
	[tilespmem:$0x10400] =	vst v63  }
0x168: {  	s15 =	simm.s32 $0x7C00  }
0x169: {  	[tilespmem:s15], [sflag:$0x1] =	stream.indirect_vreg.gather [hbm4b:s7+s2], $0x80, v3, vm0, $0xb8;
	[tilespmem:$0x10400] =	vst v63  }
0x16a: {  	_ =	swait.ge [sflag:s26], $0x8000  }
0x16b: {  	[sflag:s26] =	ssyncset.done $0x0  }
0x16c: {  	s15 =	rddreg [dreg:$0x9];
	[sflag:s26] =	ssyncadd.s32 $0xFFFF8000  }
0x16d: {  	[hbm4b:s15+s2] =	stream.linear.scatter [tilespmem:s29], [sflag:$0x3], $0x8000, $0x38;
	[tilespmem:$0x10400] =	vst v63  }
0x16e: {  	_ =	swait.ge [sflag:s21], $0x8000  }
0x16f: {  	[sflag:s21] =	ssyncset.done $0x0  }
0x170: {  	[sflag:s21] =	ssyncadd.s32 $0xFFFF8000  }
0x171: {  	v3 =	vld [tilespmem:$0x380];
	_ =	sdelay $0x4  }
0x172: {  	v62 =	vshll.u32 v3, $0x3  }
0x173: {  	v3 =	vand.u32 $0x7, v3;
	v4 =	vand.u32 $0xFFFFFFC0, v62  }
0x174: {  	v3 =	vor.u32 v3, v4  }
0x175: {  	v4 =	vperm.xlane v3, v0;
	_ =	sdelay $0x1  }
0x176: {  	v4 =	vadd.s32 v1, v4;
	_ =	sdelay $0x4  }
0x177: {  	[tilespmem:s28], [sflag:$0x2] =	stream.indirect_vreg.gather [hbm4b:s4+s2], $0x80, v4, vm0, $0xb8;
	[tilespmem:$0x10400] =	vst v63  }
0x178: {  	s1 =	simm.s32 $0x8C00;
	v3 =	vperm.xlane v3, v2  }
0x179: {  	[tilespmem:s1], [sflag:$0x2] =	stream.indirect_vreg.gather [hbm4b:s5+s2], $0x80, v4, vm0, $0xb8;
	[tilespmem:$0x10400] =	vst v63  }
0x17a: {  	s0 =	simm.s32 $0x9400;
	v3 =	vadd.s32 v1, v3  }
0x17b: {  	[tilespmem:s0], [sflag:$0x2] =	stream.indirect_vreg.gather [hbm4b:s6+s2], $0x80, v4, vm0, $0xb8;
	[tilespmem:$0x10400] =	vst v63  }
0x17c: {  	s22 =	simm.s32 $0x9C00  }
0x17d: {  	[tilespmem:s22], [sflag:$0x2] =	stream.indirect_vreg.gather [hbm4b:s7+s2], $0x80, v4, vm0, $0xb8;
	[tilespmem:$0x10400] =	vst v63  }
0x17e: {  	s23 =	simm.s32 $0xA400  }
0x17f: {  	[tilespmem:s23], [sflag:$0x2] =	stream.indirect_vreg.gather [hbm4b:s4+s2], $0x80, v3, vm0, $0xb8;
	[tilespmem:$0x10400] =	vst v63  }
0x180: {  	s24 =	simm.s32 $0xAC00  }
0x181: {  	[tilespmem:s24], [sflag:$0x2] =	stream.indirect_vreg.gather [hbm4b:s5+s2], $0x80, v3, vm0, $0xb8;
	[tilespmem:$0x10400] =	vst v63  }
0x182: {  	s25 =	simm.s32 $0xB400  }
0x183: {  	[tilespmem:s25], [sflag:$0x2] =	stream.indirect_vreg.gather [hbm4b:s6+s2], $0x80, v3, vm0, $0xb8;
	[tilespmem:$0x10400] =	vst v63  }
0x184: {  	s23 =	simm.s32 $0xBC00  }
0x185: {  	[tilespmem:s23], [sflag:$0x2] =	stream.indirect_vreg.gather [hbm4b:s7+s2], $0x80, v3, vm0, $0xb8;
	[tilespmem:$0x10400] =	vst v63  }
0x186: {  	v3 =	vld [tilespmem:$0x390];
	_ =	sdelay $0x4  }
0x187: {  	v63 =	vshll.u32 v3, $0x3  }
0x188: {  	v3 =	vand.u32 $0x7, v3;
	v4 =	vand.u32 $0xFFFFFFC0, v63  }
0x189: {  	v3 =	vor.u32 v3, v4  }
0x18a: {  	v4 =	vperm.xlane v3, v0;
	_ =	sdelay $0x1  }
0x18b: {  	v4 =	vadd.s32 v1, v4;
	_ =	sdelay $0x3  }
0x18c: {  	s24 =	simm.s32 $0xC400  }
0x18d: {  	[tilespmem:s24], [sflag:$0x2] =	stream.indirect_vreg.gather [hbm4b:s4+s2], $0x80, v4, vm0, $0xb8;
	[tilespmem:$0x10400] =	vst v63  }
0x18e: {  	s25 =	simm.s32 $0xCC00;
	v3 =	vperm.xlane v3, v2  }
0x18f: {  	[tilespmem:s25], [sflag:$0x2] =	stream.indirect_vreg.gather [hbm4b:s5+s2], $0x80, v4, vm0, $0xb8;
	[tilespmem:$0x10400] =	vst v63  }
0x190: {  	s30 =	simm.s32 $0xD400;
	v3 =	vadd.s32 v1, v3  }
0x191: {  	[tilespmem:s30], [sflag:$0x2] =	stream.indirect_vreg.gather [hbm4b:s6+s2], $0x80, v4, vm0, $0xb8;
	[tilespmem:$0x10400] =	vst v63  }
0x192: {  	s16 =	simm.s32 $0xDC00  }
0x193: {  	[tilespmem:s16], [sflag:$0x2] =	stream.indirect_vreg.gather [hbm4b:s7+s2], $0x80, v4, vm0, $0xb8;
	[tilespmem:$0x10400] =	vst v63  }
0x194: {  	s31 =	simm.s32 $0xE400  }
0x195: {  	[tilespmem:s31], [sflag:$0x2] =	stream.indirect_vreg.gather [hbm4b:s4+s2], $0x80, v3, vm0, $0xb8;
	[tilespmem:$0x10400] =	vst v63  }
0x196: {  	s17 =	simm.s32 $0xEC00  }
0x197: {  	[tilespmem:s17], [sflag:$0x2] =	stream.indirect_vreg.gather [hbm4b:s5+s2], $0x80, v3, vm0, $0xb8;
	[tilespmem:$0x10400] =	vst v63  }
0x198: {  	s18 =	simm.s32 $0xF400  }
0x199: {  	[tilespmem:s18], [sflag:$0x2] =	stream.indirect_vreg.gather [hbm4b:s6+s2], $0x80, v3, vm0, $0xb8;
	[tilespmem:$0x10400] =	vst v63  }
0x19a: {  	s30 =	simm.s32 $0xFC00  }
0x19b: {  	[tilespmem:s30], [sflag:$0x2] =	stream.indirect_vreg.gather [hbm4b:s7+s2], $0x80, v3, vm0, $0xb8;
	[tilespmem:$0x10400] =	vst v63  }
0x19c: {  	_ =	swait.ge [sflag:s19], $0x8000  }
0x19d: {  	[sflag:s19] =	ssyncset.done $0x0  }
0x19e: {  	s31 =	rddreg [dreg:$0xa];
	[sflag:s19] =	ssyncadd.s32 $0xFFFF8000  }
0x19f: {  	[hbm4b:s31+s2] =	stream.linear.scatter [tilespmem:s28], [sflag:$0x4], $0x8000, $0x38;
	[tilespmem:$0x10400] =	vst v63  }
0x1a0: {  	p0 =	sne.s32 s8, $0x1;
	_ =	swait.ge [sflag:s20], $0x8000  }
.Ltmp0:
0x1a1: {  	[sflag:s20] =	ssyncset.done $0x0;
	(pc) =	sbr.rel @p0 .LBB2_1-.Ltmp0, $4  }
0x1a2: {  	[sflag:s20] =	ssyncadd.s32 $0xFFFF8000  }
0x1a3: {  	_ =	swait.ge [sflag:s21], $0x8000  }
0x1a4: {  	[sflag:s21] =	ssyncset.done $0x0  }
0x1a5: {  	s8 =	sadd.s32 $0xFFFFFFFF, s8;
	[sflag:s21] =	ssyncadd.s32 $0xFFFF8000  }
0x1a6: {  	_ =	sfence.sel $0x180000  }
0x1a7: {  	[bflag:$0x0] =	sbarrier.arrive $0xFFFF  }
0x1a8: {  	_ =	strace $0x9000004A  }
0x1a9: {  	s0 =	stileid.u32;
	[bflag:$0x2] =	sbarrier.arrive $0xFFFF  }
0x1aa: {  	p0 =	sne.s32 s0, $0x0;
	s0 =	rddreg [dreg:$0x2]  }
0x1ab: {  	s0 =	sadd.s32 @!p0 $0x100000, s0  }
0x1ac: {  	[sflag:s0] =	ssyncadd.tile.s32 @!p0 $0x1;
	_ =	shalt  }
.Lfunc_end2:
_tile_overlayer_lowered:
.L_overlay_start_2:
0x1ad: {  	(tag) =	ssettag $0x2  }
0x1ae: {  	s0 =	rddreg [dreg:$0x0];
	s2 =	stileid.u32  }
0x1af: {  	s1 =	rddreg [dreg:$0x1];
	p0 =	sne.s32 s2, $0x0  }
0x1b0: {  	s3 =	rddreg [dreg:$0x2];
	[bflag:$0x3] =	sbarrier.arrive $0xFFFF;
	s2 =	simm.s32 @!p0 $0x1C05  }
0x1b1: {  	[timem:s3], [sflag:s2] =	dma.local @!p0 [hbm:s0], s1  }
0x1b2: {  	s0 =	simm.s32 @!p0 $0x5  }
0x1b3: {  	_ =	swait.ge @!p0 [sflag:s0], s1  }
0x1b4: {  	s1 =	ssub.s32 @!p0 $0x0, s1;
	[sflag:s0] =	ssyncset.done @!p0 $0x0  }
0x1b5: {  	[sflag:s0] =	ssyncadd.s32 @!p0 s1  }
0x1b6: {  	[bflag:$0x3] =	sbarrier.arrive $0xFFFF  }
0x1b7: {  	_ =	shalt  }

</sc_bundles>
